<compile_context>
chip_gen: v7x
topology: tpu7x:2x2x1
jax: 0.10.2.dev20260603
libtpu: 0.0.44.dev20260713+nightly
codegen_flags: <defaults>
</compile_context>

<pallas_src>
import functools

import jax
import jax.numpy as jnp
from jax import lax
from jax.experimental import pallas as pl
from jax.experimental.pallas import tpu as pltpu
from jax.experimental.pallas import tpu_sc as plsc

N = 10000
E = 320000
D = 128
NRBF = 32
G = 256
NZ = 90
CUTOFF = 6.0

NC = 2
NS = 16
NW = NC * NS
EP = 327680
EW = EP // NW
K = 128
NCHUNK = EW // K
KE = 128
NCHUNKE = EW // KE
NP = 10240
NROWS = NP // NS


def _rsqrt16(x):
    i = lax.bitcast_convert_type(x, jnp.int32)
    i = jnp.int32(0x5F3759DF) - lax.shift_right_arithmetic(i, 1)
    y = lax.bitcast_convert_type(i, jnp.float32)
    for _ in range(3):
        y = y * (1.5 - 0.5 * x * y * y)
    return y


def _geom_body(src_hbm, dst_hbm, z_hbm, px_hbm, py_hbm, pz_hbm,
               dist_hbm, zsrc_hbm, ux_hbm, uy_hbm, uz_hbm,
               px_v, py_v, pz_v, z_v, src_v, dst_v, dist_v, zs_v,
               ux_v, uy_v, uz_v):
    cid = lax.axis_index("c")
    sid = lax.axis_index("s")
    wid = sid * NC + cid
    base = wid * EW

    pltpu.sync_copy(px_hbm, px_v)
    pltpu.sync_copy(py_hbm, py_v)
    pltpu.sync_copy(pz_hbm, pz_v)
    pltpu.sync_copy(z_hbm, z_v)
    pltpu.sync_copy(src_hbm.at[pl.ds(base, EW)], src_v)
    pltpu.sync_copy(dst_hbm.at[pl.ds(base, EW)], dst_v)

    def body(g, carry):
        off = g * 16
        s16 = src_v[pl.ds(off, 16)]
        d16 = dst_v[pl.ds(off, 16)]
        dx = plsc.load_gather(px_v, [s16]) - plsc.load_gather(px_v, [d16])
        dy = plsc.load_gather(py_v, [s16]) - plsc.load_gather(py_v, [d16])
        dz = plsc.load_gather(pz_v, [s16]) - plsc.load_gather(pz_v, [d16])
        zx = plsc.load_gather(z_v, [s16])
        sq = dx * dx + dy * dy + dz * dz + 1e-8
        r = _rsqrt16(sq)
        dist_v[pl.ds(off, 16)] = sq * r
        zs_v[pl.ds(off, 16)] = zx
        ux_v[pl.ds(off, 16)] = dx * r
        uy_v[pl.ds(off, 16)] = dy * r
        uz_v[pl.ds(off, 16)] = dz * r
        return carry

    lax.fori_loop(0, EW // 16, body, 0)
    pltpu.sync_copy(dist_v, dist_hbm.at[pl.ds(base, EW)])
    pltpu.sync_copy(zs_v, zsrc_hbm.at[pl.ds(base, EW)])
    pltpu.sync_copy(ux_v, ux_hbm.at[pl.ds(base, EW)])
    pltpu.sync_copy(uy_v, uy_hbm.at[pl.ds(base, EW)])
    pltpu.sync_copy(uz_v, uz_hbm.at[pl.ds(base, EW)])


_geom = pl.kernel(
    _geom_body,
    out_type=(jax.ShapeDtypeStruct((EP,), jnp.float32),
              jax.ShapeDtypeStruct((EP,), jnp.int32),
              jax.ShapeDtypeStruct((EP,), jnp.float32),
              jax.ShapeDtypeStruct((EP,), jnp.float32),
              jax.ShapeDtypeStruct((EP,), jnp.float32)),
    mesh=plsc.VectorSubcoreMesh(core_axis_name="c", subcore_axis_name="s"),
    compiler_params=pltpu.CompilerParams(needs_layout_passes=False),
    scratch_types=[
        pltpu.VMEM((N,), jnp.float32),
        pltpu.VMEM((N,), jnp.float32),
        pltpu.VMEM((N,), jnp.float32),
        pltpu.VMEM((N,), jnp.int32),
        pltpu.VMEM((EW,), jnp.int32),
        pltpu.VMEM((EW,), jnp.int32),
        pltpu.VMEM((EW,), jnp.float32),
        pltpu.VMEM((EW,), jnp.int32),
        pltpu.VMEM((EW,), jnp.float32),
        pltpu.VMEM((EW,), jnp.float32),
        pltpu.VMEM((EW,), jnp.float32),
    ],
)


BB = 5120


def _msg_body(dist_ref, zs_ref, wrbf_ref, apad_ref, out_ref):
    d = dist_ref[...]
    zs = zs_ref[...]
    centers = lax.broadcasted_iota(jnp.int32, (1, NRBF), 1).astype(jnp.float32) * (
        CUTOFF / (NRBF - 1))
    rbf = jnp.exp(-10.0 * (d - centers) ** 2)
    filt = jnp.dot(rbf, wrbf_ref[...], preferred_element_type=jnp.float32)
    zlane = lax.broadcasted_iota(jnp.int32, (1, D), 1).astype(jnp.float32)
    onehot = jnp.where(zs == zlane, 1.0, 0.0)
    h0 = jnp.dot(onehot, apad_ref[...], preferred_element_type=jnp.float32)
    x = h0 * filt
    out_ref[...] = x * jax.nn.sigmoid(x)


def _msg(distc, zsf, wrbf, apad):
    return pl.pallas_call(
        _msg_body,
        grid=(EP // BB,),
        in_specs=[
            pl.BlockSpec((BB, 1), lambda i: (i, 0)),
            pl.BlockSpec((BB, 1), lambda i: (i, 0)),
            pl.BlockSpec((NRBF, D), lambda i: (0, 0)),
            pl.BlockSpec((D, D), lambda i: (0, 0)),
        ],
        out_specs=pl.BlockSpec((BB, D), lambda i: (i, 0)),
        out_shape=jax.ShapeDtypeStruct((EP, D), jnp.float32),
    )(distc, zsf, wrbf, apad)


def _scatter_body(msg_hbm, dst_hbm, zeros_hbm, aggp_hbm,
                  dstk0_v, dstk1_v, msg0_v, msg1_v, agg_sh, sem0, sem1):
    cid = lax.axis_index("c")
    sid = lax.axis_index("s")
    pltpu.sync_copy(zeros_hbm.at[pl.ds(sid * NROWS, NROWS)],
                    agg_sh.at[pl.ds(sid * NROWS, NROWS)])
    plsc.subcore_barrier()

    ebase = cid * (EP // NC) + sid * EW
    bufs = ((dstk0_v, msg0_v, sem0), (dstk1_v, msg1_v, sem1))

    def start(c, b):
        dstk_v, msg_v, sem = bufs[b]
        pltpu.async_copy(dst_hbm.at[pl.ds(ebase + c * K, K)], dstk_v, sem)
        pltpu.async_copy(msg_hbm.at[pl.ds(ebase + c * K, K)], msg_v, sem)

    def finish(c, b, prefetch):
        dstk_v, msg_v, sem = bufs[b]
        pltpu.make_async_copy(dst_hbm.at[pl.ds(ebase, K)], dstk_v, sem).wait()
        pltpu.make_async_copy(msg_hbm.at[pl.ds(ebase, K)], msg_v, sem).wait()
        pltpu.sync_copy(msg_v, agg_sh.at[dstk_v], add=True)
        if prefetch:
            @pl.when(c + 2 < NCHUNK)
            def _():
                start(c + 2, b)

    start(0, 0)
    start(1, 1)

    def body(i, carry):
        finish(2 * i, 0, True)
        finish(2 * i + 1, 1, True)
        return carry

    lax.fori_loop(0, NCHUNK // 2, body, 0)
    plsc.subcore_barrier()
    pltpu.sync_copy(agg_sh.at[pl.ds(sid * NROWS, NROWS)],
                    aggp_hbm.at[pl.ds(cid * NP + sid * NROWS, NROWS)])


_scatter = pl.kernel(
    _scatter_body,
    out_type=jax.ShapeDtypeStruct((NC * NP, D), jnp.float32),
    mesh=plsc.VectorSubcoreMesh(core_axis_name="c", subcore_axis_name="s"),
    compiler_params=pltpu.CompilerParams(needs_layout_passes=False),
    scratch_types=[
        pltpu.VMEM((K,), jnp.int32),
        pltpu.VMEM((K,), jnp.int32),
        pltpu.VMEM((K, D), jnp.float32),
        pltpu.VMEM((K, D), jnp.float32),
        pltpu.VMEM_SHARED((NP, D), jnp.float32),
        pltpu.SemaphoreType.DMA,
        pltpu.SemaphoreType.DMA,
    ],
)


BN = 2048


def _node_body(agg0_ref, agg1_ref, z_ref, b_ref, apad_ref, wupd_ref,
               we1_ref, we2_ref, wf1_ref, wf2_ref, e_ref, fn_ref):
    i = pl.program_id(0)
    zf = z_ref[...]
    zlane = lax.broadcasted_iota(jnp.int32, (1, D), 1).astype(jnp.float32)
    onehot = jnp.where(zf == zlane, 1.0, 0.0)
    h0 = jnp.dot(onehot, apad_ref[...], preferred_element_type=jnp.float32)
    agg = agg0_ref[...] + agg1_ref[...]
    u = jnp.dot(agg, wupd_ref[...], preferred_element_type=jnp.float32)
    h = h0 + u * jax.nn.sigmoid(u)
    e1 = jnp.dot(h, we1_ref[...], preferred_element_type=jnp.float32)
    e1 = e1 * jax.nn.sigmoid(e1)
    ne = jnp.dot(e1, we2_ref[...], preferred_element_type=jnp.float32)
    f1 = jnp.dot(h, wf1_ref[...], preferred_element_type=jnp.float32)
    f1 = f1 * jax.nn.sigmoid(f1)
    fn = jnp.dot(f1, wf2_ref[...], preferred_element_type=jnp.float32)
    fn_ref[...] = fn
    glane = lax.broadcasted_iota(jnp.int32, (1, G), 1).astype(jnp.float32)
    contrib = jnp.where(b_ref[...] == glane, ne, 0.0)
    part = jnp.sum(contrib, axis=0, keepdims=True)

    @pl.when(i == 0)
    def _():
        e_ref[...] = jnp.zeros_like(e_ref)

    e_ref[...] += part


def _node(aggp, zf, bf, apad, wupd, we1, we2, wf1, wf2):
    nb = NP // BN
    return pl.pallas_call(
        _node_body,
        grid=(nb,),
        in_specs=[
            pl.BlockSpec((BN, D), lambda i: (i, 0)),
            pl.BlockSpec((BN, D), lambda i, nb=nb: (i + nb, 0)),
            pl.BlockSpec((BN, 1), lambda i: (i, 0)),
            pl.BlockSpec((BN, 1), lambda i: (i, 0)),
            pl.BlockSpec((D, D), lambda i: (0, 0)),
            pl.BlockSpec((D, D), lambda i: (0, 0)),
            pl.BlockSpec((D, D), lambda i: (0, 0)),
            pl.BlockSpec((D, 1), lambda i: (0, 0)),
            pl.BlockSpec((D, D), lambda i: (0, 0)),
            pl.BlockSpec((D, 1), lambda i: (0, 0)),
        ],
        out_specs=[
            pl.BlockSpec((1, G), lambda i: (0, 0)),
            pl.BlockSpec((BN, 1), lambda i: (i, 0)),
        ],
        out_shape=[
            jax.ShapeDtypeStruct((1, G), jnp.float32),
            jax.ShapeDtypeStruct((NP, 1), jnp.float32),
        ],
    )(aggp, aggp, zf, bf, apad, wupd, we1, we2, wf1, wf2)


def _force_body(pk_hbm, fn_hbm, zeros_hbm, fp_hbm,
                fn_v, pk0_v, pk1_v, sk0_v, sk1_v, dk0_v, dk1_v,
                fx0_v, fy0_v, fz0_v, fx1_v, fy1_v, fz1_v,
                fxd_sh, fyd_sh, fzd_sh, fxs_sh, fys_sh, fzs_sh,
                semi0, semi1, sems0, sems1):
    cid = lax.axis_index("c")
    sid = lax.axis_index("s")
    rs = sid * NROWS
    for tab in (fxd_sh, fyd_sh, fzd_sh, fxs_sh, fys_sh, fzs_sh):
        pltpu.sync_copy(zeros_hbm.at[pl.ds(rs, NROWS)], tab.at[pl.ds(rs, NROWS)])
    pltpu.sync_copy(fn_hbm, fn_v)
    plsc.subcore_barrier()

    ebase = cid * (EP // NC) + sid * EW
    lane = lax.iota(jnp.int32, 16)
    czero = jnp.zeros((16,), jnp.int32)
    bufs = ((pk0_v, sk0_v, dk0_v, fx0_v, fy0_v, fz0_v, semi0, sems0),
            (pk1_v, sk1_v, dk1_v, fx1_v, fy1_v, fz1_v, semi1, sems1))

    def start_in(c, b):
        pk_v, _, _, _, _, _, semi, _ = bufs[b]
        pltpu.async_copy(pk_hbm.at[pl.ds(ebase + c * KE, KE)], pk_v, semi)

    def scat_pairs(b):
        _, sk_v, dk_v, fx_v, fy_v, fz_v, _, _ = bufs[b]
        return ((fx_v, fxd_sh, dk_v), (fy_v, fyd_sh, dk_v), (fz_v, fzd_sh, dk_v),
                (fx_v, fxs_sh, sk_v), (fy_v, fys_sh, sk_v), (fz_v, fzs_sh, sk_v))

    def process(c, b, first, prefetch):
        pk_v, sk_v, dk_v, fx_v, fy_v, fz_v, semi, sems = bufs[b]
        pltpu.make_async_copy(pk_hbm.at[pl.ds(ebase, KE)], pk_v, semi).wait()
        del first
        for g in range(KE // 16):
            off = g * 16
            rows = off + lane
            s16 = plsc.load_gather(pk_v, [rows, czero])
            d16 = plsc.load_gather(pk_v, [rows, czero + 1])
            ux = plsc.bitcast(plsc.load_gather(pk_v, [rows, czero + 2]), jnp.float32)
            uy = plsc.bitcast(plsc.load_gather(pk_v, [rows, czero + 3]), jnp.float32)
            uz = plsc.bitcast(plsc.load_gather(pk_v, [rows, czero + 4]), jnp.float32)
            fnd = plsc.load_gather(fn_v, [d16])
            sk_v[pl.ds(off, 16)] = s16
            dk_v[pl.ds(off, 16)] = d16
            fx_v[pl.ds(off, 16)] = fnd * ux
            fy_v[pl.ds(off, 16)] = fnd * uy
            fz_v[pl.ds(off, 16)] = fnd * uz
        for val, tab, idx in scat_pairs(b):
            pltpu.sync_copy(val, tab.at[idx], add=True)
        if prefetch:
            @pl.when(c + 2 < NCHUNKE)
            def _():
                start_in(c + 2, b)

    start_in(0, 0)
    start_in(1, 1)
    process(0, 0, True, True)
    process(1, 1, True, True)

    def body(i, carry):
        process(2 * i + 2, 0, False, True)
        process(2 * i + 3, 1, False, True)
        return carry

    lax.fori_loop(0, (NCHUNKE - 2) // 2, body, 0)
    plsc.subcore_barrier()
    fbase = cid * 6 * NP
    for t, tab in enumerate((fxd_sh, fyd_sh, fzd_sh, fxs_sh, fys_sh, fzs_sh)):
        pltpu.sync_copy(tab.at[pl.ds(rs, NROWS)],
                        fp_hbm.at[pl.ds(fbase + t * NP + rs, NROWS)])


_force = pl.kernel(
    _force_body,
    out_type=jax.ShapeDtypeStruct((NC * 6 * NP,), jnp.float32),
    mesh=plsc.VectorSubcoreMesh(core_axis_name="c", subcore_axis_name="s"),
    compiler_params=pltpu.CompilerParams(needs_layout_passes=False),
    scratch_types=[
        pltpu.VMEM((N,), jnp.float32),
        pltpu.VMEM((KE, 8), jnp.int32),
        pltpu.VMEM((KE, 8), jnp.int32),
        pltpu.VMEM((KE,), jnp.int32),
        pltpu.VMEM((KE,), jnp.int32),
        pltpu.VMEM((KE,), jnp.int32),
        pltpu.VMEM((KE,), jnp.int32),
        pltpu.VMEM((KE,), jnp.float32),
        pltpu.VMEM((KE,), jnp.float32),
        pltpu.VMEM((KE,), jnp.float32),
        pltpu.VMEM((KE,), jnp.float32),
        pltpu.VMEM((KE,), jnp.float32),
        pltpu.VMEM((KE,), jnp.float32),
        pltpu.VMEM_SHARED((NP,), jnp.float32),
        pltpu.VMEM_SHARED((NP,), jnp.float32),
        pltpu.VMEM_SHARED((NP,), jnp.float32),
        pltpu.VMEM_SHARED((NP,), jnp.float32),
        pltpu.VMEM_SHARED((NP,), jnp.float32),
        pltpu.VMEM_SHARED((NP,), jnp.float32),
        pltpu.SemaphoreType.DMA,
        pltpu.SemaphoreType.DMA,
        pltpu.SemaphoreType.DMA,
        pltpu.SemaphoreType.DMA,
    ],
)


CB = 2048


def _combine_body(d0_ref, s0_ref, d1_ref, s1_ref, out_ref):
    out_ref[...] = d0_ref[0] + d1_ref[0] - s0_ref[0] - s1_ref[0]


def _combine(fp):
    nb = NP // CB
    return pl.pallas_call(
        _combine_body,
        grid=(nb,),
        in_specs=[
            pl.BlockSpec((1, 3, CB), lambda i: (0, 0, i)),
            pl.BlockSpec((1, 3, CB), lambda i: (1, 0, i)),
            pl.BlockSpec((1, 3, CB), lambda i: (2, 0, i)),
            pl.BlockSpec((1, 3, CB), lambda i: (3, 0, i)),
        ],
        out_specs=pl.BlockSpec((3, CB), lambda i: (0, i)),
        out_shape=jax.ShapeDtypeStruct((3, NP), jnp.float32),
    )(fp, fp, fp, fp)


def kernel(pos, z, batch, edge_index, atom_embed, W_rbf, W_upd, W_e1, w_e2,
           W_f1, w_f2):
    src = edge_index[0].astype(jnp.int32)
    dst = edge_index[1].astype(jnp.int32)
    pad = jnp.zeros((EP - E,), jnp.int32)
    srcp = jnp.concatenate([src, pad])
    dstp = jnp.concatenate([dst, pad])
    dstc = jnp.concatenate([dst, jnp.full((EP - E,), N, jnp.int32)])
    px = jnp.asarray(pos[:, 0], jnp.float32)
    py = jnp.asarray(pos[:, 1], jnp.float32)
    pz = jnp.asarray(pos[:, 2], jnp.float32)
    zi = z.astype(jnp.int32)

    dist, zsrc, ux, uy, uz = _geom(srcp, dstp, zi, px, py, pz)

    apad = jnp.zeros((D, D), jnp.float32).at[:NZ].set(atom_embed)
    msg = _msg(dist.reshape(EP, 1), zsrc.astype(jnp.float32).reshape(EP, 1),
               W_rbf, apad)

    zeros128 = jnp.zeros((NP, D), jnp.float32)
    aggp = _scatter(msg, dstc, zeros128)

    zp = jnp.full((NP, 1), -1.0, jnp.float32).at[:N, 0].set(zi.astype(jnp.float32))
    bp = jnp.full((NP, 1), -1.0, jnp.float32).at[:N, 0].set(batch.astype(jnp.float32))
    energy1, fn = _node(aggp, zp, bp, apad, W_upd, W_e1, w_e2, W_f1, w_f2)

    bc = lax.bitcast_convert_type
    pk8 = jnp.stack([srcp, dstp, bc(ux, jnp.int32), bc(uy, jnp.int32),
                     bc(uz, jnp.int32), pad_col := jnp.zeros((EP,), jnp.int32),
                     pad_col, pad_col], axis=1)

    zerosn = jnp.zeros((NP,), jnp.float32)
    fp = _force(pk8, fn.reshape(NP)[:N], zerosn)

    fsum = _combine(fp.reshape(4, 3, NP))
    return (energy1.reshape(G), fsum.T[:N])

# --- scband reference (transcript-rebuilt; emitter-appended) ---
"""Pipeline reference for scband-esenwrapper-72559177499130 (READ-ONLY COPY).

The authoritative reference and input builder live on the scoring server;
editing this copy changes nothing except your own understanding.
"""

import jax, jax.numpy as jnp
import numpy as np

N = 10000
E = 320000
D = 128
NRBF = 32
G = 256
NZ = 90
CUTOFF = 6.0


def _rbf(dist):
    centers = jnp.linspace(0.0, CUTOFF, NRBF, dtype=jnp.float32)
    return jnp.exp(-10.0 * (dist[:, None] - centers[None, :]) ** 2)


def setup_inputs(seed: int = 0) -> dict:
    key = jax.random.key(seed)
    ks = jax.random.split(key, 12)
    pos = jax.random.normal(ks[0], (N, 3), dtype=jnp.float32) * 5.0
    z = jax.random.randint(ks[1], (N,), 1, NZ)
    batch = jnp.sort(jax.random.randint(ks[2], (N,), 0, G))
    edge_index = jax.random.randint(ks[3], (2, E), 0, N)
    atom_embed = jax.random.normal(ks[4], (NZ, D), dtype=jnp.float32) * 0.1
    W_rbf = jax.random.normal(ks[5], (NRBF, D), dtype=jnp.float32) / np.sqrt(NRBF)
    W_upd = jax.random.normal(ks[6], (D, D), dtype=jnp.float32) / np.sqrt(D)
    W_e1 = jax.random.normal(ks[7], (D, D), dtype=jnp.float32) / np.sqrt(D)
    w_e2 = jax.random.normal(ks[8], (D, 1), dtype=jnp.float32) / np.sqrt(D)
    W_f1 = jax.random.normal(ks[9], (D, D), dtype=jnp.float32) / np.sqrt(D)
    w_f2 = jax.random.normal(ks[10], (D, 1), dtype=jnp.float32) / np.sqrt(D)
    return {"pos": pos, "z": z, "batch": batch, "edge_index": edge_index,
            "atom_embed": atom_embed, "W_rbf": W_rbf, "W_upd": W_upd,
            "W_e1": W_e1, "w_e2": w_e2, "W_f1": W_f1, "w_f2": w_f2}


def reference(pos, z, batch, edge_index, atom_embed, W_rbf, W_upd, W_e1, w_e2, W_f1, w_f2):
    # Direct (energy + forces heads) eSEN-style interatomic potential.
    src = edge_index[0]
    dst = edge_index[1]
    # edge geometry (radius_graph edges precomputed as in _prepare_batch)
    rel = pos[src] - pos[dst]
    dist = jnp.sqrt(jnp.sum(rel * rel, axis=1) + 1e-8)
    # radial basis filter per edge
    filt = _rbf(dist) @ W_rbf  # [E, D]
    # atomic-number embedding lookup
    h = atom_embed[z]  # [N, D]
    # message passing: gather source features, modulate by radial filter, scatter-add to dst
    msg = jax.nn.silu(h[src] * filt)  # [E, D]
    agg = jax.ops.segment_sum(msg, dst, num_segments=N)  # [N, D]
    h = h + jax.nn.silu(agg @ W_upd)
    # energy head: per-node energy, summed per graph (index_add over batch ids)
    node_e = jax.nn.silu(h @ W_e1) @ w_e2  # [N, 1]
    energy = jax.ops.segment_sum(node_e[:, 0], batch, num_segments=G)  # [G]
    # direct force head: per-node scalar gate, projected along edge unit vectors,
    # antisymmetric scatter so total force is zero
    f_node = jax.nn.silu(h @ W_f1) @ w_f2  # [N, 1]
    fvec = f_node[dst] * (rel / dist[:, None])  # [E, 3]
    forces = jax.ops.segment_sum(fvec, dst, num_segments=N) - jax.ops.segment_sum(fvec, src, num_segments=N)
    return (energy, forces)

if __name__ == "__main__":
    import jax
    _d = setup_inputs()
    print(jax.jit(kernel)(*tuple(_d.values())))

</pallas_src>

<mosaic_0001>
#map = affine_map<(d0, d1) -> (0, 0)>
#map1 = affine_map<(d0, d1) -> (0)>
module attributes {stable_mosaic.version = 14 : i64} {
  func.func @_force_body(%arg0: i32, %arg1: i32, %arg2: memref<327680x8xi32, #tpu.memory_space<hbm>>, %arg3: memref<10000xf32, #tpu.memory_space<hbm>>, %arg4: memref<10240xf32, #tpu.memory_space<hbm>>, %arg5: memref<122880xf32, #tpu.memory_space<hbm>>, %arg6: memref<10000xf32, #tpu.memory_space<vmem>>, %arg7: memref<128x8xi32, #tpu.memory_space<vmem>>, %arg8: memref<128x8xi32, #tpu.memory_space<vmem>>, %arg9: memref<128xi32, #tpu.memory_space<vmem>>, %arg10: memref<128xi32, #tpu.memory_space<vmem>>, %arg11: memref<128xi32, #tpu.memory_space<vmem>>, %arg12: memref<128xi32, #tpu.memory_space<vmem>>, %arg13: memref<128xf32, #tpu.memory_space<vmem>>, %arg14: memref<128xf32, #tpu.memory_space<vmem>>, %arg15: memref<128xf32, #tpu.memory_space<vmem>>, %arg16: memref<128xf32, #tpu.memory_space<vmem>>, %arg17: memref<128xf32, #tpu.memory_space<vmem>>, %arg18: memref<128xf32, #tpu.memory_space<vmem>>, %arg19: memref<10240xf32, #tpu.memory_space<vmem_shared>>, %arg20: memref<10240xf32, #tpu.memory_space<vmem_shared>>, %arg21: memref<10240xf32, #tpu.memory_space<vmem_shared>>, %arg22: memref<10240xf32, #tpu.memory_space<vmem_shared>>, %arg23: memref<10240xf32, #tpu.memory_space<vmem_shared>>, %arg24: memref<10240xf32, #tpu.memory_space<vmem_shared>>, %arg25: memref<!tpu.dma_semaphore, #tpu.memory_space<semaphore_mem>>, %arg26: memref<!tpu.dma_semaphore, #tpu.memory_space<semaphore_mem>>, %arg27: memref<!tpu.dma_semaphore, #tpu.memory_space<semaphore_mem>>, %arg28: memref<!tpu.dma_semaphore, #tpu.memory_space<semaphore_mem>>) attributes {dimension_semantics = [#tpu.dimension_semantics<core_parallel>, #tpu.dimension_semantics<subcore_parallel>], iteration_bounds = array<i64: 2, 16>, scalar_prefetch = 0 : i64, scratch_operands = 23 : i64, tpu.core_type = #tpu.core_type<sc_vector_subcore>, window_params = [{transform_indices = #map}, {transform_indices = #map1}, {transform_indices = #map1}, {transform_indices = #map1}]} {
    %mul3A = arith.constant 640 : i32
    %mul3A_0 = arith.muli %arg1, %mul3A : i32
    "tpu.region"() ({
      %run_scoped3A = tpu.sem_alloc : memref<!tpu.dma_semaphore, #tpu.memory_space<semaphore_mem>>
      %dma_start3A_653 = tpu.memref_slice %arg19[%mul3A_0] : memref<10240xf32, #tpu.memory_space<vmem_shared>> -> memref<640xf32, #tpu.memory_space<vmem_shared>>
      %dma_start3A_654 = tpu.memref_slice %arg4[%mul3A_0] : memref<10240xf32, #tpu.memory_space<hbm>> -> memref<640xf32, #tpu.memory_space<hbm>>
      tpu.enqueue_dma source(%dma_start3A_654 : memref<640xf32, #tpu.memory_space<hbm>>) target(%dma_start3A_653 : memref<640xf32, #tpu.memory_space<vmem_shared>>) target_semaphore(%run_scoped3A : memref<!tpu.dma_semaphore, #tpu.memory_space<semaphore_mem>>)
      %dma_wait3A_655 = tpu.memref_slice %arg19[%mul3A_0] : memref<10240xf32, #tpu.memory_space<vmem_shared>> -> memref<640xf32, #tpu.memory_space<vmem_shared>>
      %dma_wait3A_656 = tpu.memref_slice %arg4[%mul3A_0] : memref<10240xf32, #tpu.memory_space<hbm>> -> memref<640xf32, #tpu.memory_space<hbm>>
      tpu.wait_dma2 semaphore(%run_scoped3A : memref<!tpu.dma_semaphore, #tpu.memory_space<semaphore_mem>>) src(%dma_wait3A_656 : memref<640xf32, #tpu.memory_space<hbm>>) dst(%dma_wait3A_655 : memref<640xf32, #tpu.memory_space<vmem_shared>>)
      tpu.yield
    }) : () -> ()
    "tpu.region"() ({
      %run_scoped3A = tpu.sem_alloc : memref<!tpu.dma_semaphore, #tpu.memory_space<semaphore_mem>>
      %dma_start3A_653 = tpu.memref_slice %arg20[%mul3A_0] : memref<10240xf32, #tpu.memory_space<vmem_shared>> -> memref<640xf32, #tpu.memory_space<vmem_shared>>
      %dma_start3A_654 = tpu.memref_slice %arg4[%mul3A_0] : memref<10240xf32, #tpu.memory_space<hbm>> -> memref<640xf32, #tpu.memory_space<hbm>>
      tpu.enqueue_dma source(%dma_start3A_654 : memref<640xf32, #tpu.memory_space<hbm>>) target(%dma_start3A_653 : memref<640xf32, #tpu.memory_space<vmem_shared>>) target_semaphore(%run_scoped3A : memref<!tpu.dma_semaphore, #tpu.memory_space<semaphore_mem>>)
      %dma_wait3A_655 = tpu.memref_slice %arg20[%mul3A_0] : memref<10240xf32, #tpu.memory_space<vmem_shared>> -> memref<640xf32, #tpu.memory_space<vmem_shared>>
      %dma_wait3A_656 = tpu.memref_slice %arg4[%mul3A_0] : memref<10240xf32, #tpu.memory_space<hbm>> -> memref<640xf32, #tpu.memory_space<hbm>>
      tpu.wait_dma2 semaphore(%run_scoped3A : memref<!tpu.dma_semaphore, #tpu.memory_space<semaphore_mem>>) src(%dma_wait3A_656 : memref<640xf32, #tpu.memory_space<hbm>>) dst(%dma_wait3A_655 : memref<640xf32, #tpu.memory_space<vmem_shared>>)
      tpu.yield
    }) : () -> ()
    "tpu.region"() ({
      %run_scoped3A = tpu.sem_alloc : memref<!tpu.dma_semaphore, #tpu.memory_space<semaphore_mem>>
      %dma_start3A_653 = tpu.memref_slice %arg21[%mul3A_0] : memref<10240xf32, #tpu.memory_space<vmem_shared>> -> memref<640xf32, #tpu.memory_space<vmem_shared>>
      %dma_start3A_654 = tpu.memref_slice %arg4[%mul3A_0] : memref<10240xf32, #tpu.memory_space<hbm>> -> memref<640xf32, #tpu.memory_space<hbm>>
      tpu.enqueue_dma source(%dma_start3A_654 : memref<640xf32, #tpu.memory_space<hbm>>) target(%dma_start3A_653 : memref<640xf32, #tpu.memory_space<vmem_shared>>) target_semaphore(%run_scoped3A : memref<!tpu.dma_semaphore, #tpu.memory_space<semaphore_mem>>)
      %dma_wait3A_655 = tpu.memref_slice %arg21[%mul3A_0] : memref<10240xf32, #tpu.memory_space<vmem_shared>> -> memref<640xf32, #tpu.memory_space<vmem_shared>>
      %dma_wait3A_656 = tpu.memref_slice %arg4[%mul3A_0] : memref<10240xf32, #tpu.memory_space<hbm>> -> memref<640xf32, #tpu.memory_space<hbm>>
      tpu.wait_dma2 semaphore(%run_scoped3A : memref<!tpu.dma_semaphore, #tpu.memory_space<semaphore_mem>>) src(%dma_wait3A_656 : memref<640xf32, #tpu.memory_space<hbm>>) dst(%dma_wait3A_655 : memref<640xf32, #tpu.memory_space<vmem_shared>>)
      tpu.yield
    }) : () -> ()
    "tpu.region"() ({
      %run_scoped3A = tpu.sem_alloc : memref<!tpu.dma_semaphore, #tpu.memory_space<semaphore_mem>>
      %dma_start3A_653 = tpu.memref_slice %arg22[%mul3A_0] : memref<10240xf32, #tpu.memory_space<vmem_shared>> -> memref<640xf32, #tpu.memory_space<vmem_shared>>
      %dma_start3A_654 = tpu.memref_slice %arg4[%mul3A_0] : memref<10240xf32, #tpu.memory_space<hbm>> -> memref<640xf32, #tpu.memory_space<hbm>>
      tpu.enqueue_dma source(%dma_start3A_654 : memref<640xf32, #tpu.memory_space<hbm>>) target(%dma_start3A_653 : memref<640xf32, #tpu.memory_space<vmem_shared>>) target_semaphore(%run_scoped3A : memref<!tpu.dma_semaphore, #tpu.memory_space<semaphore_mem>>)
      %dma_wait3A_655 = tpu.memref_slice %arg22[%mul3A_0] : memref<10240xf32, #tpu.memory_space<vmem_shared>> -> memref<640xf32, #tpu.memory_space<vmem_shared>>
      %dma_wait3A_656 = tpu.memref_slice %arg4[%mul3A_0] : memref<10240xf32, #tpu.memory_space<hbm>> -> memref<640xf32, #tpu.memory_space<hbm>>
      tpu.wait_dma2 semaphore(%run_scoped3A : memref<!tpu.dma_semaphore, #tpu.memory_space<semaphore_mem>>) src(%dma_wait3A_656 : memref<640xf32, #tpu.memory_space<hbm>>) dst(%dma_wait3A_655 : memref<640xf32, #tpu.memory_space<vmem_shared>>)
      tpu.yield
    }) : () -> ()
    "tpu.region"() ({
      %run_scoped3A = tpu.sem_alloc : memref<!tpu.dma_semaphore, #tpu.memory_space<semaphore_mem>>
      %dma_start3A_653 = tpu.memref_slice %arg23[%mul3A_0] : memref<10240xf32, #tpu.memory_space<vmem_shared>> -> memref<640xf32, #tpu.memory_space<vmem_shared>>
      %dma_start3A_654 = tpu.memref_slice %arg4[%mul3A_0] : memref<10240xf32, #tpu.memory_space<hbm>> -> memref<640xf32, #tpu.memory_space<hbm>>
      tpu.enqueue_dma source(%dma_start3A_654 : memref<640xf32, #tpu.memory_space<hbm>>) target(%dma_start3A_653 : memref<640xf32, #tpu.memory_space<vmem_shared>>) target_semaphore(%run_scoped3A : memref<!tpu.dma_semaphore, #tpu.memory_space<semaphore_mem>>)
      %dma_wait3A_655 = tpu.memref_slice %arg23[%mul3A_0] : memref<10240xf32, #tpu.memory_space<vmem_shared>> -> memref<640xf32, #tpu.memory_space<vmem_shared>>
      %dma_wait3A_656 = tpu.memref_slice %arg4[%mul3A_0] : memref<10240xf32, #tpu.memory_space<hbm>> -> memref<640xf32, #tpu.memory_space<hbm>>
      tpu.wait_dma2 semaphore(%run_scoped3A : memref<!tpu.dma_semaphore, #tpu.memory_space<semaphore_mem>>) src(%dma_wait3A_656 : memref<640xf32, #tpu.memory_space<hbm>>) dst(%dma_wait3A_655 : memref<640xf32, #tpu.memory_space<vmem_shared>>)
      tpu.yield
    }) : () -> ()
    "tpu.region"() ({
      %run_scoped3A = tpu.sem_alloc : memref<!tpu.dma_semaphore, #tpu.memory_space<semaphore_mem>>
      %dma_start3A_653 = tpu.memref_slice %arg24[%mul3A_0] : memref<10240xf32, #tpu.memory_space<vmem_shared>> -> memref<640xf32, #tpu.memory_space<vmem_shared>>
      %dma_start3A_654 = tpu.memref_slice %arg4[%mul3A_0] : memref<10240xf32, #tpu.memory_space<hbm>> -> memref<640xf32, #tpu.memory_space<hbm>>
      tpu.enqueue_dma source(%dma_start3A_654 : memref<640xf32, #tpu.memory_space<hbm>>) target(%dma_start3A_653 : memref<640xf32, #tpu.memory_space<vmem_shared>>) target_semaphore(%run_scoped3A : memref<!tpu.dma_semaphore, #tpu.memory_space<semaphore_mem>>)
      %dma_wait3A_655 = tpu.memref_slice %arg24[%mul3A_0] : memref<10240xf32, #tpu.memory_space<vmem_shared>> -> memref<640xf32, #tpu.memory_space<vmem_shared>>
      %dma_wait3A_656 = tpu.memref_slice %arg4[%mul3A_0] : memref<10240xf32, #tpu.memory_space<hbm>> -> memref<640xf32, #tpu.memory_space<hbm>>
      tpu.wait_dma2 semaphore(%run_scoped3A : memref<!tpu.dma_semaphore, #tpu.memory_space<semaphore_mem>>) src(%dma_wait3A_656 : memref<640xf32, #tpu.memory_space<hbm>>) dst(%dma_wait3A_655 : memref<640xf32, #tpu.memory_space<vmem_shared>>)
      tpu.yield
    }) : () -> ()
    "tpu.region"() ({
      %run_scoped3A = tpu.sem_alloc : memref<!tpu.dma_semaphore, #tpu.memory_space<semaphore_mem>>
      tpu.enqueue_dma source(%arg3 : memref<10000xf32, #tpu.memory_space<hbm>>) target(%arg6 : memref<10000xf32, #tpu.memory_space<vmem>>) target_semaphore(%run_scoped3A : memref<!tpu.dma_semaphore, #tpu.memory_space<semaphore_mem>>)
      tpu.wait_dma2 semaphore(%run_scoped3A : memref<!tpu.dma_semaphore, #tpu.memory_space<semaphore_mem>>) src(%arg3 : memref<10000xf32, #tpu.memory_space<hbm>>) dst(%arg6 : memref<10000xf32, #tpu.memory_space<vmem>>)
      tpu.yield
    }) : () -> ()
    %barrier3A = arith.constant 0 : index
    tpu.barrier barrier_id(%barrier3A)
    %mul3A_1 = arith.constant 163840 : i32
    %mul3A_2 = arith.muli %arg0, %mul3A_1 : i32
    %mul3A_3 = arith.constant 10240 : i32
    %mul3A_4 = arith.muli %arg1, %mul3A_3 : i32
    %add3A = arith.addi %mul3A_2, %mul3A_4 : i32
    %iota3A = tpu.iota {dimensions = array<i32: 0>} : vector<16xi32>
    %broadcast_in_dim3A = arith.constant 0 : i32
    %broadcast_in_dim3A_5 = vector.broadcast %broadcast_in_dim3A : i32 to vector<16xi32>
    %add3A_6 = arith.constant 0 : i32
    %add3A_7 = arith.addi %add3A, %add3A_6 : i32
    %dma_start3A = arith.constant 0 : i32
    %dma_start3A_8 = tpu.memref_slice %arg2[%add3A_7, %dma_start3A] : memref<327680x8xi32, #tpu.memory_space<hbm>> -> memref<128x8xi32, #tpu.memory_space<hbm>>
    %dma_start3A_9 = arith.constant 0 : i32
    %dma_start3A_10 = tpu.memref_slice %arg2[%add3A_7, %dma_start3A_9] : memref<327680x8xi32, #tpu.memory_space<hbm>> -> memref<128x8xi32, #tpu.memory_space<hbm>>
    tpu.enqueue_dma source(%dma_start3A_10 : memref<128x8xi32, #tpu.memory_space<hbm>>) target(%arg7 : memref<128x8xi32, #tpu.memory_space<vmem>>) target_semaphore(%arg25 : memref<!tpu.dma_semaphore, #tpu.memory_space<semaphore_mem>>)
    %add3A_11 = arith.constant 128 : i32
    %add3A_12 = arith.addi %add3A, %add3A_11 : i32
    %dma_start3A_13 = arith.constant 0 : i32
    %dma_start3A_14 = tpu.memref_slice %arg2[%add3A_12, %dma_start3A_13] : memref<327680x8xi32, #tpu.memory_space<hbm>> -> memref<128x8xi32, #tpu.memory_space<hbm>>
    %dma_start3A_15 = arith.constant 0 : i32
    %dma_start3A_16 = tpu.memref_slice %arg2[%add3A_12, %dma_start3A_15] : memref<327680x8xi32, #tpu.memory_space<hbm>> -> memref<128x8xi32, #tpu.memory_space<hbm>>
    tpu.enqueue_dma source(%dma_start3A_16 : memref<128x8xi32, #tpu.memory_space<hbm>>) target(%arg8 : memref<128x8xi32, #tpu.memory_space<vmem>>) target_semaphore(%arg26 : memref<!tpu.dma_semaphore, #tpu.memory_space<semaphore_mem>>)
    %dma_wait3A = arith.constant 0 : i32
    %dma_wait3A_17 = tpu.memref_slice %arg2[%add3A, %dma_wait3A] : memref<327680x8xi32, #tpu.memory_space<hbm>> -> memref<128x8xi32, #tpu.memory_space<hbm>>
    %dma_wait3A_18 = arith.constant 0 : i32
    %dma_wait3A_19 = tpu.memref_slice %arg2[%add3A, %dma_wait3A_18] : memref<327680x8xi32, #tpu.memory_space<hbm>> -> memref<128x8xi32, #tpu.memory_space<hbm>>
    tpu.wait_dma2 semaphore(%arg25 : memref<!tpu.dma_semaphore, #tpu.memory_space<semaphore_mem>>) src(%dma_wait3A_19 : memref<128x8xi32, #tpu.memory_space<hbm>>) dst(%arg7 : memref<128x8xi32, #tpu.memory_space<vmem>>)
    %add3A_20 = arith.constant 0 : i32
    %add3A_21 = vector.broadcast %add3A_20 : i32 to vector<16xi32>
    %add3A_22 = arith.addi %add3A_21, %iota3A : vector<16xi32>
    %gather3A = tpu.vector_load_idx %arg7[%add3A_22, %broadcast_in_dim3A_5] : memref<128x8xi32, #tpu.memory_space<vmem>>[vector<16xi32>, vector<16xi32>], vector<16xi32>,
    %add3A_23 = arith.constant 1 : i32
    %add3A_24 = vector.broadcast %add3A_23 : i32 to vector<16xi32>
    %add3A_25 = arith.addi %broadcast_in_dim3A_5, %add3A_24 : vector<16xi32>
    %gather3A_26 = tpu.vector_load_idx %arg7[%add3A_22, %add3A_25] : memref<128x8xi32, #tpu.memory_space<vmem>>[vector<16xi32>, vector<16xi32>], vector<16xi32>,
    %add3A_27 = arith.constant 2 : i32
    %add3A_28 = vector.broadcast %add3A_27 : i32 to vector<16xi32>
    %add3A_29 = arith.addi %broadcast_in_dim3A_5, %add3A_28 : vector<16xi32>
    %gather3A_30 = tpu.vector_load_idx %arg7[%add3A_22, %add3A_29] : memref<128x8xi32, #tpu.memory_space<vmem>>[vector<16xi32>, vector<16xi32>], vector<16xi32>,
    %bitcast3A = vector.bitcast %gather3A_30 : vector<16xi32> to vector<16xf32>
    %add3A_31 = arith.constant 3 : i32
    %add3A_32 = vector.broadcast %add3A_31 : i32 to vector<16xi32>
    %add3A_33 = arith.addi %broadcast_in_dim3A_5, %add3A_32 : vector<16xi32>
    %gather3A_34 = tpu.vector_load_idx %arg7[%add3A_22, %add3A_33] : memref<128x8xi32, #tpu.memory_space<vmem>>[vector<16xi32>, vector<16xi32>], vector<16xi32>,
    %bitcast3A_35 = vector.bitcast %gather3A_34 : vector<16xi32> to vector<16xf32>
    %add3A_36 = arith.constant 4 : i32
    %add3A_37 = vector.broadcast %add3A_36 : i32 to vector<16xi32>
    %add3A_38 = arith.addi %broadcast_in_dim3A_5, %add3A_37 : vector<16xi32>
    %gather3A_39 = tpu.vector_load_idx %arg7[%add3A_22, %add3A_38] : memref<128x8xi32, #tpu.memory_space<vmem>>[vector<16xi32>, vector<16xi32>], vector<16xi32>,
    %bitcast3A_40 = vector.bitcast %gather3A_39 : vector<16xi32> to vector<16xf32>
    %gather3A_41 = tpu.vector_load_idx %arg6[%gather3A_26] : memref<10000xf32, #tpu.memory_space<vmem>>[vector<16xi32>], vector<16xf32>,
    %swap3A = arith.constant 0 : index
    %swap3A_42 = tpu.vector_load %arg9[%swap3A] {strides = array<i32>} : memref<128xi32, #tpu.memory_space<vmem>>, vector<16xi32>,
    tpu.vector_store %arg9[%swap3A], %gather3A {strides = array<i32>} : memref<128xi32, #tpu.memory_space<vmem>>, vector<16xi32>,
    %swap3A_43 = arith.constant 0 : index
    %swap3A_44 = tpu.vector_load %arg11[%swap3A_43] {strides = array<i32>} : memref<128xi32, #tpu.memory_space<vmem>>, vector<16xi32>,
    tpu.vector_store %arg11[%swap3A_43], %gather3A_26 {strides = array<i32>} : memref<128xi32, #tpu.memory_space<vmem>>, vector<16xi32>,
    %mul3A_45 = arith.mulf %gather3A_41, %bitcast3A : vector<16xf32>
    %swap3A_46 = arith.constant 0 : index
    %swap3A_47 = tpu.vector_load %arg13[%swap3A_46] {strides = array<i32>} : memref<128xf32, #tpu.memory_space<vmem>>, vector<16xf32>,
    tpu.vector_store %arg13[%swap3A_46], %mul3A_45 {strides = array<i32>} : memref<128xf32, #tpu.memory_space<vmem>>, vector<16xf32>,
    %mul3A_48 = arith.mulf %gather3A_41, %bitcast3A_35 : vector<16xf32>
    %swap3A_49 = arith.constant 0 : index
    %swap3A_50 = tpu.vector_load %arg14[%swap3A_49] {strides = array<i32>} : memref<128xf32, #tpu.memory_space<vmem>>, vector<16xf32>,
    tpu.vector_store %arg14[%swap3A_49], %mul3A_48 {strides = array<i32>} : memref<128xf32, #tpu.memory_space<vmem>>, vector<16xf32>,
    %mul3A_51 = arith.mulf %gather3A_41, %bitcast3A_40 : vector<16xf32>
    %swap3A_52 = arith.constant 0 : index
    %swap3A_53 = tpu.vector_load %arg15[%swap3A_52] {strides = array<i32>} : memref<128xf32, #tpu.memory_space<vmem>>, vector<16xf32>,
    tpu.vector_store %arg15[%swap3A_52], %mul3A_51 {strides = array<i32>} : memref<128xf32, #tpu.memory_space<vmem>>, vector<16xf32>,
    %add3A_54 = arith.constant 16 : i32
    %add3A_55 = vector.broadcast %add3A_54 : i32 to vector<16xi32>
    %add3A_56 = arith.addi %add3A_55, %iota3A : vector<16xi32>
    %gather3A_57 = tpu.vector_load_idx %arg7[%add3A_56, %broadcast_in_dim3A_5] : memref<128x8xi32, #tpu.memory_space<vmem>>[vector<16xi32>, vector<16xi32>], vector<16xi32>,
    %add3A_58 = arith.constant 1 : i32
    %add3A_59 = vector.broadcast %add3A_58 : i32 to vector<16xi32>
    %add3A_60 = arith.addi %broadcast_in_dim3A_5, %add3A_59 : vector<16xi32>
    %gather3A_61 = tpu.vector_load_idx %arg7[%add3A_56, %add3A_60] : memref<128x8xi32, #tpu.memory_space<vmem>>[vector<16xi32>, vector<16xi32>], vector<16xi32>,
    %add3A_62 = arith.constant 2 : i32
    %add3A_63 = vector.broadcast %add3A_62 : i32 to vector<16xi32>
    %add3A_64 = arith.addi %broadcast_in_dim3A_5, %add3A_63 : vector<16xi32>
    %gather3A_65 = tpu.vector_load_idx %arg7[%add3A_56, %add3A_64] : memref<128x8xi32, #tpu.memory_space<vmem>>[vector<16xi32>, vector<16xi32>], vector<16xi32>,
    %bitcast3A_66 = vector.bitcast %gather3A_65 : vector<16xi32> to vector<16xf32>
    %add3A_67 = arith.constant 3 : i32
    %add3A_68 = vector.broadcast %add3A_67 : i32 to vector<16xi32>
    %add3A_69 = arith.addi %broadcast_in_dim3A_5, %add3A_68 : vector<16xi32>
    %gather3A_70 = tpu.vector_load_idx %arg7[%add3A_56, %add3A_69] : memref<128x8xi32, #tpu.memory_space<vmem>>[vector<16xi32>, vector<16xi32>], vector<16xi32>,
    %bitcast3A_71 = vector.bitcast %gather3A_70 : vector<16xi32> to vector<16xf32>
    %add3A_72 = arith.constant 4 : i32
    %add3A_73 = vector.broadcast %add3A_72 : i32 to vector<16xi32>
    %add3A_74 = arith.addi %broadcast_in_dim3A_5, %add3A_73 : vector<16xi32>
    %gather3A_75 = tpu.vector_load_idx %arg7[%add3A_56, %add3A_74] : memref<128x8xi32, #tpu.memory_space<vmem>>[vector<16xi32>, vector<16xi32>], vector<16xi32>,
    %bitcast3A_76 = vector.bitcast %gather3A_75 : vector<16xi32> to vector<16xf32>
    %gather3A_77 = tpu.vector_load_idx %arg6[%gather3A_61] : memref<10000xf32, #tpu.memory_space<vmem>>[vector<16xi32>], vector<16xf32>,
    %swap3A_78 = arith.constant 16 : index
    %swap3A_79 = tpu.vector_load %arg9[%swap3A_78] {strides = array<i32>} : memref<128xi32, #tpu.memory_space<vmem>>, vector<16xi32>,
    tpu.vector_store %arg9[%swap3A_78], %gather3A_57 {strides = array<i32>} : memref<128xi32, #tpu.memory_space<vmem>>, vector<16xi32>,
    %swap3A_80 = arith.constant 16 : index
    %swap3A_81 = tpu.vector_load %arg11[%swap3A_80] {strides = array<i32>} : memref<128xi32, #tpu.memory_space<vmem>>, vector<16xi32>,
    tpu.vector_store %arg11[%swap3A_80], %gather3A_61 {strides = array<i32>} : memref<128xi32, #tpu.memory_space<vmem>>, vector<16xi32>,
    %mul3A_82 = arith.mulf %gather3A_77, %bitcast3A_66 : vector<16xf32>
    %swap3A_83 = arith.constant 16 : index
    %swap3A_84 = tpu.vector_load %arg13[%swap3A_83] {strides = array<i32>} : memref<128xf32, #tpu.memory_space<vmem>>, vector<16xf32>,
    tpu.vector_store %arg13[%swap3A_83], %mul3A_82 {strides = array<i32>} : memref<128xf32, #tpu.memory_space<vmem>>, vector<16xf32>,
    %mul3A_85 = arith.mulf %gather3A_77, %bitcast3A_71 : vector<16xf32>
    %swap3A_86 = arith.constant 16 : index
    %swap3A_87 = tpu.vector_load %arg14[%swap3A_86] {strides = array<i32>} : memref<128xf32, #tpu.memory_space<vmem>>, vector<16xf32>,
    tpu.vector_store %arg14[%swap3A_86], %mul3A_85 {strides = array<i32>} : memref<128xf32, #tpu.memory_space<vmem>>, vector<16xf32>,
    %mul3A_88 = arith.mulf %gather3A_77, %bitcast3A_76 : vector<16xf32>
    %swap3A_89 = arith.constant 16 : index
    %swap3A_90 = tpu.vector_load %arg15[%swap3A_89] {strides = array<i32>} : memref<128xf32, #tpu.memory_space<vmem>>, vector<16xf32>,
    tpu.vector_store %arg15[%swap3A_89], %mul3A_88 {strides = array<i32>} : memref<128xf32, #tpu.memory_space<vmem>>, vector<16xf32>,
    %add3A_91 = arith.constant 32 : i32
    %add3A_92 = vector.broadcast %add3A_91 : i32 to vector<16xi32>
    %add3A_93 = arith.addi %add3A_92, %iota3A : vector<16xi32>
    %gather3A_94 = tpu.vector_load_idx %arg7[%add3A_93, %broadcast_in_dim3A_5] : memref<128x8xi32, #tpu.memory_space<vmem>>[vector<16xi32>, vector<16xi32>], vector<16xi32>,
    %add3A_95 = arith.constant 1 : i32
    %add3A_96 = vector.broadcast %add3A_95 : i32 to vector<16xi32>
    %add3A_97 = arith.addi %broadcast_in_dim3A_5, %add3A_96 : vector<16xi32>
    %gather3A_98 = tpu.vector_load_idx %arg7[%add3A_93, %add3A_97] : memref<128x8xi32, #tpu.memory_space<vmem>>[vector<16xi32>, vector<16xi32>], vector<16xi32>,
    %add3A_99 = arith.constant 2 : i32
    %add3A_100 = vector.broadcast %add3A_99 : i32 to vector<16xi32>
    %add3A_101 = arith.addi %broadcast_in_dim3A_5, %add3A_100 : vector<16xi32>
    %gather3A_102 = tpu.vector_load_idx %arg7[%add3A_93, %add3A_101] : memref<128x8xi32, #tpu.memory_space<vmem>>[vector<16xi32>, vector<16xi32>], vector<16xi32>,
    %bitcast3A_103 = vector.bitcast %gather3A_102 : vector<16xi32> to vector<16xf32>
    %add3A_104 = arith.constant 3 : i32
    %add3A_105 = vector.broadcast %add3A_104 : i32 to vector<16xi32>
    %add3A_106 = arith.addi %broadcast_in_dim3A_5, %add3A_105 : vector<16xi32>
    %gather3A_107 = tpu.vector_load_idx %arg7[%add3A_93, %add3A_106] : memref<128x8xi32, #tpu.memory_space<vmem>>[vector<16xi32>, vector<16xi32>], vector<16xi32>,
    %bitcast3A_108 = vector.bitcast %gather3A_107 : vector<16xi32> to vector<16xf32>
    %add3A_109 = arith.constant 4 : i32
    %add3A_110 = vector.broadcast %add3A_109 : i32 to vector<16xi32>
    %add3A_111 = arith.addi %broadcast_in_dim3A_5, %add3A_110 : vector<16xi32>
    %gather3A_112 = tpu.vector_load_idx %arg7[%add3A_93, %add3A_111] : memref<128x8xi32, #tpu.memory_space<vmem>>[vector<16xi32>, vector<16xi32>], vector<16xi32>,
    %bitcast3A_113 = vector.bitcast %gather3A_112 : vector<16xi32> to vector<16xf32>
    %gather3A_114 = tpu.vector_load_idx %arg6[%gather3A_98] : memref<10000xf32, #tpu.memory_space<vmem>>[vector<16xi32>], vector<16xf32>,
    %swap3A_115 = arith.constant 32 : index
    %swap3A_116 = tpu.vector_load %arg9[%swap3A_115] {strides = array<i32>} : memref<128xi32, #tpu.memory_space<vmem>>, vector<16xi32>,
    tpu.vector_store %arg9[%swap3A_115], %gather3A_94 {strides = array<i32>} : memref<128xi32, #tpu.memory_space<vmem>>, vector<16xi32>,
    %swap3A_117 = arith.constant 32 : index
    %swap3A_118 = tpu.vector_load %arg11[%swap3A_117] {strides = array<i32>} : memref<128xi32, #tpu.memory_space<vmem>>, vector<16xi32>,
    tpu.vector_store %arg11[%swap3A_117], %gather3A_98 {strides = array<i32>} : memref<128xi32, #tpu.memory_space<vmem>>, vector<16xi32>,
    %mul3A_119 = arith.mulf %gather3A_114, %bitcast3A_103 : vector<16xf32>
    %swap3A_120 = arith.constant 32 : index
    %swap3A_121 = tpu.vector_load %arg13[%swap3A_120] {strides = array<i32>} : memref<128xf32, #tpu.memory_space<vmem>>, vector<16xf32>,
    tpu.vector_store %arg13[%swap3A_120], %mul3A_119 {strides = array<i32>} : memref<128xf32, #tpu.memory_space<vmem>>, vector<16xf32>,
    %mul3A_122 = arith.mulf %gather3A_114, %bitcast3A_108 : vector<16xf32>
    %swap3A_123 = arith.constant 32 : index
    %swap3A_124 = tpu.vector_load %arg14[%swap3A_123] {strides = array<i32>} : memref<128xf32, #tpu.memory_space<vmem>>, vector<16xf32>,
    tpu.vector_store %arg14[%swap3A_123], %mul3A_122 {strides = array<i32>} : memref<128xf32, #tpu.memory_space<vmem>>, vector<16xf32>,
    %mul3A_125 = arith.mulf %gather3A_114, %bitcast3A_113 : vector<16xf32>
    %swap3A_126 = arith.constant 32 : index
    %swap3A_127 = tpu.vector_load %arg15[%swap3A_126] {strides = array<i32>} : memref<128xf32, #tpu.memory_space<vmem>>, vector<16xf32>,
    tpu.vector_store %arg15[%swap3A_126], %mul3A_125 {strides = array<i32>} : memref<128xf32, #tpu.memory_space<vmem>>, vector<16xf32>,
    %add3A_128 = arith.constant 48 : i32
    %add3A_129 = vector.broadcast %add3A_128 : i32 to vector<16xi32>
    %add3A_130 = arith.addi %add3A_129, %iota3A : vector<16xi32>
    %gather3A_131 = tpu.vector_load_idx %arg7[%add3A_130, %broadcast_in_dim3A_5] : memref<128x8xi32, #tpu.memory_space<vmem>>[vector<16xi32>, vector<16xi32>], vector<16xi32>,
    %add3A_132 = arith.constant 1 : i32
    %add3A_133 = vector.broadcast %add3A_132 : i32 to vector<16xi32>
    %add3A_134 = arith.addi %broadcast_in_dim3A_5, %add3A_133 : vector<16xi32>
    %gather3A_135 = tpu.vector_load_idx %arg7[%add3A_130, %add3A_134] : memref<128x8xi32, #tpu.memory_space<vmem>>[vector<16xi32>, vector<16xi32>], vector<16xi32>,
    %add3A_136 = arith.constant 2 : i32
    %add3A_137 = vector.broadcast %add3A_136 : i32 to vector<16xi32>
    %add3A_138 = arith.addi %broadcast_in_dim3A_5, %add3A_137 : vector<16xi32>
    %gather3A_139 = tpu.vector_load_idx %arg7[%add3A_130, %add3A_138] : memref<128x8xi32, #tpu.memory_space<vmem>>[vector<16xi32>, vector<16xi32>], vector<16xi32>,
    %bitcast3A_140 = vector.bitcast %gather3A_139 : vector<16xi32> to vector<16xf32>
    %add3A_141 = arith.constant 3 : i32
    %add3A_142 = vector.broadcast %add3A_141 : i32 to vector<16xi32>
    %add3A_143 = arith.addi %broadcast_in_dim3A_5, %add3A_142 : vector<16xi32>
    %gather3A_144 = tpu.vector_load_idx %arg7[%add3A_130, %add3A_143] : memref<128x8xi32, #tpu.memory_space<vmem>>[vector<16xi32>, vector<16xi32>], vector<16xi32>,
    %bitcast3A_145 = vector.bitcast %gather3A_144 : vector<16xi32> to vector<16xf32>
    %add3A_146 = arith.constant 4 : i32
    %add3A_147 = vector.broadcast %add3A_146 : i32 to vector<16xi32>
    %add3A_148 = arith.addi %broadcast_in_dim3A_5, %add3A_147 : vector<16xi32>
    %gather3A_149 = tpu.vector_load_idx %arg7[%add3A_130, %add3A_148] : memref<128x8xi32, #tpu.memory_space<vmem>>[vector<16xi32>, vector<16xi32>], vector<16xi32>,
    %bitcast3A_150 = vector.bitcast %gather3A_149 : vector<16xi32> to vector<16xf32>
    %gather3A_151 = tpu.vector_load_idx %arg6[%gather3A_135] : memref<10000xf32, #tpu.memory_space<vmem>>[vector<16xi32>], vector<16xf32>,
    %swap3A_152 = arith.constant 48 : index
    %swap3A_153 = tpu.vector_load %arg9[%swap3A_152] {strides = array<i32>} : memref<128xi32, #tpu.memory_space<vmem>>, vector<16xi32>,
    tpu.vector_store %arg9[%swap3A_152], %gather3A_131 {strides = array<i32>} : memref<128xi32, #tpu.memory_space<vmem>>, vector<16xi32>,
    %swap3A_154 = arith.constant 48 : index
    %swap3A_155 = tpu.vector_load %arg11[%swap3A_154] {strides = array<i32>} : memref<128xi32, #tpu.memory_space<vmem>>, vector<16xi32>,
    tpu.vector_store %arg11[%swap3A_154], %gather3A_135 {strides = array<i32>} : memref<128xi32, #tpu.memory_space<vmem>>, vector<16xi32>,
    %mul3A_156 = arith.mulf %gather3A_151, %bitcast3A_140 : vector<16xf32>
    %swap3A_157 = arith.constant 48 : index
    %swap3A_158 = tpu.vector_load %arg13[%swap3A_157] {strides = array<i32>} : memref<128xf32, #tpu.memory_space<vmem>>, vector<16xf32>,
    tpu.vector_store %arg13[%swap3A_157], %mul3A_156 {strides = array<i32>} : memref<128xf32, #tpu.memory_space<vmem>>, vector<16xf32>,
    %mul3A_159 = arith.mulf %gather3A_151, %bitcast3A_145 : vector<16xf32>
    %swap3A_160 = arith.constant 48 : index
    %swap3A_161 = tpu.vector_load %arg14[%swap3A_160] {strides = array<i32>} : memref<128xf32, #tpu.memory_space<vmem>>, vector<16xf32>,
    tpu.vector_store %arg14[%swap3A_160], %mul3A_159 {strides = array<i32>} : memref<128xf32, #tpu.memory_space<vmem>>, vector<16xf32>,
    %mul3A_162 = arith.mulf %gather3A_151, %bitcast3A_150 : vector<16xf32>
    %swap3A_163 = arith.constant 48 : index
    %swap3A_164 = tpu.vector_load %arg15[%swap3A_163] {strides = array<i32>} : memref<128xf32, #tpu.memory_space<vmem>>, vector<16xf32>,
    tpu.vector_store %arg15[%swap3A_163], %mul3A_162 {strides = array<i32>} : memref<128xf32, #tpu.memory_space<vmem>>, vector<16xf32>,
    %add3A_165 = arith.constant 64 : i32
    %add3A_166 = vector.broadcast %add3A_165 : i32 to vector<16xi32>
    %add3A_167 = arith.addi %add3A_166, %iota3A : vector<16xi32>
    %gather3A_168 = tpu.vector_load_idx %arg7[%add3A_167, %broadcast_in_dim3A_5] : memref<128x8xi32, #tpu.memory_space<vmem>>[vector<16xi32>, vector<16xi32>], vector<16xi32>,
    %add3A_169 = arith.constant 1 : i32
    %add3A_170 = vector.broadcast %add3A_169 : i32 to vector<16xi32>
    %add3A_171 = arith.addi %broadcast_in_dim3A_5, %add3A_170 : vector<16xi32>
    %gather3A_172 = tpu.vector_load_idx %arg7[%add3A_167, %add3A_171] : memref<128x8xi32, #tpu.memory_space<vmem>>[vector<16xi32>, vector<16xi32>], vector<16xi32>,
    %add3A_173 = arith.constant 2 : i32
    %add3A_174 = vector.broadcast %add3A_173 : i32 to vector<16xi32>
    %add3A_175 = arith.addi %broadcast_in_dim3A_5, %add3A_174 : vector<16xi32>
    %gather3A_176 = tpu.vector_load_idx %arg7[%add3A_167, %add3A_175] : memref<128x8xi32, #tpu.memory_space<vmem>>[vector<16xi32>, vector<16xi32>], vector<16xi32>,
    %bitcast3A_177 = vector.bitcast %gather3A_176 : vector<16xi32> to vector<16xf32>
    %add3A_178 = arith.constant 3 : i32
    %add3A_179 = vector.broadcast %add3A_178 : i32 to vector<16xi32>
    %add3A_180 = arith.addi %broadcast_in_dim3A_5, %add3A_179 : vector<16xi32>
    %gather3A_181 = tpu.vector_load_idx %arg7[%add3A_167, %add3A_180] : memref<128x8xi32, #tpu.memory_space<vmem>>[vector<16xi32>, vector<16xi32>], vector<16xi32>,
    %bitcast3A_182 = vector.bitcast %gather3A_181 : vector<16xi32> to vector<16xf32>
    %add3A_183 = arith.constant 4 : i32
    %add3A_184 = vector.broadcast %add3A_183 : i32 to vector<16xi32>
    %add3A_185 = arith.addi %broadcast_in_dim3A_5, %add3A_184 : vector<16xi32>
    %gather3A_186 = tpu.vector_load_idx %arg7[%add3A_167, %add3A_185] : memref<128x8xi32, #tpu.memory_space<vmem>>[vector<16xi32>, vector<16xi32>], vector<16xi32>,
    %bitcast3A_187 = vector.bitcast %gather3A_186 : vector<16xi32> to vector<16xf32>
    %gather3A_188 = tpu.vector_load_idx %arg6[%gather3A_172] : memref<10000xf32, #tpu.memory_space<vmem>>[vector<16xi32>], vector<16xf32>,
    %swap3A_189 = arith.constant 64 : index
    %swap3A_190 = tpu.vector_load %arg9[%swap3A_189] {strides = array<i32>} : memref<128xi32, #tpu.memory_space<vmem>>, vector<16xi32>,
    tpu.vector_store %arg9[%swap3A_189], %gather3A_168 {strides = array<i32>} : memref<128xi32, #tpu.memory_space<vmem>>, vector<16xi32>,
    %swap3A_191 = arith.constant 64 : index
    %swap3A_192 = tpu.vector_load %arg11[%swap3A_191] {strides = array<i32>} : memref<128xi32, #tpu.memory_space<vmem>>, vector<16xi32>,
    tpu.vector_store %arg11[%swap3A_191], %gather3A_172 {strides = array<i32>} : memref<128xi32, #tpu.memory_space<vmem>>, vector<16xi32>,
    %mul3A_193 = arith.mulf %gather3A_188, %bitcast3A_177 : vector<16xf32>
    %swap3A_194 = arith.constant 64 : index
    %swap3A_195 = tpu.vector_load %arg13[%swap3A_194] {strides = array<i32>} : memref<128xf32, #tpu.memory_space<vmem>>, vector<16xf32>,
    tpu.vector_store %arg13[%swap3A_194], %mul3A_193 {strides = array<i32>} : memref<128xf32, #tpu.memory_space<vmem>>, vector<16xf32>,
    %mul3A_196 = arith.mulf %gather3A_188, %bitcast3A_182 : vector<16xf32>
    %swap3A_197 = arith.constant 64 : index
    %swap3A_198 = tpu.vector_load %arg14[%swap3A_197] {strides = array<i32>} : memref<128xf32, #tpu.memory_space<vmem>>, vector<16xf32>,
    tpu.vector_store %arg14[%swap3A_197], %mul3A_196 {strides = array<i32>} : memref<128xf32, #tpu.memory_space<vmem>>, vector<16xf32>,
    %mul3A_199 = arith.mulf %gather3A_188, %bitcast3A_187 : vector<16xf32>
    %swap3A_200 = arith.constant 64 : index
    %swap3A_201 = tpu.vector_load %arg15[%swap3A_200] {strides = array<i32>} : memref<128xf32, #tpu.memory_space<vmem>>, vector<16xf32>,
    tpu.vector_store %arg15[%swap3A_200], %mul3A_199 {strides = array<i32>} : memref<128xf32, #tpu.memory_space<vmem>>, vector<16xf32>,
    %add3A_202 = arith.constant 80 : i32
    %add3A_203 = vector.broadcast %add3A_202 : i32 to vector<16xi32>
    %add3A_204 = arith.addi %add3A_203, %iota3A : vector<16xi32>
    %gather3A_205 = tpu.vector_load_idx %arg7[%add3A_204, %broadcast_in_dim3A_5] : memref<128x8xi32, #tpu.memory_space<vmem>>[vector<16xi32>, vector<16xi32>], vector<16xi32>,
    %add3A_206 = arith.constant 1 : i32
    %add3A_207 = vector.broadcast %add3A_206 : i32 to vector<16xi32>
    %add3A_208 = arith.addi %broadcast_in_dim3A_5, %add3A_207 : vector<16xi32>
    %gather3A_209 = tpu.vector_load_idx %arg7[%add3A_204, %add3A_208] : memref<128x8xi32, #tpu.memory_space<vmem>>[vector<16xi32>, vector<16xi32>], vector<16xi32>,
    %add3A_210 = arith.constant 2 : i32
    %add3A_211 = vector.broadcast %add3A_210 : i32 to vector<16xi32>
    %add3A_212 = arith.addi %broadcast_in_dim3A_5, %add3A_211 : vector<16xi32>
    %gather3A_213 = tpu.vector_load_idx %arg7[%add3A_204, %add3A_212] : memref<128x8xi32, #tpu.memory_space<vmem>>[vector<16xi32>, vector<16xi32>], vector<16xi32>,
    %bitcast3A_214 = vector.bitcast %gather3A_213 : vector<16xi32> to vector<16xf32>
    %add3A_215 = arith.constant 3 : i32
    %add3A_216 = vector.broadcast %add3A_215 : i32 to vector<16xi32>
    %add3A_217 = arith.addi %broadcast_in_dim3A_5, %add3A_216 : vector<16xi32>
    %gather3A_218 = tpu.vector_load_idx %arg7[%add3A_204, %add3A_217] : memref<128x8xi32, #tpu.memory_space<vmem>>[vector<16xi32>, vector<16xi32>], vector<16xi32>,
    %bitcast3A_219 = vector.bitcast %gather3A_218 : vector<16xi32> to vector<16xf32>
    %add3A_220 = arith.constant 4 : i32
    %add3A_221 = vector.broadcast %add3A_220 : i32 to vector<16xi32>
    %add3A_222 = arith.addi %broadcast_in_dim3A_5, %add3A_221 : vector<16xi32>
    %gather3A_223 = tpu.vector_load_idx %arg7[%add3A_204, %add3A_222] : memref<128x8xi32, #tpu.memory_space<vmem>>[vector<16xi32>, vector<16xi32>], vector<16xi32>,
    %bitcast3A_224 = vector.bitcast %gather3A_223 : vector<16xi32> to vector<16xf32>
    %gather3A_225 = tpu.vector_load_idx %arg6[%gather3A_209] : memref<10000xf32, #tpu.memory_space<vmem>>[vector<16xi32>], vector<16xf32>,
    %swap3A_226 = arith.constant 80 : index
    %swap3A_227 = tpu.vector_load %arg9[%swap3A_226] {strides = array<i32>} : memref<128xi32, #tpu.memory_space<vmem>>, vector<16xi32>,
    tpu.vector_store %arg9[%swap3A_226], %gather3A_205 {strides = array<i32>} : memref<128xi32, #tpu.memory_space<vmem>>, vector<16xi32>,
    %swap3A_228 = arith.constant 80 : index
    %swap3A_229 = tpu.vector_load %arg11[%swap3A_228] {strides = array<i32>} : memref<128xi32, #tpu.memory_space<vmem>>, vector<16xi32>,
    tpu.vector_store %arg11[%swap3A_228], %gather3A_209 {strides = array<i32>} : memref<128xi32, #tpu.memory_space<vmem>>, vector<16xi32>,
    %mul3A_230 = arith.mulf %gather3A_225, %bitcast3A_214 : vector<16xf32>
    %swap3A_231 = arith.constant 80 : index
    %swap3A_232 = tpu.vector_load %arg13[%swap3A_231] {strides = array<i32>} : memref<128xf32, #tpu.memory_space<vmem>>, vector<16xf32>,
    tpu.vector_store %arg13[%swap3A_231], %mul3A_230 {strides = array<i32>} : memref<128xf32, #tpu.memory_space<vmem>>, vector<16xf32>,
    %mul3A_233 = arith.mulf %gather3A_225, %bitcast3A_219 : vector<16xf32>
    %swap3A_234 = arith.constant 80 : index
    %swap3A_235 = tpu.vector_load %arg14[%swap3A_234] {strides = array<i32>} : memref<128xf32, #tpu.memory_space<vmem>>, vector<16xf32>,
    tpu.vector_store %arg14[%swap3A_234], %mul3A_233 {strides = array<i32>} : memref<128xf32, #tpu.memory_space<vmem>>, vector<16xf32>,
    %mul3A_236 = arith.mulf %gather3A_225, %bitcast3A_224 : vector<16xf32>
    %swap3A_237 = arith.constant 80 : index
    %swap3A_238 = tpu.vector_load %arg15[%swap3A_237] {strides = array<i32>} : memref<128xf32, #tpu.memory_space<vmem>>, vector<16xf32>,
    tpu.vector_store %arg15[%swap3A_237], %mul3A_236 {strides = array<i32>} : memref<128xf32, #tpu.memory_space<vmem>>, vector<16xf32>,
    %add3A_239 = arith.constant 96 : i32
    %add3A_240 = vector.broadcast %add3A_239 : i32 to vector<16xi32>
    %add3A_241 = arith.addi %add3A_240, %iota3A : vector<16xi32>
    %gather3A_242 = tpu.vector_load_idx %arg7[%add3A_241, %broadcast_in_dim3A_5] : memref<128x8xi32, #tpu.memory_space<vmem>>[vector<16xi32>, vector<16xi32>], vector<16xi32>,
    %add3A_243 = arith.constant 1 : i32
    %add3A_244 = vector.broadcast %add3A_243 : i32 to vector<16xi32>
    %add3A_245 = arith.addi %broadcast_in_dim3A_5, %add3A_244 : vector<16xi32>
    %gather3A_246 = tpu.vector_load_idx %arg7[%add3A_241, %add3A_245] : memref<128x8xi32, #tpu.memory_space<vmem>>[vector<16xi32>, vector<16xi32>], vector<16xi32>,
    %add3A_247 = arith.constant 2 : i32
    %add3A_248 = vector.broadcast %add3A_247 : i32 to vector<16xi32>
    %add3A_249 = arith.addi %broadcast_in_dim3A_5, %add3A_248 : vector<16xi32>
    %gather3A_250 = tpu.vector_load_idx %arg7[%add3A_241, %add3A_249] : memref<128x8xi32, #tpu.memory_space<vmem>>[vector<16xi32>, vector<16xi32>], vector<16xi32>,
    %bitcast3A_251 = vector.bitcast %gather3A_250 : vector<16xi32> to vector<16xf32>
    %add3A_252 = arith.constant 3 : i32
    %add3A_253 = vector.broadcast %add3A_252 : i32 to vector<16xi32>
    %add3A_254 = arith.addi %broadcast_in_dim3A_5, %add3A_253 : vector<16xi32>
    %gather3A_255 = tpu.vector_load_idx %arg7[%add3A_241, %add3A_254] : memref<128x8xi32, #tpu.memory_space<vmem>>[vector<16xi32>, vector<16xi32>], vector<16xi32>,
    %bitcast3A_256 = vector.bitcast %gather3A_255 : vector<16xi32> to vector<16xf32>
    %add3A_257 = arith.constant 4 : i32
    %add3A_258 = vector.broadcast %add3A_257 : i32 to vector<16xi32>
    %add3A_259 = arith.addi %broadcast_in_dim3A_5, %add3A_258 : vector<16xi32>
    %gather3A_260 = tpu.vector_load_idx %arg7[%add3A_241, %add3A_259] : memref<128x8xi32, #tpu.memory_space<vmem>>[vector<16xi32>, vector<16xi32>], vector<16xi32>,
    %bitcast3A_261 = vector.bitcast %gather3A_260 : vector<16xi32> to vector<16xf32>
    %gather3A_262 = tpu.vector_load_idx %arg6[%gather3A_246] : memref<10000xf32, #tpu.memory_space<vmem>>[vector<16xi32>], vector<16xf32>,
    %swap3A_263 = arith.constant 96 : index
    %swap3A_264 = tpu.vector_load %arg9[%swap3A_263] {strides = array<i32>} : memref<128xi32, #tpu.memory_space<vmem>>, vector<16xi32>,
    tpu.vector_store %arg9[%swap3A_263], %gather3A_242 {strides = array<i32>} : memref<128xi32, #tpu.memory_space<vmem>>, vector<16xi32>,
    %swap3A_265 = arith.constant 96 : index
    %swap3A_266 = tpu.vector_load %arg11[%swap3A_265] {strides = array<i32>} : memref<128xi32, #tpu.memory_space<vmem>>, vector<16xi32>,
    tpu.vector_store %arg11[%swap3A_265], %gather3A_246 {strides = array<i32>} : memref<128xi32, #tpu.memory_space<vmem>>, vector<16xi32>,
    %mul3A_267 = arith.mulf %gather3A_262, %bitcast3A_251 : vector<16xf32>
    %swap3A_268 = arith.constant 96 : index
    %swap3A_269 = tpu.vector_load %arg13[%swap3A_268] {strides = array<i32>} : memref<128xf32, #tpu.memory_space<vmem>>, vector<16xf32>,
    tpu.vector_store %arg13[%swap3A_268], %mul3A_267 {strides = array<i32>} : memref<128xf32, #tpu.memory_space<vmem>>, vector<16xf32>,
    %mul3A_270 = arith.mulf %gather3A_262, %bitcast3A_256 : vector<16xf32>
    %swap3A_271 = arith.constant 96 : index
    %swap3A_272 = tpu.vector_load %arg14[%swap3A_271] {strides = array<i32>} : memref<128xf32, #tpu.memory_space<vmem>>, vector<16xf32>,
    tpu.vector_store %arg14[%swap3A_271], %mul3A_270 {strides = array<i32>} : memref<128xf32, #tpu.memory_space<vmem>>, vector<16xf32>,
    %mul3A_273 = arith.mulf %gather3A_262, %bitcast3A_261 : vector<16xf32>
    %swap3A_274 = arith.constant 96 : index
    %swap3A_275 = tpu.vector_load %arg15[%swap3A_274] {strides = array<i32>} : memref<128xf32, #tpu.memory_space<vmem>>, vector<16xf32>,
    tpu.vector_store %arg15[%swap3A_274], %mul3A_273 {strides = array<i32>} : memref<128xf32, #tpu.memory_space<vmem>>, vector<16xf32>,
    %add3A_276 = arith.constant 112 : i32
    %add3A_277 = vector.broadcast %add3A_276 : i32 to vector<16xi32>
    %add3A_278 = arith.addi %add3A_277, %iota3A : vector<16xi32>
    %gather3A_279 = tpu.vector_load_idx %arg7[%add3A_278, %broadcast_in_dim3A_5] : memref<128x8xi32, #tpu.memory_space<vmem>>[vector<16xi32>, vector<16xi32>], vector<16xi32>,
    %add3A_280 = arith.constant 1 : i32
    %add3A_281 = vector.broadcast %add3A_280 : i32 to vector<16xi32>
    %add3A_282 = arith.addi %broadcast_in_dim3A_5, %add3A_281 : vector<16xi32>
    %gather3A_283 = tpu.vector_load_idx %arg7[%add3A_278, %add3A_282] : memref<128x8xi32, #tpu.memory_space<vmem>>[vector<16xi32>, vector<16xi32>], vector<16xi32>,
    %add3A_284 = arith.constant 2 : i32
    %add3A_285 = vector.broadcast %add3A_284 : i32 to vector<16xi32>
    %add3A_286 = arith.addi %broadcast_in_dim3A_5, %add3A_285 : vector<16xi32>
    %gather3A_287 = tpu.vector_load_idx %arg7[%add3A_278, %add3A_286] : memref<128x8xi32, #tpu.memory_space<vmem>>[vector<16xi32>, vector<16xi32>], vector<16xi32>,
    %bitcast3A_288 = vector.bitcast %gather3A_287 : vector<16xi32> to vector<16xf32>
    %add3A_289 = arith.constant 3 : i32
    %add3A_290 = vector.broadcast %add3A_289 : i32 to vector<16xi32>
    %add3A_291 = arith.addi %broadcast_in_dim3A_5, %add3A_290 : vector<16xi32>
    %gather3A_292 = tpu.vector_load_idx %arg7[%add3A_278, %add3A_291] : memref<128x8xi32, #tpu.memory_space<vmem>>[vector<16xi32>, vector<16xi32>], vector<16xi32>,
    %bitcast3A_293 = vector.bitcast %gather3A_292 : vector<16xi32> to vector<16xf32>
    %add3A_294 = arith.constant 4 : i32
    %add3A_295 = vector.broadcast %add3A_294 : i32 to vector<16xi32>
    %add3A_296 = arith.addi %broadcast_in_dim3A_5, %add3A_295 : vector<16xi32>
    %gather3A_297 = tpu.vector_load_idx %arg7[%add3A_278, %add3A_296] : memref<128x8xi32, #tpu.memory_space<vmem>>[vector<16xi32>, vector<16xi32>], vector<16xi32>,
    %bitcast3A_298 = vector.bitcast %gather3A_297 : vector<16xi32> to vector<16xf32>
    %gather3A_299 = tpu.vector_load_idx %arg6[%gather3A_283] : memref<10000xf32, #tpu.memory_space<vmem>>[vector<16xi32>], vector<16xf32>,
    %swap3A_300 = arith.constant 112 : index
    %swap3A_301 = tpu.vector_load %arg9[%swap3A_300] {strides = array<i32>} : memref<128xi32, #tpu.memory_space<vmem>>, vector<16xi32>,
    tpu.vector_store %arg9[%swap3A_300], %gather3A_279 {strides = array<i32>} : memref<128xi32, #tpu.memory_space<vmem>>, vector<16xi32>,
    %swap3A_302 = arith.constant 112 : index
    %swap3A_303 = tpu.vector_load %arg11[%swap3A_302] {strides = array<i32>} : memref<128xi32, #tpu.memory_space<vmem>>, vector<16xi32>,
    tpu.vector_store %arg11[%swap3A_302], %gather3A_283 {strides = array<i32>} : memref<128xi32, #tpu.memory_space<vmem>>, vector<16xi32>,
    %mul3A_304 = arith.mulf %gather3A_299, %bitcast3A_288 : vector<16xf32>
    %swap3A_305 = arith.constant 112 : index
    %swap3A_306 = tpu.vector_load %arg13[%swap3A_305] {strides = array<i32>} : memref<128xf32, #tpu.memory_space<vmem>>, vector<16xf32>,
    tpu.vector_store %arg13[%swap3A_305], %mul3A_304 {strides = array<i32>} : memref<128xf32, #tpu.memory_space<vmem>>, vector<16xf32>,
    %mul3A_307 = arith.mulf %gather3A_299, %bitcast3A_293 : vector<16xf32>
    %swap3A_308 = arith.constant 112 : index
    %swap3A_309 = tpu.vector_load %arg14[%swap3A_308] {strides = array<i32>} : memref<128xf32, #tpu.memory_space<vmem>>, vector<16xf32>,
    tpu.vector_store %arg14[%swap3A_308], %mul3A_307 {strides = array<i32>} : memref<128xf32, #tpu.memory_space<vmem>>, vector<16xf32>,
    %mul3A_310 = arith.mulf %gather3A_299, %bitcast3A_298 : vector<16xf32>
    %swap3A_311 = arith.constant 112 : index
    %swap3A_312 = tpu.vector_load %arg15[%swap3A_311] {strides = array<i32>} : memref<128xf32, #tpu.memory_space<vmem>>, vector<16xf32>,
    tpu.vector_store %arg15[%swap3A_311], %mul3A_310 {strides = array<i32>} : memref<128xf32, #tpu.memory_space<vmem>>, vector<16xf32>,
    "tpu.region"() ({
      %run_scoped3A = tpu.sem_alloc : memref<!tpu.dma_semaphore, #tpu.memory_space<semaphore_mem>>
      %dma_start3A_653 = arith.constant 0 : i32
      %dma_start3A_654 = tpu.memref_slice %arg19[%dma_start3A_653] : memref<10240xf32, #tpu.memory_space<vmem_shared>> -> memref<10240xf32, #tpu.memory_space<vmem_shared>>
      tpu.enqueue_indirect_dma source(%arg13 : memref<128xf32, #tpu.memory_space<vmem>>) target(%dma_start3A_654 : memref<10240xf32, #tpu.memory_space<vmem_shared>>) offsets(%arg11 : memref<128xi32, #tpu.memory_space<vmem>>) semaphore(%run_scoped3A : memref<!tpu.dma_semaphore, #tpu.memory_space<semaphore_mem>>) {add = true}
      %dma_wait3A_655 = arith.constant 0 : i32
      %dma_wait3A_656 = tpu.memref_slice %arg19[%dma_wait3A_655] : memref<10240xf32, #tpu.memory_space<vmem_shared>> -> memref<10240xf32, #tpu.memory_space<vmem_shared>>
      tpu.wait_indirect_dma semaphore(%run_scoped3A : memref<!tpu.dma_semaphore, #tpu.memory_space<semaphore_mem>>) src(%arg13 : memref<128xf32, #tpu.memory_space<vmem>>) dst(%dma_wait3A_656 : memref<10240xf32, #tpu.memory_space<vmem_shared>>)
      tpu.yield
    }) : () -> ()
    "tpu.region"() ({
      %run_scoped3A = tpu.sem_alloc : memref<!tpu.dma_semaphore, #tpu.memory_space<semaphore_mem>>
      %dma_start3A_653 = arith.constant 0 : i32
      %dma_start3A_654 = tpu.memref_slice %arg20[%dma_start3A_653] : memref<10240xf32, #tpu.memory_space<vmem_shared>> -> memref<10240xf32, #tpu.memory_space<vmem_shared>>
      tpu.enqueue_indirect_dma source(%arg14 : memref<128xf32, #tpu.memory_space<vmem>>) target(%dma_start3A_654 : memref<10240xf32, #tpu.memory_space<vmem_shared>>) offsets(%arg11 : memref<128xi32, #tpu.memory_space<vmem>>) semaphore(%run_scoped3A : memref<!tpu.dma_semaphore, #tpu.memory_space<semaphore_mem>>) {add = true}
      %dma_wait3A_655 = arith.constant 0 : i32
      %dma_wait3A_656 = tpu.memref_slice %arg20[%dma_wait3A_655] : memref<10240xf32, #tpu.memory_space<vmem_shared>> -> memref<10240xf32, #tpu.memory_space<vmem_shared>>
      tpu.wait_indirect_dma semaphore(%run_scoped3A : memref<!tpu.dma_semaphore, #tpu.memory_space<semaphore_mem>>) src(%arg14 : memref<128xf32, #tpu.memory_space<vmem>>) dst(%dma_wait3A_656 : memref<10240xf32, #tpu.memory_space<vmem_shared>>)
      tpu.yield
    }) : () -> ()
    "tpu.region"() ({
      %run_scoped3A = tpu.sem_alloc : memref<!tpu.dma_semaphore, #tpu.memory_space<semaphore_mem>>
      %dma_start3A_653 = arith.constant 0 : i32
      %dma_start3A_654 = tpu.memref_slice %arg21[%dma_start3A_653] : memref<10240xf32, #tpu.memory_space<vmem_shared>> -> memref<10240xf32, #tpu.memory_space<vmem_shared>>
      tpu.enqueue_indirect_dma source(%arg15 : memref<128xf32, #tpu.memory_space<vmem>>) target(%dma_start3A_654 : memref<10240xf32, #tpu.memory_space<vmem_shared>>) offsets(%arg11 : memref<128xi32, #tpu.memory_space<vmem>>) semaphore(%run_scoped3A : memref<!tpu.dma_semaphore, #tpu.memory_space<semaphore_mem>>) {add = true}
      %dma_wait3A_655 = arith.constant 0 : i32
      %dma_wait3A_656 = tpu.memref_slice %arg21[%dma_wait3A_655] : memref<10240xf32, #tpu.memory_space<vmem_shared>> -> memref<10240xf32, #tpu.memory_space<vmem_shared>>
      tpu.wait_indirect_dma semaphore(%run_scoped3A : memref<!tpu.dma_semaphore, #tpu.memory_space<semaphore_mem>>) src(%arg15 : memref<128xf32, #tpu.memory_space<vmem>>) dst(%dma_wait3A_656 : memref<10240xf32, #tpu.memory_space<vmem_shared>>)
      tpu.yield
    }) : () -> ()
    "tpu.region"() ({
      %run_scoped3A = tpu.sem_alloc : memref<!tpu.dma_semaphore, #tpu.memory_space<semaphore_mem>>
      %dma_start3A_653 = arith.constant 0 : i32
      %dma_start3A_654 = tpu.memref_slice %arg22[%dma_start3A_653] : memref<10240xf32, #tpu.memory_space<vmem_shared>> -> memref<10240xf32, #tpu.memory_space<vmem_shared>>
      tpu.enqueue_indirect_dma source(%arg13 : memref<128xf32, #tpu.memory_space<vmem>>) target(%dma_start3A_654 : memref<10240xf32, #tpu.memory_space<vmem_shared>>) offsets(%arg9 : memref<128xi32, #tpu.memory_space<vmem>>) semaphore(%run_scoped3A : memref<!tpu.dma_semaphore, #tpu.memory_space<semaphore_mem>>) {add = true}
      %dma_wait3A_655 = arith.constant 0 : i32
      %dma_wait3A_656 = tpu.memref_slice %arg22[%dma_wait3A_655] : memref<10240xf32, #tpu.memory_space<vmem_shared>> -> memref<10240xf32, #tpu.memory_space<vmem_shared>>
      tpu.wait_indirect_dma semaphore(%run_scoped3A : memref<!tpu.dma_semaphore, #tpu.memory_space<semaphore_mem>>) src(%arg13 : memref<128xf32, #tpu.memory_space<vmem>>) dst(%dma_wait3A_656 : memref<10240xf32, #tpu.memory_space<vmem_shared>>)
      tpu.yield
    }) : () -> ()
    "tpu.region"() ({
      %run_scoped3A = tpu.sem_alloc : memref<!tpu.dma_semaphore, #tpu.memory_space<semaphore_mem>>
      %dma_start3A_653 = arith.constant 0 : i32
      %dma_start3A_654 = tpu.memref_slice %arg23[%dma_start3A_653] : memref<10240xf32, #tpu.memory_space<vmem_shared>> -> memref<10240xf32, #tpu.memory_space<vmem_shared>>
      tpu.enqueue_indirect_dma source(%arg14 : memref<128xf32, #tpu.memory_space<vmem>>) target(%dma_start3A_654 : memref<10240xf32, #tpu.memory_space<vmem_shared>>) offsets(%arg9 : memref<128xi32, #tpu.memory_space<vmem>>) semaphore(%run_scoped3A : memref<!tpu.dma_semaphore, #tpu.memory_space<semaphore_mem>>) {add = true}
      %dma_wait3A_655 = arith.constant 0 : i32
      %dma_wait3A_656 = tpu.memref_slice %arg23[%dma_wait3A_655] : memref<10240xf32, #tpu.memory_space<vmem_shared>> -> memref<10240xf32, #tpu.memory_space<vmem_shared>>
      tpu.wait_indirect_dma semaphore(%run_scoped3A : memref<!tpu.dma_semaphore, #tpu.memory_space<semaphore_mem>>) src(%arg14 : memref<128xf32, #tpu.memory_space<vmem>>) dst(%dma_wait3A_656 : memref<10240xf32, #tpu.memory_space<vmem_shared>>)
      tpu.yield
    }) : () -> ()
    "tpu.region"() ({
      %run_scoped3A = tpu.sem_alloc : memref<!tpu.dma_semaphore, #tpu.memory_space<semaphore_mem>>
      %dma_start3A_653 = arith.constant 0 : i32
      %dma_start3A_654 = tpu.memref_slice %arg24[%dma_start3A_653] : memref<10240xf32, #tpu.memory_space<vmem_shared>> -> memref<10240xf32, #tpu.memory_space<vmem_shared>>
      tpu.enqueue_indirect_dma source(%arg15 : memref<128xf32, #tpu.memory_space<vmem>>) target(%dma_start3A_654 : memref<10240xf32, #tpu.memory_space<vmem_shared>>) offsets(%arg9 : memref<128xi32, #tpu.memory_space<vmem>>) semaphore(%run_scoped3A : memref<!tpu.dma_semaphore, #tpu.memory_space<semaphore_mem>>) {add = true}
      %dma_wait3A_655 = arith.constant 0 : i32
      %dma_wait3A_656 = tpu.memref_slice %arg24[%dma_wait3A_655] : memref<10240xf32, #tpu.memory_space<vmem_shared>> -> memref<10240xf32, #tpu.memory_space<vmem_shared>>
      tpu.wait_indirect_dma semaphore(%run_scoped3A : memref<!tpu.dma_semaphore, #tpu.memory_space<semaphore_mem>>) src(%arg15 : memref<128xf32, #tpu.memory_space<vmem>>) dst(%dma_wait3A_656 : memref<10240xf32, #tpu.memory_space<vmem_shared>>)
      tpu.yield
    }) : () -> ()
    %add3A_313 = arith.constant 256 : i32
    %add3A_314 = arith.addi %add3A, %add3A_313 : i32
    %dma_start3A_315 = arith.constant 0 : i32
    %dma_start3A_316 = tpu.memref_slice %arg2[%add3A_314, %dma_start3A_315] : memref<327680x8xi32, #tpu.memory_space<hbm>> -> memref<128x8xi32, #tpu.memory_space<hbm>>
    %dma_start3A_317 = arith.constant 0 : i32
    %dma_start3A_318 = tpu.memref_slice %arg2[%add3A_314, %dma_start3A_317] : memref<327680x8xi32, #tpu.memory_space<hbm>> -> memref<128x8xi32, #tpu.memory_space<hbm>>
    tpu.enqueue_dma source(%dma_start3A_318 : memref<128x8xi32, #tpu.memory_space<hbm>>) target(%arg7 : memref<128x8xi32, #tpu.memory_space<vmem>>) target_semaphore(%arg25 : memref<!tpu.dma_semaphore, #tpu.memory_space<semaphore_mem>>)
    %dma_wait3A_319 = arith.constant 0 : i32
    %dma_wait3A_320 = tpu.memref_slice %arg2[%add3A, %dma_wait3A_319] : memref<327680x8xi32, #tpu.memory_space<hbm>> -> memref<128x8xi32, #tpu.memory_space<hbm>>
    %dma_wait3A_321 = arith.constant 0 : i32
    %dma_wait3A_322 = tpu.memref_slice %arg2[%add3A, %dma_wait3A_321] : memref<327680x8xi32, #tpu.memory_space<hbm>> -> memref<128x8xi32, #tpu.memory_space<hbm>>
    tpu.wait_dma2 semaphore(%arg26 : memref<!tpu.dma_semaphore, #tpu.memory_space<semaphore_mem>>) src(%dma_wait3A_322 : memref<128x8xi32, #tpu.memory_space<hbm>>) dst(%arg8 : memref<128x8xi32, #tpu.memory_space<vmem>>)
    %add3A_323 = arith.constant 0 : i32
    %add3A_324 = vector.broadcast %add3A_323 : i32 to vector<16xi32>
    %add3A_325 = arith.addi %add3A_324, %iota3A : vector<16xi32>
    %gather3A_326 = tpu.vector_load_idx %arg8[%add3A_325, %broadcast_in_dim3A_5] : memref<128x8xi32, #tpu.memory_space<vmem>>[vector<16xi32>, vector<16xi32>], vector<16xi32>,
    %add3A_327 = arith.constant 1 : i32
    %add3A_328 = vector.broadcast %add3A_327 : i32 to vector<16xi32>
    %add3A_329 = arith.addi %broadcast_in_dim3A_5, %add3A_328 : vector<16xi32>
    %gather3A_330 = tpu.vector_load_idx %arg8[%add3A_325, %add3A_329] : memref<128x8xi32, #tpu.memory_space<vmem>>[vector<16xi32>, vector<16xi32>], vector<16xi32>,
    %add3A_331 = arith.constant 2 : i32
    %add3A_332 = vector.broadcast %add3A_331 : i32 to vector<16xi32>
    %add3A_333 = arith.addi %broadcast_in_dim3A_5, %add3A_332 : vector<16xi32>
    %gather3A_334 = tpu.vector_load_idx %arg8[%add3A_325, %add3A_333] : memref<128x8xi32, #tpu.memory_space<vmem>>[vector<16xi32>, vector<16xi32>], vector<16xi32>,
    %bitcast3A_335 = vector.bitcast %gather3A_334 : vector<16xi32> to vector<16xf32>
    %add3A_336 = arith.constant 3 : i32
    %add3A_337 = vector.broadcast %add3A_336 : i32 to vector<16xi32>
    %add3A_338 = arith.addi %broadcast_in_dim3A_5, %add3A_337 : vector<16xi32>
    %gather3A_339 = tpu.vector_load_idx %arg8[%add3A_325, %add3A_338] : memref<128x8xi32, #tpu.memory_space<vmem>>[vector<16xi32>, vector<16xi32>], vector<16xi32>,
    %bitcast3A_340 = vector.bitcast %gather3A_339 : vector<16xi32> to vector<16xf32>
    %add3A_341 = arith.constant 4 : i32
    %add3A_342 = vector.broadcast %add3A_341 : i32 to vector<16xi32>
    %add3A_343 = arith.addi %broadcast_in_dim3A_5, %add3A_342 : vector<16xi32>
    %gather3A_344 = tpu.vector_load_idx %arg8[%add3A_325, %add3A_343] : memref<128x8xi32, #tpu.memory_space<vmem>>[vector<16xi32>, vector<16xi32>], vector<16xi32>,
    %bitcast3A_345 = vector.bitcast %gather3A_344 : vector<16xi32> to vector<16xf32>
    %gather3A_346 = tpu.vector_load_idx %arg6[%gather3A_330] : memref<10000xf32, #tpu.memory_space<vmem>>[vector<16xi32>], vector<16xf32>,
    %swap3A_347 = arith.constant 0 : index
    %swap3A_348 = tpu.vector_load %arg10[%swap3A_347] {strides = array<i32>} : memref<128xi32, #tpu.memory_space<vmem>>, vector<16xi32>,
    tpu.vector_store %arg10[%swap3A_347], %gather3A_326 {strides = array<i32>} : memref<128xi32, #tpu.memory_space<vmem>>, vector<16xi32>,
    %swap3A_349 = arith.constant 0 : index
    %swap3A_350 = tpu.vector_load %arg12[%swap3A_349] {strides = array<i32>} : memref<128xi32, #tpu.memory_space<vmem>>, vector<16xi32>,
    tpu.vector_store %arg12[%swap3A_349], %gather3A_330 {strides = array<i32>} : memref<128xi32, #tpu.memory_space<vmem>>, vector<16xi32>,
    %mul3A_351 = arith.mulf %gather3A_346, %bitcast3A_335 : vector<16xf32>
    %swap3A_352 = arith.constant 0 : index
    %swap3A_353 = tpu.vector_load %arg16[%swap3A_352] {strides = array<i32>} : memref<128xf32, #tpu.memory_space<vmem>>, vector<16xf32>,
    tpu.vector_store %arg16[%swap3A_352], %mul3A_351 {strides = array<i32>} : memref<128xf32, #tpu.memory_space<vmem>>, vector<16xf32>,
    %mul3A_354 = arith.mulf %gather3A_346, %bitcast3A_340 : vector<16xf32>
    %swap3A_355 = arith.constant 0 : index
    %swap3A_356 = tpu.vector_load %arg17[%swap3A_355] {strides = array<i32>} : memref<128xf32, #tpu.memory_space<vmem>>, vector<16xf32>,
    tpu.vector_store %arg17[%swap3A_355], %mul3A_354 {strides = array<i32>} : memref<128xf32, #tpu.memory_space<vmem>>, vector<16xf32>,
    %mul3A_357 = arith.mulf %gather3A_346, %bitcast3A_345 : vector<16xf32>
    %swap3A_358 = arith.constant 0 : index
    %swap3A_359 = tpu.vector_load %arg18[%swap3A_358] {strides = array<i32>} : memref<128xf32, #tpu.memory_space<vmem>>, vector<16xf32>,
    tpu.vector_store %arg18[%swap3A_358], %mul3A_357 {strides = array<i32>} : memref<128xf32, #tpu.memory_space<vmem>>, vector<16xf32>,
    %add3A_360 = arith.constant 16 : i32
    %add3A_361 = vector.broadcast %add3A_360 : i32 to vector<16xi32>
    %add3A_362 = arith.addi %add3A_361, %iota3A : vector<16xi32>
    %gather3A_363 = tpu.vector_load_idx %arg8[%add3A_362, %broadcast_in_dim3A_5] : memref<128x8xi32, #tpu.memory_space<vmem>>[vector<16xi32>, vector<16xi32>], vector<16xi32>,
    %add3A_364 = arith.constant 1 : i32
    %add3A_365 = vector.broadcast %add3A_364 : i32 to vector<16xi32>
    %add3A_366 = arith.addi %broadcast_in_dim3A_5, %add3A_365 : vector<16xi32>
    %gather3A_367 = tpu.vector_load_idx %arg8[%add3A_362, %add3A_366] : memref<128x8xi32, #tpu.memory_space<vmem>>[vector<16xi32>, vector<16xi32>], vector<16xi32>,
    %add3A_368 = arith.constant 2 : i32
    %add3A_369 = vector.broadcast %add3A_368 : i32 to vector<16xi32>
    %add3A_370 = arith.addi %broadcast_in_dim3A_5, %add3A_369 : vector<16xi32>
    %gather3A_371 = tpu.vector_load_idx %arg8[%add3A_362, %add3A_370] : memref<128x8xi32, #tpu.memory_space<vmem>>[vector<16xi32>, vector<16xi32>], vector<16xi32>,
    %bitcast3A_372 = vector.bitcast %gather3A_371 : vector<16xi32> to vector<16xf32>
    %add3A_373 = arith.constant 3 : i32
    %add3A_374 = vector.broadcast %add3A_373 : i32 to vector<16xi32>
    %add3A_375 = arith.addi %broadcast_in_dim3A_5, %add3A_374 : vector<16xi32>
    %gather3A_376 = tpu.vector_load_idx %arg8[%add3A_362, %add3A_375] : memref<128x8xi32, #tpu.memory_space<vmem>>[vector<16xi32>, vector<16xi32>], vector<16xi32>,
    %bitcast3A_377 = vector.bitcast %gather3A_376 : vector<16xi32> to vector<16xf32>
    %add3A_378 = arith.constant 4 : i32
    %add3A_379 = vector.broadcast %add3A_378 : i32 to vector<16xi32>
    %add3A_380 = arith.addi %broadcast_in_dim3A_5, %add3A_379 : vector<16xi32>
    %gather3A_381 = tpu.vector_load_idx %arg8[%add3A_362, %add3A_380] : memref<128x8xi32, #tpu.memory_space<vmem>>[vector<16xi32>, vector<16xi32>], vector<16xi32>,
    %bitcast3A_382 = vector.bitcast %gather3A_381 : vector<16xi32> to vector<16xf32>
    %gather3A_383 = tpu.vector_load_idx %arg6[%gather3A_367] : memref<10000xf32, #tpu.memory_space<vmem>>[vector<16xi32>], vector<16xf32>,
    %swap3A_384 = arith.constant 16 : index
    %swap3A_385 = tpu.vector_load %arg10[%swap3A_384] {strides = array<i32>} : memref<128xi32, #tpu.memory_space<vmem>>, vector<16xi32>,
    tpu.vector_store %arg10[%swap3A_384], %gather3A_363 {strides = array<i32>} : memref<128xi32, #tpu.memory_space<vmem>>, vector<16xi32>,
    %swap3A_386 = arith.constant 16 : index
    %swap3A_387 = tpu.vector_load %arg12[%swap3A_386] {strides = array<i32>} : memref<128xi32, #tpu.memory_space<vmem>>, vector<16xi32>,
    tpu.vector_store %arg12[%swap3A_386], %gather3A_367 {strides = array<i32>} : memref<128xi32, #tpu.memory_space<vmem>>, vector<16xi32>,
    %mul3A_388 = arith.mulf %gather3A_383, %bitcast3A_372 : vector<16xf32>
    %swap3A_389 = arith.constant 16 : index
    %swap3A_390 = tpu.vector_load %arg16[%swap3A_389] {strides = array<i32>} : memref<128xf32, #tpu.memory_space<vmem>>, vector<16xf32>,
    tpu.vector_store %arg16[%swap3A_389], %mul3A_388 {strides = array<i32>} : memref<128xf32, #tpu.memory_space<vmem>>, vector<16xf32>,
    %mul3A_391 = arith.mulf %gather3A_383, %bitcast3A_377 : vector<16xf32>
    %swap3A_392 = arith.constant 16 : index
    %swap3A_393 = tpu.vector_load %arg17[%swap3A_392] {strides = array<i32>} : memref<128xf32, #tpu.memory_space<vmem>>, vector<16xf32>,
    tpu.vector_store %arg17[%swap3A_392], %mul3A_391 {strides = array<i32>} : memref<128xf32, #tpu.memory_space<vmem>>, vector<16xf32>,
    %mul3A_394 = arith.mulf %gather3A_383, %bitcast3A_382 : vector<16xf32>
    %swap3A_395 = arith.constant 16 : index
    %swap3A_396 = tpu.vector_load %arg18[%swap3A_395] {strides = array<i32>} : memref<128xf32, #tpu.memory_space<vmem>>, vector<16xf32>,
    tpu.vector_store %arg18[%swap3A_395], %mul3A_394 {strides = array<i32>} : memref<128xf32, #tpu.memory_space<vmem>>, vector<16xf32>,
    %add3A_397 = arith.constant 32 : i32
    %add3A_398 = vector.broadcast %add3A_397 : i32 to vector<16xi32>
    %add3A_399 = arith.addi %add3A_398, %iota3A : vector<16xi32>
    %gather3A_400 = tpu.vector_load_idx %arg8[%add3A_399, %broadcast_in_dim3A_5] : memref<128x8xi32, #tpu.memory_space<vmem>>[vector<16xi32>, vector<16xi32>], vector<16xi32>,
    %add3A_401 = arith.constant 1 : i32
    %add3A_402 = vector.broadcast %add3A_401 : i32 to vector<16xi32>
    %add3A_403 = arith.addi %broadcast_in_dim3A_5, %add3A_402 : vector<16xi32>
    %gather3A_404 = tpu.vector_load_idx %arg8[%add3A_399, %add3A_403] : memref<128x8xi32, #tpu.memory_space<vmem>>[vector<16xi32>, vector<16xi32>], vector<16xi32>,
    %add3A_405 = arith.constant 2 : i32
    %add3A_406 = vector.broadcast %add3A_405 : i32 to vector<16xi32>
    %add3A_407 = arith.addi %broadcast_in_dim3A_5, %add3A_406 : vector<16xi32>
    %gather3A_408 = tpu.vector_load_idx %arg8[%add3A_399, %add3A_407] : memref<128x8xi32, #tpu.memory_space<vmem>>[vector<16xi32>, vector<16xi32>], vector<16xi32>,
    %bitcast3A_409 = vector.bitcast %gather3A_408 : vector<16xi32> to vector<16xf32>
    %add3A_410 = arith.constant 3 : i32
    %add3A_411 = vector.broadcast %add3A_410 : i32 to vector<16xi32>
    %add3A_412 = arith.addi %broadcast_in_dim3A_5, %add3A_411 : vector<16xi32>
    %gather3A_413 = tpu.vector_load_idx %arg8[%add3A_399, %add3A_412] : memref<128x8xi32, #tpu.memory_space<vmem>>[vector<16xi32>, vector<16xi32>], vector<16xi32>,
    %bitcast3A_414 = vector.bitcast %gather3A_413 : vector<16xi32> to vector<16xf32>
    %add3A_415 = arith.constant 4 : i32
    %add3A_416 = vector.broadcast %add3A_415 : i32 to vector<16xi32>
    %add3A_417 = arith.addi %broadcast_in_dim3A_5, %add3A_416 : vector<16xi32>
    %gather3A_418 = tpu.vector_load_idx %arg8[%add3A_399, %add3A_417] : memref<128x8xi32, #tpu.memory_space<vmem>>[vector<16xi32>, vector<16xi32>], vector<16xi32>,
    %bitcast3A_419 = vector.bitcast %gather3A_418 : vector<16xi32> to vector<16xf32>
    %gather3A_420 = tpu.vector_load_idx %arg6[%gather3A_404] : memref<10000xf32, #tpu.memory_space<vmem>>[vector<16xi32>], vector<16xf32>,
    %swap3A_421 = arith.constant 32 : index
    %swap3A_422 = tpu.vector_load %arg10[%swap3A_421] {strides = array<i32>} : memref<128xi32, #tpu.memory_space<vmem>>, vector<16xi32>,
    tpu.vector_store %arg10[%swap3A_421], %gather3A_400 {strides = array<i32>} : memref<128xi32, #tpu.memory_space<vmem>>, vector<16xi32>,
    %swap3A_423 = arith.constant 32 : index
    %swap3A_424 = tpu.vector_load %arg12[%swap3A_423] {strides = array<i32>} : memref<128xi32, #tpu.memory_space<vmem>>, vector<16xi32>,
    tpu.vector_store %arg12[%swap3A_423], %gather3A_404 {strides = array<i32>} : memref<128xi32, #tpu.memory_space<vmem>>, vector<16xi32>,
    %mul3A_425 = arith.mulf %gather3A_420, %bitcast3A_409 : vector<16xf32>
    %swap3A_426 = arith.constant 32 : index
    %swap3A_427 = tpu.vector_load %arg16[%swap3A_426] {strides = array<i32>} : memref<128xf32, #tpu.memory_space<vmem>>, vector<16xf32>,
    tpu.vector_store %arg16[%swap3A_426], %mul3A_425 {strides = array<i32>} : memref<128xf32, #tpu.memory_space<vmem>>, vector<16xf32>,
    %mul3A_428 = arith.mulf %gather3A_420, %bitcast3A_414 : vector<16xf32>
    %swap3A_429 = arith.constant 32 : index
    %swap3A_430 = tpu.vector_load %arg17[%swap3A_429] {strides = array<i32>} : memref<128xf32, #tpu.memory_space<vmem>>, vector<16xf32>,
    tpu.vector_store %arg17[%swap3A_429], %mul3A_428 {strides = array<i32>} : memref<128xf32, #tpu.memory_space<vmem>>, vector<16xf32>,
    %mul3A_431 = arith.mulf %gather3A_420, %bitcast3A_419 : vector<16xf32>
    %swap3A_432 = arith.constant 32 : index
    %swap3A_433 = tpu.vector_load %arg18[%swap3A_432] {strides = array<i32>} : memref<128xf32, #tpu.memory_space<vmem>>, vector<16xf32>,
    tpu.vector_store %arg18[%swap3A_432], %mul3A_431 {strides = array<i32>} : memref<128xf32, #tpu.memory_space<vmem>>, vector<16xf32>,
    %add3A_434 = arith.constant 48 : i32
    %add3A_435 = vector.broadcast %add3A_434 : i32 to vector<16xi32>
    %add3A_436 = arith.addi %add3A_435, %iota3A : vector<16xi32>
    %gather3A_437 = tpu.vector_load_idx %arg8[%add3A_436, %broadcast_in_dim3A_5] : memref<128x8xi32, #tpu.memory_space<vmem>>[vector<16xi32>, vector<16xi32>], vector<16xi32>,
    %add3A_438 = arith.constant 1 : i32
    %add3A_439 = vector.broadcast %add3A_438 : i32 to vector<16xi32>
    %add3A_440 = arith.addi %broadcast_in_dim3A_5, %add3A_439 : vector<16xi32>
    %gather3A_441 = tpu.vector_load_idx %arg8[%add3A_436, %add3A_440] : memref<128x8xi32, #tpu.memory_space<vmem>>[vector<16xi32>, vector<16xi32>], vector<16xi32>,
    %add3A_442 = arith.constant 2 : i32
    %add3A_443 = vector.broadcast %add3A_442 : i32 to vector<16xi32>
    %add3A_444 = arith.addi %broadcast_in_dim3A_5, %add3A_443 : vector<16xi32>
    %gather3A_445 = tpu.vector_load_idx %arg8[%add3A_436, %add3A_444] : memref<128x8xi32, #tpu.memory_space<vmem>>[vector<16xi32>, vector<16xi32>], vector<16xi32>,
    %bitcast3A_446 = vector.bitcast %gather3A_445 : vector<16xi32> to vector<16xf32>
    %add3A_447 = arith.constant 3 : i32
    %add3A_448 = vector.broadcast %add3A_447 : i32 to vector<16xi32>
    %add3A_449 = arith.addi %broadcast_in_dim3A_5, %add3A_448 : vector<16xi32>
    %gather3A_450 = tpu.vector_load_idx %arg8[%add3A_436, %add3A_449] : memref<128x8xi32, #tpu.memory_space<vmem>>[vector<16xi32>, vector<16xi32>], vector<16xi32>,
    %bitcast3A_451 = vector.bitcast %gather3A_450 : vector<16xi32> to vector<16xf32>
    %add3A_452 = arith.constant 4 : i32
    %add3A_453 = vector.broadcast %add3A_452 : i32 to vector<16xi32>
    %add3A_454 = arith.addi %broadcast_in_dim3A_5, %add3A_453 : vector<16xi32>
    %gather3A_455 = tpu.vector_load_idx %arg8[%add3A_436, %add3A_454] : memref<128x8xi32, #tpu.memory_space<vmem>>[vector<16xi32>, vector<16xi32>], vector<16xi32>,
    %bitcast3A_456 = vector.bitcast %gather3A_455 : vector<16xi32> to vector<16xf32>
    %gather3A_457 = tpu.vector_load_idx %arg6[%gather3A_441] : memref<10000xf32, #tpu.memory_space<vmem>>[vector<16xi32>], vector<16xf32>,
    %swap3A_458 = arith.constant 48 : index
    %swap3A_459 = tpu.vector_load %arg10[%swap3A_458] {strides = array<i32>} : memref<128xi32, #tpu.memory_space<vmem>>, vector<16xi32>,
    tpu.vector_store %arg10[%swap3A_458], %gather3A_437 {strides = array<i32>} : memref<128xi32, #tpu.memory_space<vmem>>, vector<16xi32>,
    %swap3A_460 = arith.constant 48 : index
    %swap3A_461 = tpu.vector_load %arg12[%swap3A_460] {strides = array<i32>} : memref<128xi32, #tpu.memory_space<vmem>>, vector<16xi32>,
    tpu.vector_store %arg12[%swap3A_460], %gather3A_441 {strides = array<i32>} : memref<128xi32, #tpu.memory_space<vmem>>, vector<16xi32>,
    %mul3A_462 = arith.mulf %gather3A_457, %bitcast3A_446 : vector<16xf32>
    %swap3A_463 = arith.constant 48 : index
    %swap3A_464 = tpu.vector_load %arg16[%swap3A_463] {strides = array<i32>} : memref<128xf32, #tpu.memory_space<vmem>>, vector<16xf32>,
    tpu.vector_store %arg16[%swap3A_463], %mul3A_462 {strides = array<i32>} : memref<128xf32, #tpu.memory_space<vmem>>, vector<16xf32>,
    %mul3A_465 = arith.mulf %gather3A_457, %bitcast3A_451 : vector<16xf32>
    %swap3A_466 = arith.constant 48 : index
    %swap3A_467 = tpu.vector_load %arg17[%swap3A_466] {strides = array<i32>} : memref<128xf32, #tpu.memory_space<vmem>>, vector<16xf32>,
    tpu.vector_store %arg17[%swap3A_466], %mul3A_465 {strides = array<i32>} : memref<128xf32, #tpu.memory_space<vmem>>, vector<16xf32>,
    %mul3A_468 = arith.mulf %gather3A_457, %bitcast3A_456 : vector<16xf32>
    %swap3A_469 = arith.constant 48 : index
    %swap3A_470 = tpu.vector_load %arg18[%swap3A_469] {strides = array<i32>} : memref<128xf32, #tpu.memory_space<vmem>>, vector<16xf32>,
    tpu.vector_store %arg18[%swap3A_469], %mul3A_468 {strides = array<i32>} : memref<128xf32, #tpu.memory_space<vmem>>, vector<16xf32>,
    %add3A_471 = arith.constant 64 : i32
    %add3A_472 = vector.broadcast %add3A_471 : i32 to vector<16xi32>
    %add3A_473 = arith.addi %add3A_472, %iota3A : vector<16xi32>
    %gather3A_474 = tpu.vector_load_idx %arg8[%add3A_473, %broadcast_in_dim3A_5] : memref<128x8xi32, #tpu.memory_space<vmem>>[vector<16xi32>, vector<16xi32>], vector<16xi32>,
    %add3A_475 = arith.constant 1 : i32
    %add3A_476 = vector.broadcast %add3A_475 : i32 to vector<16xi32>
    %add3A_477 = arith.addi %broadcast_in_dim3A_5, %add3A_476 : vector<16xi32>
    %gather3A_478 = tpu.vector_load_idx %arg8[%add3A_473, %add3A_477] : memref<128x8xi32, #tpu.memory_space<vmem>>[vector<16xi32>, vector<16xi32>], vector<16xi32>,
    %add3A_479 = arith.constant 2 : i32
    %add3A_480 = vector.broadcast %add3A_479 : i32 to vector<16xi32>
    %add3A_481 = arith.addi %broadcast_in_dim3A_5, %add3A_480 : vector<16xi32>
    %gather3A_482 = tpu.vector_load_idx %arg8[%add3A_473, %add3A_481] : memref<128x8xi32, #tpu.memory_space<vmem>>[vector<16xi32>, vector<16xi32>], vector<16xi32>,
    %bitcast3A_483 = vector.bitcast %gather3A_482 : vector<16xi32> to vector<16xf32>
    %add3A_484 = arith.constant 3 : i32
    %add3A_485 = vector.broadcast %add3A_484 : i32 to vector<16xi32>
    %add3A_486 = arith.addi %broadcast_in_dim3A_5, %add3A_485 : vector<16xi32>
    %gather3A_487 = tpu.vector_load_idx %arg8[%add3A_473, %add3A_486] : memref<128x8xi32, #tpu.memory_space<vmem>>[vector<16xi32>, vector<16xi32>], vector<16xi32>,
    %bitcast3A_488 = vector.bitcast %gather3A_487 : vector<16xi32> to vector<16xf32>
    %add3A_489 = arith.constant 4 : i32
    %add3A_490 = vector.broadcast %add3A_489 : i32 to vector<16xi32>
    %add3A_491 = arith.addi %broadcast_in_dim3A_5, %add3A_490 : vector<16xi32>
    %gather3A_492 = tpu.vector_load_idx %arg8[%add3A_473, %add3A_491] : memref<128x8xi32, #tpu.memory_space<vmem>>[vector<16xi32>, vector<16xi32>], vector<16xi32>,
    %bitcast3A_493 = vector.bitcast %gather3A_492 : vector<16xi32> to vector<16xf32>
    %gather3A_494 = tpu.vector_load_idx %arg6[%gather3A_478] : memref<10000xf32, #tpu.memory_space<vmem>>[vector<16xi32>], vector<16xf32>,
    %swap3A_495 = arith.constant 64 : index
    %swap3A_496 = tpu.vector_load %arg10[%swap3A_495] {strides = array<i32>} : memref<128xi32, #tpu.memory_space<vmem>>, vector<16xi32>,
    tpu.vector_store %arg10[%swap3A_495], %gather3A_474 {strides = array<i32>} : memref<128xi32, #tpu.memory_space<vmem>>, vector<16xi32>,
    %swap3A_497 = arith.constant 64 : index
    %swap3A_498 = tpu.vector_load %arg12[%swap3A_497] {strides = array<i32>} : memref<128xi32, #tpu.memory_space<vmem>>, vector<16xi32>,
    tpu.vector_store %arg12[%swap3A_497], %gather3A_478 {strides = array<i32>} : memref<128xi32, #tpu.memory_space<vmem>>, vector<16xi32>,
    %mul3A_499 = arith.mulf %gather3A_494, %bitcast3A_483 : vector<16xf32>
    %swap3A_500 = arith.constant 64 : index
    %swap3A_501 = tpu.vector_load %arg16[%swap3A_500] {strides = array<i32>} : memref<128xf32, #tpu.memory_space<vmem>>, vector<16xf32>,
    tpu.vector_store %arg16[%swap3A_500], %mul3A_499 {strides = array<i32>} : memref<128xf32, #tpu.memory_space<vmem>>, vector<16xf32>,
    %mul3A_502 = arith.mulf %gather3A_494, %bitcast3A_488 : vector<16xf32>
    %swap3A_503 = arith.constant 64 : index
    %swap3A_504 = tpu.vector_load %arg17[%swap3A_503] {strides = array<i32>} : memref<128xf32, #tpu.memory_space<vmem>>, vector<16xf32>,
    tpu.vector_store %arg17[%swap3A_503], %mul3A_502 {strides = array<i32>} : memref<128xf32, #tpu.memory_space<vmem>>, vector<16xf32>,
    %mul3A_505 = arith.mulf %gather3A_494, %bitcast3A_493 : vector<16xf32>
    %swap3A_506 = arith.constant 64 : index
    %swap3A_507 = tpu.vector_load %arg18[%swap3A_506] {strides = array<i32>} : memref<128xf32, #tpu.memory_space<vmem>>, vector<16xf32>,
    tpu.vector_store %arg18[%swap3A_506], %mul3A_505 {strides = array<i32>} : memref<128xf32, #tpu.memory_space<vmem>>, vector<16xf32>,
    %add3A_508 = arith.constant 80 : i32
    %add3A_509 = vector.broadcast %add3A_508 : i32 to vector<16xi32>
    %add3A_510 = arith.addi %add3A_509, %iota3A : vector<16xi32>
    %gather3A_511 = tpu.vector_load_idx %arg8[%add3A_510, %broadcast_in_dim3A_5] : memref<128x8xi32, #tpu.memory_space<vmem>>[vector<16xi32>, vector<16xi32>], vector<16xi32>,
    %add3A_512 = arith.constant 1 : i32
    %add3A_513 = vector.broadcast %add3A_512 : i32 to vector<16xi32>
    %add3A_514 = arith.addi %broadcast_in_dim3A_5, %add3A_513 : vector<16xi32>
    %gather3A_515 = tpu.vector_load_idx %arg8[%add3A_510, %add3A_514] : memref<128x8xi32, #tpu.memory_space<vmem>>[vector<16xi32>, vector<16xi32>], vector<16xi32>,
    %add3A_516 = arith.constant 2 : i32
    %add3A_517 = vector.broadcast %add3A_516 : i32 to vector<16xi32>
    %add3A_518 = arith.addi %broadcast_in_dim3A_5, %add3A_517 : vector<16xi32>
    %gather3A_519 = tpu.vector_load_idx %arg8[%add3A_510, %add3A_518] : memref<128x8xi32, #tpu.memory_space<vmem>>[vector<16xi32>, vector<16xi32>], vector<16xi32>,
    %bitcast3A_520 = vector.bitcast %gather3A_519 : vector<16xi32> to vector<16xf32>
    %add3A_521 = arith.constant 3 : i32
    %add3A_522 = vector.broadcast %add3A_521 : i32 to vector<16xi32>
    %add3A_523 = arith.addi %broadcast_in_dim3A_5, %add3A_522 : vector<16xi32>
    %gather3A_524 = tpu.vector_load_idx %arg8[%add3A_510, %add3A_523] : memref<128x8xi32, #tpu.memory_space<vmem>>[vector<16xi32>, vector<16xi32>], vector<16xi32>,
    %bitcast3A_525 = vector.bitcast %gather3A_524 : vector<16xi32> to vector<16xf32>
    %add3A_526 = arith.constant 4 : i32
    %add3A_527 = vector.broadcast %add3A_526 : i32 to vector<16xi32>
    %add3A_528 = arith.addi %broadcast_in_dim3A_5, %add3A_527 : vector<16xi32>
    %gather3A_529 = tpu.vector_load_idx %arg8[%add3A_510, %add3A_528] : memref<128x8xi32, #tpu.memory_space<vmem>>[vector<16xi32>, vector<16xi32>], vector<16xi32>,
    %bitcast3A_530 = vector.bitcast %gather3A_529 : vector<16xi32> to vector<16xf32>
    %gather3A_531 = tpu.vector_load_idx %arg6[%gather3A_515] : memref<10000xf32, #tpu.memory_space<vmem>>[vector<16xi32>], vector<16xf32>,
    %swap3A_532 = arith.constant 80 : index
    %swap3A_533 = tpu.vector_load %arg10[%swap3A_532] {strides = array<i32>} : memref<128xi32, #tpu.memory_space<vmem>>, vector<16xi32>,
    tpu.vector_store %arg10[%swap3A_532], %gather3A_511 {strides = array<i32>} : memref<128xi32, #tpu.memory_space<vmem>>, vector<16xi32>,
    %swap3A_534 = arith.constant 80 : index
    %swap3A_535 = tpu.vector_load %arg12[%swap3A_534] {strides = array<i32>} : memref<128xi32, #tpu.memory_space<vmem>>, vector<16xi32>,
    tpu.vector_store %arg12[%swap3A_534], %gather3A_515 {strides = array<i32>} : memref<128xi32, #tpu.memory_space<vmem>>, vector<16xi32>,
    %mul3A_536 = arith.mulf %gather3A_531, %bitcast3A_520 : vector<16xf32>
    %swap3A_537 = arith.constant 80 : index
    %swap3A_538 = tpu.vector_load %arg16[%swap3A_537] {strides = array<i32>} : memref<128xf32, #tpu.memory_space<vmem>>, vector<16xf32>,
    tpu.vector_store %arg16[%swap3A_537], %mul3A_536 {strides = array<i32>} : memref<128xf32, #tpu.memory_space<vmem>>, vector<16xf32>,
    %mul3A_539 = arith.mulf %gather3A_531, %bitcast3A_525 : vector<16xf32>
    %swap3A_540 = arith.constant 80 : index
    %swap3A_541 = tpu.vector_load %arg17[%swap3A_540] {strides = array<i32>} : memref<128xf32, #tpu.memory_space<vmem>>, vector<16xf32>,
    tpu.vector_store %arg17[%swap3A_540], %mul3A_539 {strides = array<i32>} : memref<128xf32, #tpu.memory_space<vmem>>, vector<16xf32>,
    %mul3A_542 = arith.mulf %gather3A_531, %bitcast3A_530 : vector<16xf32>
    %swap3A_543 = arith.constant 80 : index
    %swap3A_544 = tpu.vector_load %arg18[%swap3A_543] {strides = array<i32>} : memref<128xf32, #tpu.memory_space<vmem>>, vector<16xf32>,
    tpu.vector_store %arg18[%swap3A_543], %mul3A_542 {strides = array<i32>} : memref<128xf32, #tpu.memory_space<vmem>>, vector<16xf32>,
    %add3A_545 = arith.constant 96 : i32
    %add3A_546 = vector.broadcast %add3A_545 : i32 to vector<16xi32>
    %add3A_547 = arith.addi %add3A_546, %iota3A : vector<16xi32>
    %gather3A_548 = tpu.vector_load_idx %arg8[%add3A_547, %broadcast_in_dim3A_5] : memref<128x8xi32, #tpu.memory_space<vmem>>[vector<16xi32>, vector<16xi32>], vector<16xi32>,
    %add3A_549 = arith.constant 1 : i32
    %add3A_550 = vector.broadcast %add3A_549 : i32 to vector<16xi32>
    %add3A_551 = arith.addi %broadcast_in_dim3A_5, %add3A_550 : vector<16xi32>
    %gather3A_552 = tpu.vector_load_idx %arg8[%add3A_547, %add3A_551] : memref<128x8xi32, #tpu.memory_space<vmem>>[vector<16xi32>, vector<16xi32>], vector<16xi32>,
    %add3A_553 = arith.constant 2 : i32
    %add3A_554 = vector.broadcast %add3A_553 : i32 to vector<16xi32>
    %add3A_555 = arith.addi %broadcast_in_dim3A_5, %add3A_554 : vector<16xi32>
    %gather3A_556 = tpu.vector_load_idx %arg8[%add3A_547, %add3A_555] : memref<128x8xi32, #tpu.memory_space<vmem>>[vector<16xi32>, vector<16xi32>], vector<16xi32>,
    %bitcast3A_557 = vector.bitcast %gather3A_556 : vector<16xi32> to vector<16xf32>
    %add3A_558 = arith.constant 3 : i32
    %add3A_559 = vector.broadcast %add3A_558 : i32 to vector<16xi32>
    %add3A_560 = arith.addi %broadcast_in_dim3A_5, %add3A_559 : vector<16xi32>
    %gather3A_561 = tpu.vector_load_idx %arg8[%add3A_547, %add3A_560] : memref<128x8xi32, #tpu.memory_space<vmem>>[vector<16xi32>, vector<16xi32>], vector<16xi32>,
    %bitcast3A_562 = vector.bitcast %gather3A_561 : vector<16xi32> to vector<16xf32>
    %add3A_563 = arith.constant 4 : i32
    %add3A_564 = vector.broadcast %add3A_563 : i32 to vector<16xi32>
    %add3A_565 = arith.addi %broadcast_in_dim3A_5, %add3A_564 : vector<16xi32>
    %gather3A_566 = tpu.vector_load_idx %arg8[%add3A_547, %add3A_565] : memref<128x8xi32, #tpu.memory_space<vmem>>[vector<16xi32>, vector<16xi32>], vector<16xi32>,
    %bitcast3A_567 = vector.bitcast %gather3A_566 : vector<16xi32> to vector<16xf32>
    %gather3A_568 = tpu.vector_load_idx %arg6[%gather3A_552] : memref<10000xf32, #tpu.memory_space<vmem>>[vector<16xi32>], vector<16xf32>,
    %swap3A_569 = arith.constant 96 : index
    %swap3A_570 = tpu.vector_load %arg10[%swap3A_569] {strides = array<i32>} : memref<128xi32, #tpu.memory_space<vmem>>, vector<16xi32>,
    tpu.vector_store %arg10[%swap3A_569], %gather3A_548 {strides = array<i32>} : memref<128xi32, #tpu.memory_space<vmem>>, vector<16xi32>,
    %swap3A_571 = arith.constant 96 : index
    %swap3A_572 = tpu.vector_load %arg12[%swap3A_571] {strides = array<i32>} : memref<128xi32, #tpu.memory_space<vmem>>, vector<16xi32>,
    tpu.vector_store %arg12[%swap3A_571], %gather3A_552 {strides = array<i32>} : memref<128xi32, #tpu.memory_space<vmem>>, vector<16xi32>,
    %mul3A_573 = arith.mulf %gather3A_568, %bitcast3A_557 : vector<16xf32>
    %swap3A_574 = arith.constant 96 : index
    %swap3A_575 = tpu.vector_load %arg16[%swap3A_574] {strides = array<i32>} : memref<128xf32, #tpu.memory_space<vmem>>, vector<16xf32>,
    tpu.vector_store %arg16[%swap3A_574], %mul3A_573 {strides = array<i32>} : memref<128xf32, #tpu.memory_space<vmem>>, vector<16xf32>,
    %mul3A_576 = arith.mulf %gather3A_568, %bitcast3A_562 : vector<16xf32>
    %swap3A_577 = arith.constant 96 : index
    %swap3A_578 = tpu.vector_load %arg17[%swap3A_577] {strides = array<i32>} : memref<128xf32, #tpu.memory_space<vmem>>, vector<16xf32>,
    tpu.vector_store %arg17[%swap3A_577], %mul3A_576 {strides = array<i32>} : memref<128xf32, #tpu.memory_space<vmem>>, vector<16xf32>,
    %mul3A_579 = arith.mulf %gather3A_568, %bitcast3A_567 : vector<16xf32>
    %swap3A_580 = arith.constant 96 : index
    %swap3A_581 = tpu.vector_load %arg18[%swap3A_580] {strides = array<i32>} : memref<128xf32, #tpu.memory_space<vmem>>, vector<16xf32>,
    tpu.vector_store %arg18[%swap3A_580], %mul3A_579 {strides = array<i32>} : memref<128xf32, #tpu.memory_space<vmem>>, vector<16xf32>,
    %add3A_582 = arith.constant 112 : i32
    %add3A_583 = vector.broadcast %add3A_582 : i32 to vector<16xi32>
    %add3A_584 = arith.addi %add3A_583, %iota3A : vector<16xi32>
    %gather3A_585 = tpu.vector_load_idx %arg8[%add3A_584, %broadcast_in_dim3A_5] : memref<128x8xi32, #tpu.memory_space<vmem>>[vector<16xi32>, vector<16xi32>], vector<16xi32>,
    %add3A_586 = arith.constant 1 : i32
    %add3A_587 = vector.broadcast %add3A_586 : i32 to vector<16xi32>
    %add3A_588 = arith.addi %broadcast_in_dim3A_5, %add3A_587 : vector<16xi32>
    %gather3A_589 = tpu.vector_load_idx %arg8[%add3A_584, %add3A_588] : memref<128x8xi32, #tpu.memory_space<vmem>>[vector<16xi32>, vector<16xi32>], vector<16xi32>,
    %add3A_590 = arith.constant 2 : i32
    %add3A_591 = vector.broadcast %add3A_590 : i32 to vector<16xi32>
    %add3A_592 = arith.addi %broadcast_in_dim3A_5, %add3A_591 : vector<16xi32>
    %gather3A_593 = tpu.vector_load_idx %arg8[%add3A_584, %add3A_592] : memref<128x8xi32, #tpu.memory_space<vmem>>[vector<16xi32>, vector<16xi32>], vector<16xi32>,
    %bitcast3A_594 = vector.bitcast %gather3A_593 : vector<16xi32> to vector<16xf32>
    %add3A_595 = arith.constant 3 : i32
    %add3A_596 = vector.broadcast %add3A_595 : i32 to vector<16xi32>
    %add3A_597 = arith.addi %broadcast_in_dim3A_5, %add3A_596 : vector<16xi32>
    %gather3A_598 = tpu.vector_load_idx %arg8[%add3A_584, %add3A_597] : memref<128x8xi32, #tpu.memory_space<vmem>>[vector<16xi32>, vector<16xi32>], vector<16xi32>,
    %bitcast3A_599 = vector.bitcast %gather3A_598 : vector<16xi32> to vector<16xf32>
    %add3A_600 = arith.constant 4 : i32
    %add3A_601 = vector.broadcast %add3A_600 : i32 to vector<16xi32>
    %add3A_602 = arith.addi %broadcast_in_dim3A_5, %add3A_601 : vector<16xi32>
    %gather3A_603 = tpu.vector_load_idx %arg8[%add3A_584, %add3A_602] : memref<128x8xi32, #tpu.memory_space<vmem>>[vector<16xi32>, vector<16xi32>], vector<16xi32>,
    %bitcast3A_604 = vector.bitcast %gather3A_603 : vector<16xi32> to vector<16xf32>
    %gather3A_605 = tpu.vector_load_idx %arg6[%gather3A_589] : memref<10000xf32, #tpu.memory_space<vmem>>[vector<16xi32>], vector<16xf32>,
    %swap3A_606 = arith.constant 112 : index
    %swap3A_607 = tpu.vector_load %arg10[%swap3A_606] {strides = array<i32>} : memref<128xi32, #tpu.memory_space<vmem>>, vector<16xi32>,
    tpu.vector_store %arg10[%swap3A_606], %gather3A_585 {strides = array<i32>} : memref<128xi32, #tpu.memory_space<vmem>>, vector<16xi32>,
    %swap3A_608 = arith.constant 112 : index
    %swap3A_609 = tpu.vector_load %arg12[%swap3A_608] {strides = array<i32>} : memref<128xi32, #tpu.memory_space<vmem>>, vector<16xi32>,
    tpu.vector_store %arg12[%swap3A_608], %gather3A_589 {strides = array<i32>} : memref<128xi32, #tpu.memory_space<vmem>>, vector<16xi32>,
    %mul3A_610 = arith.mulf %gather3A_605, %bitcast3A_594 : vector<16xf32>
    %swap3A_611 = arith.constant 112 : index
    %swap3A_612 = tpu.vector_load %arg16[%swap3A_611] {strides = array<i32>} : memref<128xf32, #tpu.memory_space<vmem>>, vector<16xf32>,
    tpu.vector_store %arg16[%swap3A_611], %mul3A_610 {strides = array<i32>} : memref<128xf32, #tpu.memory_space<vmem>>, vector<16xf32>,
    %mul3A_613 = arith.mulf %gather3A_605, %bitcast3A_599 : vector<16xf32>
    %swap3A_614 = arith.constant 112 : index
    %swap3A_615 = tpu.vector_load %arg17[%swap3A_614] {strides = array<i32>} : memref<128xf32, #tpu.memory_space<vmem>>, vector<16xf32>,
    tpu.vector_store %arg17[%swap3A_614], %mul3A_613 {strides = array<i32>} : memref<128xf32, #tpu.memory_space<vmem>>, vector<16xf32>,
    %mul3A_616 = arith.mulf %gather3A_605, %bitcast3A_604 : vector<16xf32>
    %swap3A_617 = arith.constant 112 : index
    %swap3A_618 = tpu.vector_load %arg18[%swap3A_617] {strides = array<i32>} : memref<128xf32, #tpu.memory_space<vmem>>, vector<16xf32>,
    tpu.vector_store %arg18[%swap3A_617], %mul3A_616 {strides = array<i32>} : memref<128xf32, #tpu.memory_space<vmem>>, vector<16xf32>,
    "tpu.region"() ({
      %run_scoped3A = tpu.sem_alloc : memref<!tpu.dma_semaphore, #tpu.memory_space<semaphore_mem>>
      %dma_start3A_653 = arith.constant 0 : i32
      %dma_start3A_654 = tpu.memref_slice %arg19[%dma_start3A_653] : memref<10240xf32, #tpu.memory_space<vmem_shared>> -> memref<10240xf32, #tpu.memory_space<vmem_shared>>
      tpu.enqueue_indirect_dma source(%arg16 : memref<128xf32, #tpu.memory_space<vmem>>) target(%dma_start3A_654 : memref<10240xf32, #tpu.memory_space<vmem_shared>>) offsets(%arg12 : memref<128xi32, #tpu.memory_space<vmem>>) semaphore(%run_scoped3A : memref<!tpu.dma_semaphore, #tpu.memory_space<semaphore_mem>>) {add = true}
      %dma_wait3A_655 = arith.constant 0 : i32
      %dma_wait3A_656 = tpu.memref_slice %arg19[%dma_wait3A_655] : memref<10240xf32, #tpu.memory_space<vmem_shared>> -> memref<10240xf32, #tpu.memory_space<vmem_shared>>
      tpu.wait_indirect_dma semaphore(%run_scoped3A : memref<!tpu.dma_semaphore, #tpu.memory_space<semaphore_mem>>) src(%arg16 : memref<128xf32, #tpu.memory_space<vmem>>) dst(%dma_wait3A_656 : memref<10240xf32, #tpu.memory_space<vmem_shared>>)
      tpu.yield
    }) : () -> ()
    "tpu.region"() ({
      %run_scoped3A = tpu.sem_alloc : memref<!tpu.dma_semaphore, #tpu.memory_space<semaphore_mem>>
      %dma_start3A_653 = arith.constant 0 : i32
      %dma_start3A_654 = tpu.memref_slice %arg20[%dma_start3A_653] : memref<10240xf32, #tpu.memory_space<vmem_shared>> -> memref<10240xf32, #tpu.memory_space<vmem_shared>>
      tpu.enqueue_indirect_dma source(%arg17 : memref<128xf32, #tpu.memory_space<vmem>>) target(%dma_start3A_654 : memref<10240xf32, #tpu.memory_space<vmem_shared>>) offsets(%arg12 : memref<128xi32, #tpu.memory_space<vmem>>) semaphore(%run_scoped3A : memref<!tpu.dma_semaphore, #tpu.memory_space<semaphore_mem>>) {add = true}
      %dma_wait3A_655 = arith.constant 0 : i32
      %dma_wait3A_656 = tpu.memref_slice %arg20[%dma_wait3A_655] : memref<10240xf32, #tpu.memory_space<vmem_shared>> -> memref<10240xf32, #tpu.memory_space<vmem_shared>>
      tpu.wait_indirect_dma semaphore(%run_scoped3A : memref<!tpu.dma_semaphore, #tpu.memory_space<semaphore_mem>>) src(%arg17 : memref<128xf32, #tpu.memory_space<vmem>>) dst(%dma_wait3A_656 : memref<10240xf32, #tpu.memory_space<vmem_shared>>)
      tpu.yield
    }) : () -> ()
    "tpu.region"() ({
      %run_scoped3A = tpu.sem_alloc : memref<!tpu.dma_semaphore, #tpu.memory_space<semaphore_mem>>
      %dma_start3A_653 = arith.constant 0 : i32
      %dma_start3A_654 = tpu.memref_slice %arg21[%dma_start3A_653] : memref<10240xf32, #tpu.memory_space<vmem_shared>> -> memref<10240xf32, #tpu.memory_space<vmem_shared>>
      tpu.enqueue_indirect_dma source(%arg18 : memref<128xf32, #tpu.memory_space<vmem>>) target(%dma_start3A_654 : memref<10240xf32, #tpu.memory_space<vmem_shared>>) offsets(%arg12 : memref<128xi32, #tpu.memory_space<vmem>>) semaphore(%run_scoped3A : memref<!tpu.dma_semaphore, #tpu.memory_space<semaphore_mem>>) {add = true}
      %dma_wait3A_655 = arith.constant 0 : i32
      %dma_wait3A_656 = tpu.memref_slice %arg21[%dma_wait3A_655] : memref<10240xf32, #tpu.memory_space<vmem_shared>> -> memref<10240xf32, #tpu.memory_space<vmem_shared>>
      tpu.wait_indirect_dma semaphore(%run_scoped3A : memref<!tpu.dma_semaphore, #tpu.memory_space<semaphore_mem>>) src(%arg18 : memref<128xf32, #tpu.memory_space<vmem>>) dst(%dma_wait3A_656 : memref<10240xf32, #tpu.memory_space<vmem_shared>>)
      tpu.yield
    }) : () -> ()
    "tpu.region"() ({
      %run_scoped3A = tpu.sem_alloc : memref<!tpu.dma_semaphore, #tpu.memory_space<semaphore_mem>>
      %dma_start3A_653 = arith.constant 0 : i32
      %dma_start3A_654 = tpu.memref_slice %arg22[%dma_start3A_653] : memref<10240xf32, #tpu.memory_space<vmem_shared>> -> memref<10240xf32, #tpu.memory_space<vmem_shared>>
      tpu.enqueue_indirect_dma source(%arg16 : memref<128xf32, #tpu.memory_space<vmem>>) target(%dma_start3A_654 : memref<10240xf32, #tpu.memory_space<vmem_shared>>) offsets(%arg10 : memref<128xi32, #tpu.memory_space<vmem>>) semaphore(%run_scoped3A : memref<!tpu.dma_semaphore, #tpu.memory_space<semaphore_mem>>) {add = true}
      %dma_wait3A_655 = arith.constant 0 : i32
      %dma_wait3A_656 = tpu.memref_slice %arg22[%dma_wait3A_655] : memref<10240xf32, #tpu.memory_space<vmem_shared>> -> memref<10240xf32, #tpu.memory_space<vmem_shared>>
      tpu.wait_indirect_dma semaphore(%run_scoped3A : memref<!tpu.dma_semaphore, #tpu.memory_space<semaphore_mem>>) src(%arg16 : memref<128xf32, #tpu.memory_space<vmem>>) dst(%dma_wait3A_656 : memref<10240xf32, #tpu.memory_space<vmem_shared>>)
      tpu.yield
    }) : () -> ()
    "tpu.region"() ({
      %run_scoped3A = tpu.sem_alloc : memref<!tpu.dma_semaphore, #tpu.memory_space<semaphore_mem>>
      %dma_start3A_653 = arith.constant 0 : i32
      %dma_start3A_654 = tpu.memref_slice %arg23[%dma_start3A_653] : memref<10240xf32, #tpu.memory_space<vmem_shared>> -> memref<10240xf32, #tpu.memory_space<vmem_shared>>
      tpu.enqueue_indirect_dma source(%arg17 : memref<128xf32, #tpu.memory_space<vmem>>) target(%dma_start3A_654 : memref<10240xf32, #tpu.memory_space<vmem_shared>>) offsets(%arg10 : memref<128xi32, #tpu.memory_space<vmem>>) semaphore(%run_scoped3A : memref<!tpu.dma_semaphore, #tpu.memory_space<semaphore_mem>>) {add = true}
      %dma_wait3A_655 = arith.constant 0 : i32
      %dma_wait3A_656 = tpu.memref_slice %arg23[%dma_wait3A_655] : memref<10240xf32, #tpu.memory_space<vmem_shared>> -> memref<10240xf32, #tpu.memory_space<vmem_shared>>
      tpu.wait_indirect_dma semaphore(%run_scoped3A : memref<!tpu.dma_semaphore, #tpu.memory_space<semaphore_mem>>) src(%arg17 : memref<128xf32, #tpu.memory_space<vmem>>) dst(%dma_wait3A_656 : memref<10240xf32, #tpu.memory_space<vmem_shared>>)
      tpu.yield
    }) : () -> ()
    "tpu.region"() ({
      %run_scoped3A = tpu.sem_alloc : memref<!tpu.dma_semaphore, #tpu.memory_space<semaphore_mem>>
      %dma_start3A_653 = arith.constant 0 : i32
      %dma_start3A_654 = tpu.memref_slice %arg24[%dma_start3A_653] : memref<10240xf32, #tpu.memory_space<vmem_shared>> -> memref<10240xf32, #tpu.memory_space<vmem_shared>>
      tpu.enqueue_indirect_dma source(%arg18 : memref<128xf32, #tpu.memory_space<vmem>>) target(%dma_start3A_654 : memref<10240xf32, #tpu.memory_space<vmem_shared>>) offsets(%arg10 : memref<128xi32, #tpu.memory_space<vmem>>) semaphore(%run_scoped3A : memref<!tpu.dma_semaphore, #tpu.memory_space<semaphore_mem>>) {add = true}
      %dma_wait3A_655 = arith.constant 0 : i32
      %dma_wait3A_656 = tpu.memref_slice %arg24[%dma_wait3A_655] : memref<10240xf32, #tpu.memory_space<vmem_shared>> -> memref<10240xf32, #tpu.memory_space<vmem_shared>>
      tpu.wait_indirect_dma semaphore(%run_scoped3A : memref<!tpu.dma_semaphore, #tpu.memory_space<semaphore_mem>>) src(%arg18 : memref<128xf32, #tpu.memory_space<vmem>>) dst(%dma_wait3A_656 : memref<10240xf32, #tpu.memory_space<vmem_shared>>)
      tpu.yield
    }) : () -> ()
    %add3A_619 = arith.constant 384 : i32
    %add3A_620 = arith.addi %add3A, %add3A_619 : i32
    %dma_start3A_621 = arith.constant 0 : i32
    %dma_start3A_622 = tpu.memref_slice %arg2[%add3A_620, %dma_start3A_621] : memref<327680x8xi32, #tpu.memory_space<hbm>> -> memref<128x8xi32, #tpu.memory_space<hbm>>
    %dma_start3A_623 = arith.constant 0 : i32
    %dma_start3A_624 = tpu.memref_slice %arg2[%add3A_620, %dma_start3A_623] : memref<327680x8xi32, #tpu.memory_space<hbm>> -> memref<128x8xi32, #tpu.memory_space<hbm>>
    tpu.enqueue_dma source(%dma_start3A_624 : memref<128x8xi32, #tpu.memory_space<hbm>>) target(%arg8 : memref<128x8xi32, #tpu.memory_space<vmem>>) target_semaphore(%arg26 : memref<!tpu.dma_semaphore, #tpu.memory_space<semaphore_mem>>)
    %scan3A = arith.constant 0 : i32
    %scan3A_625 = arith.constant 0 : i32
    %scan3A_626 = arith.constant 39 : i32
    %scan3A_627 = arith.addi %scan3A_625, %scan3A_626 : i32
    %scan3A_628 = arith.constant 1 : i32
    scf.for %scan3A_653 = %scan3A_625 to %scan3A_627 step %scan3A_628  : i32 {
      %mul3A_654 = arith.constant 2 : i32
      %mul3A_655 = arith.muli %mul3A_654, %scan3A_653 : i32
      %add3A_656 = arith.constant 2 : i32
      %add3A_657 = arith.addi %mul3A_655, %add3A_656 : i32
      %dma_wait3A_658 = arith.constant 0 : i32
      %dma_wait3A_659 = tpu.memref_slice %arg2[%add3A, %dma_wait3A_658] : memref<327680x8xi32, #tpu.memory_space<hbm>> -> memref<128x8xi32, #tpu.memory_space<hbm>>
      %dma_wait3A_660 = arith.constant 0 : i32
      %dma_wait3A_661 = tpu.memref_slice %arg2[%add3A, %dma_wait3A_660] : memref<327680x8xi32, #tpu.memory_space<hbm>> -> memref<128x8xi32, #tpu.memory_space<hbm>>
      tpu.wait_dma2 semaphore(%arg25 : memref<!tpu.dma_semaphore, #tpu.memory_space<semaphore_mem>>) src(%dma_wait3A_661 : memref<128x8xi32, #tpu.memory_space<hbm>>) dst(%arg7 : memref<128x8xi32, #tpu.memory_space<vmem>>)
      %add3A_662 = arith.constant 0 : i32
      %add3A_663 = vector.broadcast %add3A_662 : i32 to vector<16xi32>
      %add3A_664 = arith.addi %add3A_663, %iota3A : vector<16xi32>
      %gather3A_665 = tpu.vector_load_idx %arg7[%add3A_664, %broadcast_in_dim3A_5] : memref<128x8xi32, #tpu.memory_space<vmem>>[vector<16xi32>, vector<16xi32>], vector<16xi32>,
      %add3A_666 = arith.constant 1 : i32
      %add3A_667 = vector.broadcast %add3A_666 : i32 to vector<16xi32>
      %add3A_668 = arith.addi %broadcast_in_dim3A_5, %add3A_667 : vector<16xi32>
      %gather3A_669 = tpu.vector_load_idx %arg7[%add3A_664, %add3A_668] : memref<128x8xi32, #tpu.memory_space<vmem>>[vector<16xi32>, vector<16xi32>], vector<16xi32>,
      %add3A_670 = arith.constant 2 : i32
      %add3A_671 = vector.broadcast %add3A_670 : i32 to vector<16xi32>
      %add3A_672 = arith.addi %broadcast_in_dim3A_5, %add3A_671 : vector<16xi32>
      %gather3A_673 = tpu.vector_load_idx %arg7[%add3A_664, %add3A_672] : memref<128x8xi32, #tpu.memory_space<vmem>>[vector<16xi32>, vector<16xi32>], vector<16xi32>,
      %bitcast3A_674 = vector.bitcast %gather3A_673 : vector<16xi32> to vector<16xf32>
      %add3A_675 = arith.constant 3 : i32
      %add3A_676 = vector.broadcast %add3A_675 : i32 to vector<16xi32>
      %add3A_677 = arith.addi %broadcast_in_dim3A_5, %add3A_676 : vector<16xi32>
      %gather3A_678 = tpu.vector_load_idx %arg7[%add3A_664, %add3A_677] : memref<128x8xi32, #tpu.memory_space<vmem>>[vector<16xi32>, vector<16xi32>], vector<16xi32>,
      %bitcast3A_679 = vector.bitcast %gather3A_678 : vector<16xi32> to vector<16xf32>
      %add3A_680 = arith.constant 4 : i32
      %add3A_681 = vector.broadcast %add3A_680 : i32 to vector<16xi32>
      %add3A_682 = arith.addi %broadcast_in_dim3A_5, %add3A_681 : vector<16xi32>
      %gather3A_683 = tpu.vector_load_idx %arg7[%add3A_664, %add3A_682] : memref<128x8xi32, #tpu.memory_space<vmem>>[vector<16xi32>, vector<16xi32>], vector<16xi32>,
      %bitcast3A_684 = vector.bitcast %gather3A_683 : vector<16xi32> to vector<16xf32>
      %gather3A_685 = tpu.vector_load_idx %arg6[%gather3A_669] : memref<10000xf32, #tpu.memory_space<vmem>>[vector<16xi32>], vector<16xf32>,
      %swap3A_686 = arith.constant 0 : index
      %swap3A_687 = tpu.vector_load %arg9[%swap3A_686] {strides = array<i32>} : memref<128xi32, #tpu.memory_space<vmem>>, vector<16xi32>,
      tpu.vector_store %arg9[%swap3A_686], %gather3A_665 {strides = array<i32>} : memref<128xi32, #tpu.memory_space<vmem>>, vector<16xi32>,
      %swap3A_688 = arith.constant 0 : index
      %swap3A_689 = tpu.vector_load %arg11[%swap3A_688] {strides = array<i32>} : memref<128xi32, #tpu.memory_space<vmem>>, vector<16xi32>,
      tpu.vector_store %arg11[%swap3A_688], %gather3A_669 {strides = array<i32>} : memref<128xi32, #tpu.memory_space<vmem>>, vector<16xi32>,
      %mul3A_690 = arith.mulf %gather3A_685, %bitcast3A_674 : vector<16xf32>
      %swap3A_691 = arith.constant 0 : index
      %swap3A_692 = tpu.vector_load %arg13[%swap3A_691] {strides = array<i32>} : memref<128xf32, #tpu.memory_space<vmem>>, vector<16xf32>,
      tpu.vector_store %arg13[%swap3A_691], %mul3A_690 {strides = array<i32>} : memref<128xf32, #tpu.memory_space<vmem>>, vector<16xf32>,
      %mul3A_693 = arith.mulf %gather3A_685, %bitcast3A_679 : vector<16xf32>
      %swap3A_694 = arith.constant 0 : index
      %swap3A_695 = tpu.vector_load %arg14[%swap3A_694] {strides = array<i32>} : memref<128xf32, #tpu.memory_space<vmem>>, vector<16xf32>,
      tpu.vector_store %arg14[%swap3A_694], %mul3A_693 {strides = array<i32>} : memref<128xf32, #tpu.memory_space<vmem>>, vector<16xf32>,
      %mul3A_696 = arith.mulf %gather3A_685, %bitcast3A_684 : vector<16xf32>
      %swap3A_697 = arith.constant 0 : index
      %swap3A_698 = tpu.vector_load %arg15[%swap3A_697] {strides = array<i32>} : memref<128xf32, #tpu.memory_space<vmem>>, vector<16xf32>,
      tpu.vector_store %arg15[%swap3A_697], %mul3A_696 {strides = array<i32>} : memref<128xf32, #tpu.memory_space<vmem>>, vector<16xf32>,
      %add3A_699 = arith.constant 16 : i32
      %add3A_700 = vector.broadcast %add3A_699 : i32 to vector<16xi32>
      %add3A_701 = arith.addi %add3A_700, %iota3A : vector<16xi32>
      %gather3A_702 = tpu.vector_load_idx %arg7[%add3A_701, %broadcast_in_dim3A_5] : memref<128x8xi32, #tpu.memory_space<vmem>>[vector<16xi32>, vector<16xi32>], vector<16xi32>,
      %add3A_703 = arith.constant 1 : i32
      %add3A_704 = vector.broadcast %add3A_703 : i32 to vector<16xi32>
      %add3A_705 = arith.addi %broadcast_in_dim3A_5, %add3A_704 : vector<16xi32>
      %gather3A_706 = tpu.vector_load_idx %arg7[%add3A_701, %add3A_705] : memref<128x8xi32, #tpu.memory_space<vmem>>[vector<16xi32>, vector<16xi32>], vector<16xi32>,
      %add3A_707 = arith.constant 2 : i32
      %add3A_708 = vector.broadcast %add3A_707 : i32 to vector<16xi32>
      %add3A_709 = arith.addi %broadcast_in_dim3A_5, %add3A_708 : vector<16xi32>
      %gather3A_710 = tpu.vector_load_idx %arg7[%add3A_701, %add3A_709] : memref<128x8xi32, #tpu.memory_space<vmem>>[vector<16xi32>, vector<16xi32>], vector<16xi32>,
      %bitcast3A_711 = vector.bitcast %gather3A_710 : vector<16xi32> to vector<16xf32>
      %add3A_712 = arith.constant 3 : i32
      %add3A_713 = vector.broadcast %add3A_712 : i32 to vector<16xi32>
      %add3A_714 = arith.addi %broadcast_in_dim3A_5, %add3A_713 : vector<16xi32>
      %gather3A_715 = tpu.vector_load_idx %arg7[%add3A_701, %add3A_714] : memref<128x8xi32, #tpu.memory_space<vmem>>[vector<16xi32>, vector<16xi32>], vector<16xi32>,
      %bitcast3A_716 = vector.bitcast %gather3A_715 : vector<16xi32> to vector<16xf32>
      %add3A_717 = arith.constant 4 : i32
      %add3A_718 = vector.broadcast %add3A_717 : i32 to vector<16xi32>
      %add3A_719 = arith.addi %broadcast_in_dim3A_5, %add3A_718 : vector<16xi32>
      %gather3A_720 = tpu.vector_load_idx %arg7[%add3A_701, %add3A_719] : memref<128x8xi32, #tpu.memory_space<vmem>>[vector<16xi32>, vector<16xi32>], vector<16xi32>,
      %bitcast3A_721 = vector.bitcast %gather3A_720 : vector<16xi32> to vector<16xf32>
      %gather3A_722 = tpu.vector_load_idx %arg6[%gather3A_706] : memref<10000xf32, #tpu.memory_space<vmem>>[vector<16xi32>], vector<16xf32>,
      %swap3A_723 = arith.constant 16 : index
      %swap3A_724 = tpu.vector_load %arg9[%swap3A_723] {strides = array<i32>} : memref<128xi32, #tpu.memory_space<vmem>>, vector<16xi32>,
      tpu.vector_store %arg9[%swap3A_723], %gather3A_702 {strides = array<i32>} : memref<128xi32, #tpu.memory_space<vmem>>, vector<16xi32>,
      %swap3A_725 = arith.constant 16 : index
      %swap3A_726 = tpu.vector_load %arg11[%swap3A_725] {strides = array<i32>} : memref<128xi32, #tpu.memory_space<vmem>>, vector<16xi32>,
      tpu.vector_store %arg11[%swap3A_725], %gather3A_706 {strides = array<i32>} : memref<128xi32, #tpu.memory_space<vmem>>, vector<16xi32>,
      %mul3A_727 = arith.mulf %gather3A_722, %bitcast3A_711 : vector<16xf32>
      %swap3A_728 = arith.constant 16 : index
      %swap3A_729 = tpu.vector_load %arg13[%swap3A_728] {strides = array<i32>} : memref<128xf32, #tpu.memory_space<vmem>>, vector<16xf32>,
      tpu.vector_store %arg13[%swap3A_728], %mul3A_727 {strides = array<i32>} : memref<128xf32, #tpu.memory_space<vmem>>, vector<16xf32>,
      %mul3A_730 = arith.mulf %gather3A_722, %bitcast3A_716 : vector<16xf32>
      %swap3A_731 = arith.constant 16 : index
      %swap3A_732 = tpu.vector_load %arg14[%swap3A_731] {strides = array<i32>} : memref<128xf32, #tpu.memory_space<vmem>>, vector<16xf32>,
      tpu.vector_store %arg14[%swap3A_731], %mul3A_730 {strides = array<i32>} : memref<128xf32, #tpu.memory_space<vmem>>, vector<16xf32>,
      %mul3A_733 = arith.mulf %gather3A_722, %bitcast3A_721 : vector<16xf32>
      %swap3A_734 = arith.constant 16 : index
      %swap3A_735 = tpu.vector_load %arg15[%swap3A_734] {strides = array<i32>} : memref<128xf32, #tpu.memory_space<vmem>>, vector<16xf32>,
      tpu.vector_store %arg15[%swap3A_734], %mul3A_733 {strides = array<i32>} : memref<128xf32, #tpu.memory_space<vmem>>, vector<16xf32>,
      %add3A_736 = arith.constant 32 : i32
      %add3A_737 = vector.broadcast %add3A_736 : i32 to vector<16xi32>
      %add3A_738 = arith.addi %add3A_737, %iota3A : vector<16xi32>
      %gather3A_739 = tpu.vector_load_idx %arg7[%add3A_738, %broadcast_in_dim3A_5] : memref<128x8xi32, #tpu.memory_space<vmem>>[vector<16xi32>, vector<16xi32>], vector<16xi32>,
      %add3A_740 = arith.constant 1 : i32
      %add3A_741 = vector.broadcast %add3A_740 : i32 to vector<16xi32>
      %add3A_742 = arith.addi %broadcast_in_dim3A_5, %add3A_741 : vector<16xi32>
      %gather3A_743 = tpu.vector_load_idx %arg7[%add3A_738, %add3A_742] : memref<128x8xi32, #tpu.memory_space<vmem>>[vector<16xi32>, vector<16xi32>], vector<16xi32>,
      %add3A_744 = arith.constant 2 : i32
      %add3A_745 = vector.broadcast %add3A_744 : i32 to vector<16xi32>
      %add3A_746 = arith.addi %broadcast_in_dim3A_5, %add3A_745 : vector<16xi32>
      %gather3A_747 = tpu.vector_load_idx %arg7[%add3A_738, %add3A_746] : memref<128x8xi32, #tpu.memory_space<vmem>>[vector<16xi32>, vector<16xi32>], vector<16xi32>,
      %bitcast3A_748 = vector.bitcast %gather3A_747 : vector<16xi32> to vector<16xf32>
      %add3A_749 = arith.constant 3 : i32
      %add3A_750 = vector.broadcast %add3A_749 : i32 to vector<16xi32>
      %add3A_751 = arith.addi %broadcast_in_dim3A_5, %add3A_750 : vector<16xi32>
      %gather3A_752 = tpu.vector_load_idx %arg7[%add3A_738, %add3A_751] : memref<128x8xi32, #tpu.memory_space<vmem>>[vector<16xi32>, vector<16xi32>], vector<16xi32>,
      %bitcast3A_753 = vector.bitcast %gather3A_752 : vector<16xi32> to vector<16xf32>
      %add3A_754 = arith.constant 4 : i32
      %add3A_755 = vector.broadcast %add3A_754 : i32 to vector<16xi32>
      %add3A_756 = arith.addi %broadcast_in_dim3A_5, %add3A_755 : vector<16xi32>
      %gather3A_757 = tpu.vector_load_idx %arg7[%add3A_738, %add3A_756] : memref<128x8xi32, #tpu.memory_space<vmem>>[vector<16xi32>, vector<16xi32>], vector<16xi32>,
      %bitcast3A_758 = vector.bitcast %gather3A_757 : vector<16xi32> to vector<16xf32>
      %gather3A_759 = tpu.vector_load_idx %arg6[%gather3A_743] : memref<10000xf32, #tpu.memory_space<vmem>>[vector<16xi32>], vector<16xf32>,
      %swap3A_760 = arith.constant 32 : index
      %swap3A_761 = tpu.vector_load %arg9[%swap3A_760] {strides = array<i32>} : memref<128xi32, #tpu.memory_space<vmem>>, vector<16xi32>,
      tpu.vector_store %arg9[%swap3A_760], %gather3A_739 {strides = array<i32>} : memref<128xi32, #tpu.memory_space<vmem>>, vector<16xi32>,
      %swap3A_762 = arith.constant 32 : index
      %swap3A_763 = tpu.vector_load %arg11[%swap3A_762] {strides = array<i32>} : memref<128xi32, #tpu.memory_space<vmem>>, vector<16xi32>,
      tpu.vector_store %arg11[%swap3A_762], %gather3A_743 {strides = array<i32>} : memref<128xi32, #tpu.memory_space<vmem>>, vector<16xi32>,
      %mul3A_764 = arith.mulf %gather3A_759, %bitcast3A_748 : vector<16xf32>
      %swap3A_765 = arith.constant 32 : index
      %swap3A_766 = tpu.vector_load %arg13[%swap3A_765] {strides = array<i32>} : memref<128xf32, #tpu.memory_space<vmem>>, vector<16xf32>,
      tpu.vector_store %arg13[%swap3A_765], %mul3A_764 {strides = array<i32>} : memref<128xf32, #tpu.memory_space<vmem>>, vector<16xf32>,
      %mul3A_767 = arith.mulf %gather3A_759, %bitcast3A_753 : vector<16xf32>
      %swap3A_768 = arith.constant 32 : index
      %swap3A_769 = tpu.vector_load %arg14[%swap3A_768] {strides = array<i32>} : memref<128xf32, #tpu.memory_space<vmem>>, vector<16xf32>,
      tpu.vector_store %arg14[%swap3A_768], %mul3A_767 {strides = array<i32>} : memref<128xf32, #tpu.memory_space<vmem>>, vector<16xf32>,
      %mul3A_770 = arith.mulf %gather3A_759, %bitcast3A_758 : vector<16xf32>
      %swap3A_771 = arith.constant 32 : index
      %swap3A_772 = tpu.vector_load %arg15[%swap3A_771] {strides = array<i32>} : memref<128xf32, #tpu.memory_space<vmem>>, vector<16xf32>,
      tpu.vector_store %arg15[%swap3A_771], %mul3A_770 {strides = array<i32>} : memref<128xf32, #tpu.memory_space<vmem>>, vector<16xf32>,
      %add3A_773 = arith.constant 48 : i32
      %add3A_774 = vector.broadcast %add3A_773 : i32 to vector<16xi32>
      %add3A_775 = arith.addi %add3A_774, %iota3A : vector<16xi32>
      %gather3A_776 = tpu.vector_load_idx %arg7[%add3A_775, %broadcast_in_dim3A_5] : memref<128x8xi32, #tpu.memory_space<vmem>>[vector<16xi32>, vector<16xi32>], vector<16xi32>,
      %add3A_777 = arith.constant 1 : i32
      %add3A_778 = vector.broadcast %add3A_777 : i32 to vector<16xi32>
      %add3A_779 = arith.addi %broadcast_in_dim3A_5, %add3A_778 : vector<16xi32>
      %gather3A_780 = tpu.vector_load_idx %arg7[%add3A_775, %add3A_779] : memref<128x8xi32, #tpu.memory_space<vmem>>[vector<16xi32>, vector<16xi32>], vector<16xi32>,
      %add3A_781 = arith.constant 2 : i32
      %add3A_782 = vector.broadcast %add3A_781 : i32 to vector<16xi32>
      %add3A_783 = arith.addi %broadcast_in_dim3A_5, %add3A_782 : vector<16xi32>
      %gather3A_784 = tpu.vector_load_idx %arg7[%add3A_775, %add3A_783] : memref<128x8xi32, #tpu.memory_space<vmem>>[vector<16xi32>, vector<16xi32>], vector<16xi32>,
      %bitcast3A_785 = vector.bitcast %gather3A_784 : vector<16xi32> to vector<16xf32>
      %add3A_786 = arith.constant 3 : i32
      %add3A_787 = vector.broadcast %add3A_786 : i32 to vector<16xi32>
      %add3A_788 = arith.addi %broadcast_in_dim3A_5, %add3A_787 : vector<16xi32>
      %gather3A_789 = tpu.vector_load_idx %arg7[%add3A_775, %add3A_788] : memref<128x8xi32, #tpu.memory_space<vmem>>[vector<16xi32>, vector<16xi32>], vector<16xi32>,
      %bitcast3A_790 = vector.bitcast %gather3A_789 : vector<16xi32> to vector<16xf32>
      %add3A_791 = arith.constant 4 : i32
      %add3A_792 = vector.broadcast %add3A_791 : i32 to vector<16xi32>
      %add3A_793 = arith.addi %broadcast_in_dim3A_5, %add3A_792 : vector<16xi32>
      %gather3A_794 = tpu.vector_load_idx %arg7[%add3A_775, %add3A_793] : memref<128x8xi32, #tpu.memory_space<vmem>>[vector<16xi32>, vector<16xi32>], vector<16xi32>,
      %bitcast3A_795 = vector.bitcast %gather3A_794 : vector<16xi32> to vector<16xf32>
      %gather3A_796 = tpu.vector_load_idx %arg6[%gather3A_780] : memref<10000xf32, #tpu.memory_space<vmem>>[vector<16xi32>], vector<16xf32>,
      %swap3A_797 = arith.constant 48 : index
      %swap3A_798 = tpu.vector_load %arg9[%swap3A_797] {strides = array<i32>} : memref<128xi32, #tpu.memory_space<vmem>>, vector<16xi32>,
      tpu.vector_store %arg9[%swap3A_797], %gather3A_776 {strides = array<i32>} : memref<128xi32, #tpu.memory_space<vmem>>, vector<16xi32>,
      %swap3A_799 = arith.constant 48 : index
      %swap3A_800 = tpu.vector_load %arg11[%swap3A_799] {strides = array<i32>} : memref<128xi32, #tpu.memory_space<vmem>>, vector<16xi32>,
      tpu.vector_store %arg11[%swap3A_799], %gather3A_780 {strides = array<i32>} : memref<128xi32, #tpu.memory_space<vmem>>, vector<16xi32>,
      %mul3A_801 = arith.mulf %gather3A_796, %bitcast3A_785 : vector<16xf32>
      %swap3A_802 = arith.constant 48 : index
      %swap3A_803 = tpu.vector_load %arg13[%swap3A_802] {strides = array<i32>} : memref<128xf32, #tpu.memory_space<vmem>>, vector<16xf32>,
      tpu.vector_store %arg13[%swap3A_802], %mul3A_801 {strides = array<i32>} : memref<128xf32, #tpu.memory_space<vmem>>, vector<16xf32>,
      %mul3A_804 = arith.mulf %gather3A_796, %bitcast3A_790 : vector<16xf32>
      %swap3A_805 = arith.constant 48 : index
      %swap3A_806 = tpu.vector_load %arg14[%swap3A_805] {strides = array<i32>} : memref<128xf32, #tpu.memory_space<vmem>>, vector<16xf32>,
      tpu.vector_store %arg14[%swap3A_805], %mul3A_804 {strides = array<i32>} : memref<128xf32, #tpu.memory_space<vmem>>, vector<16xf32>,
      %mul3A_807 = arith.mulf %gather3A_796, %bitcast3A_795 : vector<16xf32>
      %swap3A_808 = arith.constant 48 : index
      %swap3A_809 = tpu.vector_load %arg15[%swap3A_808] {strides = array<i32>} : memref<128xf32, #tpu.memory_space<vmem>>, vector<16xf32>,
      tpu.vector_store %arg15[%swap3A_808], %mul3A_807 {strides = array<i32>} : memref<128xf32, #tpu.memory_space<vmem>>, vector<16xf32>,
      %add3A_810 = arith.constant 64 : i32
      %add3A_811 = vector.broadcast %add3A_810 : i32 to vector<16xi32>
      %add3A_812 = arith.addi %add3A_811, %iota3A : vector<16xi32>
      %gather3A_813 = tpu.vector_load_idx %arg7[%add3A_812, %broadcast_in_dim3A_5] : memref<128x8xi32, #tpu.memory_space<vmem>>[vector<16xi32>, vector<16xi32>], vector<16xi32>,
      %add3A_814 = arith.constant 1 : i32
      %add3A_815 = vector.broadcast %add3A_814 : i32 to vector<16xi32>
      %add3A_816 = arith.addi %broadcast_in_dim3A_5, %add3A_815 : vector<16xi32>
      %gather3A_817 = tpu.vector_load_idx %arg7[%add3A_812, %add3A_816] : memref<128x8xi32, #tpu.memory_space<vmem>>[vector<16xi32>, vector<16xi32>], vector<16xi32>,
      %add3A_818 = arith.constant 2 : i32
      %add3A_819 = vector.broadcast %add3A_818 : i32 to vector<16xi32>
      %add3A_820 = arith.addi %broadcast_in_dim3A_5, %add3A_819 : vector<16xi32>
      %gather3A_821 = tpu.vector_load_idx %arg7[%add3A_812, %add3A_820] : memref<128x8xi32, #tpu.memory_space<vmem>>[vector<16xi32>, vector<16xi32>], vector<16xi32>,
      %bitcast3A_822 = vector.bitcast %gather3A_821 : vector<16xi32> to vector<16xf32>
      %add3A_823 = arith.constant 3 : i32
      %add3A_824 = vector.broadcast %add3A_823 : i32 to vector<16xi32>
      %add3A_825 = arith.addi %broadcast_in_dim3A_5, %add3A_824 : vector<16xi32>
      %gather3A_826 = tpu.vector_load_idx %arg7[%add3A_812, %add3A_825] : memref<128x8xi32, #tpu.memory_space<vmem>>[vector<16xi32>, vector<16xi32>], vector<16xi32>,
      %bitcast3A_827 = vector.bitcast %gather3A_826 : vector<16xi32> to vector<16xf32>
      %add3A_828 = arith.constant 4 : i32
      %add3A_829 = vector.broadcast %add3A_828 : i32 to vector<16xi32>
      %add3A_830 = arith.addi %broadcast_in_dim3A_5, %add3A_829 : vector<16xi32>
      %gather3A_831 = tpu.vector_load_idx %arg7[%add3A_812, %add3A_830] : memref<128x8xi32, #tpu.memory_space<vmem>>[vector<16xi32>, vector<16xi32>], vector<16xi32>,
      %bitcast3A_832 = vector.bitcast %gather3A_831 : vector<16xi32> to vector<16xf32>
      %gather3A_833 = tpu.vector_load_idx %arg6[%gather3A_817] : memref<10000xf32, #tpu.memory_space<vmem>>[vector<16xi32>], vector<16xf32>,
      %swap3A_834 = arith.constant 64 : index
      %swap3A_835 = tpu.vector_load %arg9[%swap3A_834] {strides = array<i32>} : memref<128xi32, #tpu.memory_space<vmem>>, vector<16xi32>,
      tpu.vector_store %arg9[%swap3A_834], %gather3A_813 {strides = array<i32>} : memref<128xi32, #tpu.memory_space<vmem>>, vector<16xi32>,
      %swap3A_836 = arith.constant 64 : index
      %swap3A_837 = tpu.vector_load %arg11[%swap3A_836] {strides = array<i32>} : memref<128xi32, #tpu.memory_space<vmem>>, vector<16xi32>,
      tpu.vector_store %arg11[%swap3A_836], %gather3A_817 {strides = array<i32>} : memref<128xi32, #tpu.memory_space<vmem>>, vector<16xi32>,
      %mul3A_838 = arith.mulf %gather3A_833, %bitcast3A_822 : vector<16xf32>
      %swap3A_839 = arith.constant 64 : index
      %swap3A_840 = tpu.vector_load %arg13[%swap3A_839] {strides = array<i32>} : memref<128xf32, #tpu.memory_space<vmem>>, vector<16xf32>,
      tpu.vector_store %arg13[%swap3A_839], %mul3A_838 {strides = array<i32>} : memref<128xf32, #tpu.memory_space<vmem>>, vector<16xf32>,
      %mul3A_841 = arith.mulf %gather3A_833, %bitcast3A_827 : vector<16xf32>
      %swap3A_842 = arith.constant 64 : index
      %swap3A_843 = tpu.vector_load %arg14[%swap3A_842] {strides = array<i32>} : memref<128xf32, #tpu.memory_space<vmem>>, vector<16xf32>,
      tpu.vector_store %arg14[%swap3A_842], %mul3A_841 {strides = array<i32>} : memref<128xf32, #tpu.memory_space<vmem>>, vector<16xf32>,
      %mul3A_844 = arith.mulf %gather3A_833, %bitcast3A_832 : vector<16xf32>
      %swap3A_845 = arith.constant 64 : index
      %swap3A_846 = tpu.vector_load %arg15[%swap3A_845] {strides = array<i32>} : memref<128xf32, #tpu.memory_space<vmem>>, vector<16xf32>,
      tpu.vector_store %arg15[%swap3A_845], %mul3A_844 {strides = array<i32>} : memref<128xf32, #tpu.memory_space<vmem>>, vector<16xf32>,
      %add3A_847 = arith.constant 80 : i32
      %add3A_848 = vector.broadcast %add3A_847 : i32 to vector<16xi32>
      %add3A_849 = arith.addi %add3A_848, %iota3A : vector<16xi32>
      %gather3A_850 = tpu.vector_load_idx %arg7[%add3A_849, %broadcast_in_dim3A_5] : memref<128x8xi32, #tpu.memory_space<vmem>>[vector<16xi32>, vector<16xi32>], vector<16xi32>,
      %add3A_851 = arith.constant 1 : i32
      %add3A_852 = vector.broadcast %add3A_851 : i32 to vector<16xi32>
      %add3A_853 = arith.addi %broadcast_in_dim3A_5, %add3A_852 : vector<16xi32>
      %gather3A_854 = tpu.vector_load_idx %arg7[%add3A_849, %add3A_853] : memref<128x8xi32, #tpu.memory_space<vmem>>[vector<16xi32>, vector<16xi32>], vector<16xi32>,
      %add3A_855 = arith.constant 2 : i32
      %add3A_856 = vector.broadcast %add3A_855 : i32 to vector<16xi32>
      %add3A_857 = arith.addi %broadcast_in_dim3A_5, %add3A_856 : vector<16xi32>
      %gather3A_858 = tpu.vector_load_idx %arg7[%add3A_849, %add3A_857] : memref<128x8xi32, #tpu.memory_space<vmem>>[vector<16xi32>, vector<16xi32>], vector<16xi32>,
      %bitcast3A_859 = vector.bitcast %gather3A_858 : vector<16xi32> to vector<16xf32>
      %add3A_860 = arith.constant 3 : i32
      %add3A_861 = vector.broadcast %add3A_860 : i32 to vector<16xi32>
      %add3A_862 = arith.addi %broadcast_in_dim3A_5, %add3A_861 : vector<16xi32>
      %gather3A_863 = tpu.vector_load_idx %arg7[%add3A_849, %add3A_862] : memref<128x8xi32, #tpu.memory_space<vmem>>[vector<16xi32>, vector<16xi32>], vector<16xi32>,
      %bitcast3A_864 = vector.bitcast %gather3A_863 : vector<16xi32> to vector<16xf32>
      %add3A_865 = arith.constant 4 : i32
      %add3A_866 = vector.broadcast %add3A_865 : i32 to vector<16xi32>
      %add3A_867 = arith.addi %broadcast_in_dim3A_5, %add3A_866 : vector<16xi32>
      %gather3A_868 = tpu.vector_load_idx %arg7[%add3A_849, %add3A_867] : memref<128x8xi32, #tpu.memory_space<vmem>>[vector<16xi32>, vector<16xi32>], vector<16xi32>,
      %bitcast3A_869 = vector.bitcast %gather3A_868 : vector<16xi32> to vector<16xf32>
      %gather3A_870 = tpu.vector_load_idx %arg6[%gather3A_854] : memref<10000xf32, #tpu.memory_space<vmem>>[vector<16xi32>], vector<16xf32>,
      %swap3A_871 = arith.constant 80 : index
      %swap3A_872 = tpu.vector_load %arg9[%swap3A_871] {strides = array<i32>} : memref<128xi32, #tpu.memory_space<vmem>>, vector<16xi32>,
      tpu.vector_store %arg9[%swap3A_871], %gather3A_850 {strides = array<i32>} : memref<128xi32, #tpu.memory_space<vmem>>, vector<16xi32>,
      %swap3A_873 = arith.constant 80 : index
      %swap3A_874 = tpu.vector_load %arg11[%swap3A_873] {strides = array<i32>} : memref<128xi32, #tpu.memory_space<vmem>>, vector<16xi32>,
      tpu.vector_store %arg11[%swap3A_873], %gather3A_854 {strides = array<i32>} : memref<128xi32, #tpu.memory_space<vmem>>, vector<16xi32>,
      %mul3A_875 = arith.mulf %gather3A_870, %bitcast3A_859 : vector<16xf32>
      %swap3A_876 = arith.constant 80 : index
      %swap3A_877 = tpu.vector_load %arg13[%swap3A_876] {strides = array<i32>} : memref<128xf32, #tpu.memory_space<vmem>>, vector<16xf32>,
      tpu.vector_store %arg13[%swap3A_876], %mul3A_875 {strides = array<i32>} : memref<128xf32, #tpu.memory_space<vmem>>, vector<16xf32>,
      %mul3A_878 = arith.mulf %gather3A_870, %bitcast3A_864 : vector<16xf32>
      %swap3A_879 = arith.constant 80 : index
      %swap3A_880 = tpu.vector_load %arg14[%swap3A_879] {strides = array<i32>} : memref<128xf32, #tpu.memory_space<vmem>>, vector<16xf32>,
      tpu.vector_store %arg14[%swap3A_879], %mul3A_878 {strides = array<i32>} : memref<128xf32, #tpu.memory_space<vmem>>, vector<16xf32>,
      %mul3A_881 = arith.mulf %gather3A_870, %bitcast3A_869 : vector<16xf32>
      %swap3A_882 = arith.constant 80 : index
      %swap3A_883 = tpu.vector_load %arg15[%swap3A_882] {strides = array<i32>} : memref<128xf32, #tpu.memory_space<vmem>>, vector<16xf32>,
      tpu.vector_store %arg15[%swap3A_882], %mul3A_881 {strides = array<i32>} : memref<128xf32, #tpu.memory_space<vmem>>, vector<16xf32>,
      %add3A_884 = arith.constant 96 : i32
      %add3A_885 = vector.broadcast %add3A_884 : i32 to vector<16xi32>
      %add3A_886 = arith.addi %add3A_885, %iota3A : vector<16xi32>
      %gather3A_887 = tpu.vector_load_idx %arg7[%add3A_886, %broadcast_in_dim3A_5] : memref<128x8xi32, #tpu.memory_space<vmem>>[vector<16xi32>, vector<16xi32>], vector<16xi32>,
      %add3A_888 = arith.constant 1 : i32
      %add3A_889 = vector.broadcast %add3A_888 : i32 to vector<16xi32>
      %add3A_890 = arith.addi %broadcast_in_dim3A_5, %add3A_889 : vector<16xi32>
      %gather3A_891 = tpu.vector_load_idx %arg7[%add3A_886, %add3A_890] : memref<128x8xi32, #tpu.memory_space<vmem>>[vector<16xi32>, vector<16xi32>], vector<16xi32>,
      %add3A_892 = arith.constant 2 : i32
      %add3A_893 = vector.broadcast %add3A_892 : i32 to vector<16xi32>
      %add3A_894 = arith.addi %broadcast_in_dim3A_5, %add3A_893 : vector<16xi32>
      %gather3A_895 = tpu.vector_load_idx %arg7[%add3A_886, %add3A_894] : memref<128x8xi32, #tpu.memory_space<vmem>>[vector<16xi32>, vector<16xi32>], vector<16xi32>,
      %bitcast3A_896 = vector.bitcast %gather3A_895 : vector<16xi32> to vector<16xf32>
      %add3A_897 = arith.constant 3 : i32
      %add3A_898 = vector.broadcast %add3A_897 : i32 to vector<16xi32>
      %add3A_899 = arith.addi %broadcast_in_dim3A_5, %add3A_898 : vector<16xi32>
      %gather3A_900 = tpu.vector_load_idx %arg7[%add3A_886, %add3A_899] : memref<128x8xi32, #tpu.memory_space<vmem>>[vector<16xi32>, vector<16xi32>], vector<16xi32>,
      %bitcast3A_901 = vector.bitcast %gather3A_900 : vector<16xi32> to vector<16xf32>
      %add3A_902 = arith.constant 4 : i32
      %add3A_903 = vector.broadcast %add3A_902 : i32 to vector<16xi32>
      %add3A_904 = arith.addi %broadcast_in_dim3A_5, %add3A_903 : vector<16xi32>
      %gather3A_905 = tpu.vector_load_idx %arg7[%add3A_886, %add3A_904] : memref<128x8xi32, #tpu.memory_space<vmem>>[vector<16xi32>, vector<16xi32>], vector<16xi32>,
      %bitcast3A_906 = vector.bitcast %gather3A_905 : vector<16xi32> to vector<16xf32>
      %gather3A_907 = tpu.vector_load_idx %arg6[%gather3A_891] : memref<10000xf32, #tpu.memory_space<vmem>>[vector<16xi32>], vector<16xf32>,
      %swap3A_908 = arith.constant 96 : index
      %swap3A_909 = tpu.vector_load %arg9[%swap3A_908] {strides = array<i32>} : memref<128xi32, #tpu.memory_space<vmem>>, vector<16xi32>,
      tpu.vector_store %arg9[%swap3A_908], %gather3A_887 {strides = array<i32>} : memref<128xi32, #tpu.memory_space<vmem>>, vector<16xi32>,
      %swap3A_910 = arith.constant 96 : index
      %swap3A_911 = tpu.vector_load %arg11[%swap3A_910] {strides = array<i32>} : memref<128xi32, #tpu.memory_space<vmem>>, vector<16xi32>,
      tpu.vector_store %arg11[%swap3A_910], %gather3A_891 {strides = array<i32>} : memref<128xi32, #tpu.memory_space<vmem>>, vector<16xi32>,
      %mul3A_912 = arith.mulf %gather3A_907, %bitcast3A_896 : vector<16xf32>
      %swap3A_913 = arith.constant 96 : index
      %swap3A_914 = tpu.vector_load %arg13[%swap3A_913] {strides = array<i32>} : memref<128xf32, #tpu.memory_space<vmem>>, vector<16xf32>,
      tpu.vector_store %arg13[%swap3A_913], %mul3A_912 {strides = array<i32>} : memref<128xf32, #tpu.memory_space<vmem>>, vector<16xf32>,
      %mul3A_915 = arith.mulf %gather3A_907, %bitcast3A_901 : vector<16xf32>
      %swap3A_916 = arith.constant 96 : index
      %swap3A_917 = tpu.vector_load %arg14[%swap3A_916] {strides = array<i32>} : memref<128xf32, #tpu.memory_space<vmem>>, vector<16xf32>,
      tpu.vector_store %arg14[%swap3A_916], %mul3A_915 {strides = array<i32>} : memref<128xf32, #tpu.memory_space<vmem>>, vector<16xf32>,
      %mul3A_918 = arith.mulf %gather3A_907, %bitcast3A_906 : vector<16xf32>
      %swap3A_919 = arith.constant 96 : index
      %swap3A_920 = tpu.vector_load %arg15[%swap3A_919] {strides = array<i32>} : memref<128xf32, #tpu.memory_space<vmem>>, vector<16xf32>,
      tpu.vector_store %arg15[%swap3A_919], %mul3A_918 {strides = array<i32>} : memref<128xf32, #tpu.memory_space<vmem>>, vector<16xf32>,
      %add3A_921 = arith.constant 112 : i32
      %add3A_922 = vector.broadcast %add3A_921 : i32 to vector<16xi32>
      %add3A_923 = arith.addi %add3A_922, %iota3A : vector<16xi32>
      %gather3A_924 = tpu.vector_load_idx %arg7[%add3A_923, %broadcast_in_dim3A_5] : memref<128x8xi32, #tpu.memory_space<vmem>>[vector<16xi32>, vector<16xi32>], vector<16xi32>,
      %add3A_925 = arith.constant 1 : i32
      %add3A_926 = vector.broadcast %add3A_925 : i32 to vector<16xi32>
      %add3A_927 = arith.addi %broadcast_in_dim3A_5, %add3A_926 : vector<16xi32>
      %gather3A_928 = tpu.vector_load_idx %arg7[%add3A_923, %add3A_927] : memref<128x8xi32, #tpu.memory_space<vmem>>[vector<16xi32>, vector<16xi32>], vector<16xi32>,
      %add3A_929 = arith.constant 2 : i32
      %add3A_930 = vector.broadcast %add3A_929 : i32 to vector<16xi32>
      %add3A_931 = arith.addi %broadcast_in_dim3A_5, %add3A_930 : vector<16xi32>
      %gather3A_932 = tpu.vector_load_idx %arg7[%add3A_923, %add3A_931] : memref<128x8xi32, #tpu.memory_space<vmem>>[vector<16xi32>, vector<16xi32>], vector<16xi32>,
      %bitcast3A_933 = vector.bitcast %gather3A_932 : vector<16xi32> to vector<16xf32>
      %add3A_934 = arith.constant 3 : i32
      %add3A_935 = vector.broadcast %add3A_934 : i32 to vector<16xi32>
      %add3A_936 = arith.addi %broadcast_in_dim3A_5, %add3A_935 : vector<16xi32>
      %gather3A_937 = tpu.vector_load_idx %arg7[%add3A_923, %add3A_936] : memref<128x8xi32, #tpu.memory_space<vmem>>[vector<16xi32>, vector<16xi32>], vector<16xi32>,
      %bitcast3A_938 = vector.bitcast %gather3A_937 : vector<16xi32> to vector<16xf32>
      %add3A_939 = arith.constant 4 : i32
      %add3A_940 = vector.broadcast %add3A_939 : i32 to vector<16xi32>
      %add3A_941 = arith.addi %broadcast_in_dim3A_5, %add3A_940 : vector<16xi32>
      %gather3A_942 = tpu.vector_load_idx %arg7[%add3A_923, %add3A_941] : memref<128x8xi32, #tpu.memory_space<vmem>>[vector<16xi32>, vector<16xi32>], vector<16xi32>,
      %bitcast3A_943 = vector.bitcast %gather3A_942 : vector<16xi32> to vector<16xf32>
      %gather3A_944 = tpu.vector_load_idx %arg6[%gather3A_928] : memref<10000xf32, #tpu.memory_space<vmem>>[vector<16xi32>], vector<16xf32>,
      %swap3A_945 = arith.constant 112 : index
      %swap3A_946 = tpu.vector_load %arg9[%swap3A_945] {strides = array<i32>} : memref<128xi32, #tpu.memory_space<vmem>>, vector<16xi32>,
      tpu.vector_store %arg9[%swap3A_945], %gather3A_924 {strides = array<i32>} : memref<128xi32, #tpu.memory_space<vmem>>, vector<16xi32>,
      %swap3A_947 = arith.constant 112 : index
      %swap3A_948 = tpu.vector_load %arg11[%swap3A_947] {strides = array<i32>} : memref<128xi32, #tpu.memory_space<vmem>>, vector<16xi32>,
      tpu.vector_store %arg11[%swap3A_947], %gather3A_928 {strides = array<i32>} : memref<128xi32, #tpu.memory_space<vmem>>, vector<16xi32>,
      %mul3A_949 = arith.mulf %gather3A_944, %bitcast3A_933 : vector<16xf32>
      %swap3A_950 = arith.constant 112 : index
      %swap3A_951 = tpu.vector_load %arg13[%swap3A_950] {strides = array<i32>} : memref<128xf32, #tpu.memory_space<vmem>>, vector<16xf32>,
      tpu.vector_store %arg13[%swap3A_950], %mul3A_949 {strides = array<i32>} : memref<128xf32, #tpu.memory_space<vmem>>, vector<16xf32>,
      %mul3A_952 = arith.mulf %gather3A_944, %bitcast3A_938 : vector<16xf32>
      %swap3A_953 = arith.constant 112 : index
      %swap3A_954 = tpu.vector_load %arg14[%swap3A_953] {strides = array<i32>} : memref<128xf32, #tpu.memory_space<vmem>>, vector<16xf32>,
      tpu.vector_store %arg14[%swap3A_953], %mul3A_952 {strides = array<i32>} : memref<128xf32, #tpu.memory_space<vmem>>, vector<16xf32>,
      %mul3A_955 = arith.mulf %gather3A_944, %bitcast3A_943 : vector<16xf32>
      %swap3A_956 = arith.constant 112 : index
      %swap3A_957 = tpu.vector_load %arg15[%swap3A_956] {strides = array<i32>} : memref<128xf32, #tpu.memory_space<vmem>>, vector<16xf32>,
      tpu.vector_store %arg15[%swap3A_956], %mul3A_955 {strides = array<i32>} : memref<128xf32, #tpu.memory_space<vmem>>, vector<16xf32>,
      "tpu.region"() ({
        %run_scoped3A = tpu.sem_alloc : memref<!tpu.dma_semaphore, #tpu.memory_space<semaphore_mem>>
        %dma_start3A_1273 = arith.constant 0 : i32
        %dma_start3A_1274 = tpu.memref_slice %arg19[%dma_start3A_1273] : memref<10240xf32, #tpu.memory_space<vmem_shared>> -> memref<10240xf32, #tpu.memory_space<vmem_shared>>
        tpu.enqueue_indirect_dma source(%arg13 : memref<128xf32, #tpu.memory_space<vmem>>) target(%dma_start3A_1274 : memref<10240xf32, #tpu.memory_space<vmem_shared>>) offsets(%arg11 : memref<128xi32, #tpu.memory_space<vmem>>) semaphore(%run_scoped3A : memref<!tpu.dma_semaphore, #tpu.memory_space<semaphore_mem>>) {add = true}
        %dma_wait3A_1275 = arith.constant 0 : i32
        %dma_wait3A_1276 = tpu.memref_slice %arg19[%dma_wait3A_1275] : memref<10240xf32, #tpu.memory_space<vmem_shared>> -> memref<10240xf32, #tpu.memory_space<vmem_shared>>
        tpu.wait_indirect_dma semaphore(%run_scoped3A : memref<!tpu.dma_semaphore, #tpu.memory_space<semaphore_mem>>) src(%arg13 : memref<128xf32, #tpu.memory_space<vmem>>) dst(%dma_wait3A_1276 : memref<10240xf32, #tpu.memory_space<vmem_shared>>)
        tpu.yield
      }) : () -> ()
      "tpu.region"() ({
        %run_scoped3A = tpu.sem_alloc : memref<!tpu.dma_semaphore, #tpu.memory_space<semaphore_mem>>
        %dma_start3A_1273 = arith.constant 0 : i32
        %dma_start3A_1274 = tpu.memref_slice %arg20[%dma_start3A_1273] : memref<10240xf32, #tpu.memory_space<vmem_shared>> -> memref<10240xf32, #tpu.memory_space<vmem_shared>>
        tpu.enqueue_indirect_dma source(%arg14 : memref<128xf32, #tpu.memory_space<vmem>>) target(%dma_start3A_1274 : memref<10240xf32, #tpu.memory_space<vmem_shared>>) offsets(%arg11 : memref<128xi32, #tpu.memory_space<vmem>>) semaphore(%run_scoped3A : memref<!tpu.dma_semaphore, #tpu.memory_space<semaphore_mem>>) {add = true}
        %dma_wait3A_1275 = arith.constant 0 : i32
        %dma_wait3A_1276 = tpu.memref_slice %arg20[%dma_wait3A_1275] : memref<10240xf32, #tpu.memory_space<vmem_shared>> -> memref<10240xf32, #tpu.memory_space<vmem_shared>>
        tpu.wait_indirect_dma semaphore(%run_scoped3A : memref<!tpu.dma_semaphore, #tpu.memory_space<semaphore_mem>>) src(%arg14 : memref<128xf32, #tpu.memory_space<vmem>>) dst(%dma_wait3A_1276 : memref<10240xf32, #tpu.memory_space<vmem_shared>>)
        tpu.yield
      }) : () -> ()
      "tpu.region"() ({
        %run_scoped3A = tpu.sem_alloc : memref<!tpu.dma_semaphore, #tpu.memory_space<semaphore_mem>>
        %dma_start3A_1273 = arith.constant 0 : i32
        %dma_start3A_1274 = tpu.memref_slice %arg21[%dma_start3A_1273] : memref<10240xf32, #tpu.memory_space<vmem_shared>> -> memref<10240xf32, #tpu.memory_space<vmem_shared>>
        tpu.enqueue_indirect_dma source(%arg15 : memref<128xf32, #tpu.memory_space<vmem>>) target(%dma_start3A_1274 : memref<10240xf32, #tpu.memory_space<vmem_shared>>) offsets(%arg11 : memref<128xi32, #tpu.memory_space<vmem>>) semaphore(%run_scoped3A : memref<!tpu.dma_semaphore, #tpu.memory_space<semaphore_mem>>) {add = true}
        %dma_wait3A_1275 = arith.constant 0 : i32
        %dma_wait3A_1276 = tpu.memref_slice %arg21[%dma_wait3A_1275] : memref<10240xf32, #tpu.memory_space<vmem_shared>> -> memref<10240xf32, #tpu.memory_space<vmem_shared>>
        tpu.wait_indirect_dma semaphore(%run_scoped3A : memref<!tpu.dma_semaphore, #tpu.memory_space<semaphore_mem>>) src(%arg15 : memref<128xf32, #tpu.memory_space<vmem>>) dst(%dma_wait3A_1276 : memref<10240xf32, #tpu.memory_space<vmem_shared>>)
        tpu.yield
      }) : () -> ()
      "tpu.region"() ({
        %run_scoped3A = tpu.sem_alloc : memref<!tpu.dma_semaphore, #tpu.memory_space<semaphore_mem>>
        %dma_start3A_1273 = arith.constant 0 : i32
        %dma_start3A_1274 = tpu.memref_slice %arg22[%dma_start3A_1273] : memref<10240xf32, #tpu.memory_space<vmem_shared>> -> memref<10240xf32, #tpu.memory_space<vmem_shared>>
        tpu.enqueue_indirect_dma source(%arg13 : memref<128xf32, #tpu.memory_space<vmem>>) target(%dma_start3A_1274 : memref<10240xf32, #tpu.memory_space<vmem_shared>>) offsets(%arg9 : memref<128xi32, #tpu.memory_space<vmem>>) semaphore(%run_scoped3A : memref<!tpu.dma_semaphore, #tpu.memory_space<semaphore_mem>>) {add = true}
        %dma_wait3A_1275 = arith.constant 0 : i32
        %dma_wait3A_1276 = tpu.memref_slice %arg22[%dma_wait3A_1275] : memref<10240xf32, #tpu.memory_space<vmem_shared>> -> memref<10240xf32, #tpu.memory_space<vmem_shared>>
        tpu.wait_indirect_dma semaphore(%run_scoped3A : memref<!tpu.dma_semaphore, #tpu.memory_space<semaphore_mem>>) src(%arg13 : memref<128xf32, #tpu.memory_space<vmem>>) dst(%dma_wait3A_1276 : memref<10240xf32, #tpu.memory_space<vmem_shared>>)
        tpu.yield
      }) : () -> ()
      "tpu.region"() ({
        %run_scoped3A = tpu.sem_alloc : memref<!tpu.dma_semaphore, #tpu.memory_space<semaphore_mem>>
        %dma_start3A_1273 = arith.constant 0 : i32
        %dma_start3A_1274 = tpu.memref_slice %arg23[%dma_start3A_1273] : memref<10240xf32, #tpu.memory_space<vmem_shared>> -> memref<10240xf32, #tpu.memory_space<vmem_shared>>
        tpu.enqueue_indirect_dma source(%arg14 : memref<128xf32, #tpu.memory_space<vmem>>) target(%dma_start3A_1274 : memref<10240xf32, #tpu.memory_space<vmem_shared>>) offsets(%arg9 : memref<128xi32, #tpu.memory_space<vmem>>) semaphore(%run_scoped3A : memref<!tpu.dma_semaphore, #tpu.memory_space<semaphore_mem>>) {add = true}
        %dma_wait3A_1275 = arith.constant 0 : i32
        %dma_wait3A_1276 = tpu.memref_slice %arg23[%dma_wait3A_1275] : memref<10240xf32, #tpu.memory_space<vmem_shared>> -> memref<10240xf32, #tpu.memory_space<vmem_shared>>
        tpu.wait_indirect_dma semaphore(%run_scoped3A : memref<!tpu.dma_semaphore, #tpu.memory_space<semaphore_mem>>) src(%arg14 : memref<128xf32, #tpu.memory_space<vmem>>) dst(%dma_wait3A_1276 : memref<10240xf32, #tpu.memory_space<vmem_shared>>)
        tpu.yield
      }) : () -> ()
      "tpu.region"() ({
        %run_scoped3A = tpu.sem_alloc : memref<!tpu.dma_semaphore, #tpu.memory_space<semaphore_mem>>
        %dma_start3A_1273 = arith.constant 0 : i32
        %dma_start3A_1274 = tpu.memref_slice %arg24[%dma_start3A_1273] : memref<10240xf32, #tpu.memory_space<vmem_shared>> -> memref<10240xf32, #tpu.memory_space<vmem_shared>>
        tpu.enqueue_indirect_dma source(%arg15 : memref<128xf32, #tpu.memory_space<vmem>>) target(%dma_start3A_1274 : memref<10240xf32, #tpu.memory_space<vmem_shared>>) offsets(%arg9 : memref<128xi32, #tpu.memory_space<vmem>>) semaphore(%run_scoped3A : memref<!tpu.dma_semaphore, #tpu.memory_space<semaphore_mem>>) {add = true}
        %dma_wait3A_1275 = arith.constant 0 : i32
        %dma_wait3A_1276 = tpu.memref_slice %arg24[%dma_wait3A_1275] : memref<10240xf32, #tpu.memory_space<vmem_shared>> -> memref<10240xf32, #tpu.memory_space<vmem_shared>>
        tpu.wait_indirect_dma semaphore(%run_scoped3A : memref<!tpu.dma_semaphore, #tpu.memory_space<semaphore_mem>>) src(%arg15 : memref<128xf32, #tpu.memory_space<vmem>>) dst(%dma_wait3A_1276 : memref<10240xf32, #tpu.memory_space<vmem_shared>>)
        tpu.yield
      }) : () -> ()
      %add3A_958 = arith.constant 2 : i32
      %add3A_959 = arith.addi %add3A_657, %add3A_958 : i32
      %lt3A = arith.constant 80 : i32
      %lt3A_960 = arith.cmpi slt, %add3A_959, %lt3A : i32
      %convert_element_type3A = arith.extui %lt3A_960 : i1 to i32
      %cond3A = arith.constant 0 : i32
      %cond3A_961 = arith.cmpi ne, %convert_element_type3A, %cond3A : i32
      scf.if %cond3A_961 {
        %add3A_1273 = arith.constant 2 : i32
        %add3A_1274 = arith.addi %add3A_657, %add3A_1273 : i32
        %mul3A_1275 = arith.constant 128 : i32
        %mul3A_1276 = arith.muli %add3A_1274, %mul3A_1275 : i32
        %add3A_1277 = arith.addi %add3A, %mul3A_1276 : i32
        %dma_start3A_1278 = arith.constant 0 : i32
        %dma_start3A_1279 = tpu.memref_slice %arg2[%add3A_1277, %dma_start3A_1278] : memref<327680x8xi32, #tpu.memory_space<hbm>> -> memref<128x8xi32, #tpu.memory_space<hbm>>
        %dma_start3A_1280 = arith.constant 0 : i32
        %dma_start3A_1281 = tpu.memref_slice %arg2[%add3A_1277, %dma_start3A_1280] : memref<327680x8xi32, #tpu.memory_space<hbm>> -> memref<128x8xi32, #tpu.memory_space<hbm>>
        tpu.enqueue_dma source(%dma_start3A_1281 : memref<128x8xi32, #tpu.memory_space<hbm>>) target(%arg7 : memref<128x8xi32, #tpu.memory_space<vmem>>) target_semaphore(%arg25 : memref<!tpu.dma_semaphore, #tpu.memory_space<semaphore_mem>>)
      } else {
      }
      %mul3A_962 = arith.constant 2 : i32
      %mul3A_963 = arith.muli %mul3A_962, %scan3A_653 : i32
      %add3A_964 = arith.constant 3 : i32
      %add3A_965 = arith.addi %mul3A_963, %add3A_964 : i32
      %dma_wait3A_966 = arith.constant 0 : i32
      %dma_wait3A_967 = tpu.memref_slice %arg2[%add3A, %dma_wait3A_966] : memref<327680x8xi32, #tpu.memory_space<hbm>> -> memref<128x8xi32, #tpu.memory_space<hbm>>
      %dma_wait3A_968 = arith.constant 0 : i32
      %dma_wait3A_969 = tpu.memref_slice %arg2[%add3A, %dma_wait3A_968] : memref<327680x8xi32, #tpu.memory_space<hbm>> -> memref<128x8xi32, #tpu.memory_space<hbm>>
      tpu.wait_dma2 semaphore(%arg26 : memref<!tpu.dma_semaphore, #tpu.memory_space<semaphore_mem>>) src(%dma_wait3A_969 : memref<128x8xi32, #tpu.memory_space<hbm>>) dst(%arg8 : memref<128x8xi32, #tpu.memory_space<vmem>>)
      %add3A_970 = arith.constant 0 : i32
      %add3A_971 = vector.broadcast %add3A_970 : i32 to vector<16xi32>
      %add3A_972 = arith.addi %add3A_971, %iota3A : vector<16xi32>
      %gather3A_973 = tpu.vector_load_idx %arg8[%add3A_972, %broadcast_in_dim3A_5] : memref<128x8xi32, #tpu.memory_space<vmem>>[vector<16xi32>, vector<16xi32>], vector<16xi32>,
      %add3A_974 = arith.constant 1 : i32
      %add3A_975 = vector.broadcast %add3A_974 : i32 to vector<16xi32>
      %add3A_976 = arith.addi %broadcast_in_dim3A_5, %add3A_975 : vector<16xi32>
      %gather3A_977 = tpu.vector_load_idx %arg8[%add3A_972, %add3A_976] : memref<128x8xi32, #tpu.memory_space<vmem>>[vector<16xi32>, vector<16xi32>], vector<16xi32>,
      %add3A_978 = arith.constant 2 : i32
      %add3A_979 = vector.broadcast %add3A_978 : i32 to vector<16xi32>
      %add3A_980 = arith.addi %broadcast_in_dim3A_5, %add3A_979 : vector<16xi32>
      %gather3A_981 = tpu.vector_load_idx %arg8[%add3A_972, %add3A_980] : memref<128x8xi32, #tpu.memory_space<vmem>>[vector<16xi32>, vector<16xi32>], vector<16xi32>,
      %bitcast3A_982 = vector.bitcast %gather3A_981 : vector<16xi32> to vector<16xf32>
      %add3A_983 = arith.constant 3 : i32
      %add3A_984 = vector.broadcast %add3A_983 : i32 to vector<16xi32>
      %add3A_985 = arith.addi %broadcast_in_dim3A_5, %add3A_984 : vector<16xi32>
      %gather3A_986 = tpu.vector_load_idx %arg8[%add3A_972, %add3A_985] : memref<128x8xi32, #tpu.memory_space<vmem>>[vector<16xi32>, vector<16xi32>], vector<16xi32>,
      %bitcast3A_987 = vector.bitcast %gather3A_986 : vector<16xi32> to vector<16xf32>
      %add3A_988 = arith.constant 4 : i32
      %add3A_989 = vector.broadcast %add3A_988 : i32 to vector<16xi32>
      %add3A_990 = arith.addi %broadcast_in_dim3A_5, %add3A_989 : vector<16xi32>
      %gather3A_991 = tpu.vector_load_idx %arg8[%add3A_972, %add3A_990] : memref<128x8xi32, #tpu.memory_space<vmem>>[vector<16xi32>, vector<16xi32>], vector<16xi32>,
      %bitcast3A_992 = vector.bitcast %gather3A_991 : vector<16xi32> to vector<16xf32>
      %gather3A_993 = tpu.vector_load_idx %arg6[%gather3A_977] : memref<10000xf32, #tpu.memory_space<vmem>>[vector<16xi32>], vector<16xf32>,
      %swap3A_994 = arith.constant 0 : index
      %swap3A_995 = tpu.vector_load %arg10[%swap3A_994] {strides = array<i32>} : memref<128xi32, #tpu.memory_space<vmem>>, vector<16xi32>,
      tpu.vector_store %arg10[%swap3A_994], %gather3A_973 {strides = array<i32>} : memref<128xi32, #tpu.memory_space<vmem>>, vector<16xi32>,
      %swap3A_996 = arith.constant 0 : index
      %swap3A_997 = tpu.vector_load %arg12[%swap3A_996] {strides = array<i32>} : memref<128xi32, #tpu.memory_space<vmem>>, vector<16xi32>,
      tpu.vector_store %arg12[%swap3A_996], %gather3A_977 {strides = array<i32>} : memref<128xi32, #tpu.memory_space<vmem>>, vector<16xi32>,
      %mul3A_998 = arith.mulf %gather3A_993, %bitcast3A_982 : vector<16xf32>
      %swap3A_999 = arith.constant 0 : index
      %swap3A_1000 = tpu.vector_load %arg16[%swap3A_999] {strides = array<i32>} : memref<128xf32, #tpu.memory_space<vmem>>, vector<16xf32>,
      tpu.vector_store %arg16[%swap3A_999], %mul3A_998 {strides = array<i32>} : memref<128xf32, #tpu.memory_space<vmem>>, vector<16xf32>,
      %mul3A_1001 = arith.mulf %gather3A_993, %bitcast3A_987 : vector<16xf32>
      %swap3A_1002 = arith.constant 0 : index
      %swap3A_1003 = tpu.vector_load %arg17[%swap3A_1002] {strides = array<i32>} : memref<128xf32, #tpu.memory_space<vmem>>, vector<16xf32>,
      tpu.vector_store %arg17[%swap3A_1002], %mul3A_1001 {strides = array<i32>} : memref<128xf32, #tpu.memory_space<vmem>>, vector<16xf32>,
      %mul3A_1004 = arith.mulf %gather3A_993, %bitcast3A_992 : vector<16xf32>
      %swap3A_1005 = arith.constant 0 : index
      %swap3A_1006 = tpu.vector_load %arg18[%swap3A_1005] {strides = array<i32>} : memref<128xf32, #tpu.memory_space<vmem>>, vector<16xf32>,
      tpu.vector_store %arg18[%swap3A_1005], %mul3A_1004 {strides = array<i32>} : memref<128xf32, #tpu.memory_space<vmem>>, vector<16xf32>,
      %add3A_1007 = arith.constant 16 : i32
      %add3A_1008 = vector.broadcast %add3A_1007 : i32 to vector<16xi32>
      %add3A_1009 = arith.addi %add3A_1008, %iota3A : vector<16xi32>
      %gather3A_1010 = tpu.vector_load_idx %arg8[%add3A_1009, %broadcast_in_dim3A_5] : memref<128x8xi32, #tpu.memory_space<vmem>>[vector<16xi32>, vector<16xi32>], vector<16xi32>,
      %add3A_1011 = arith.constant 1 : i32
      %add3A_1012 = vector.broadcast %add3A_1011 : i32 to vector<16xi32>
      %add3A_1013 = arith.addi %broadcast_in_dim3A_5, %add3A_1012 : vector<16xi32>
      %gather3A_1014 = tpu.vector_load_idx %arg8[%add3A_1009, %add3A_1013] : memref<128x8xi32, #tpu.memory_space<vmem>>[vector<16xi32>, vector<16xi32>], vector<16xi32>,
      %add3A_1015 = arith.constant 2 : i32
      %add3A_1016 = vector.broadcast %add3A_1015 : i32 to vector<16xi32>
      %add3A_1017 = arith.addi %broadcast_in_dim3A_5, %add3A_1016 : vector<16xi32>
      %gather3A_1018 = tpu.vector_load_idx %arg8[%add3A_1009, %add3A_1017] : memref<128x8xi32, #tpu.memory_space<vmem>>[vector<16xi32>, vector<16xi32>], vector<16xi32>,
      %bitcast3A_1019 = vector.bitcast %gather3A_1018 : vector<16xi32> to vector<16xf32>
      %add3A_1020 = arith.constant 3 : i32
      %add3A_1021 = vector.broadcast %add3A_1020 : i32 to vector<16xi32>
      %add3A_1022 = arith.addi %broadcast_in_dim3A_5, %add3A_1021 : vector<16xi32>
      %gather3A_1023 = tpu.vector_load_idx %arg8[%add3A_1009, %add3A_1022] : memref<128x8xi32, #tpu.memory_space<vmem>>[vector<16xi32>, vector<16xi32>], vector<16xi32>,
      %bitcast3A_1024 = vector.bitcast %gather3A_1023 : vector<16xi32> to vector<16xf32>
      %add3A_1025 = arith.constant 4 : i32
      %add3A_1026 = vector.broadcast %add3A_1025 : i32 to vector<16xi32>
      %add3A_1027 = arith.addi %broadcast_in_dim3A_5, %add3A_1026 : vector<16xi32>
      %gather3A_1028 = tpu.vector_load_idx %arg8[%add3A_1009, %add3A_1027] : memref<128x8xi32, #tpu.memory_space<vmem>>[vector<16xi32>, vector<16xi32>], vector<16xi32>,
      %bitcast3A_1029 = vector.bitcast %gather3A_1028 : vector<16xi32> to vector<16xf32>
      %gather3A_1030 = tpu.vector_load_idx %arg6[%gather3A_1014] : memref<10000xf32, #tpu.memory_space<vmem>>[vector<16xi32>], vector<16xf32>,
      %swap3A_1031 = arith.constant 16 : index
      %swap3A_1032 = tpu.vector_load %arg10[%swap3A_1031] {strides = array<i32>} : memref<128xi32, #tpu.memory_space<vmem>>, vector<16xi32>,
      tpu.vector_store %arg10[%swap3A_1031], %gather3A_1010 {strides = array<i32>} : memref<128xi32, #tpu.memory_space<vmem>>, vector<16xi32>,
      %swap3A_1033 = arith.constant 16 : index
      %swap3A_1034 = tpu.vector_load %arg12[%swap3A_1033] {strides = array<i32>} : memref<128xi32, #tpu.memory_space<vmem>>, vector<16xi32>,
      tpu.vector_store %arg12[%swap3A_1033], %gather3A_1014 {strides = array<i32>} : memref<128xi32, #tpu.memory_space<vmem>>, vector<16xi32>,
      %mul3A_1035 = arith.mulf %gather3A_1030, %bitcast3A_1019 : vector<16xf32>
      %swap3A_1036 = arith.constant 16 : index
      %swap3A_1037 = tpu.vector_load %arg16[%swap3A_1036] {strides = array<i32>} : memref<128xf32, #tpu.memory_space<vmem>>, vector<16xf32>,
      tpu.vector_store %arg16[%swap3A_1036], %mul3A_1035 {strides = array<i32>} : memref<128xf32, #tpu.memory_space<vmem>>, vector<16xf32>,
      %mul3A_1038 = arith.mulf %gather3A_1030, %bitcast3A_1024 : vector<16xf32>
      %swap3A_1039 = arith.constant 16 : index
      %swap3A_1040 = tpu.vector_load %arg17[%swap3A_1039] {strides = array<i32>} : memref<128xf32, #tpu.memory_space<vmem>>, vector<16xf32>,
      tpu.vector_store %arg17[%swap3A_1039], %mul3A_1038 {strides = array<i32>} : memref<128xf32, #tpu.memory_space<vmem>>, vector<16xf32>,
      %mul3A_1041 = arith.mulf %gather3A_1030, %bitcast3A_1029 : vector<16xf32>
      %swap3A_1042 = arith.constant 16 : index
      %swap3A_1043 = tpu.vector_load %arg18[%swap3A_1042] {strides = array<i32>} : memref<128xf32, #tpu.memory_space<vmem>>, vector<16xf32>,
      tpu.vector_store %arg18[%swap3A_1042], %mul3A_1041 {strides = array<i32>} : memref<128xf32, #tpu.memory_space<vmem>>, vector<16xf32>,
      %add3A_1044 = arith.constant 32 : i32
      %add3A_1045 = vector.broadcast %add3A_1044 : i32 to vector<16xi32>
      %add3A_1046 = arith.addi %add3A_1045, %iota3A : vector<16xi32>
      %gather3A_1047 = tpu.vector_load_idx %arg8[%add3A_1046, %broadcast_in_dim3A_5] : memref<128x8xi32, #tpu.memory_space<vmem>>[vector<16xi32>, vector<16xi32>], vector<16xi32>,
      %add3A_1048 = arith.constant 1 : i32
      %add3A_1049 = vector.broadcast %add3A_1048 : i32 to vector<16xi32>
      %add3A_1050 = arith.addi %broadcast_in_dim3A_5, %add3A_1049 : vector<16xi32>
      %gather3A_1051 = tpu.vector_load_idx %arg8[%add3A_1046, %add3A_1050] : memref<128x8xi32, #tpu.memory_space<vmem>>[vector<16xi32>, vector<16xi32>], vector<16xi32>,
      %add3A_1052 = arith.constant 2 : i32
      %add3A_1053 = vector.broadcast %add3A_1052 : i32 to vector<16xi32>
      %add3A_1054 = arith.addi %broadcast_in_dim3A_5, %add3A_1053 : vector<16xi32>
      %gather3A_1055 = tpu.vector_load_idx %arg8[%add3A_1046, %add3A_1054] : memref<128x8xi32, #tpu.memory_space<vmem>>[vector<16xi32>, vector<16xi32>], vector<16xi32>,
      %bitcast3A_1056 = vector.bitcast %gather3A_1055 : vector<16xi32> to vector<16xf32>
      %add3A_1057 = arith.constant 3 : i32
      %add3A_1058 = vector.broadcast %add3A_1057 : i32 to vector<16xi32>
      %add3A_1059 = arith.addi %broadcast_in_dim3A_5, %add3A_1058 : vector<16xi32>
      %gather3A_1060 = tpu.vector_load_idx %arg8[%add3A_1046, %add3A_1059] : memref<128x8xi32, #tpu.memory_space<vmem>>[vector<16xi32>, vector<16xi32>], vector<16xi32>,
      %bitcast3A_1061 = vector.bitcast %gather3A_1060 : vector<16xi32> to vector<16xf32>
      %add3A_1062 = arith.constant 4 : i32
      %add3A_1063 = vector.broadcast %add3A_1062 : i32 to vector<16xi32>
      %add3A_1064 = arith.addi %broadcast_in_dim3A_5, %add3A_1063 : vector<16xi32>
      %gather3A_1065 = tpu.vector_load_idx %arg8[%add3A_1046, %add3A_1064] : memref<128x8xi32, #tpu.memory_space<vmem>>[vector<16xi32>, vector<16xi32>], vector<16xi32>,
      %bitcast3A_1066 = vector.bitcast %gather3A_1065 : vector<16xi32> to vector<16xf32>
      %gather3A_1067 = tpu.vector_load_idx %arg6[%gather3A_1051] : memref<10000xf32, #tpu.memory_space<vmem>>[vector<16xi32>], vector<16xf32>,
      %swap3A_1068 = arith.constant 32 : index
      %swap3A_1069 = tpu.vector_load %arg10[%swap3A_1068] {strides = array<i32>} : memref<128xi32, #tpu.memory_space<vmem>>, vector<16xi32>,
      tpu.vector_store %arg10[%swap3A_1068], %gather3A_1047 {strides = array<i32>} : memref<128xi32, #tpu.memory_space<vmem>>, vector<16xi32>,
      %swap3A_1070 = arith.constant 32 : index
      %swap3A_1071 = tpu.vector_load %arg12[%swap3A_1070] {strides = array<i32>} : memref<128xi32, #tpu.memory_space<vmem>>, vector<16xi32>,
      tpu.vector_store %arg12[%swap3A_1070], %gather3A_1051 {strides = array<i32>} : memref<128xi32, #tpu.memory_space<vmem>>, vector<16xi32>,
      %mul3A_1072 = arith.mulf %gather3A_1067, %bitcast3A_1056 : vector<16xf32>
      %swap3A_1073 = arith.constant 32 : index
      %swap3A_1074 = tpu.vector_load %arg16[%swap3A_1073] {strides = array<i32>} : memref<128xf32, #tpu.memory_space<vmem>>, vector<16xf32>,
      tpu.vector_store %arg16[%swap3A_1073], %mul3A_1072 {strides = array<i32>} : memref<128xf32, #tpu.memory_space<vmem>>, vector<16xf32>,
      %mul3A_1075 = arith.mulf %gather3A_1067, %bitcast3A_1061 : vector<16xf32>
      %swap3A_1076 = arith.constant 32 : index
      %swap3A_1077 = tpu.vector_load %arg17[%swap3A_1076] {strides = array<i32>} : memref<128xf32, #tpu.memory_space<vmem>>, vector<16xf32>,
      tpu.vector_store %arg17[%swap3A_1076], %mul3A_1075 {strides = array<i32>} : memref<128xf32, #tpu.memory_space<vmem>>, vector<16xf32>,
      %mul3A_1078 = arith.mulf %gather3A_1067, %bitcast3A_1066 : vector<16xf32>
      %swap3A_1079 = arith.constant 32 : index
      %swap3A_1080 = tpu.vector_load %arg18[%swap3A_1079] {strides = array<i32>} : memref<128xf32, #tpu.memory_space<vmem>>, vector<16xf32>,
      tpu.vector_store %arg18[%swap3A_1079], %mul3A_1078 {strides = array<i32>} : memref<128xf32, #tpu.memory_space<vmem>>, vector<16xf32>,
      %add3A_1081 = arith.constant 48 : i32
      %add3A_1082 = vector.broadcast %add3A_1081 : i32 to vector<16xi32>
      %add3A_1083 = arith.addi %add3A_1082, %iota3A : vector<16xi32>
      %gather3A_1084 = tpu.vector_load_idx %arg8[%add3A_1083, %broadcast_in_dim3A_5] : memref<128x8xi32, #tpu.memory_space<vmem>>[vector<16xi32>, vector<16xi32>], vector<16xi32>,
      %add3A_1085 = arith.constant 1 : i32
      %add3A_1086 = vector.broadcast %add3A_1085 : i32 to vector<16xi32>
      %add3A_1087 = arith.addi %broadcast_in_dim3A_5, %add3A_1086 : vector<16xi32>
      %gather3A_1088 = tpu.vector_load_idx %arg8[%add3A_1083, %add3A_1087] : memref<128x8xi32, #tpu.memory_space<vmem>>[vector<16xi32>, vector<16xi32>], vector<16xi32>,
      %add3A_1089 = arith.constant 2 : i32
      %add3A_1090 = vector.broadcast %add3A_1089 : i32 to vector<16xi32>
      %add3A_1091 = arith.addi %broadcast_in_dim3A_5, %add3A_1090 : vector<16xi32>
      %gather3A_1092 = tpu.vector_load_idx %arg8[%add3A_1083, %add3A_1091] : memref<128x8xi32, #tpu.memory_space<vmem>>[vector<16xi32>, vector<16xi32>], vector<16xi32>,
      %bitcast3A_1093 = vector.bitcast %gather3A_1092 : vector<16xi32> to vector<16xf32>
      %add3A_1094 = arith.constant 3 : i32
      %add3A_1095 = vector.broadcast %add3A_1094 : i32 to vector<16xi32>
      %add3A_1096 = arith.addi %broadcast_in_dim3A_5, %add3A_1095 : vector<16xi32>
      %gather3A_1097 = tpu.vector_load_idx %arg8[%add3A_1083, %add3A_1096] : memref<128x8xi32, #tpu.memory_space<vmem>>[vector<16xi32>, vector<16xi32>], vector<16xi32>,
      %bitcast3A_1098 = vector.bitcast %gather3A_1097 : vector<16xi32> to vector<16xf32>
      %add3A_1099 = arith.constant 4 : i32
      %add3A_1100 = vector.broadcast %add3A_1099 : i32 to vector<16xi32>
      %add3A_1101 = arith.addi %broadcast_in_dim3A_5, %add3A_1100 : vector<16xi32>
      %gather3A_1102 = tpu.vector_load_idx %arg8[%add3A_1083, %add3A_1101] : memref<128x8xi32, #tpu.memory_space<vmem>>[vector<16xi32>, vector<16xi32>], vector<16xi32>,
      %bitcast3A_1103 = vector.bitcast %gather3A_1102 : vector<16xi32> to vector<16xf32>
      %gather3A_1104 = tpu.vector_load_idx %arg6[%gather3A_1088] : memref<10000xf32, #tpu.memory_space<vmem>>[vector<16xi32>], vector<16xf32>,
      %swap3A_1105 = arith.constant 48 : index
      %swap3A_1106 = tpu.vector_load %arg10[%swap3A_1105] {strides = array<i32>} : memref<128xi32, #tpu.memory_space<vmem>>, vector<16xi32>,
      tpu.vector_store %arg10[%swap3A_1105], %gather3A_1084 {strides = array<i32>} : memref<128xi32, #tpu.memory_space<vmem>>, vector<16xi32>,
      %swap3A_1107 = arith.constant 48 : index
      %swap3A_1108 = tpu.vector_load %arg12[%swap3A_1107] {strides = array<i32>} : memref<128xi32, #tpu.memory_space<vmem>>, vector<16xi32>,
      tpu.vector_store %arg12[%swap3A_1107], %gather3A_1088 {strides = array<i32>} : memref<128xi32, #tpu.memory_space<vmem>>, vector<16xi32>,
      %mul3A_1109 = arith.mulf %gather3A_1104, %bitcast3A_1093 : vector<16xf32>
      %swap3A_1110 = arith.constant 48 : index
      %swap3A_1111 = tpu.vector_load %arg16[%swap3A_1110] {strides = array<i32>} : memref<128xf32, #tpu.memory_space<vmem>>, vector<16xf32>,
      tpu.vector_store %arg16[%swap3A_1110], %mul3A_1109 {strides = array<i32>} : memref<128xf32, #tpu.memory_space<vmem>>, vector<16xf32>,
      %mul3A_1112 = arith.mulf %gather3A_1104, %bitcast3A_1098 : vector<16xf32>
      %swap3A_1113 = arith.constant 48 : index
      %swap3A_1114 = tpu.vector_load %arg17[%swap3A_1113] {strides = array<i32>} : memref<128xf32, #tpu.memory_space<vmem>>, vector<16xf32>,
      tpu.vector_store %arg17[%swap3A_1113], %mul3A_1112 {strides = array<i32>} : memref<128xf32, #tpu.memory_space<vmem>>, vector<16xf32>,
      %mul3A_1115 = arith.mulf %gather3A_1104, %bitcast3A_1103 : vector<16xf32>
      %swap3A_1116 = arith.constant 48 : index
      %swap3A_1117 = tpu.vector_load %arg18[%swap3A_1116] {strides = array<i32>} : memref<128xf32, #tpu.memory_space<vmem>>, vector<16xf32>,
      tpu.vector_store %arg18[%swap3A_1116], %mul3A_1115 {strides = array<i32>} : memref<128xf32, #tpu.memory_space<vmem>>, vector<16xf32>,
      %add3A_1118 = arith.constant 64 : i32
      %add3A_1119 = vector.broadcast %add3A_1118 : i32 to vector<16xi32>
      %add3A_1120 = arith.addi %add3A_1119, %iota3A : vector<16xi32>
      %gather3A_1121 = tpu.vector_load_idx %arg8[%add3A_1120, %broadcast_in_dim3A_5] : memref<128x8xi32, #tpu.memory_space<vmem>>[vector<16xi32>, vector<16xi32>], vector<16xi32>,
      %add3A_1122 = arith.constant 1 : i32
      %add3A_1123 = vector.broadcast %add3A_1122 : i32 to vector<16xi32>
      %add3A_1124 = arith.addi %broadcast_in_dim3A_5, %add3A_1123 : vector<16xi32>
      %gather3A_1125 = tpu.vector_load_idx %arg8[%add3A_1120, %add3A_1124] : memref<128x8xi32, #tpu.memory_space<vmem>>[vector<16xi32>, vector<16xi32>], vector<16xi32>,
      %add3A_1126 = arith.constant 2 : i32
      %add3A_1127 = vector.broadcast %add3A_1126 : i32 to vector<16xi32>
      %add3A_1128 = arith.addi %broadcast_in_dim3A_5, %add3A_1127 : vector<16xi32>
      %gather3A_1129 = tpu.vector_load_idx %arg8[%add3A_1120, %add3A_1128] : memref<128x8xi32, #tpu.memory_space<vmem>>[vector<16xi32>, vector<16xi32>], vector<16xi32>,
      %bitcast3A_1130 = vector.bitcast %gather3A_1129 : vector<16xi32> to vector<16xf32>
      %add3A_1131 = arith.constant 3 : i32
      %add3A_1132 = vector.broadcast %add3A_1131 : i32 to vector<16xi32>
      %add3A_1133 = arith.addi %broadcast_in_dim3A_5, %add3A_1132 : vector<16xi32>
      %gather3A_1134 = tpu.vector_load_idx %arg8[%add3A_1120, %add3A_1133] : memref<128x8xi32, #tpu.memory_space<vmem>>[vector<16xi32>, vector<16xi32>], vector<16xi32>,
      %bitcast3A_1135 = vector.bitcast %gather3A_1134 : vector<16xi32> to vector<16xf32>
      %add3A_1136 = arith.constant 4 : i32
      %add3A_1137 = vector.broadcast %add3A_1136 : i32 to vector<16xi32>
      %add3A_1138 = arith.addi %broadcast_in_dim3A_5, %add3A_1137 : vector<16xi32>
      %gather3A_1139 = tpu.vector_load_idx %arg8[%add3A_1120, %add3A_1138] : memref<128x8xi32, #tpu.memory_space<vmem>>[vector<16xi32>, vector<16xi32>], vector<16xi32>,
      %bitcast3A_1140 = vector.bitcast %gather3A_1139 : vector<16xi32> to vector<16xf32>
      %gather3A_1141 = tpu.vector_load_idx %arg6[%gather3A_1125] : memref<10000xf32, #tpu.memory_space<vmem>>[vector<16xi32>], vector<16xf32>,
      %swap3A_1142 = arith.constant 64 : index
      %swap3A_1143 = tpu.vector_load %arg10[%swap3A_1142] {strides = array<i32>} : memref<128xi32, #tpu.memory_space<vmem>>, vector<16xi32>,
      tpu.vector_store %arg10[%swap3A_1142], %gather3A_1121 {strides = array<i32>} : memref<128xi32, #tpu.memory_space<vmem>>, vector<16xi32>,
      %swap3A_1144 = arith.constant 64 : index
      %swap3A_1145 = tpu.vector_load %arg12[%swap3A_1144] {strides = array<i32>} : memref<128xi32, #tpu.memory_space<vmem>>, vector<16xi32>,
      tpu.vector_store %arg12[%swap3A_1144], %gather3A_1125 {strides = array<i32>} : memref<128xi32, #tpu.memory_space<vmem>>, vector<16xi32>,
      %mul3A_1146 = arith.mulf %gather3A_1141, %bitcast3A_1130 : vector<16xf32>
      %swap3A_1147 = arith.constant 64 : index
      %swap3A_1148 = tpu.vector_load %arg16[%swap3A_1147] {strides = array<i32>} : memref<128xf32, #tpu.memory_space<vmem>>, vector<16xf32>,
      tpu.vector_store %arg16[%swap3A_1147], %mul3A_1146 {strides = array<i32>} : memref<128xf32, #tpu.memory_space<vmem>>, vector<16xf32>,
      %mul3A_1149 = arith.mulf %gather3A_1141, %bitcast3A_1135 : vector<16xf32>
      %swap3A_1150 = arith.constant 64 : index
      %swap3A_1151 = tpu.vector_load %arg17[%swap3A_1150] {strides = array<i32>} : memref<128xf32, #tpu.memory_space<vmem>>, vector<16xf32>,
      tpu.vector_store %arg17[%swap3A_1150], %mul3A_1149 {strides = array<i32>} : memref<128xf32, #tpu.memory_space<vmem>>, vector<16xf32>,
      %mul3A_1152 = arith.mulf %gather3A_1141, %bitcast3A_1140 : vector<16xf32>
      %swap3A_1153 = arith.constant 64 : index
      %swap3A_1154 = tpu.vector_load %arg18[%swap3A_1153] {strides = array<i32>} : memref<128xf32, #tpu.memory_space<vmem>>, vector<16xf32>,
      tpu.vector_store %arg18[%swap3A_1153], %mul3A_1152 {strides = array<i32>} : memref<128xf32, #tpu.memory_space<vmem>>, vector<16xf32>,
      %add3A_1155 = arith.constant 80 : i32
      %add3A_1156 = vector.broadcast %add3A_1155 : i32 to vector<16xi32>
      %add3A_1157 = arith.addi %add3A_1156, %iota3A : vector<16xi32>
      %gather3A_1158 = tpu.vector_load_idx %arg8[%add3A_1157, %broadcast_in_dim3A_5] : memref<128x8xi32, #tpu.memory_space<vmem>>[vector<16xi32>, vector<16xi32>], vector<16xi32>,
      %add3A_1159 = arith.constant 1 : i32
      %add3A_1160 = vector.broadcast %add3A_1159 : i32 to vector<16xi32>
      %add3A_1161 = arith.addi %broadcast_in_dim3A_5, %add3A_1160 : vector<16xi32>
      %gather3A_1162 = tpu.vector_load_idx %arg8[%add3A_1157, %add3A_1161] : memref<128x8xi32, #tpu.memory_space<vmem>>[vector<16xi32>, vector<16xi32>], vector<16xi32>,
      %add3A_1163 = arith.constant 2 : i32
      %add3A_1164 = vector.broadcast %add3A_1163 : i32 to vector<16xi32>
      %add3A_1165 = arith.addi %broadcast_in_dim3A_5, %add3A_1164 : vector<16xi32>
      %gather3A_1166 = tpu.vector_load_idx %arg8[%add3A_1157, %add3A_1165] : memref<128x8xi32, #tpu.memory_space<vmem>>[vector<16xi32>, vector<16xi32>], vector<16xi32>,
      %bitcast3A_1167 = vector.bitcast %gather3A_1166 : vector<16xi32> to vector<16xf32>
      %add3A_1168 = arith.constant 3 : i32
      %add3A_1169 = vector.broadcast %add3A_1168 : i32 to vector<16xi32>
      %add3A_1170 = arith.addi %broadcast_in_dim3A_5, %add3A_1169 : vector<16xi32>
      %gather3A_1171 = tpu.vector_load_idx %arg8[%add3A_1157, %add3A_1170] : memref<128x8xi32, #tpu.memory_space<vmem>>[vector<16xi32>, vector<16xi32>], vector<16xi32>,
      %bitcast3A_1172 = vector.bitcast %gather3A_1171 : vector<16xi32> to vector<16xf32>
      %add3A_1173 = arith.constant 4 : i32
      %add3A_1174 = vector.broadcast %add3A_1173 : i32 to vector<16xi32>
      %add3A_1175 = arith.addi %broadcast_in_dim3A_5, %add3A_1174 : vector<16xi32>
      %gather3A_1176 = tpu.vector_load_idx %arg8[%add3A_1157, %add3A_1175] : memref<128x8xi32, #tpu.memory_space<vmem>>[vector<16xi32>, vector<16xi32>], vector<16xi32>,
      %bitcast3A_1177 = vector.bitcast %gather3A_1176 : vector<16xi32> to vector<16xf32>
      %gather3A_1178 = tpu.vector_load_idx %arg6[%gather3A_1162] : memref<10000xf32, #tpu.memory_space<vmem>>[vector<16xi32>], vector<16xf32>,
      %swap3A_1179 = arith.constant 80 : index
      %swap3A_1180 = tpu.vector_load %arg10[%swap3A_1179] {strides = array<i32>} : memref<128xi32, #tpu.memory_space<vmem>>, vector<16xi32>,
      tpu.vector_store %arg10[%swap3A_1179], %gather3A_1158 {strides = array<i32>} : memref<128xi32, #tpu.memory_space<vmem>>, vector<16xi32>,
      %swap3A_1181 = arith.constant 80 : index
      %swap3A_1182 = tpu.vector_load %arg12[%swap3A_1181] {strides = array<i32>} : memref<128xi32, #tpu.memory_space<vmem>>, vector<16xi32>,
      tpu.vector_store %arg12[%swap3A_1181], %gather3A_1162 {strides = array<i32>} : memref<128xi32, #tpu.memory_space<vmem>>, vector<16xi32>,
      %mul3A_1183 = arith.mulf %gather3A_1178, %bitcast3A_1167 : vector<16xf32>
      %swap3A_1184 = arith.constant 80 : index
      %swap3A_1185 = tpu.vector_load %arg16[%swap3A_1184] {strides = array<i32>} : memref<128xf32, #tpu.memory_space<vmem>>, vector<16xf32>,
      tpu.vector_store %arg16[%swap3A_1184], %mul3A_1183 {strides = array<i32>} : memref<128xf32, #tpu.memory_space<vmem>>, vector<16xf32>,
      %mul3A_1186 = arith.mulf %gather3A_1178, %bitcast3A_1172 : vector<16xf32>
      %swap3A_1187 = arith.constant 80 : index
      %swap3A_1188 = tpu.vector_load %arg17[%swap3A_1187] {strides = array<i32>} : memref<128xf32, #tpu.memory_space<vmem>>, vector<16xf32>,
      tpu.vector_store %arg17[%swap3A_1187], %mul3A_1186 {strides = array<i32>} : memref<128xf32, #tpu.memory_space<vmem>>, vector<16xf32>,
      %mul3A_1189 = arith.mulf %gather3A_1178, %bitcast3A_1177 : vector<16xf32>
      %swap3A_1190 = arith.constant 80 : index
      %swap3A_1191 = tpu.vector_load %arg18[%swap3A_1190] {strides = array<i32>} : memref<128xf32, #tpu.memory_space<vmem>>, vector<16xf32>,
      tpu.vector_store %arg18[%swap3A_1190], %mul3A_1189 {strides = array<i32>} : memref<128xf32, #tpu.memory_space<vmem>>, vector<16xf32>,
      %add3A_1192 = arith.constant 96 : i32
      %add3A_1193 = vector.broadcast %add3A_1192 : i32 to vector<16xi32>
      %add3A_1194 = arith.addi %add3A_1193, %iota3A : vector<16xi32>
      %gather3A_1195 = tpu.vector_load_idx %arg8[%add3A_1194, %broadcast_in_dim3A_5] : memref<128x8xi32, #tpu.memory_space<vmem>>[vector<16xi32>, vector<16xi32>], vector<16xi32>,
      %add3A_1196 = arith.constant 1 : i32
      %add3A_1197 = vector.broadcast %add3A_1196 : i32 to vector<16xi32>
      %add3A_1198 = arith.addi %broadcast_in_dim3A_5, %add3A_1197 : vector<16xi32>
      %gather3A_1199 = tpu.vector_load_idx %arg8[%add3A_1194, %add3A_1198] : memref<128x8xi32, #tpu.memory_space<vmem>>[vector<16xi32>, vector<16xi32>], vector<16xi32>,
      %add3A_1200 = arith.constant 2 : i32
      %add3A_1201 = vector.broadcast %add3A_1200 : i32 to vector<16xi32>
      %add3A_1202 = arith.addi %broadcast_in_dim3A_5, %add3A_1201 : vector<16xi32>
      %gather3A_1203 = tpu.vector_load_idx %arg8[%add3A_1194, %add3A_1202] : memref<128x8xi32, #tpu.memory_space<vmem>>[vector<16xi32>, vector<16xi32>], vector<16xi32>,
      %bitcast3A_1204 = vector.bitcast %gather3A_1203 : vector<16xi32> to vector<16xf32>
      %add3A_1205 = arith.constant 3 : i32
      %add3A_1206 = vector.broadcast %add3A_1205 : i32 to vector<16xi32>
      %add3A_1207 = arith.addi %broadcast_in_dim3A_5, %add3A_1206 : vector<16xi32>
      %gather3A_1208 = tpu.vector_load_idx %arg8[%add3A_1194, %add3A_1207] : memref<128x8xi32, #tpu.memory_space<vmem>>[vector<16xi32>, vector<16xi32>], vector<16xi32>,
      %bitcast3A_1209 = vector.bitcast %gather3A_1208 : vector<16xi32> to vector<16xf32>
      %add3A_1210 = arith.constant 4 : i32
      %add3A_1211 = vector.broadcast %add3A_1210 : i32 to vector<16xi32>
      %add3A_1212 = arith.addi %broadcast_in_dim3A_5, %add3A_1211 : vector<16xi32>
      %gather3A_1213 = tpu.vector_load_idx %arg8[%add3A_1194, %add3A_1212] : memref<128x8xi32, #tpu.memory_space<vmem>>[vector<16xi32>, vector<16xi32>], vector<16xi32>,
      %bitcast3A_1214 = vector.bitcast %gather3A_1213 : vector<16xi32> to vector<16xf32>
      %gather3A_1215 = tpu.vector_load_idx %arg6[%gather3A_1199] : memref<10000xf32, #tpu.memory_space<vmem>>[vector<16xi32>], vector<16xf32>,
      %swap3A_1216 = arith.constant 96 : index
      %swap3A_1217 = tpu.vector_load %arg10[%swap3A_1216] {strides = array<i32>} : memref<128xi32, #tpu.memory_space<vmem>>, vector<16xi32>,
      tpu.vector_store %arg10[%swap3A_1216], %gather3A_1195 {strides = array<i32>} : memref<128xi32, #tpu.memory_space<vmem>>, vector<16xi32>,
      %swap3A_1218 = arith.constant 96 : index
      %swap3A_1219 = tpu.vector_load %arg12[%swap3A_1218] {strides = array<i32>} : memref<128xi32, #tpu.memory_space<vmem>>, vector<16xi32>,
      tpu.vector_store %arg12[%swap3A_1218], %gather3A_1199 {strides = array<i32>} : memref<128xi32, #tpu.memory_space<vmem>>, vector<16xi32>,
      %mul3A_1220 = arith.mulf %gather3A_1215, %bitcast3A_1204 : vector<16xf32>
      %swap3A_1221 = arith.constant 96 : index
      %swap3A_1222 = tpu.vector_load %arg16[%swap3A_1221] {strides = array<i32>} : memref<128xf32, #tpu.memory_space<vmem>>, vector<16xf32>,
      tpu.vector_store %arg16[%swap3A_1221], %mul3A_1220 {strides = array<i32>} : memref<128xf32, #tpu.memory_space<vmem>>, vector<16xf32>,
      %mul3A_1223 = arith.mulf %gather3A_1215, %bitcast3A_1209 : vector<16xf32>
      %swap3A_1224 = arith.constant 96 : index
      %swap3A_1225 = tpu.vector_load %arg17[%swap3A_1224] {strides = array<i32>} : memref<128xf32, #tpu.memory_space<vmem>>, vector<16xf32>,
      tpu.vector_store %arg17[%swap3A_1224], %mul3A_1223 {strides = array<i32>} : memref<128xf32, #tpu.memory_space<vmem>>, vector<16xf32>,
      %mul3A_1226 = arith.mulf %gather3A_1215, %bitcast3A_1214 : vector<16xf32>
      %swap3A_1227 = arith.constant 96 : index
      %swap3A_1228 = tpu.vector_load %arg18[%swap3A_1227] {strides = array<i32>} : memref<128xf32, #tpu.memory_space<vmem>>, vector<16xf32>,
      tpu.vector_store %arg18[%swap3A_1227], %mul3A_1226 {strides = array<i32>} : memref<128xf32, #tpu.memory_space<vmem>>, vector<16xf32>,
      %add3A_1229 = arith.constant 112 : i32
      %add3A_1230 = vector.broadcast %add3A_1229 : i32 to vector<16xi32>
      %add3A_1231 = arith.addi %add3A_1230, %iota3A : vector<16xi32>
      %gather3A_1232 = tpu.vector_load_idx %arg8[%add3A_1231, %broadcast_in_dim3A_5] : memref<128x8xi32, #tpu.memory_space<vmem>>[vector<16xi32>, vector<16xi32>], vector<16xi32>,
      %add3A_1233 = arith.constant 1 : i32
      %add3A_1234 = vector.broadcast %add3A_1233 : i32 to vector<16xi32>
      %add3A_1235 = arith.addi %broadcast_in_dim3A_5, %add3A_1234 : vector<16xi32>
      %gather3A_1236 = tpu.vector_load_idx %arg8[%add3A_1231, %add3A_1235] : memref<128x8xi32, #tpu.memory_space<vmem>>[vector<16xi32>, vector<16xi32>], vector<16xi32>,
      %add3A_1237 = arith.constant 2 : i32
      %add3A_1238 = vector.broadcast %add3A_1237 : i32 to vector<16xi32>
      %add3A_1239 = arith.addi %broadcast_in_dim3A_5, %add3A_1238 : vector<16xi32>
      %gather3A_1240 = tpu.vector_load_idx %arg8[%add3A_1231, %add3A_1239] : memref<128x8xi32, #tpu.memory_space<vmem>>[vector<16xi32>, vector<16xi32>], vector<16xi32>,
      %bitcast3A_1241 = vector.bitcast %gather3A_1240 : vector<16xi32> to vector<16xf32>
      %add3A_1242 = arith.constant 3 : i32
      %add3A_1243 = vector.broadcast %add3A_1242 : i32 to vector<16xi32>
      %add3A_1244 = arith.addi %broadcast_in_dim3A_5, %add3A_1243 : vector<16xi32>
      %gather3A_1245 = tpu.vector_load_idx %arg8[%add3A_1231, %add3A_1244] : memref<128x8xi32, #tpu.memory_space<vmem>>[vector<16xi32>, vector<16xi32>], vector<16xi32>,
      %bitcast3A_1246 = vector.bitcast %gather3A_1245 : vector<16xi32> to vector<16xf32>
      %add3A_1247 = arith.constant 4 : i32
      %add3A_1248 = vector.broadcast %add3A_1247 : i32 to vector<16xi32>
      %add3A_1249 = arith.addi %broadcast_in_dim3A_5, %add3A_1248 : vector<16xi32>
      %gather3A_1250 = tpu.vector_load_idx %arg8[%add3A_1231, %add3A_1249] : memref<128x8xi32, #tpu.memory_space<vmem>>[vector<16xi32>, vector<16xi32>], vector<16xi32>,
      %bitcast3A_1251 = vector.bitcast %gather3A_1250 : vector<16xi32> to vector<16xf32>
      %gather3A_1252 = tpu.vector_load_idx %arg6[%gather3A_1236] : memref<10000xf32, #tpu.memory_space<vmem>>[vector<16xi32>], vector<16xf32>,
      %swap3A_1253 = arith.constant 112 : index
      %swap3A_1254 = tpu.vector_load %arg10[%swap3A_1253] {strides = array<i32>} : memref<128xi32, #tpu.memory_space<vmem>>, vector<16xi32>,
      tpu.vector_store %arg10[%swap3A_1253], %gather3A_1232 {strides = array<i32>} : memref<128xi32, #tpu.memory_space<vmem>>, vector<16xi32>,
      %swap3A_1255 = arith.constant 112 : index
      %swap3A_1256 = tpu.vector_load %arg12[%swap3A_1255] {strides = array<i32>} : memref<128xi32, #tpu.memory_space<vmem>>, vector<16xi32>,
      tpu.vector_store %arg12[%swap3A_1255], %gather3A_1236 {strides = array<i32>} : memref<128xi32, #tpu.memory_space<vmem>>, vector<16xi32>,
      %mul3A_1257 = arith.mulf %gather3A_1252, %bitcast3A_1241 : vector<16xf32>
      %swap3A_1258 = arith.constant 112 : index
      %swap3A_1259 = tpu.vector_load %arg16[%swap3A_1258] {strides = array<i32>} : memref<128xf32, #tpu.memory_space<vmem>>, vector<16xf32>,
      tpu.vector_store %arg16[%swap3A_1258], %mul3A_1257 {strides = array<i32>} : memref<128xf32, #tpu.memory_space<vmem>>, vector<16xf32>,
      %mul3A_1260 = arith.mulf %gather3A_1252, %bitcast3A_1246 : vector<16xf32>
      %swap3A_1261 = arith.constant 112 : index
      %swap3A_1262 = tpu.vector_load %arg17[%swap3A_1261] {strides = array<i32>} : memref<128xf32, #tpu.memory_space<vmem>>, vector<16xf32>,
      tpu.vector_store %arg17[%swap3A_1261], %mul3A_1260 {strides = array<i32>} : memref<128xf32, #tpu.memory_space<vmem>>, vector<16xf32>,
      %mul3A_1263 = arith.mulf %gather3A_1252, %bitcast3A_1251 : vector<16xf32>
      %swap3A_1264 = arith.constant 112 : index
      %swap3A_1265 = tpu.vector_load %arg18[%swap3A_1264] {strides = array<i32>} : memref<128xf32, #tpu.memory_space<vmem>>, vector<16xf32>,
      tpu.vector_store %arg18[%swap3A_1264], %mul3A_1263 {strides = array<i32>} : memref<128xf32, #tpu.memory_space<vmem>>, vector<16xf32>,
      "tpu.region"() ({
        %run_scoped3A = tpu.sem_alloc : memref<!tpu.dma_semaphore, #tpu.memory_space<semaphore_mem>>
        %dma_start3A_1273 = arith.constant 0 : i32
        %dma_start3A_1274 = tpu.memref_slice %arg19[%dma_start3A_1273] : memref<10240xf32, #tpu.memory_space<vmem_shared>> -> memref<10240xf32, #tpu.memory_space<vmem_shared>>
        tpu.enqueue_indirect_dma source(%arg16 : memref<128xf32, #tpu.memory_space<vmem>>) target(%dma_start3A_1274 : memref<10240xf32, #tpu.memory_space<vmem_shared>>) offsets(%arg12 : memref<128xi32, #tpu.memory_space<vmem>>) semaphore(%run_scoped3A : memref<!tpu.dma_semaphore, #tpu.memory_space<semaphore_mem>>) {add = true}
        %dma_wait3A_1275 = arith.constant 0 : i32
        %dma_wait3A_1276 = tpu.memref_slice %arg19[%dma_wait3A_1275] : memref<10240xf32, #tpu.memory_space<vmem_shared>> -> memref<10240xf32, #tpu.memory_space<vmem_shared>>
        tpu.wait_indirect_dma semaphore(%run_scoped3A : memref<!tpu.dma_semaphore, #tpu.memory_space<semaphore_mem>>) src(%arg16 : memref<128xf32, #tpu.memory_space<vmem>>) dst(%dma_wait3A_1276 : memref<10240xf32, #tpu.memory_space<vmem_shared>>)
        tpu.yield
      }) : () -> ()
      "tpu.region"() ({
        %run_scoped3A = tpu.sem_alloc : memref<!tpu.dma_semaphore, #tpu.memory_space<semaphore_mem>>
        %dma_start3A_1273 = arith.constant 0 : i32
        %dma_start3A_1274 = tpu.memref_slice %arg20[%dma_start3A_1273] : memref<10240xf32, #tpu.memory_space<vmem_shared>> -> memref<10240xf32, #tpu.memory_space<vmem_shared>>
        tpu.enqueue_indirect_dma source(%arg17 : memref<128xf32, #tpu.memory_space<vmem>>) target(%dma_start3A_1274 : memref<10240xf32, #tpu.memory_space<vmem_shared>>) offsets(%arg12 : memref<128xi32, #tpu.memory_space<vmem>>) semaphore(%run_scoped3A : memref<!tpu.dma_semaphore, #tpu.memory_space<semaphore_mem>>) {add = true}
        %dma_wait3A_1275 = arith.constant 0 : i32
        %dma_wait3A_1276 = tpu.memref_slice %arg20[%dma_wait3A_1275] : memref<10240xf32, #tpu.memory_space<vmem_shared>> -> memref<10240xf32, #tpu.memory_space<vmem_shared>>
        tpu.wait_indirect_dma semaphore(%run_scoped3A : memref<!tpu.dma_semaphore, #tpu.memory_space<semaphore_mem>>) src(%arg17 : memref<128xf32, #tpu.memory_space<vmem>>) dst(%dma_wait3A_1276 : memref<10240xf32, #tpu.memory_space<vmem_shared>>)
        tpu.yield
      }) : () -> ()
      "tpu.region"() ({
        %run_scoped3A = tpu.sem_alloc : memref<!tpu.dma_semaphore, #tpu.memory_space<semaphore_mem>>
        %dma_start3A_1273 = arith.constant 0 : i32
        %dma_start3A_1274 = tpu.memref_slice %arg21[%dma_start3A_1273] : memref<10240xf32, #tpu.memory_space<vmem_shared>> -> memref<10240xf32, #tpu.memory_space<vmem_shared>>
        tpu.enqueue_indirect_dma source(%arg18 : memref<128xf32, #tpu.memory_space<vmem>>) target(%dma_start3A_1274 : memref<10240xf32, #tpu.memory_space<vmem_shared>>) offsets(%arg12 : memref<128xi32, #tpu.memory_space<vmem>>) semaphore(%run_scoped3A : memref<!tpu.dma_semaphore, #tpu.memory_space<semaphore_mem>>) {add = true}
        %dma_wait3A_1275 = arith.constant 0 : i32
        %dma_wait3A_1276 = tpu.memref_slice %arg21[%dma_wait3A_1275] : memref<10240xf32, #tpu.memory_space<vmem_shared>> -> memref<10240xf32, #tpu.memory_space<vmem_shared>>
        tpu.wait_indirect_dma semaphore(%run_scoped3A : memref<!tpu.dma_semaphore, #tpu.memory_space<semaphore_mem>>) src(%arg18 : memref<128xf32, #tpu.memory_space<vmem>>) dst(%dma_wait3A_1276 : memref<10240xf32, #tpu.memory_space<vmem_shared>>)
        tpu.yield
      }) : () -> ()
      "tpu.region"() ({
        %run_scoped3A = tpu.sem_alloc : memref<!tpu.dma_semaphore, #tpu.memory_space<semaphore_mem>>
        %dma_start3A_1273 = arith.constant 0 : i32
        %dma_start3A_1274 = tpu.memref_slice %arg22[%dma_start3A_1273] : memref<10240xf32, #tpu.memory_space<vmem_shared>> -> memref<10240xf32, #tpu.memory_space<vmem_shared>>
        tpu.enqueue_indirect_dma source(%arg16 : memref<128xf32, #tpu.memory_space<vmem>>) target(%dma_start3A_1274 : memref<10240xf32, #tpu.memory_space<vmem_shared>>) offsets(%arg10 : memref<128xi32, #tpu.memory_space<vmem>>) semaphore(%run_scoped3A : memref<!tpu.dma_semaphore, #tpu.memory_space<semaphore_mem>>) {add = true}
        %dma_wait3A_1275 = arith.constant 0 : i32
        %dma_wait3A_1276 = tpu.memref_slice %arg22[%dma_wait3A_1275] : memref<10240xf32, #tpu.memory_space<vmem_shared>> -> memref<10240xf32, #tpu.memory_space<vmem_shared>>
        tpu.wait_indirect_dma semaphore(%run_scoped3A : memref<!tpu.dma_semaphore, #tpu.memory_space<semaphore_mem>>) src(%arg16 : memref<128xf32, #tpu.memory_space<vmem>>) dst(%dma_wait3A_1276 : memref<10240xf32, #tpu.memory_space<vmem_shared>>)
        tpu.yield
      }) : () -> ()
      "tpu.region"() ({
        %run_scoped3A = tpu.sem_alloc : memref<!tpu.dma_semaphore, #tpu.memory_space<semaphore_mem>>
        %dma_start3A_1273 = arith.constant 0 : i32
        %dma_start3A_1274 = tpu.memref_slice %arg23[%dma_start3A_1273] : memref<10240xf32, #tpu.memory_space<vmem_shared>> -> memref<10240xf32, #tpu.memory_space<vmem_shared>>
        tpu.enqueue_indirect_dma source(%arg17 : memref<128xf32, #tpu.memory_space<vmem>>) target(%dma_start3A_1274 : memref<10240xf32, #tpu.memory_space<vmem_shared>>) offsets(%arg10 : memref<128xi32, #tpu.memory_space<vmem>>) semaphore(%run_scoped3A : memref<!tpu.dma_semaphore, #tpu.memory_space<semaphore_mem>>) {add = true}
        %dma_wait3A_1275 = arith.constant 0 : i32
        %dma_wait3A_1276 = tpu.memref_slice %arg23[%dma_wait3A_1275] : memref<10240xf32, #tpu.memory_space<vmem_shared>> -> memref<10240xf32, #tpu.memory_space<vmem_shared>>
        tpu.wait_indirect_dma semaphore(%run_scoped3A : memref<!tpu.dma_semaphore, #tpu.memory_space<semaphore_mem>>) src(%arg17 : memref<128xf32, #tpu.memory_space<vmem>>) dst(%dma_wait3A_1276 : memref<10240xf32, #tpu.memory_space<vmem_shared>>)
        tpu.yield
      }) : () -> ()
      "tpu.region"() ({
        %run_scoped3A = tpu.sem_alloc : memref<!tpu.dma_semaphore, #tpu.memory_space<semaphore_mem>>
        %dma_start3A_1273 = arith.constant 0 : i32
        %dma_start3A_1274 = tpu.memref_slice %arg24[%dma_start3A_1273] : memref<10240xf32, #tpu.memory_space<vmem_shared>> -> memref<10240xf32, #tpu.memory_space<vmem_shared>>
        tpu.enqueue_indirect_dma source(%arg18 : memref<128xf32, #tpu.memory_space<vmem>>) target(%dma_start3A_1274 : memref<10240xf32, #tpu.memory_space<vmem_shared>>) offsets(%arg10 : memref<128xi32, #tpu.memory_space<vmem>>) semaphore(%run_scoped3A : memref<!tpu.dma_semaphore, #tpu.memory_space<semaphore_mem>>) {add = true}
        %dma_wait3A_1275 = arith.constant 0 : i32
        %dma_wait3A_1276 = tpu.memref_slice %arg24[%dma_wait3A_1275] : memref<10240xf32, #tpu.memory_space<vmem_shared>> -> memref<10240xf32, #tpu.memory_space<vmem_shared>>
        tpu.wait_indirect_dma semaphore(%run_scoped3A : memref<!tpu.dma_semaphore, #tpu.memory_space<semaphore_mem>>) src(%arg18 : memref<128xf32, #tpu.memory_space<vmem>>) dst(%dma_wait3A_1276 : memref<10240xf32, #tpu.memory_space<vmem_shared>>)
        tpu.yield
      }) : () -> ()
      %add3A_1266 = arith.constant 2 : i32
      %add3A_1267 = arith.addi %add3A_965, %add3A_1266 : i32
      %lt3A_1268 = arith.constant 80 : i32
      %lt3A_1269 = arith.cmpi slt, %add3A_1267, %lt3A_1268 : i32
      %convert_element_type3A_1270 = arith.extui %lt3A_1269 : i1 to i32
      %cond3A_1271 = arith.constant 0 : i32
      %cond3A_1272 = arith.cmpi ne, %convert_element_type3A_1270, %cond3A_1271 : i32
      scf.if %cond3A_1272 {
        %add3A_1273 = arith.constant 2 : i32
        %add3A_1274 = arith.addi %add3A_965, %add3A_1273 : i32
        %mul3A_1275 = arith.constant 128 : i32
        %mul3A_1276 = arith.muli %add3A_1274, %mul3A_1275 : i32
        %add3A_1277 = arith.addi %add3A, %mul3A_1276 : i32
        %dma_start3A_1278 = arith.constant 0 : i32
        %dma_start3A_1279 = tpu.memref_slice %arg2[%add3A_1277, %dma_start3A_1278] : memref<327680x8xi32, #tpu.memory_space<hbm>> -> memref<128x8xi32, #tpu.memory_space<hbm>>
        %dma_start3A_1280 = arith.constant 0 : i32
        %dma_start3A_1281 = tpu.memref_slice %arg2[%add3A_1277, %dma_start3A_1280] : memref<327680x8xi32, #tpu.memory_space<hbm>> -> memref<128x8xi32, #tpu.memory_space<hbm>>
        tpu.enqueue_dma source(%dma_start3A_1281 : memref<128x8xi32, #tpu.memory_space<hbm>>) target(%arg8 : memref<128x8xi32, #tpu.memory_space<vmem>>) target_semaphore(%arg26 : memref<!tpu.dma_semaphore, #tpu.memory_space<semaphore_mem>>)
      } else {
      }
    }
    %scan3A_629 = arith.constant 39 : i32
    %barrier3A_630 = arith.constant 0 : index
    tpu.barrier barrier_id(%barrier3A_630)
    %mul3A_631 = arith.constant 6 : i32
    %mul3A_632 = arith.muli %arg0, %mul3A_631 : i32
    %mul3A_633 = arith.constant 10240 : i32
    %mul3A_634 = arith.muli %mul3A_632, %mul3A_633 : i32
    %add3A_635 = arith.constant 0 : i32
    %add3A_636 = arith.addi %mul3A_634, %add3A_635 : i32
    %add3A_637 = arith.addi %add3A_636, %mul3A_0 : i32
    "tpu.region"() ({
      %run_scoped3A = tpu.sem_alloc : memref<!tpu.dma_semaphore, #tpu.memory_space<semaphore_mem>>
      %dma_start3A_653 = tpu.memref_slice %arg5[%add3A_637] : memref<122880xf32, #tpu.memory_space<hbm>> -> memref<640xf32, #tpu.memory_space<hbm>>
      %dma_start3A_654 = tpu.memref_slice %arg19[%mul3A_0] : memref<10240xf32, #tpu.memory_space<vmem_shared>> -> memref<640xf32, #tpu.memory_space<vmem_shared>>
      tpu.enqueue_dma source(%dma_start3A_654 : memref<640xf32, #tpu.memory_space<vmem_shared>>) target(%dma_start3A_653 : memref<640xf32, #tpu.memory_space<hbm>>) target_semaphore(%run_scoped3A : memref<!tpu.dma_semaphore, #tpu.memory_space<semaphore_mem>>)
      %dma_wait3A_655 = tpu.memref_slice %arg5[%add3A_637] : memref<122880xf32, #tpu.memory_space<hbm>> -> memref<640xf32, #tpu.memory_space<hbm>>
      %dma_wait3A_656 = tpu.memref_slice %arg19[%mul3A_0] : memref<10240xf32, #tpu.memory_space<vmem_shared>> -> memref<640xf32, #tpu.memory_space<vmem_shared>>
      tpu.wait_dma2 semaphore(%run_scoped3A : memref<!tpu.dma_semaphore, #tpu.memory_space<semaphore_mem>>) src(%dma_wait3A_656 : memref<640xf32, #tpu.memory_space<vmem_shared>>) dst(%dma_wait3A_655 : memref<640xf32, #tpu.memory_space<hbm>>)
      tpu.yield
    }) : () -> ()
    %add3A_638 = arith.constant 10240 : i32
    %add3A_639 = arith.addi %mul3A_634, %add3A_638 : i32
    %add3A_640 = arith.addi %add3A_639, %mul3A_0 : i32
    "tpu.region"() ({
      %run_scoped3A = tpu.sem_alloc : memref<!tpu.dma_semaphore, #tpu.memory_space<semaphore_mem>>
      %dma_start3A_653 = tpu.memref_slice %arg5[%add3A_640] : memref<122880xf32, #tpu.memory_space<hbm>> -> memref<640xf32, #tpu.memory_space<hbm>>
      %dma_start3A_654 = tpu.memref_slice %arg20[%mul3A_0] : memref<10240xf32, #tpu.memory_space<vmem_shared>> -> memref<640xf32, #tpu.memory_space<vmem_shared>>
      tpu.enqueue_dma source(%dma_start3A_654 : memref<640xf32, #tpu.memory_space<vmem_shared>>) target(%dma_start3A_653 : memref<640xf32, #tpu.memory_space<hbm>>) target_semaphore(%run_scoped3A : memref<!tpu.dma_semaphore, #tpu.memory_space<semaphore_mem>>)
      %dma_wait3A_655 = tpu.memref_slice %arg5[%add3A_640] : memref<122880xf32, #tpu.memory_space<hbm>> -> memref<640xf32, #tpu.memory_space<hbm>>
      %dma_wait3A_656 = tpu.memref_slice %arg20[%mul3A_0] : memref<10240xf32, #tpu.memory_space<vmem_shared>> -> memref<640xf32, #tpu.memory_space<vmem_shared>>
      tpu.wait_dma2 semaphore(%run_scoped3A : memref<!tpu.dma_semaphore, #tpu.memory_space<semaphore_mem>>) src(%dma_wait3A_656 : memref<640xf32, #tpu.memory_space<vmem_shared>>) dst(%dma_wait3A_655 : memref<640xf32, #tpu.memory_space<hbm>>)
      tpu.yield
    }) : () -> ()
    %add3A_641 = arith.constant 20480 : i32
    %add3A_642 = arith.addi %mul3A_634, %add3A_641 : i32
    %add3A_643 = arith.addi %add3A_642, %mul3A_0 : i32
    "tpu.region"() ({
      %run_scoped3A = tpu.sem_alloc : memref<!tpu.dma_semaphore, #tpu.memory_space<semaphore_mem>>
      %dma_start3A_653 = tpu.memref_slice %arg5[%add3A_643] : memref<122880xf32, #tpu.memory_space<hbm>> -> memref<640xf32, #tpu.memory_space<hbm>>
      %dma_start3A_654 = tpu.memref_slice %arg21[%mul3A_0] : memref<10240xf32, #tpu.memory_space<vmem_shared>> -> memref<640xf32, #tpu.memory_space<vmem_shared>>
      tpu.enqueue_dma source(%dma_start3A_654 : memref<640xf32, #tpu.memory_space<vmem_shared>>) target(%dma_start3A_653 : memref<640xf32, #tpu.memory_space<hbm>>) target_semaphore(%run_scoped3A : memref<!tpu.dma_semaphore, #tpu.memory_space<semaphore_mem>>)
      %dma_wait3A_655 = tpu.memref_slice %arg5[%add3A_643] : memref<122880xf32, #tpu.memory_space<hbm>> -> memref<640xf32, #tpu.memory_space<hbm>>
      %dma_wait3A_656 = tpu.memref_slice %arg21[%mul3A_0] : memref<10240xf32, #tpu.memory_space<vmem_shared>> -> memref<640xf32, #tpu.memory_space<vmem_shared>>
      tpu.wait_dma2 semaphore(%run_scoped3A : memref<!tpu.dma_semaphore, #tpu.memory_space<semaphore_mem>>) src(%dma_wait3A_656 : memref<640xf32, #tpu.memory_space<vmem_shared>>) dst(%dma_wait3A_655 : memref<640xf32, #tpu.memory_space<hbm>>)
      tpu.yield
    }) : () -> ()
    %add3A_644 = arith.constant 30720 : i32
    %add3A_645 = arith.addi %mul3A_634, %add3A_644 : i32
    %add3A_646 = arith.addi %add3A_645, %mul3A_0 : i32
    "tpu.region"() ({
      %run_scoped3A = tpu.sem_alloc : memref<!tpu.dma_semaphore, #tpu.memory_space<semaphore_mem>>
      %dma_start3A_653 = tpu.memref_slice %arg5[%add3A_646] : memref<122880xf32, #tpu.memory_space<hbm>> -> memref<640xf32, #tpu.memory_space<hbm>>
      %dma_start3A_654 = tpu.memref_slice %arg22[%mul3A_0] : memref<10240xf32, #tpu.memory_space<vmem_shared>> -> memref<640xf32, #tpu.memory_space<vmem_shared>>
      tpu.enqueue_dma source(%dma_start3A_654 : memref<640xf32, #tpu.memory_space<vmem_shared>>) target(%dma_start3A_653 : memref<640xf32, #tpu.memory_space<hbm>>) target_semaphore(%run_scoped3A : memref<!tpu.dma_semaphore, #tpu.memory_space<semaphore_mem>>)
      %dma_wait3A_655 = tpu.memref_slice %arg5[%add3A_646] : memref<122880xf32, #tpu.memory_space<hbm>> -> memref<640xf32, #tpu.memory_space<hbm>>
      %dma_wait3A_656 = tpu.memref_slice %arg22[%mul3A_0] : memref<10240xf32, #tpu.memory_space<vmem_shared>> -> memref<640xf32, #tpu.memory_space<vmem_shared>>
      tpu.wait_dma2 semaphore(%run_scoped3A : memref<!tpu.dma_semaphore, #tpu.memory_space<semaphore_mem>>) src(%dma_wait3A_656 : memref<640xf32, #tpu.memory_space<vmem_shared>>) dst(%dma_wait3A_655 : memref<640xf32, #tpu.memory_space<hbm>>)
      tpu.yield
    }) : () -> ()
    %add3A_647 = arith.constant 40960 : i32
    %add3A_648 = arith.addi %mul3A_634, %add3A_647 : i32
    %add3A_649 = arith.addi %add3A_648, %mul3A_0 : i32
    "tpu.region"() ({
      %run_scoped3A = tpu.sem_alloc : memref<!tpu.dma_semaphore, #tpu.memory_space<semaphore_mem>>
      %dma_start3A_653 = tpu.memref_slice %arg5[%add3A_649] : memref<122880xf32, #tpu.memory_space<hbm>> -> memref<640xf32, #tpu.memory_space<hbm>>
      %dma_start3A_654 = tpu.memref_slice %arg23[%mul3A_0] : memref<10240xf32, #tpu.memory_space<vmem_shared>> -> memref<640xf32, #tpu.memory_space<vmem_shared>>
      tpu.enqueue_dma source(%dma_start3A_654 : memref<640xf32, #tpu.memory_space<vmem_shared>>) target(%dma_start3A_653 : memref<640xf32, #tpu.memory_space<hbm>>) target_semaphore(%run_scoped3A : memref<!tpu.dma_semaphore, #tpu.memory_space<semaphore_mem>>)
      %dma_wait3A_655 = tpu.memref_slice %arg5[%add3A_649] : memref<122880xf32, #tpu.memory_space<hbm>> -> memref<640xf32, #tpu.memory_space<hbm>>
      %dma_wait3A_656 = tpu.memref_slice %arg23[%mul3A_0] : memref<10240xf32, #tpu.memory_space<vmem_shared>> -> memref<640xf32, #tpu.memory_space<vmem_shared>>
      tpu.wait_dma2 semaphore(%run_scoped3A : memref<!tpu.dma_semaphore, #tpu.memory_space<semaphore_mem>>) src(%dma_wait3A_656 : memref<640xf32, #tpu.memory_space<vmem_shared>>) dst(%dma_wait3A_655 : memref<640xf32, #tpu.memory_space<hbm>>)
      tpu.yield
    }) : () -> ()
    %add3A_650 = arith.constant 51200 : i32
    %add3A_651 = arith.addi %mul3A_634, %add3A_650 : i32
    %add3A_652 = arith.addi %add3A_651, %mul3A_0 : i32
    "tpu.region"() ({
      %run_scoped3A = tpu.sem_alloc : memref<!tpu.dma_semaphore, #tpu.memory_space<semaphore_mem>>
      %dma_start3A_653 = tpu.memref_slice %arg5[%add3A_652] : memref<122880xf32, #tpu.memory_space<hbm>> -> memref<640xf32, #tpu.memory_space<hbm>>
      %dma_start3A_654 = tpu.memref_slice %arg24[%mul3A_0] : memref<10240xf32, #tpu.memory_space<vmem_shared>> -> memref<640xf32, #tpu.memory_space<vmem_shared>>
      tpu.enqueue_dma source(%dma_start3A_654 : memref<640xf32, #tpu.memory_space<vmem_shared>>) target(%dma_start3A_653 : memref<640xf32, #tpu.memory_space<hbm>>) target_semaphore(%run_scoped3A : memref<!tpu.dma_semaphore, #tpu.memory_space<semaphore_mem>>)
      %dma_wait3A_655 = tpu.memref_slice %arg5[%add3A_652] : memref<122880xf32, #tpu.memory_space<hbm>> -> memref<640xf32, #tpu.memory_space<hbm>>
      %dma_wait3A_656 = tpu.memref_slice %arg24[%mul3A_0] : memref<10240xf32, #tpu.memory_space<vmem_shared>> -> memref<640xf32, #tpu.memory_space<vmem_shared>>
      tpu.wait_dma2 semaphore(%run_scoped3A : memref<!tpu.dma_semaphore, #tpu.memory_space<semaphore_mem>>) src(%dma_wait3A_656 : memref<640xf32, #tpu.memory_space<vmem_shared>>) dst(%dma_wait3A_655 : memref<640xf32, #tpu.memory_space<hbm>>)
      tpu.yield
    }) : () -> ()
    return
  }
}

#map = affine_map<(d0, d1) -> (0, 0)>
#map1 = affine_map<(d0, d1) -> (0)>
module attributes {stable_mosaic.version = 14 : i64} {
  func.func @_scatter_body(%arg0: i32, %arg1: i32, %arg2: memref<327680x128xf32, #tpu.memory_space<hbm>>, %arg3: memref<327680xi32, #tpu.memory_space<hbm>>, %arg4: memref<10240x128xf32, #tpu.memory_space<hbm>>, %arg5: memref<20480x128xf32, #tpu.memory_space<hbm>>, %arg6: memref<128xi32, #tpu.memory_space<vmem>>, %arg7: memref<128xi32, #tpu.memory_space<vmem>>, %arg8: memref<128x128xf32, #tpu.memory_space<vmem>>, %arg9: memref<128x128xf32, #tpu.memory_space<vmem>>, %arg10: memref<10240x128xf32, #tpu.memory_space<vmem_shared>>, %arg11: memref<!tpu.dma_semaphore, #tpu.memory_space<semaphore_mem>>, %arg12: memref<!tpu.dma_semaphore, #tpu.memory_space<semaphore_mem>>) attributes {dimension_semantics = [#tpu.dimension_semantics<core_parallel>, #tpu.dimension_semantics<subcore_parallel>], iteration_bounds = array<i64: 2, 16>, scalar_prefetch = 0 : i64, scratch_operands = 7 : i64, tpu.core_type = #tpu.core_type<sc_vector_subcore>, window_params = [{transform_indices = #map}, {transform_indices = #map1}, {transform_indices = #map}, {transform_indices = #map}]} {
    %mul3A = arith.constant 640 : i32
    %mul3A_0 = arith.muli %arg1, %mul3A : i32
    %mul3A_1 = arith.constant 640 : i32
    %mul3A_2 = arith.muli %arg1, %mul3A_1 : i32
    "tpu.region"() ({
      %run_scoped3A = tpu.sem_alloc : memref<!tpu.dma_semaphore, #tpu.memory_space<semaphore_mem>>
      %dma_start3A_39 = arith.constant 0 : i32
      %dma_start3A_40 = tpu.memref_slice %arg10[%mul3A_2, %dma_start3A_39] : memref<10240x128xf32, #tpu.memory_space<vmem_shared>> -> memref<640x128xf32, #tpu.memory_space<vmem_shared>>
      %dma_start3A_41 = arith.constant 0 : i32
      %dma_start3A_42 = tpu.memref_slice %arg4[%mul3A_0, %dma_start3A_41] : memref<10240x128xf32, #tpu.memory_space<hbm>> -> memref<640x128xf32, #tpu.memory_space<hbm>>
      tpu.enqueue_dma source(%dma_start3A_42 : memref<640x128xf32, #tpu.memory_space<hbm>>) target(%dma_start3A_40 : memref<640x128xf32, #tpu.memory_space<vmem_shared>>) target_semaphore(%run_scoped3A : memref<!tpu.dma_semaphore, #tpu.memory_space<semaphore_mem>>)
      %dma_wait3A = arith.constant 0 : i32
      %dma_wait3A_43 = tpu.memref_slice %arg10[%mul3A_2, %dma_wait3A] : memref<10240x128xf32, #tpu.memory_space<vmem_shared>> -> memref<640x128xf32, #tpu.memory_space<vmem_shared>>
      %dma_wait3A_44 = arith.constant 0 : i32
      %dma_wait3A_45 = tpu.memref_slice %arg4[%mul3A_0, %dma_wait3A_44] : memref<10240x128xf32, #tpu.memory_space<hbm>> -> memref<640x128xf32, #tpu.memory_space<hbm>>
      tpu.wait_dma2 semaphore(%run_scoped3A : memref<!tpu.dma_semaphore, #tpu.memory_space<semaphore_mem>>) src(%dma_wait3A_45 : memref<640x128xf32, #tpu.memory_space<hbm>>) dst(%dma_wait3A_43 : memref<640x128xf32, #tpu.memory_space<vmem_shared>>)
      tpu.yield
    }) : () -> ()
    %barrier3A = arith.constant 0 : index
    tpu.barrier barrier_id(%barrier3A)
    %mul3A_3 = arith.constant 163840 : i32
    %mul3A_4 = arith.muli %arg0, %mul3A_3 : i32
    %mul3A_5 = arith.constant 10240 : i32
    %mul3A_6 = arith.muli %arg1, %mul3A_5 : i32
    %add3A = arith.addi %mul3A_4, %mul3A_6 : i32
    %add3A_7 = arith.constant 0 : i32
    %add3A_8 = arith.addi %add3A, %add3A_7 : i32
    %dma_start3A = tpu.memref_slice %arg3[%add3A_8] : memref<327680xi32, #tpu.memory_space<hbm>> -> memref<128xi32, #tpu.memory_space<hbm>>
    %dma_start3A_9 = tpu.memref_slice %arg3[%add3A_8] : memref<327680xi32, #tpu.memory_space<hbm>> -> memref<128xi32, #tpu.memory_space<hbm>>
    tpu.enqueue_dma source(%dma_start3A_9 : memref<128xi32, #tpu.memory_space<hbm>>) target(%arg6 : memref<128xi32, #tpu.memory_space<vmem>>) target_semaphore(%arg11 : memref<!tpu.dma_semaphore, #tpu.memory_space<semaphore_mem>>)
    %add3A_10 = arith.constant 0 : i32
    %add3A_11 = arith.addi %add3A, %add3A_10 : i32
    %dma_start3A_12 = arith.constant 0 : i32
    %dma_start3A_13 = tpu.memref_slice %arg2[%add3A_11, %dma_start3A_12] : memref<327680x128xf32, #tpu.memory_space<hbm>> -> memref<128x128xf32, #tpu.memory_space<hbm>>
    %dma_start3A_14 = arith.constant 0 : i32
    %dma_start3A_15 = tpu.memref_slice %arg2[%add3A_11, %dma_start3A_14] : memref<327680x128xf32, #tpu.memory_space<hbm>> -> memref<128x128xf32, #tpu.memory_space<hbm>>
    tpu.enqueue_dma source(%dma_start3A_15 : memref<128x128xf32, #tpu.memory_space<hbm>>) target(%arg8 : memref<128x128xf32, #tpu.memory_space<vmem>>) target_semaphore(%arg11 : memref<!tpu.dma_semaphore, #tpu.memory_space<semaphore_mem>>)
    %add3A_16 = arith.constant 128 : i32
    %add3A_17 = arith.addi %add3A, %add3A_16 : i32
    %dma_start3A_18 = tpu.memref_slice %arg3[%add3A_17] : memref<327680xi32, #tpu.memory_space<hbm>> -> memref<128xi32, #tpu.memory_space<hbm>>
    %dma_start3A_19 = tpu.memref_slice %arg3[%add3A_17] : memref<327680xi32, #tpu.memory_space<hbm>> -> memref<128xi32, #tpu.memory_space<hbm>>
    tpu.enqueue_dma source(%dma_start3A_19 : memref<128xi32, #tpu.memory_space<hbm>>) target(%arg7 : memref<128xi32, #tpu.memory_space<vmem>>) target_semaphore(%arg12 : memref<!tpu.dma_semaphore, #tpu.memory_space<semaphore_mem>>)
    %add3A_20 = arith.constant 128 : i32
    %add3A_21 = arith.addi %add3A, %add3A_20 : i32
    %dma_start3A_22 = arith.constant 0 : i32
    %dma_start3A_23 = tpu.memref_slice %arg2[%add3A_21, %dma_start3A_22] : memref<327680x128xf32, #tpu.memory_space<hbm>> -> memref<128x128xf32, #tpu.memory_space<hbm>>
    %dma_start3A_24 = arith.constant 0 : i32
    %dma_start3A_25 = tpu.memref_slice %arg2[%add3A_21, %dma_start3A_24] : memref<327680x128xf32, #tpu.memory_space<hbm>> -> memref<128x128xf32, #tpu.memory_space<hbm>>
    tpu.enqueue_dma source(%dma_start3A_25 : memref<128x128xf32, #tpu.memory_space<hbm>>) target(%arg9 : memref<128x128xf32, #tpu.memory_space<vmem>>) target_semaphore(%arg12 : memref<!tpu.dma_semaphore, #tpu.memory_space<semaphore_mem>>)
    %scan3A = arith.constant 0 : i32
    %scan3A_26 = arith.constant 0 : i32
    %scan3A_27 = arith.constant 40 : i32
    %scan3A_28 = arith.addi %scan3A_26, %scan3A_27 : i32
    %scan3A_29 = arith.constant 1 : i32
    scf.for %scan3A_39 = %scan3A_26 to %scan3A_28 step %scan3A_29  : i32 {
      %mul3A_40 = arith.constant 2 : i32
      %mul3A_41 = arith.muli %mul3A_40, %scan3A_39 : i32
      %dma_wait3A = tpu.memref_slice %arg3[%add3A] : memref<327680xi32, #tpu.memory_space<hbm>> -> memref<128xi32, #tpu.memory_space<hbm>>
      %dma_wait3A_42 = tpu.memref_slice %arg3[%add3A] : memref<327680xi32, #tpu.memory_space<hbm>> -> memref<128xi32, #tpu.memory_space<hbm>>
      tpu.wait_dma2 semaphore(%arg11 : memref<!tpu.dma_semaphore, #tpu.memory_space<semaphore_mem>>) src(%dma_wait3A_42 : memref<128xi32, #tpu.memory_space<hbm>>) dst(%arg6 : memref<128xi32, #tpu.memory_space<vmem>>)
      %dma_wait3A_43 = arith.constant 0 : i32
      %dma_wait3A_44 = tpu.memref_slice %arg2[%add3A, %dma_wait3A_43] : memref<327680x128xf32, #tpu.memory_space<hbm>> -> memref<128x128xf32, #tpu.memory_space<hbm>>
      %dma_wait3A_45 = arith.constant 0 : i32
      %dma_wait3A_46 = tpu.memref_slice %arg2[%add3A, %dma_wait3A_45] : memref<327680x128xf32, #tpu.memory_space<hbm>> -> memref<128x128xf32, #tpu.memory_space<hbm>>
      tpu.wait_dma2 semaphore(%arg11 : memref<!tpu.dma_semaphore, #tpu.memory_space<semaphore_mem>>) src(%dma_wait3A_46 : memref<128x128xf32, #tpu.memory_space<hbm>>) dst(%arg8 : memref<128x128xf32, #tpu.memory_space<vmem>>)
      "tpu.region"() ({
        %run_scoped3A = tpu.sem_alloc : memref<!tpu.dma_semaphore, #tpu.memory_space<semaphore_mem>>
        %dma_start3A_68 = arith.constant 0 : i32
        %dma_start3A_69 = arith.constant 0 : i32
        %dma_start3A_70 = tpu.memref_slice %arg10[%dma_start3A_68, %dma_start3A_69] : memref<10240x128xf32, #tpu.memory_space<vmem_shared>> -> memref<10240x128xf32, #tpu.memory_space<vmem_shared>>
        tpu.enqueue_indirect_dma source(%arg8 : memref<128x128xf32, #tpu.memory_space<vmem>>) target(%dma_start3A_70 : memref<10240x128xf32, #tpu.memory_space<vmem_shared>>) offsets(%arg6 : memref<128xi32, #tpu.memory_space<vmem>>) semaphore(%run_scoped3A : memref<!tpu.dma_semaphore, #tpu.memory_space<semaphore_mem>>) {add = true}
        %dma_wait3A_71 = arith.constant 0 : i32
        %dma_wait3A_72 = arith.constant 0 : i32
        %dma_wait3A_73 = tpu.memref_slice %arg10[%dma_wait3A_71, %dma_wait3A_72] : memref<10240x128xf32, #tpu.memory_space<vmem_shared>> -> memref<10240x128xf32, #tpu.memory_space<vmem_shared>>
        tpu.wait_indirect_dma semaphore(%run_scoped3A : memref<!tpu.dma_semaphore, #tpu.memory_space<semaphore_mem>>) src(%arg8 : memref<128x128xf32, #tpu.memory_space<vmem>>) dst(%dma_wait3A_73 : memref<10240x128xf32, #tpu.memory_space<vmem_shared>>)
        tpu.yield
      }) : () -> ()
      %add3A_47 = arith.constant 2 : i32
      %add3A_48 = arith.addi %mul3A_41, %add3A_47 : i32
      %lt3A = arith.constant 80 : i32
      %lt3A_49 = arith.cmpi slt, %add3A_48, %lt3A : i32
      %convert_element_type3A = arith.extui %lt3A_49 : i1 to i32
      %cond3A = arith.constant 0 : i32
      %cond3A_50 = arith.cmpi ne, %convert_element_type3A, %cond3A : i32
      scf.if %cond3A_50 {
        %add3A_68 = arith.constant 2 : i32
        %add3A_69 = arith.addi %mul3A_41, %add3A_68 : i32
        %mul3A_70 = arith.constant 128 : i32
        %mul3A_71 = arith.muli %add3A_69, %mul3A_70 : i32
        %add3A_72 = arith.addi %add3A, %mul3A_71 : i32
        %dma_start3A_73 = tpu.memref_slice %arg3[%add3A_72] : memref<327680xi32, #tpu.memory_space<hbm>> -> memref<128xi32, #tpu.memory_space<hbm>>
        %dma_start3A_74 = tpu.memref_slice %arg3[%add3A_72] : memref<327680xi32, #tpu.memory_space<hbm>> -> memref<128xi32, #tpu.memory_space<hbm>>
        tpu.enqueue_dma source(%dma_start3A_74 : memref<128xi32, #tpu.memory_space<hbm>>) target(%arg6 : memref<128xi32, #tpu.memory_space<vmem>>) target_semaphore(%arg11 : memref<!tpu.dma_semaphore, #tpu.memory_space<semaphore_mem>>)
        %mul3A_75 = arith.constant 128 : i32
        %mul3A_76 = arith.muli %add3A_69, %mul3A_75 : i32
        %add3A_77 = arith.addi %add3A, %mul3A_76 : i32
        %dma_start3A_78 = arith.constant 0 : i32
        %dma_start3A_79 = tpu.memref_slice %arg2[%add3A_77, %dma_start3A_78] : memref<327680x128xf32, #tpu.memory_space<hbm>> -> memref<128x128xf32, #tpu.memory_space<hbm>>
        %dma_start3A_80 = arith.constant 0 : i32
        %dma_start3A_81 = tpu.memref_slice %arg2[%add3A_77, %dma_start3A_80] : memref<327680x128xf32, #tpu.memory_space<hbm>> -> memref<128x128xf32, #tpu.memory_space<hbm>>
        tpu.enqueue_dma source(%dma_start3A_81 : memref<128x128xf32, #tpu.memory_space<hbm>>) target(%arg8 : memref<128x128xf32, #tpu.memory_space<vmem>>) target_semaphore(%arg11 : memref<!tpu.dma_semaphore, #tpu.memory_space<semaphore_mem>>)
      } else {
      }
      %mul3A_51 = arith.constant 2 : i32
      %mul3A_52 = arith.muli %mul3A_51, %scan3A_39 : i32
      %add3A_53 = arith.constant 1 : i32
      %add3A_54 = arith.addi %mul3A_52, %add3A_53 : i32
      %dma_wait3A_55 = tpu.memref_slice %arg3[%add3A] : memref<327680xi32, #tpu.memory_space<hbm>> -> memref<128xi32, #tpu.memory_space<hbm>>
      %dma_wait3A_56 = tpu.memref_slice %arg3[%add3A] : memref<327680xi32, #tpu.memory_space<hbm>> -> memref<128xi32, #tpu.memory_space<hbm>>
      tpu.wait_dma2 semaphore(%arg12 : memref<!tpu.dma_semaphore, #tpu.memory_space<semaphore_mem>>) src(%dma_wait3A_56 : memref<128xi32, #tpu.memory_space<hbm>>) dst(%arg7 : memref<128xi32, #tpu.memory_space<vmem>>)
      %dma_wait3A_57 = arith.constant 0 : i32
      %dma_wait3A_58 = tpu.memref_slice %arg2[%add3A, %dma_wait3A_57] : memref<327680x128xf32, #tpu.memory_space<hbm>> -> memref<128x128xf32, #tpu.memory_space<hbm>>
      %dma_wait3A_59 = arith.constant 0 : i32
      %dma_wait3A_60 = tpu.memref_slice %arg2[%add3A, %dma_wait3A_59] : memref<327680x128xf32, #tpu.memory_space<hbm>> -> memref<128x128xf32, #tpu.memory_space<hbm>>
      tpu.wait_dma2 semaphore(%arg12 : memref<!tpu.dma_semaphore, #tpu.memory_space<semaphore_mem>>) src(%dma_wait3A_60 : memref<128x128xf32, #tpu.memory_space<hbm>>) dst(%arg9 : memref<128x128xf32, #tpu.memory_space<vmem>>)
      "tpu.region"() ({
        %run_scoped3A = tpu.sem_alloc : memref<!tpu.dma_semaphore, #tpu.memory_space<semaphore_mem>>
        %dma_start3A_68 = arith.constant 0 : i32
        %dma_start3A_69 = arith.constant 0 : i32
        %dma_start3A_70 = tpu.memref_slice %arg10[%dma_start3A_68, %dma_start3A_69] : memref<10240x128xf32, #tpu.memory_space<vmem_shared>> -> memref<10240x128xf32, #tpu.memory_space<vmem_shared>>
        tpu.enqueue_indirect_dma source(%arg9 : memref<128x128xf32, #tpu.memory_space<vmem>>) target(%dma_start3A_70 : memref<10240x128xf32, #tpu.memory_space<vmem_shared>>) offsets(%arg7 : memref<128xi32, #tpu.memory_space<vmem>>) semaphore(%run_scoped3A : memref<!tpu.dma_semaphore, #tpu.memory_space<semaphore_mem>>) {add = true}
        %dma_wait3A_71 = arith.constant 0 : i32
        %dma_wait3A_72 = arith.constant 0 : i32
        %dma_wait3A_73 = tpu.memref_slice %arg10[%dma_wait3A_71, %dma_wait3A_72] : memref<10240x128xf32, #tpu.memory_space<vmem_shared>> -> memref<10240x128xf32, #tpu.memory_space<vmem_shared>>
        tpu.wait_indirect_dma semaphore(%run_scoped3A : memref<!tpu.dma_semaphore, #tpu.memory_space<semaphore_mem>>) src(%arg9 : memref<128x128xf32, #tpu.memory_space<vmem>>) dst(%dma_wait3A_73 : memref<10240x128xf32, #tpu.memory_space<vmem_shared>>)
        tpu.yield
      }) : () -> ()
      %add3A_61 = arith.constant 2 : i32
      %add3A_62 = arith.addi %add3A_54, %add3A_61 : i32
      %lt3A_63 = arith.constant 80 : i32
      %lt3A_64 = arith.cmpi slt, %add3A_62, %lt3A_63 : i32
      %convert_element_type3A_65 = arith.extui %lt3A_64 : i1 to i32
      %cond3A_66 = arith.constant 0 : i32
      %cond3A_67 = arith.cmpi ne, %convert_element_type3A_65, %cond3A_66 : i32
      scf.if %cond3A_67 {
        %add3A_68 = arith.constant 2 : i32
        %add3A_69 = arith.addi %add3A_54, %add3A_68 : i32
        %mul3A_70 = arith.constant 128 : i32
        %mul3A_71 = arith.muli %add3A_69, %mul3A_70 : i32
        %add3A_72 = arith.addi %add3A, %mul3A_71 : i32
        %dma_start3A_73 = tpu.memref_slice %arg3[%add3A_72] : memref<327680xi32, #tpu.memory_space<hbm>> -> memref<128xi32, #tpu.memory_space<hbm>>
        %dma_start3A_74 = tpu.memref_slice %arg3[%add3A_72] : memref<327680xi32, #tpu.memory_space<hbm>> -> memref<128xi32, #tpu.memory_space<hbm>>
        tpu.enqueue_dma source(%dma_start3A_74 : memref<128xi32, #tpu.memory_space<hbm>>) target(%arg7 : memref<128xi32, #tpu.memory_space<vmem>>) target_semaphore(%arg12 : memref<!tpu.dma_semaphore, #tpu.memory_space<semaphore_mem>>)
        %mul3A_75 = arith.constant 128 : i32
        %mul3A_76 = arith.muli %add3A_69, %mul3A_75 : i32
        %add3A_77 = arith.addi %add3A, %mul3A_76 : i32
        %dma_start3A_78 = arith.constant 0 : i32
        %dma_start3A_79 = tpu.memref_slice %arg2[%add3A_77, %dma_start3A_78] : memref<327680x128xf32, #tpu.memory_space<hbm>> -> memref<128x128xf32, #tpu.memory_space<hbm>>
        %dma_start3A_80 = arith.constant 0 : i32
        %dma_start3A_81 = tpu.memref_slice %arg2[%add3A_77, %dma_start3A_80] : memref<327680x128xf32, #tpu.memory_space<hbm>> -> memref<128x128xf32, #tpu.memory_space<hbm>>
        tpu.enqueue_dma source(%dma_start3A_81 : memref<128x128xf32, #tpu.memory_space<hbm>>) target(%arg9 : memref<128x128xf32, #tpu.memory_space<vmem>>) target_semaphore(%arg12 : memref<!tpu.dma_semaphore, #tpu.memory_space<semaphore_mem>>)
      } else {
      }
    }
    %scan3A_30 = arith.constant 40 : i32
    %barrier3A_31 = arith.constant 0 : index
    tpu.barrier barrier_id(%barrier3A_31)
    %mul3A_32 = arith.constant 640 : i32
    %mul3A_33 = arith.muli %arg1, %mul3A_32 : i32
    %mul3A_34 = arith.constant 10240 : i32
    %mul3A_35 = arith.muli %arg0, %mul3A_34 : i32
    %mul3A_36 = arith.constant 640 : i32
    %mul3A_37 = arith.muli %arg1, %mul3A_36 : i32
    %add3A_38 = arith.addi %mul3A_35, %mul3A_37 : i32
    "tpu.region"() ({
      %run_scoped3A = tpu.sem_alloc : memref<!tpu.dma_semaphore, #tpu.memory_space<semaphore_mem>>
      %dma_start3A_39 = arith.constant 0 : i32
      %dma_start3A_40 = tpu.memref_slice %arg5[%add3A_38, %dma_start3A_39] : memref<20480x128xf32, #tpu.memory_space<hbm>> -> memref<640x128xf32, #tpu.memory_space<hbm>>
      %dma_start3A_41 = arith.constant 0 : i32
      %dma_start3A_42 = tpu.memref_slice %arg10[%mul3A_33, %dma_start3A_41] : memref<10240x128xf32, #tpu.memory_space<vmem_shared>> -> memref<640x128xf32, #tpu.memory_space<vmem_shared>>
      tpu.enqueue_dma source(%dma_start3A_42 : memref<640x128xf32, #tpu.memory_space<vmem_shared>>) target(%dma_start3A_40 : memref<640x128xf32, #tpu.memory_space<hbm>>) target_semaphore(%run_scoped3A : memref<!tpu.dma_semaphore, #tpu.memory_space<semaphore_mem>>)
      %dma_wait3A = arith.constant 0 : i32
      %dma_wait3A_43 = tpu.memref_slice %arg5[%add3A_38, %dma_wait3A] : memref<20480x128xf32, #tpu.memory_space<hbm>> -> memref<640x128xf32, #tpu.memory_space<hbm>>
      %dma_wait3A_44 = arith.constant 0 : i32
      %dma_wait3A_45 = tpu.memref_slice %arg10[%mul3A_33, %dma_wait3A_44] : memref<10240x128xf32, #tpu.memory_space<vmem_shared>> -> memref<640x128xf32, #tpu.memory_space<vmem_shared>>
      tpu.wait_dma2 semaphore(%run_scoped3A : memref<!tpu.dma_semaphore, #tpu.memory_space<semaphore_mem>>) src(%dma_wait3A_45 : memref<640x128xf32, #tpu.memory_space<vmem_shared>>) dst(%dma_wait3A_43 : memref<640x128xf32, #tpu.memory_space<hbm>>)
      tpu.yield
    }) : () -> ()
    return
  }
}

#map = affine_map<(d0, d1) -> (0)>
module attributes {stable_mosaic.version = 14 : i64} {
  func.func @_geom_body(%arg0: i32, %arg1: i32, %arg2: memref<327680xi32, #tpu.memory_space<hbm>>, %arg3: memref<327680xi32, #tpu.memory_space<hbm>>, %arg4: memref<10000xi32, #tpu.memory_space<hbm>>, %arg5: memref<10000xf32, #tpu.memory_space<hbm>>, %arg6: memref<10000xf32, #tpu.memory_space<hbm>>, %arg7: memref<10000xf32, #tpu.memory_space<hbm>>, %arg8: memref<327680xf32, #tpu.memory_space<hbm>>, %arg9: memref<327680xi32, #tpu.memory_space<hbm>>, %arg10: memref<327680xf32, #tpu.memory_space<hbm>>, %arg11: memref<327680xf32, #tpu.memory_space<hbm>>, %arg12: memref<327680xf32, #tpu.memory_space<hbm>>, %arg13: memref<10000xf32, #tpu.memory_space<vmem>>, %arg14: memref<10000xf32, #tpu.memory_space<vmem>>, %arg15: memref<10000xf32, #tpu.memory_space<vmem>>, %arg16: memref<10000xi32, #tpu.memory_space<vmem>>, %arg17: memref<10240xi32, #tpu.memory_space<vmem>>, %arg18: memref<10240xi32, #tpu.memory_space<vmem>>, %arg19: memref<10240xf32, #tpu.memory_space<vmem>>, %arg20: memref<10240xi32, #tpu.memory_space<vmem>>, %arg21: memref<10240xf32, #tpu.memory_space<vmem>>, %arg22: memref<10240xf32, #tpu.memory_space<vmem>>, %arg23: memref<10240xf32, #tpu.memory_space<vmem>>) attributes {dimension_semantics = [#tpu.dimension_semantics<core_parallel>, #tpu.dimension_semantics<subcore_parallel>], iteration_bounds = array<i64: 2, 16>, scalar_prefetch = 0 : i64, scratch_operands = 11 : i64, tpu.core_type = #tpu.core_type<sc_vector_subcore>, window_params = [{transform_indices = #map}, {transform_indices = #map}, {transform_indices = #map}, {transform_indices = #map}, {transform_indices = #map}, {transform_indices = #map}, {transform_indices = #map}, {transform_indices = #map}, {transform_indices = #map}, {transform_indices = #map}, {transform_indices = #map}]} {
    %mul3A = arith.constant 2 : i32
    %mul3A_0 = arith.muli %arg1, %mul3A : i32
    %add3A = arith.addi %mul3A_0, %arg0 : i32
    %mul3A_1 = arith.constant 10240 : i32
    %mul3A_2 = arith.muli %add3A, %mul3A_1 : i32
    "tpu.region"() ({
      %run_scoped3A = tpu.sem_alloc : memref<!tpu.dma_semaphore, #tpu.memory_space<semaphore_mem>>
      tpu.enqueue_dma source(%arg5 : memref<10000xf32, #tpu.memory_space<hbm>>) target(%arg13 : memref<10000xf32, #tpu.memory_space<vmem>>) target_semaphore(%run_scoped3A : memref<!tpu.dma_semaphore, #tpu.memory_space<semaphore_mem>>)
      tpu.wait_dma2 semaphore(%run_scoped3A : memref<!tpu.dma_semaphore, #tpu.memory_space<semaphore_mem>>) src(%arg5 : memref<10000xf32, #tpu.memory_space<hbm>>) dst(%arg13 : memref<10000xf32, #tpu.memory_space<vmem>>)
      tpu.yield
    }) : () -> ()
    "tpu.region"() ({
      %run_scoped3A = tpu.sem_alloc : memref<!tpu.dma_semaphore, #tpu.memory_space<semaphore_mem>>
      tpu.enqueue_dma source(%arg6 : memref<10000xf32, #tpu.memory_space<hbm>>) target(%arg14 : memref<10000xf32, #tpu.memory_space<vmem>>) target_semaphore(%run_scoped3A : memref<!tpu.dma_semaphore, #tpu.memory_space<semaphore_mem>>)
      tpu.wait_dma2 semaphore(%run_scoped3A : memref<!tpu.dma_semaphore, #tpu.memory_space<semaphore_mem>>) src(%arg6 : memref<10000xf32, #tpu.memory_space<hbm>>) dst(%arg14 : memref<10000xf32, #tpu.memory_space<vmem>>)
      tpu.yield
    }) : () -> ()
    "tpu.region"() ({
      %run_scoped3A = tpu.sem_alloc : memref<!tpu.dma_semaphore, #tpu.memory_space<semaphore_mem>>
      tpu.enqueue_dma source(%arg7 : memref<10000xf32, #tpu.memory_space<hbm>>) target(%arg15 : memref<10000xf32, #tpu.memory_space<vmem>>) target_semaphore(%run_scoped3A : memref<!tpu.dma_semaphore, #tpu.memory_space<semaphore_mem>>)
      tpu.wait_dma2 semaphore(%run_scoped3A : memref<!tpu.dma_semaphore, #tpu.memory_space<semaphore_mem>>) src(%arg7 : memref<10000xf32, #tpu.memory_space<hbm>>) dst(%arg15 : memref<10000xf32, #tpu.memory_space<vmem>>)
      tpu.yield
    }) : () -> ()
    "tpu.region"() ({
      %run_scoped3A = tpu.sem_alloc : memref<!tpu.dma_semaphore, #tpu.memory_space<semaphore_mem>>
      tpu.enqueue_dma source(%arg4 : memref<10000xi32, #tpu.memory_space<hbm>>) target(%arg16 : memref<10000xi32, #tpu.memory_space<vmem>>) target_semaphore(%run_scoped3A : memref<!tpu.dma_semaphore, #tpu.memory_space<semaphore_mem>>)
      tpu.wait_dma2 semaphore(%run_scoped3A : memref<!tpu.dma_semaphore, #tpu.memory_space<semaphore_mem>>) src(%arg4 : memref<10000xi32, #tpu.memory_space<hbm>>) dst(%arg16 : memref<10000xi32, #tpu.memory_space<vmem>>)
      tpu.yield
    }) : () -> ()
    "tpu.region"() ({
      %run_scoped3A = tpu.sem_alloc : memref<!tpu.dma_semaphore, #tpu.memory_space<semaphore_mem>>
      %dma_start3A = tpu.memref_slice %arg2[%mul3A_2] : memref<327680xi32, #tpu.memory_space<hbm>> -> memref<10240xi32, #tpu.memory_space<hbm>>
      %dma_start3A_8 = tpu.memref_slice %arg2[%mul3A_2] : memref<327680xi32, #tpu.memory_space<hbm>> -> memref<10240xi32, #tpu.memory_space<hbm>>
      tpu.enqueue_dma source(%dma_start3A_8 : memref<10240xi32, #tpu.memory_space<hbm>>) target(%arg17 : memref<10240xi32, #tpu.memory_space<vmem>>) target_semaphore(%run_scoped3A : memref<!tpu.dma_semaphore, #tpu.memory_space<semaphore_mem>>)
      %dma_wait3A = tpu.memref_slice %arg2[%mul3A_2] : memref<327680xi32, #tpu.memory_space<hbm>> -> memref<10240xi32, #tpu.memory_space<hbm>>
      %dma_wait3A_9 = tpu.memref_slice %arg2[%mul3A_2] : memref<327680xi32, #tpu.memory_space<hbm>> -> memref<10240xi32, #tpu.memory_space<hbm>>
      tpu.wait_dma2 semaphore(%run_scoped3A : memref<!tpu.dma_semaphore, #tpu.memory_space<semaphore_mem>>) src(%dma_wait3A_9 : memref<10240xi32, #tpu.memory_space<hbm>>) dst(%arg17 : memref<10240xi32, #tpu.memory_space<vmem>>)
      tpu.yield
    }) : () -> ()
    "tpu.region"() ({
      %run_scoped3A = tpu.sem_alloc : memref<!tpu.dma_semaphore, #tpu.memory_space<semaphore_mem>>
      %dma_start3A = tpu.memref_slice %arg3[%mul3A_2] : memref<327680xi32, #tpu.memory_space<hbm>> -> memref<10240xi32, #tpu.memory_space<hbm>>
      %dma_start3A_8 = tpu.memref_slice %arg3[%mul3A_2] : memref<327680xi32, #tpu.memory_space<hbm>> -> memref<10240xi32, #tpu.memory_space<hbm>>
      tpu.enqueue_dma source(%dma_start3A_8 : memref<10240xi32, #tpu.memory_space<hbm>>) target(%arg18 : memref<10240xi32, #tpu.memory_space<vmem>>) target_semaphore(%run_scoped3A : memref<!tpu.dma_semaphore, #tpu.memory_space<semaphore_mem>>)
      %dma_wait3A = tpu.memref_slice %arg3[%mul3A_2] : memref<327680xi32, #tpu.memory_space<hbm>> -> memref<10240xi32, #tpu.memory_space<hbm>>
      %dma_wait3A_9 = tpu.memref_slice %arg3[%mul3A_2] : memref<327680xi32, #tpu.memory_space<hbm>> -> memref<10240xi32, #tpu.memory_space<hbm>>
      tpu.wait_dma2 semaphore(%run_scoped3A : memref<!tpu.dma_semaphore, #tpu.memory_space<semaphore_mem>>) src(%dma_wait3A_9 : memref<10240xi32, #tpu.memory_space<hbm>>) dst(%arg18 : memref<10240xi32, #tpu.memory_space<vmem>>)
      tpu.yield
    }) : () -> ()
    %scan3A = arith.constant 0 : i32
    %scan3A_3 = arith.constant 0 : i32
    %scan3A_4 = arith.constant 640 : i32
    %scan3A_5 = arith.addi %scan3A_3, %scan3A_4 : i32
    %scan3A_6 = arith.constant 1 : i32
    scf.for %scan3A_8 = %scan3A_3 to %scan3A_5 step %scan3A_6  : i32 {
      %mul3A_9 = arith.constant 16 : i32
      %mul3A_10 = arith.muli %scan3A_8, %mul3A_9 : i32
      %get3A = arith.index_cast %mul3A_10 : i32 to index
      %get3A_11 = tpu.vector_load %arg17[%get3A] {strides = array<i32>} : memref<10240xi32, #tpu.memory_space<vmem>>, vector<16xi32>,
      %get3A_12 = arith.index_cast %mul3A_10 : i32 to index
      %get3A_13 = tpu.vector_load %arg18[%get3A_12] {strides = array<i32>} : memref<10240xi32, #tpu.memory_space<vmem>>, vector<16xi32>,
      %gather3A = tpu.vector_load_idx %arg13[%get3A_11] : memref<10000xf32, #tpu.memory_space<vmem>>[vector<16xi32>], vector<16xf32>,
      %gather3A_14 = tpu.vector_load_idx %arg13[%get3A_13] : memref<10000xf32, #tpu.memory_space<vmem>>[vector<16xi32>], vector<16xf32>,
      %sub3A = arith.subf %gather3A, %gather3A_14 : vector<16xf32>
      %gather3A_15 = tpu.vector_load_idx %arg14[%get3A_11] : memref<10000xf32, #tpu.memory_space<vmem>>[vector<16xi32>], vector<16xf32>,
      %gather3A_16 = tpu.vector_load_idx %arg14[%get3A_13] : memref<10000xf32, #tpu.memory_space<vmem>>[vector<16xi32>], vector<16xf32>,
      %sub3A_17 = arith.subf %gather3A_15, %gather3A_16 : vector<16xf32>
      %gather3A_18 = tpu.vector_load_idx %arg15[%get3A_11] : memref<10000xf32, #tpu.memory_space<vmem>>[vector<16xi32>], vector<16xf32>,
      %gather3A_19 = tpu.vector_load_idx %arg15[%get3A_13] : memref<10000xf32, #tpu.memory_space<vmem>>[vector<16xi32>], vector<16xf32>,
      %sub3A_20 = arith.subf %gather3A_18, %gather3A_19 : vector<16xf32>
      %gather3A_21 = tpu.vector_load_idx %arg16[%get3A_11] : memref<10000xi32, #tpu.memory_space<vmem>>[vector<16xi32>], vector<16xi32>,
      %mul3A_22 = arith.mulf %sub3A, %sub3A : vector<16xf32>
      %mul3A_23 = arith.mulf %sub3A_17, %sub3A_17 : vector<16xf32>
      %add3A_24 = arith.addf %mul3A_22, %mul3A_23 : vector<16xf32>
      %mul3A_25 = arith.mulf %sub3A_20, %sub3A_20 : vector<16xf32>
      %add3A_26 = arith.addf %add3A_24, %mul3A_25 : vector<16xf32>
      %add3A_27 = arith.constant 9.99999993E-9 : f32
      %add3A_28 = vector.broadcast %add3A_27 : f32 to vector<16xf32>
      %add3A_29 = arith.addf %add3A_26, %add3A_28 : vector<16xf32>
      %bitcast_convert_type3A = tpu.bitcast %add3A_29 : vector<16xf32> -> vector<16xi32>
      %shift_right_arithmetic3A = arith.constant 1 : i32
      %shift_right_arithmetic3A_30 = vector.broadcast %shift_right_arithmetic3A : i32 to vector<16xi32>
      %shift_right_arithmetic3A_31 = arith.shrsi %bitcast_convert_type3A, %shift_right_arithmetic3A_30 : vector<16xi32>
      %sub3A_32 = arith.constant 1597463007 : i32
      %sub3A_33 = vector.broadcast %sub3A_32 : i32 to vector<16xi32>
      %sub3A_34 = arith.subi %sub3A_33, %shift_right_arithmetic3A_31 : vector<16xi32>
      %bitcast_convert_type3A_35 = tpu.bitcast %sub3A_34 : vector<16xi32> -> vector<16xf32>
      %mul3A_36 = arith.constant 5.000000e-01 : f32
      %mul3A_37 = vector.broadcast %mul3A_36 : f32 to vector<16xf32>
      %mul3A_38 = arith.mulf %mul3A_37, %add3A_29 : vector<16xf32>
      %mul3A_39 = arith.mulf %mul3A_38, %bitcast_convert_type3A_35 : vector<16xf32>
      %mul3A_40 = arith.mulf %mul3A_39, %bitcast_convert_type3A_35 : vector<16xf32>
      %sub3A_41 = arith.constant 1.500000e+00 : f32
      %sub3A_42 = vector.broadcast %sub3A_41 : f32 to vector<16xf32>
      %sub3A_43 = arith.subf %sub3A_42, %mul3A_40 : vector<16xf32>
      %mul3A_44 = arith.mulf %bitcast_convert_type3A_35, %sub3A_43 : vector<16xf32>
      %mul3A_45 = arith.constant 5.000000e-01 : f32
      %mul3A_46 = vector.broadcast %mul3A_45 : f32 to vector<16xf32>
      %mul3A_47 = arith.mulf %mul3A_46, %add3A_29 : vector<16xf32>
      %mul3A_48 = arith.mulf %mul3A_47, %mul3A_44 : vector<16xf32>
      %mul3A_49 = arith.mulf %mul3A_48, %mul3A_44 : vector<16xf32>
      %sub3A_50 = arith.constant 1.500000e+00 : f32
      %sub3A_51 = vector.broadcast %sub3A_50 : f32 to vector<16xf32>
      %sub3A_52 = arith.subf %sub3A_51, %mul3A_49 : vector<16xf32>
      %mul3A_53 = arith.mulf %mul3A_44, %sub3A_52 : vector<16xf32>
      %mul3A_54 = arith.constant 5.000000e-01 : f32
      %mul3A_55 = vector.broadcast %mul3A_54 : f32 to vector<16xf32>
      %mul3A_56 = arith.mulf %mul3A_55, %add3A_29 : vector<16xf32>
      %mul3A_57 = arith.mulf %mul3A_56, %mul3A_53 : vector<16xf32>
      %mul3A_58 = arith.mulf %mul3A_57, %mul3A_53 : vector<16xf32>
      %sub3A_59 = arith.constant 1.500000e+00 : f32
      %sub3A_60 = vector.broadcast %sub3A_59 : f32 to vector<16xf32>
      %sub3A_61 = arith.subf %sub3A_60, %mul3A_58 : vector<16xf32>
      %mul3A_62 = arith.mulf %mul3A_53, %sub3A_61 : vector<16xf32>
      %mul3A_63 = arith.mulf %add3A_29, %mul3A_62 : vector<16xf32>
      %swap3A = arith.index_cast %mul3A_10 : i32 to index
      %swap3A_64 = tpu.vector_load %arg19[%swap3A] {strides = array<i32>} : memref<10240xf32, #tpu.memory_space<vmem>>, vector<16xf32>,
      tpu.vector_store %arg19[%swap3A], %mul3A_63 {strides = array<i32>} : memref<10240xf32, #tpu.memory_space<vmem>>, vector<16xf32>,
      %swap3A_65 = arith.index_cast %mul3A_10 : i32 to index
      %swap3A_66 = tpu.vector_load %arg20[%swap3A_65] {strides = array<i32>} : memref<10240xi32, #tpu.memory_space<vmem>>, vector<16xi32>,
      tpu.vector_store %arg20[%swap3A_65], %gather3A_21 {strides = array<i32>} : memref<10240xi32, #tpu.memory_space<vmem>>, vector<16xi32>,
      %mul3A_67 = arith.mulf %sub3A, %mul3A_62 : vector<16xf32>
      %swap3A_68 = arith.index_cast %mul3A_10 : i32 to index
      %swap3A_69 = tpu.vector_load %arg21[%swap3A_68] {strides = array<i32>} : memref<10240xf32, #tpu.memory_space<vmem>>, vector<16xf32>,
      tpu.vector_store %arg21[%swap3A_68], %mul3A_67 {strides = array<i32>} : memref<10240xf32, #tpu.memory_space<vmem>>, vector<16xf32>,
      %mul3A_70 = arith.mulf %sub3A_17, %mul3A_62 : vector<16xf32>
      %swap3A_71 = arith.index_cast %mul3A_10 : i32 to index
      %swap3A_72 = tpu.vector_load %arg22[%swap3A_71] {strides = array<i32>} : memref<10240xf32, #tpu.memory_space<vmem>>, vector<16xf32>,
      tpu.vector_store %arg22[%swap3A_71], %mul3A_70 {strides = array<i32>} : memref<10240xf32, #tpu.memory_space<vmem>>, vector<16xf32>,
      %mul3A_73 = arith.mulf %sub3A_20, %mul3A_62 : vector<16xf32>
      %swap3A_74 = arith.index_cast %mul3A_10 : i32 to index
      %swap3A_75 = tpu.vector_load %arg23[%swap3A_74] {strides = array<i32>} : memref<10240xf32, #tpu.memory_space<vmem>>, vector<16xf32>,
      tpu.vector_store %arg23[%swap3A_74], %mul3A_73 {strides = array<i32>} : memref<10240xf32, #tpu.memory_space<vmem>>, vector<16xf32>,
    }
    %scan3A_7 = arith.constant 640 : i32
    "tpu.region"() ({
      %run_scoped3A = tpu.sem_alloc : memref<!tpu.dma_semaphore, #tpu.memory_space<semaphore_mem>>
      %dma_start3A = tpu.memref_slice %arg8[%mul3A_2] : memref<327680xf32, #tpu.memory_space<hbm>> -> memref<10240xf32, #tpu.memory_space<hbm>>
      %dma_start3A_8 = tpu.memref_slice %arg8[%mul3A_2] : memref<327680xf32, #tpu.memory_space<hbm>> -> memref<10240xf32, #tpu.memory_space<hbm>>
      tpu.enqueue_dma source(%arg19 : memref<10240xf32, #tpu.memory_space<vmem>>) target(%dma_start3A_8 : memref<10240xf32, #tpu.memory_space<hbm>>) target_semaphore(%run_scoped3A : memref<!tpu.dma_semaphore, #tpu.memory_space<semaphore_mem>>)
      %dma_wait3A = tpu.memref_slice %arg8[%mul3A_2] : memref<327680xf32, #tpu.memory_space<hbm>> -> memref<10240xf32, #tpu.memory_space<hbm>>
      %dma_wait3A_9 = tpu.memref_slice %arg8[%mul3A_2] : memref<327680xf32, #tpu.memory_space<hbm>> -> memref<10240xf32, #tpu.memory_space<hbm>>
      tpu.wait_dma2 semaphore(%run_scoped3A : memref<!tpu.dma_semaphore, #tpu.memory_space<semaphore_mem>>) src(%arg19 : memref<10240xf32, #tpu.memory_space<vmem>>) dst(%dma_wait3A_9 : memref<10240xf32, #tpu.memory_space<hbm>>)
      tpu.yield
    }) : () -> ()
    "tpu.region"() ({
      %run_scoped3A = tpu.sem_alloc : memref<!tpu.dma_semaphore, #tpu.memory_space<semaphore_mem>>
      %dma_start3A = tpu.memref_slice %arg9[%mul3A_2] : memref<327680xi32, #tpu.memory_space<hbm>> -> memref<10240xi32, #tpu.memory_space<hbm>>
      %dma_start3A_8 = tpu.memref_slice %arg9[%mul3A_2] : memref<327680xi32, #tpu.memory_space<hbm>> -> memref<10240xi32, #tpu.memory_space<hbm>>
      tpu.enqueue_dma source(%arg20 : memref<10240xi32, #tpu.memory_space<vmem>>) target(%dma_start3A_8 : memref<10240xi32, #tpu.memory_space<hbm>>) target_semaphore(%run_scoped3A : memref<!tpu.dma_semaphore, #tpu.memory_space<semaphore_mem>>)
      %dma_wait3A = tpu.memref_slice %arg9[%mul3A_2] : memref<327680xi32, #tpu.memory_space<hbm>> -> memref<10240xi32, #tpu.memory_space<hbm>>
      %dma_wait3A_9 = tpu.memref_slice %arg9[%mul3A_2] : memref<327680xi32, #tpu.memory_space<hbm>> -> memref<10240xi32, #tpu.memory_space<hbm>>
      tpu.wait_dma2 semaphore(%run_scoped3A : memref<!tpu.dma_semaphore, #tpu.memory_space<semaphore_mem>>) src(%arg20 : memref<10240xi32, #tpu.memory_space<vmem>>) dst(%dma_wait3A_9 : memref<10240xi32, #tpu.memory_space<hbm>>)
      tpu.yield
    }) : () -> ()
    "tpu.region"() ({
      %run_scoped3A = tpu.sem_alloc : memref<!tpu.dma_semaphore, #tpu.memory_space<semaphore_mem>>
      %dma_start3A = tpu.memref_slice %arg10[%mul3A_2] : memref<327680xf32, #tpu.memory_space<hbm>> -> memref<10240xf32, #tpu.memory_space<hbm>>
      %dma_start3A_8 = tpu.memref_slice %arg10[%mul3A_2] : memref<327680xf32, #tpu.memory_space<hbm>> -> memref<10240xf32, #tpu.memory_space<hbm>>
      tpu.enqueue_dma source(%arg21 : memref<10240xf32, #tpu.memory_space<vmem>>) target(%dma_start3A_8 : memref<10240xf32, #tpu.memory_space<hbm>>) target_semaphore(%run_scoped3A : memref<!tpu.dma_semaphore, #tpu.memory_space<semaphore_mem>>)
      %dma_wait3A = tpu.memref_slice %arg10[%mul3A_2] : memref<327680xf32, #tpu.memory_space<hbm>> -> memref<10240xf32, #tpu.memory_space<hbm>>
      %dma_wait3A_9 = tpu.memref_slice %arg10[%mul3A_2] : memref<327680xf32, #tpu.memory_space<hbm>> -> memref<10240xf32, #tpu.memory_space<hbm>>
      tpu.wait_dma2 semaphore(%run_scoped3A : memref<!tpu.dma_semaphore, #tpu.memory_space<semaphore_mem>>) src(%arg21 : memref<10240xf32, #tpu.memory_space<vmem>>) dst(%dma_wait3A_9 : memref<10240xf32, #tpu.memory_space<hbm>>)
      tpu.yield
    }) : () -> ()
    "tpu.region"() ({
      %run_scoped3A = tpu.sem_alloc : memref<!tpu.dma_semaphore, #tpu.memory_space<semaphore_mem>>
      %dma_start3A = tpu.memref_slice %arg11[%mul3A_2] : memref<327680xf32, #tpu.memory_space<hbm>> -> memref<10240xf32, #tpu.memory_space<hbm>>
      %dma_start3A_8 = tpu.memref_slice %arg11[%mul3A_2] : memref<327680xf32, #tpu.memory_space<hbm>> -> memref<10240xf32, #tpu.memory_space<hbm>>
      tpu.enqueue_dma source(%arg22 : memref<10240xf32, #tpu.memory_space<vmem>>) target(%dma_start3A_8 : memref<10240xf32, #tpu.memory_space<hbm>>) target_semaphore(%run_scoped3A : memref<!tpu.dma_semaphore, #tpu.memory_space<semaphore_mem>>)
      %dma_wait3A = tpu.memref_slice %arg11[%mul3A_2] : memref<327680xf32, #tpu.memory_space<hbm>> -> memref<10240xf32, #tpu.memory_space<hbm>>
      %dma_wait3A_9 = tpu.memref_slice %arg11[%mul3A_2] : memref<327680xf32, #tpu.memory_space<hbm>> -> memref<10240xf32, #tpu.memory_space<hbm>>
      tpu.wait_dma2 semaphore(%run_scoped3A : memref<!tpu.dma_semaphore, #tpu.memory_space<semaphore_mem>>) src(%arg22 : memref<10240xf32, #tpu.memory_space<vmem>>) dst(%dma_wait3A_9 : memref<10240xf32, #tpu.memory_space<hbm>>)
      tpu.yield
    }) : () -> ()
    "tpu.region"() ({
      %run_scoped3A = tpu.sem_alloc : memref<!tpu.dma_semaphore, #tpu.memory_space<semaphore_mem>>
      %dma_start3A = tpu.memref_slice %arg12[%mul3A_2] : memref<327680xf32, #tpu.memory_space<hbm>> -> memref<10240xf32, #tpu.memory_space<hbm>>
      %dma_start3A_8 = tpu.memref_slice %arg12[%mul3A_2] : memref<327680xf32, #tpu.memory_space<hbm>> -> memref<10240xf32, #tpu.memory_space<hbm>>
      tpu.enqueue_dma source(%arg23 : memref<10240xf32, #tpu.memory_space<vmem>>) target(%dma_start3A_8 : memref<10240xf32, #tpu.memory_space<hbm>>) target_semaphore(%run_scoped3A : memref<!tpu.dma_semaphore, #tpu.memory_space<semaphore_mem>>)
      %dma_wait3A = tpu.memref_slice %arg12[%mul3A_2] : memref<327680xf32, #tpu.memory_space<hbm>> -> memref<10240xf32, #tpu.memory_space<hbm>>
      %dma_wait3A_9 = tpu.memref_slice %arg12[%mul3A_2] : memref<327680xf32, #tpu.memory_space<hbm>> -> memref<10240xf32, #tpu.memory_space<hbm>>
      tpu.wait_dma2 semaphore(%run_scoped3A : memref<!tpu.dma_semaphore, #tpu.memory_space<semaphore_mem>>) src(%arg23 : memref<10240xf32, #tpu.memory_space<vmem>>) dst(%dma_wait3A_9 : memref<10240xf32, #tpu.memory_space<hbm>>)
      tpu.yield
    }) : () -> ()
    return
  }
}

module attributes {stable_mosaic.version = 14 : i64} {
  func.func @_msg_body(%arg0: i32, %arg1: memref<5120x1xf32, #tpu.memory_space<vmem>>, %arg2: memref<5120x1xf32, #tpu.memory_space<vmem>>, %arg3: memref<32x128xf32, #tpu.memory_space<vmem>>, %arg4: memref<128x128xf32, #tpu.memory_space<vmem>>, %arg5: memref<5120x128xf32, #tpu.memory_space<vmem>>) attributes {dimension_semantics = [#tpu.dimension_semantics<arbitrary>], iteration_bounds = array<i64: 64>, scalar_prefetch = 0 : i64, scratch_operands = 0 : i64, tpu.core_type = #tpu.core_type<tc>, window_params = [{transform_indices = @transform_0, window_bounds = array<i64: 5120, 1>}, {transform_indices = @transform_1, window_bounds = array<i64: 5120, 1>}, {pipeline_mode = #tpu.pipeline_mode<synchronous>, transform_indices = @transform_2, window_bounds = array<i64: 32, 128>}, {pipeline_mode = #tpu.pipeline_mode<synchronous>, transform_indices = @transform_3, window_bounds = array<i64: 128, 128>}, {transform_indices = @transform_4, window_bounds = array<i64: 5120, 128>}]} {
    %get3A = arith.constant 0 : index
    %get3A_0 = arith.constant 0 : index
    %get3A_1 = vector.load %arg1[%get3A, %get3A_0] : memref<5120x1xf32, #tpu.memory_space<vmem>>, vector<5120x1xf32>
    %get3A_2 = arith.constant 0 : index
    %get3A_3 = arith.constant 0 : index
    %get3A_4 = vector.load %arg2[%get3A_2, %get3A_3] : memref<5120x1xf32, #tpu.memory_space<vmem>>, vector<5120x1xf32>
    %iota3A = tpu.iota {dimensions = array<i32: 1>} : vector<1x32xi32>
    %convert_element_type3A = arith.sitofp %iota3A : vector<1x32xi32> to vector<1x32xf32>
    %mul3A = arith.constant 0.193548381 : f32
    %mul3A_5 = vector.broadcast %mul3A : f32 to vector<1x32xf32>
    %mul3A_6 = arith.mulf %convert_element_type3A, %mul3A_5 : vector<1x32xf32>
    %sub3A = vector.broadcast %get3A_1 : vector<5120x1xf32> to vector<5120x32xf32>
    %sub3A_7 = vector.broadcast %mul3A_6 : vector<1x32xf32> to vector<5120x32xf32>
    %sub3A_8 = arith.subf %sub3A, %sub3A_7 : vector<5120x32xf32>
    %integer_pow3A = arith.mulf %sub3A_8, %sub3A_8 : vector<5120x32xf32>
    %mul3A_9 = arith.constant -1.000000e+01 : f32
    %mul3A_10 = vector.broadcast %mul3A_9 : f32 to vector<5120x32xf32>
    %mul3A_11 = arith.mulf %mul3A_10, %integer_pow3A : vector<5120x32xf32>
    %exp3A = math.exp %mul3A_11 : vector<5120x32xf32>
    %get3A_12 = arith.constant 0 : index
    %get3A_13 = arith.constant 0 : index
    %get3A_14 = vector.load %arg3[%get3A_12, %get3A_13] : memref<32x128xf32, #tpu.memory_space<vmem>>, vector<32x128xf32>
    %dot_general3A = arith.constant dense<0.000000e+00> : vector<5120x128xf32>
    %dot_general3A_15 = tpu.matmul %exp3A, %get3A_14, %dot_general3A {dimension_numbers = #tpu.dot_dimension_numbers<[1], [0], [0], [1], [0, 0, 1, 1], [], []>, transpose_lhs_hint = false} : vector<5120x32xf32>, vector<32x128xf32>, vector<5120x128xf32> -> vector<5120x128xf32>
    %iota3A_16 = tpu.iota {dimensions = array<i32: 1>} : vector<1x128xi32>
    %convert_element_type3A_17 = arith.sitofp %iota3A_16 : vector<1x128xi32> to vector<1x128xf32>
    %eq3A = vector.broadcast %get3A_4 : vector<5120x1xf32> to vector<5120x128xf32>
    %eq3A_18 = vector.broadcast %convert_element_type3A_17 : vector<1x128xf32> to vector<5120x128xf32>
    %eq3A_19 = arith.cmpf oeq, %eq3A, %eq3A_18 : vector<5120x128xf32>
    %jit3A = arith.constant 1.000000e+00 : f32
    %jit3A_20 = arith.constant 0.000000e+00 : f32
    %broadcast_in_dim3A = vector.broadcast %jit3A : f32 to vector<5120x128xf32>
    %broadcast_in_dim3A_21 = vector.broadcast %jit3A_20 : f32 to vector<5120x128xf32>
    %select_n3A = arith.select %eq3A_19, %broadcast_in_dim3A, %broadcast_in_dim3A_21 : vector<5120x128xi1>, vector<5120x128xf32>
    %get3A_22 = arith.constant 0 : index
    %get3A_23 = arith.constant 0 : index
    %get3A_24 = vector.load %arg4[%get3A_22, %get3A_23] : memref<128x128xf32, #tpu.memory_space<vmem>>, vector<128x128xf32>
    %dot_general3A_25 = arith.constant dense<0.000000e+00> : vector<5120x128xf32>
    %dot_general3A_26 = tpu.matmul %select_n3A, %get3A_24, %dot_general3A_25 {dimension_numbers = #tpu.dot_dimension_numbers<[1], [0], [0], [1], [0, 0, 1, 1], [], []>, transpose_lhs_hint = false} : vector<5120x128xf32>, vector<128x128xf32>, vector<5120x128xf32> -> vector<5120x128xf32>
    %mul3A_27 = arith.mulf %dot_general3A_26, %dot_general3A_15 : vector<5120x128xf32>
    %logistic3A = arith.negf %mul3A_27 : vector<5120x128xf32>
    %logistic3A_28 = math.exp %logistic3A : vector<5120x128xf32>
    %logistic3A_29 = arith.constant 1.000000e+00 : f32
    %logistic3A_30 = vector.broadcast %logistic3A_29 : f32 to vector<5120x128xf32>
    %logistic3A_31 = arith.addf %logistic3A_30, %logistic3A_28 : vector<5120x128xf32>
    %logistic3A_32 = arith.divf %logistic3A_30, %logistic3A_31 : vector<5120x128xf32>
    %mul3A_33 = arith.mulf %mul3A_27, %logistic3A_32 : vector<5120x128xf32>
    %swap3A = arith.constant 0 : index
    %swap3A_34 = arith.constant 0 : index
    %swap3A_35 = vector.load %arg5[%swap3A, %swap3A_34] : memref<5120x128xf32, #tpu.memory_space<vmem>>, vector<5120x128xf32>
    tpu.vector_store %arg5[%swap3A, %swap3A_34], %mul3A_33 {strides = array<i32>} : memref<5120x128xf32, #tpu.memory_space<vmem>>, vector<5120x128xf32>,
    return
  }
  func.func @transform_0(%arg0: i32) -> (i32, i32) {
    %c0_i32 = arith.constant 0 : i32
    %c0_i32_0 = arith.constant 0 : i32
    return %arg0, %c0_i32 : i32, i32
  }
  func.func @transform_1(%arg0: i32) -> (i32, i32) {
    %c0_i32 = arith.constant 0 : i32
    %c0_i32_0 = arith.constant 0 : i32
    return %arg0, %c0_i32 : i32, i32
  }
  func.func @transform_2(%arg0: i32) -> (i32, i32) {
    %c0_i32 = arith.constant 0 : i32
    %c0_i32_0 = arith.constant 0 : i32
    %c0_i32_1 = arith.constant 0 : i32
    return %c0_i32, %c0_i32_0 : i32, i32
  }
  func.func @transform_3(%arg0: i32) -> (i32, i32) {
    %c0_i32 = arith.constant 0 : i32
    %c0_i32_0 = arith.constant 0 : i32
    %c0_i32_1 = arith.constant 0 : i32
    return %c0_i32, %c0_i32_0 : i32, i32
  }
  func.func @transform_4(%arg0: i32) -> (i32, i32) {
    %c0_i32 = arith.constant 0 : i32
    %c0_i32_0 = arith.constant 0 : i32
    return %arg0, %c0_i32 : i32, i32
  }
}

module attributes {stable_mosaic.version = 14 : i64} {
  func.func @_node_body(%arg0: i32, %arg1: memref<2048x128xf32, #tpu.memory_space<vmem>>, %arg2: memref<2048x128xf32, #tpu.memory_space<vmem>>, %arg3: memref<2048x1xf32, #tpu.memory_space<vmem>>, %arg4: memref<2048x1xf32, #tpu.memory_space<vmem>>, %arg5: memref<128x128xf32, #tpu.memory_space<vmem>>, %arg6: memref<128x128xf32, #tpu.memory_space<vmem>>, %arg7: memref<128x128xf32, #tpu.memory_space<vmem>>, %arg8: memref<128x1xf32, #tpu.memory_space<vmem>>, %arg9: memref<128x128xf32, #tpu.memory_space<vmem>>, %arg10: memref<128x1xf32, #tpu.memory_space<vmem>>, %arg11: memref<1x256xf32, #tpu.memory_space<vmem>>, %arg12: memref<2048x1xf32, #tpu.memory_space<vmem>>) attributes {dimension_semantics = [#tpu.dimension_semantics<arbitrary>], iteration_bounds = array<i64: 5>, scalar_prefetch = 0 : i64, scratch_operands = 0 : i64, tpu.core_type = #tpu.core_type<tc>, window_params = [{transform_indices = @transform_0, window_bounds = array<i64: 2048, 128>}, {transform_indices = @transform_1, window_bounds = array<i64: 2048, 128>}, {transform_indices = @transform_2, window_bounds = array<i64: 2048, 1>}, {transform_indices = @transform_3, window_bounds = array<i64: 2048, 1>}, {pipeline_mode = #tpu.pipeline_mode<synchronous>, transform_indices = @transform_4, window_bounds = array<i64: 128, 128>}, {pipeline_mode = #tpu.pipeline_mode<synchronous>, transform_indices = @transform_5, window_bounds = array<i64: 128, 128>}, {pipeline_mode = #tpu.pipeline_mode<synchronous>, transform_indices = @transform_6, window_bounds = array<i64: 128, 128>}, {pipeline_mode = #tpu.pipeline_mode<synchronous>, transform_indices = @transform_7, window_bounds = array<i64: 128, 1>}, {pipeline_mode = #tpu.pipeline_mode<synchronous>, transform_indices = @transform_8, window_bounds = array<i64: 128, 128>}, {pipeline_mode = #tpu.pipeline_mode<synchronous>, transform_indices = @transform_9, window_bounds = array<i64: 128, 1>}, {pipeline_mode = #tpu.pipeline_mode<synchronous>, transform_indices = @transform_10, window_bounds = array<i64: 1, 256>}, {transform_indices = @transform_11, window_bounds = array<i64: 2048, 1>}]} {
    %get3A = arith.constant 0 : index
    %get3A_0 = arith.constant 0 : index
    %get3A_1 = vector.load %arg3[%get3A, %get3A_0] : memref<2048x1xf32, #tpu.memory_space<vmem>>, vector<2048x1xf32>
    %iota3A = tpu.iota {dimensions = array<i32: 1>} : vector<1x128xi32>
    %convert_element_type3A = arith.sitofp %iota3A : vector<1x128xi32> to vector<1x128xf32>
    %eq3A = vector.broadcast %get3A_1 : vector<2048x1xf32> to vector<2048x128xf32>
    %eq3A_2 = vector.broadcast %convert_element_type3A : vector<1x128xf32> to vector<2048x128xf32>
    %eq3A_3 = arith.cmpf oeq, %eq3A, %eq3A_2 : vector<2048x128xf32>
    %jit3A = arith.constant 1.000000e+00 : f32
    %jit3A_4 = arith.constant 0.000000e+00 : f32
    %broadcast_in_dim3A = vector.broadcast %jit3A : f32 to vector<2048x128xf32>
    %broadcast_in_dim3A_5 = vector.broadcast %jit3A_4 : f32 to vector<2048x128xf32>
    %select_n3A = arith.select %eq3A_3, %broadcast_in_dim3A, %broadcast_in_dim3A_5 : vector<2048x128xi1>, vector<2048x128xf32>
    %get3A_6 = arith.constant 0 : index
    %get3A_7 = arith.constant 0 : index
    %get3A_8 = vector.load %arg5[%get3A_6, %get3A_7] : memref<128x128xf32, #tpu.memory_space<vmem>>, vector<128x128xf32>
    %dot_general3A = arith.constant dense<0.000000e+00> : vector<2048x128xf32>
    %dot_general3A_9 = tpu.matmul %select_n3A, %get3A_8, %dot_general3A {dimension_numbers = #tpu.dot_dimension_numbers<[1], [0], [0], [1], [0, 0, 1, 1], [], []>, transpose_lhs_hint = false} : vector<2048x128xf32>, vector<128x128xf32>, vector<2048x128xf32> -> vector<2048x128xf32>
    %get3A_10 = arith.constant 0 : index
    %get3A_11 = arith.constant 0 : index
    %get3A_12 = vector.load %arg1[%get3A_10, %get3A_11] : memref<2048x128xf32, #tpu.memory_space<vmem>>, vector<2048x128xf32>
    %get3A_13 = arith.constant 0 : index
    %get3A_14 = arith.constant 0 : index
    %get3A_15 = vector.load %arg2[%get3A_13, %get3A_14] : memref<2048x128xf32, #tpu.memory_space<vmem>>, vector<2048x128xf32>
    %add3A = arith.addf %get3A_12, %get3A_15 : vector<2048x128xf32>
    %get3A_16 = arith.constant 0 : index
    %get3A_17 = arith.constant 0 : index
    %get3A_18 = vector.load %arg6[%get3A_16, %get3A_17] : memref<128x128xf32, #tpu.memory_space<vmem>>, vector<128x128xf32>
    %dot_general3A_19 = arith.constant dense<0.000000e+00> : vector<2048x128xf32>
    %dot_general3A_20 = tpu.matmul %add3A, %get3A_18, %dot_general3A_19 {dimension_numbers = #tpu.dot_dimension_numbers<[1], [0], [0], [1], [0, 0, 1, 1], [], []>, transpose_lhs_hint = false} : vector<2048x128xf32>, vector<128x128xf32>, vector<2048x128xf32> -> vector<2048x128xf32>
    %logistic3A = arith.negf %dot_general3A_20 : vector<2048x128xf32>
    %logistic3A_21 = math.exp %logistic3A : vector<2048x128xf32>
    %logistic3A_22 = arith.constant 1.000000e+00 : f32
    %logistic3A_23 = vector.broadcast %logistic3A_22 : f32 to vector<2048x128xf32>
    %logistic3A_24 = arith.addf %logistic3A_23, %logistic3A_21 : vector<2048x128xf32>
    %logistic3A_25 = arith.divf %logistic3A_23, %logistic3A_24 : vector<2048x128xf32>
    %mul3A = arith.mulf %dot_general3A_20, %logistic3A_25 : vector<2048x128xf32>
    %add3A_26 = arith.addf %dot_general3A_9, %mul3A : vector<2048x128xf32>
    %get3A_27 = arith.constant 0 : index
    %get3A_28 = arith.constant 0 : index
    %get3A_29 = vector.load %arg7[%get3A_27, %get3A_28] : memref<128x128xf32, #tpu.memory_space<vmem>>, vector<128x128xf32>
    %dot_general3A_30 = arith.constant dense<0.000000e+00> : vector<2048x128xf32>
    %dot_general3A_31 = tpu.matmul %add3A_26, %get3A_29, %dot_general3A_30 {dimension_numbers = #tpu.dot_dimension_numbers<[1], [0], [0], [1], [0, 0, 1, 1], [], []>, transpose_lhs_hint = false} : vector<2048x128xf32>, vector<128x128xf32>, vector<2048x128xf32> -> vector<2048x128xf32>
    %logistic3A_32 = arith.negf %dot_general3A_31 : vector<2048x128xf32>
    %logistic3A_33 = math.exp %logistic3A_32 : vector<2048x128xf32>
    %logistic3A_34 = arith.constant 1.000000e+00 : f32
    %logistic3A_35 = vector.broadcast %logistic3A_34 : f32 to vector<2048x128xf32>
    %logistic3A_36 = arith.addf %logistic3A_35, %logistic3A_33 : vector<2048x128xf32>
    %logistic3A_37 = arith.divf %logistic3A_35, %logistic3A_36 : vector<2048x128xf32>
    %mul3A_38 = arith.mulf %dot_general3A_31, %logistic3A_37 : vector<2048x128xf32>
    %get3A_39 = arith.constant 0 : index
    %get3A_40 = arith.constant 0 : index
    %get3A_41 = vector.load %arg8[%get3A_39, %get3A_40] : memref<128x1xf32, #tpu.memory_space<vmem>>, vector<128x1xf32>
    %dot_general3A_42 = arith.constant dense<0.000000e+00> : vector<2048x1xf32>
    %dot_general3A_43 = tpu.matmul %mul3A_38, %get3A_41, %dot_general3A_42 {dimension_numbers = #tpu.dot_dimension_numbers<[1], [0], [0], [1], [0, 0, 1, 1], [], []>, transpose_lhs_hint = false} : vector<2048x128xf32>, vector<128x1xf32>, vector<2048x1xf32> -> vector<2048x1xf32>
    %get3A_44 = arith.constant 0 : index
    %get3A_45 = arith.constant 0 : index
    %get3A_46 = vector.load %arg9[%get3A_44, %get3A_45] : memref<128x128xf32, #tpu.memory_space<vmem>>, vector<128x128xf32>
    %dot_general3A_47 = arith.constant dense<0.000000e+00> : vector<2048x128xf32>
    %dot_general3A_48 = tpu.matmul %add3A_26, %get3A_46, %dot_general3A_47 {dimension_numbers = #tpu.dot_dimension_numbers<[1], [0], [0], [1], [0, 0, 1, 1], [], []>, transpose_lhs_hint = false} : vector<2048x128xf32>, vector<128x128xf32>, vector<2048x128xf32> -> vector<2048x128xf32>
    %logistic3A_49 = arith.negf %dot_general3A_48 : vector<2048x128xf32>
    %logistic3A_50 = math.exp %logistic3A_49 : vector<2048x128xf32>
    %logistic3A_51 = arith.constant 1.000000e+00 : f32
    %logistic3A_52 = vector.broadcast %logistic3A_51 : f32 to vector<2048x128xf32>
    %logistic3A_53 = arith.addf %logistic3A_52, %logistic3A_50 : vector<2048x128xf32>
    %logistic3A_54 = arith.divf %logistic3A_52, %logistic3A_53 : vector<2048x128xf32>
    %mul3A_55 = arith.mulf %dot_general3A_48, %logistic3A_54 : vector<2048x128xf32>
    %get3A_56 = arith.constant 0 : index
    %get3A_57 = arith.constant 0 : index
    %get3A_58 = vector.load %arg10[%get3A_56, %get3A_57] : memref<128x1xf32, #tpu.memory_space<vmem>>, vector<128x1xf32>
    %dot_general3A_59 = arith.constant dense<0.000000e+00> : vector<2048x1xf32>
    %dot_general3A_60 = tpu.matmul %mul3A_55, %get3A_58, %dot_general3A_59 {dimension_numbers = #tpu.dot_dimension_numbers<[1], [0], [0], [1], [0, 0, 1, 1], [], []>, transpose_lhs_hint = false} : vector<2048x128xf32>, vector<128x1xf32>, vector<2048x1xf32> -> vector<2048x1xf32>
    %swap3A = arith.constant 0 : index
    %swap3A_61 = arith.constant 0 : index
    %swap3A_62 = vector.load %arg12[%swap3A, %swap3A_61] : memref<2048x1xf32, #tpu.memory_space<vmem>>, vector<2048x1xf32>
    tpu.vector_store %arg12[%swap3A, %swap3A_61], %dot_general3A_60 {strides = array<i32>} : memref<2048x1xf32, #tpu.memory_space<vmem>>, vector<2048x1xf32>,
    %iota3A_63 = tpu.iota {dimensions = array<i32: 1>} : vector<1x256xi32>
    %convert_element_type3A_64 = arith.sitofp %iota3A_63 : vector<1x256xi32> to vector<1x256xf32>
    %get3A_65 = arith.constant 0 : index
    %get3A_66 = arith.constant 0 : index
    %get3A_67 = vector.load %arg4[%get3A_65, %get3A_66] : memref<2048x1xf32, #tpu.memory_space<vmem>>, vector<2048x1xf32>
    %eq3A_68 = vector.broadcast %get3A_67 : vector<2048x1xf32> to vector<2048x256xf32>
    %eq3A_69 = vector.broadcast %convert_element_type3A_64 : vector<1x256xf32> to vector<2048x256xf32>
    %eq3A_70 = arith.cmpf oeq, %eq3A_68, %eq3A_69 : vector<2048x256xf32>
    %jit3A_71 = arith.constant 0.000000e+00 : f32
    %broadcast_in_dim3A_72 = vector.shape_cast %dot_general3A_43 : vector<2048x1xf32> to vector<2048x1xf32>
    %broadcast_in_dim3A_73 = vector.broadcast %broadcast_in_dim3A_72 : vector<2048x1xf32> to vector<2048x256xf32>
    %broadcast_in_dim3A_74 = vector.broadcast %jit3A_71 : f32 to vector<2048x256xf32>
    %select_n3A_75 = arith.select %eq3A_70, %broadcast_in_dim3A_73, %broadcast_in_dim3A_74 : vector<2048x256xi1>, vector<2048x256xf32>
    %reduce_sum3A = arith.constant dense<0.000000e+00> : vector<256xf32>
    %reduce_sum3A_76 = vector.multi_reduction <add>, %select_n3A_75, %reduce_sum3A [0] : vector<2048x256xf32> to vector<256xf32>
    %broadcast_in_dim3A_77 = vector.shape_cast %reduce_sum3A_76 : vector<256xf32> to vector<1x256xf32>
    %eq3A_78 = arith.constant 0 : i32
    %eq3A_79 = arith.cmpi eq, %arg0, %eq3A_78 : i32
    %convert_element_type3A_80 = arith.extui %eq3A_79 : i1 to i32
    %cond3A = arith.constant 0 : i32
    %cond3A_81 = arith.cmpi ne, %convert_element_type3A_80, %cond3A : i32
    scf.if %cond3A_81 {
      %broadcast_in_dim3A_89 = arith.constant 0.000000e+00 : f32
      %broadcast_in_dim3A_90 = vector.broadcast %broadcast_in_dim3A_89 : f32 to vector<1x256xf32>
      %swap3A_91 = arith.constant 0 : index
      %swap3A_92 = arith.constant 0 : index
      %swap3A_93 = vector.load %arg11[%swap3A_91, %swap3A_92] : memref<1x256xf32, #tpu.memory_space<vmem>>, vector<1x256xf32>
      tpu.vector_store %arg11[%swap3A_91, %swap3A_92], %broadcast_in_dim3A_90 {strides = array<i32>} : memref<1x256xf32, #tpu.memory_space<vmem>>, vector<1x256xf32>,
    } else {
    }
    %get3A_82 = arith.constant 0 : index
    %get3A_83 = arith.constant 0 : index
    %get3A_84 = vector.load %arg11[%get3A_82, %get3A_83] : memref<1x256xf32, #tpu.memory_space<vmem>>, vector<1x256xf32>
    %add3A_85 = arith.addf %get3A_84, %broadcast_in_dim3A_77 : vector<1x256xf32>
    %swap3A_86 = arith.constant 0 : index
    %swap3A_87 = arith.constant 0 : index
    %swap3A_88 = vector.load %arg11[%swap3A_86, %swap3A_87] : memref<1x256xf32, #tpu.memory_space<vmem>>, vector<1x256xf32>
    tpu.vector_store %arg11[%swap3A_86, %swap3A_87], %add3A_85 {strides = array<i32>} : memref<1x256xf32, #tpu.memory_space<vmem>>, vector<1x256xf32>,
    return
  }
  func.func @transform_0(%arg0: i32) -> (i32, i32) {
    %c0_i32 = arith.constant 0 : i32
    %c0_i32_0 = arith.constant 0 : i32
    return %arg0, %c0_i32 : i32, i32
  }
  func.func @transform_1(%arg0: i32) -> (i32, i32) {
    %add3A = arith.constant 5 : i32
    %add3A_0 = arith.addi %arg0, %add3A : i32
    %c0_i32 = arith.constant 0 : i32
    %c0_i32_1 = arith.constant 0 : i32
    return %add3A_0, %c0_i32 : i32, i32
  }
  func.func @transform_2(%arg0: i32) -> (i32, i32) {
    %c0_i32 = arith.constant 0 : i32
    %c0_i32_0 = arith.constant 0 : i32
    return %arg0, %c0_i32 : i32, i32
  }
  func.func @transform_3(%arg0: i32) -> (i32, i32) {
    %c0_i32 = arith.constant 0 : i32
    %c0_i32_0 = arith.constant 0 : i32
    return %arg0, %c0_i32 : i32, i32
  }
  func.func @transform_4(%arg0: i32) -> (i32, i32) {
    %c0_i32 = arith.constant 0 : i32
    %c0_i32_0 = arith.constant 0 : i32
    %c0_i32_1 = arith.constant 0 : i32
    return %c0_i32, %c0_i32_0 : i32, i32
  }
  func.func @transform_5(%arg0: i32) -> (i32, i32) {
    %c0_i32 = arith.constant 0 : i32
    %c0_i32_0 = arith.constant 0 : i32
    %c0_i32_1 = arith.constant 0 : i32
    return %c0_i32, %c0_i32_0 : i32, i32
  }
  func.func @transform_6(%arg0: i32) -> (i32, i32) {
    %c0_i32 = arith.constant 0 : i32
    %c0_i32_0 = arith.constant 0 : i32
    %c0_i32_1 = arith.constant 0 : i32
    return %c0_i32, %c0_i32_0 : i32, i32
  }
  func.func @transform_7(%arg0: i32) -> (i32, i32) {
    %c0_i32 = arith.constant 0 : i32
    %c0_i32_0 = arith.constant 0 : i32
    %c0_i32_1 = arith.constant 0 : i32
    return %c0_i32, %c0_i32_0 : i32, i32
  }
  func.func @transform_8(%arg0: i32) -> (i32, i32) {
    %c0_i32 = arith.constant 0 : i32
    %c0_i32_0 = arith.constant 0 : i32
    %c0_i32_1 = arith.constant 0 : i32
    return %c0_i32, %c0_i32_0 : i32, i32
  }
  func.func @transform_9(%arg0: i32) -> (i32, i32) {
    %c0_i32 = arith.constant 0 : i32
    %c0_i32_0 = arith.constant 0 : i32
    %c0_i32_1 = arith.constant 0 : i32
    return %c0_i32, %c0_i32_0 : i32, i32
  }
  func.func @transform_10(%arg0: i32) -> (i32, i32) {
    %c0_i32 = arith.constant 0 : i32
    %c0_i32_0 = arith.constant 0 : i32
    %c0_i32_1 = arith.constant 0 : i32
    return %c0_i32, %c0_i32_0 : i32, i32
  }
  func.func @transform_11(%arg0: i32) -> (i32, i32) {
    %c0_i32 = arith.constant 0 : i32
    %c0_i32_0 = arith.constant 0 : i32
    return %arg0, %c0_i32 : i32, i32
  }
}

module attributes {stable_mosaic.version = 14 : i64} {
  func.func @_combine_body(%arg0: i32, %arg1: memref<1x3x2048xf32, #tpu.memory_space<vmem>>, %arg2: memref<1x3x2048xf32, #tpu.memory_space<vmem>>, %arg3: memref<1x3x2048xf32, #tpu.memory_space<vmem>>, %arg4: memref<1x3x2048xf32, #tpu.memory_space<vmem>>, %arg5: memref<3x2048xf32, #tpu.memory_space<vmem>>) attributes {dimension_semantics = [#tpu.dimension_semantics<arbitrary>], iteration_bounds = array<i64: 5>, scalar_prefetch = 0 : i64, scratch_operands = 0 : i64, tpu.core_type = #tpu.core_type<tc>, window_params = [{transform_indices = @transform_0, window_bounds = array<i64: 1, 3, 2048>}, {transform_indices = @transform_1, window_bounds = array<i64: 1, 3, 2048>}, {transform_indices = @transform_2, window_bounds = array<i64: 1, 3, 2048>}, {transform_indices = @transform_3, window_bounds = array<i64: 1, 3, 2048>}, {transform_indices = @transform_4, window_bounds = array<i64: 3, 2048>}]} {
    %get3A = arith.constant 0 : index
    %get3A_0 = arith.constant 0 : index
    %get3A_1 = arith.constant 0 : index
    %get3A_2 = vector.load %arg1[%get3A, %get3A_0, %get3A_1] : memref<1x3x2048xf32, #tpu.memory_space<vmem>>, vector<1x3x2048xf32>
    %get3A_3 = vector.shape_cast %get3A_2 : vector<1x3x2048xf32> to vector<3x2048xf32>
    %get3A_4 = arith.constant 0 : index
    %get3A_5 = arith.constant 0 : index
    %get3A_6 = arith.constant 0 : index
    %get3A_7 = vector.load %arg3[%get3A_4, %get3A_5, %get3A_6] : memref<1x3x2048xf32, #tpu.memory_space<vmem>>, vector<1x3x2048xf32>
    %get3A_8 = vector.shape_cast %get3A_7 : vector<1x3x2048xf32> to vector<3x2048xf32>
    %add3A = arith.addf %get3A_3, %get3A_8 : vector<3x2048xf32>
    %get3A_9 = arith.constant 0 : index
    %get3A_10 = arith.constant 0 : index
    %get3A_11 = arith.constant 0 : index
    %get3A_12 = vector.load %arg2[%get3A_9, %get3A_10, %get3A_11] : memref<1x3x2048xf32, #tpu.memory_space<vmem>>, vector<1x3x2048xf32>
    %get3A_13 = vector.shape_cast %get3A_12 : vector<1x3x2048xf32> to vector<3x2048xf32>
    %sub3A = arith.subf %add3A, %get3A_13 : vector<3x2048xf32>
    %get3A_14 = arith.constant 0 : index
    %get3A_15 = arith.constant 0 : index
    %get3A_16 = arith.constant 0 : index
    %get3A_17 = vector.load %arg4[%get3A_14, %get3A_15, %get3A_16] : memref<1x3x2048xf32, #tpu.memory_space<vmem>>, vector<1x3x2048xf32>
    %get3A_18 = vector.shape_cast %get3A_17 : vector<1x3x2048xf32> to vector<3x2048xf32>
    %sub3A_19 = arith.subf %sub3A, %get3A_18 : vector<3x2048xf32>
    %swap3A = arith.constant 0 : index
    %swap3A_20 = arith.constant 0 : index
    %swap3A_21 = vector.load %arg5[%swap3A, %swap3A_20] : memref<3x2048xf32, #tpu.memory_space<vmem>>, vector<3x2048xf32>
    tpu.vector_store %arg5[%swap3A, %swap3A_20], %sub3A_19 {strides = array<i32>} : memref<3x2048xf32, #tpu.memory_space<vmem>>, vector<3x2048xf32>,
    return
  }
  func.func @transform_0(%arg0: i32) -> (i32, i32, i32) {
    %c0_i32 = arith.constant 0 : i32
    %c0_i32_0 = arith.constant 0 : i32
    %c0_i32_1 = arith.constant 0 : i32
    return %c0_i32, %c0_i32_0, %arg0 : i32, i32, i32
  }
  func.func @transform_1(%arg0: i32) -> (i32, i32, i32) {
    %c1_i32 = arith.constant 1 : i32
    %c0_i32 = arith.constant 0 : i32
    %c0_i32_0 = arith.constant 0 : i32
    return %c1_i32, %c0_i32, %arg0 : i32, i32, i32
  }
  func.func @transform_2(%arg0: i32) -> (i32, i32, i32) {
    %c2_i32 = arith.constant 2 : i32
    %c0_i32 = arith.constant 0 : i32
    %c0_i32_0 = arith.constant 0 : i32
    return %c2_i32, %c0_i32, %arg0 : i32, i32, i32
  }
  func.func @transform_3(%arg0: i32) -> (i32, i32, i32) {
    %c3_i32 = arith.constant 3 : i32
    %c0_i32 = arith.constant 0 : i32
    %c0_i32_0 = arith.constant 0 : i32
    return %c3_i32, %c0_i32, %arg0 : i32, i32, i32
  }
  func.func @transform_4(%arg0: i32) -> (i32, i32) {
    %c0_i32 = arith.constant 0 : i32
    %c0_i32_0 = arith.constant 0 : i32
    return %c0_i32, %arg0 : i32, i32
  }
}

</mosaic_0001>

<sc_bundles>
// kernel: kernel.11.cloned.1.call-start
scs
__scs_entry_jumppad:
0x0: {  	(pc) =	sbr.rel $0x88, $3  }
0x1: {  	(tag) =	ssettag $0x0;
	lr =	simm.s32 $0x1  }
0x2: {  	[smem:$0x3F96] =	sst lr;
	_ =	strace $0xD0000000  }
0x3: {  	_ = 	snop  }
0x4: {  	_ = 	snop  }
0x5: {  	_ = 	snop  }
0x6: {  	_ = 	snop  }
0x7: {  	_ = 	snop  }
__scs_overlays_trampoline_lowered:
0x8: {  	[smem:$0x3FA5] =	sst s0  }
0x9: {  	[smem:$0x3FA6] =	sst s1  }
0xa: {  	[smem:$0x3FA7] =	sst s2  }
0xb: {  	[smem:$0x3FA8] =	sst s3  }
0xc: {  	[smem:$0x3FA9] =	sst s4  }
0xd: {  	[smem:$0x3FAA] =	sst s5  }
0xe: {  	[smem:$0x3FAB] =	sst s6  }
0xf: {  	[smem:$0x3FAC] =	sst s7  }
0x10: {  	[smem:$0x3FAD] =	sst s8  }
0x11: {  	[smem:$0x3FAE] =	sst s9;
	s0 =	simm.s32 @!p0 $0x0  }
0x12: {  	s1 =	sld [smem:$0x3F94];
	s0 =	simm.s32 @p0 $0x1  }
0x13: {  	[smem:$0x3FAF] =	sst s0;
	s0 =	simm.s32 @!p1 $0x0  }
0x14: {  	s2 =	sld [smem:$0x3F93];
	s0 =	simm.s32 @p1 $0x1  }
0x15: {  	[smem:$0x3FB0] =	sst s0;
	s0 =	simm.s32 @!p2 $0x0  }
0x16: {  	s3 =	sld [smem:$0x3FDB];
	s0 =	simm.s32 @p2 $0x1  }
0x17: {  	s4 =	simm.s32 $0x1BF5;
	[smem:$0x3FB2] =	sst s0  }
0x18: {  	s0 =	sld [smem:$0x3F95];
	_ =	swait.ge [sflag:s4], $0x0  }
0x19: {  	s7 =	sld [smem:$0x3F96]  }
0x1a: {  	s8 =	sadd.s32 $0xFFFFE003, lr  }
0x1b: {  	s9 =	sadd.s32 $0xFFFFFEF7, lr;
	s5 =	simm.s32 $0xFFFFFFFF;
	p2 =	slt.u32 s8, $0xFFFFF086  }
0x1c: {  	p1 =	slt.u32 s9, $0xF7A;
	s5 =	simm.s32 @!p2 $0x0  }
0x1d: {  	s5 =	simm.s32 @p1 $0x1;
	p0 =	seq.s32 s7, s2  }
0x1e: {  	s7 =	smul.u32 @!p0 $0xF7A, s2;
	p2 =	seq.s32 @!p0 s5, $0x0  }
0x1f: {  	s9 =	smul.u32 $0xF7A, s1;
	s8 =	simm.s32 @!p0 $0x1BF5;
	p2 =	por !p2, p0  }
0x20: {  	[sflag:s8] =	ssyncset.s32 @!p0 $0xFFFFF086;
	s6 =	sadd.s32 @!p0 s3, s7;
	s7 =	simm.s32 @!p0 $0x108  }
0x21: {  	s3 =	sadd.s32 s3, s9;
	s6 =	sadd.s32 @!p0 $0x88, s6;
	s7 =	simm.s32 @p2 $0x1082  }
0x22: {  	[simem:s7], [sflag:s8] =	dma.local @!p0 [hbm:s6], $0xF7A  }
0x23: {  	s9 =	sor.u32 $0xD0000000, s2;
	s6 =	simm.s32 $0x108;
	_ =	swait.ge @!p0 [sflag:s8], $0x0  }
0x24: {  	s3 =	sadd.s32 $0x88, s3;
	s6 =	simm.s32 @!p1 $0x1082;
	[sflag:s4] =	ssyncset.s32 $0xFFFFF086  }
0x25: {  	[simem:s6], [sflag:s4] =	dma.local [hbm:s3], $0xF7A  }
0x26: {  	[smem:$0x3F96] =	sst s1;
	(tag) =	ssettag s2;
	_ =	strace s9  }
0x27: {  	s1 =	sld [smem:$0x3FA6]  }
0x28: {  	s2 =	sld [smem:$0x3FA7]  }
0x29: {  	s4 =	sld [smem:$0x3FA9]  }
0x2a: {  	p0 =	seq.s32 s5, $0x0;
	s5 =	sld [smem:$0x3FAA]  }
0x2b: {  	s6 =	sld [smem:$0x3FAB]  }
0x2c: {  	s7 =	sld [smem:$0x3FAC]  }
0x2d: {  	s3 =	simm.s32 $0x108;
	s8 =	sld [smem:$0x3FAD]  }
0x2e: {  	s3 =	simm.s32 @!p0 $0x1082;
	s9 =	sld [smem:$0x3FAE]  }
0x2f: {  	lr =	sadd.s32 s0, s3;
	s0 =	sld [smem:$0x3FA5]  }
0x30: {  	s3 =	sld [smem:$0x3FA8]  }
0x31: {  	[smem:$0x3FB1] =	sst s10  }
0x32: {  	s10 =	sld [smem:$0x3FAF];
	_ =	sdelay $0x3  }
0x33: {  	p0 =	seq.s32 s10, $0x1;
	s10 =	sld [smem:$0x3FB1];
	_ =	sdelay $0x3  }
0x34: {  	[smem:$0x3FB1] =	sst s10  }
0x35: {  	s10 =	sld [smem:$0x3FB0];
	_ =	sdelay $0x3  }
0x36: {  	p1 =	seq.s32 s10, $0x1;
	s10 =	sld [smem:$0x3FB1];
	_ =	sdelay $0x3  }
0x37: {  	[smem:$0x3FB1] =	sst s10  }
0x38: {  	s10 =	sld [smem:$0x3FB2]  }
0x39: {  	_ = 	snop;
	(pc) =	sbr.ind lr, $3  }
0x3a: {  	_ = 	snop  }
0x3b: {  	_ = 	snop  }
0x3c: {  	p2 =	seq.s32 s10, $0x1;
	s10 =	sld [smem:$0x3FB1]  }
0x3d: {  	_ =	shalt  }
0x3e: {  	_ =	shalt  }
0x3f: {  	_ =	shalt  }
0x40: {  	_ =	shalt  }
0x41: {  	_ =	shalt  }
0x42: {  	_ =	shalt  }
0x43: {  	_ =	shalt  }
0x44: {  	_ =	shalt  }
0x45: {  	_ =	shalt  }
0x46: {  	_ =	shalt  }
0x47: {  	_ =	shalt  }
0x48: {  	_ =	shalt  }
0x49: {  	_ =	shalt  }
0x4a: {  	_ =	shalt  }
0x4b: {  	_ =	shalt  }
0x4c: {  	_ =	shalt  }
0x4d: {  	_ =	shalt  }
0x4e: {  	_ =	shalt  }
0x4f: {  	_ =	shalt  }
0x50: {  	_ =	shalt  }
0x51: {  	_ =	shalt  }
0x52: {  	_ =	shalt  }
0x53: {  	_ =	shalt  }
0x54: {  	_ =	shalt  }
0x55: {  	_ =	shalt  }
0x56: {  	_ =	shalt  }
0x57: {  	_ =	shalt  }
0x58: {  	_ =	shalt  }
0x59: {  	_ =	shalt  }
0x5a: {  	_ =	shalt  }
0x5b: {  	_ =	shalt  }
0x5c: {  	_ =	shalt  }
0x5d: {  	_ =	shalt  }
0x5e: {  	_ =	shalt  }
0x5f: {  	_ =	shalt  }
0x60: {  	_ =	shalt  }
0x61: {  	_ =	shalt  }
0x62: {  	_ =	shalt  }
0x63: {  	_ =	shalt  }
0x64: {  	_ =	shalt  }
0x65: {  	_ =	shalt  }
0x66: {  	_ =	shalt  }
0x67: {  	_ =	shalt  }
0x68: {  	_ =	shalt  }
0x69: {  	_ =	shalt  }
0x6a: {  	_ =	shalt  }
0x6b: {  	_ =	shalt  }
0x6c: {  	_ =	shalt  }
0x6d: {  	_ =	shalt  }
0x6e: {  	_ =	shalt  }
0x6f: {  	_ =	shalt  }
0x70: {  	_ =	shalt  }
0x71: {  	_ =	shalt  }
0x72: {  	_ =	shalt  }
0x73: {  	_ =	shalt  }
0x74: {  	_ =	shalt  }
0x75: {  	_ =	shalt  }
0x76: {  	_ =	shalt  }
0x77: {  	_ =	shalt  }
0x78: {  	_ =	shalt  }
0x79: {  	_ =	shalt  }
0x7a: {  	_ =	shalt  }
0x7b: {  	_ =	shalt  }
0x7c: {  	_ =	shalt  }
0x7d: {  	_ =	shalt  }
0x7e: {  	_ =	shalt  }
0x7f: {  	_ =	shalt  }
0x80: {  	_ =	shalt  }
0x81: {  	_ =	shalt  }
0x82: {  	_ =	shalt  }
0x83: {  	_ =	shalt  }
0x84: {  	_ =	shalt  }
0x85: {  	_ =	shalt  }
0x86: {  	_ =	shalt  }
0x87: {  	_ =	shalt  }
.Lfunc_end0:
.L_simem_size_0:
called_computation.1_lowered:
.L_overlay_start_0:
0x88: {  	s2 =	sld [smem:$0x3FD9]  }
0x89: {  	s3 =	sld [smem:$0x3FFE];
	_ =	sdelay $0x1  }
0x8a: {  	s1 =	srdreg.scid  }
0x8b: {  	s0 =	sand.u32 $0x1, s1  }
0x8c: {  	s16 =	sshll.u32 s0, $0xA;
	s2 =	sadd.s32 s3, s2  }
0x8d: {  	s2 =	sadd.s32 s2, s16  }
0x8e: {  	[smem:$0x3FBD] =	sst s2  }
0x8f: {  	_ = 	snop  }
0x90: {  	(tm) =	ssettm $0x1  }
0x91: {  	s17 =	sld [smem:$0x3FFB];
	_ =	sdelay $0x3  }
0x92: {  	_ =	strace s17  }
0x93: {  	s2 =	sld [smem:$0x3FFC];
	_ =	sdelay $0x3  }
0x94: {  	_ =	strace s2  }
0x95: {  	s2 =	sld [smem:$0x3FFD];
	_ =	sdelay $0x3  }
0x96: {  	_ =	strace s2  }
0x97: {  	_ =	strace $0x8FFFFFFF  }
0x98: {  	s18 =	sld [smem:$0x3FDB];
	_ =	sdelay $0x1  }
0x99: {  	s19 =	simm.s32 $_scs_section_size  }
0x9a: {  	s4 =	simm.s32 $_size__tile_overlayer_lowered;
	s5 =	simm.s32 $_tile_overlayer_lowered  }
0x9b: {  	s22 =	simm.s32 $0x1BFF;
	s21 =	sshll.u32 s5, $0x1;
	s2 =	sadd.s32 s19, s18  }
0x9c: {  	s6 =	simm.s32 $0x0;
	s20 =	sshll.u32 s4, $0x1;
	s4 =	sadd.s32 s21, s2  }
0x9d: {  	[timem:s6], [sflag:s22] =	dma.local [hbm:s4], s20  }
0x9e: {  	_ =	swait.ge [sflag:s22], s20  }
0x9f: {  	s3 =	ssub.s32 $0x0, s20;
	[sflag:s22] =	ssyncset.done $0x0  }
0xa0: {  	[sflag:s22] =	ssyncadd.s32 s3;
	_ =	sdelay $0x1  }
0xa1: {  	s23 =	simm.s32 $0x1B8B  }
0xa2: {  	_ =	swait.ge [sflag:s23], $0x1  }
0xa3: {  	[sflag:s23] =	ssyncset.done $0x0  }
0xa4: {  	s25 =	simm.s32 $0x1B8E;
	s24 =	sld [smem:$0x3FFE];
	[sflag:s23] =	ssyncadd.s32 $0xFFFFFFFF  }
0xa5: {  	s26 =	simm.s32 $execute0_lowered;
	[smem:$0x3FD2] =	sst s25  }
0xa6: {  	s4 =	sshll.u32 s26, $0x1;
	_ =	strace $0x80000049;
	[dreg:$0x1] =	wrdreg $0xFFFFFFFF  }
0xa7: {  	s28 =	simm.s32 $_size_execute0_lowered;
	s2 =	sadd.s32 s2, s4;
	[dreg:$0x0] =	wrdreg $0x0  }
0xa8: {  	s4 =	sshll.u32 s28, $0x1;
	[dreg:$0x2] =	wrdreg s2  }
0xa9: {  	[dreg:$0x3] =	wrdreg s4  }
0xaa: {  	[dreg:$0x4] =	wrdreg $0xC0  }
0xab: {  	_ =	task [dreg:s6], $0x5FFFF  }
0xac: {  	[dreg:$0x1] =	wrdreg $0xFFFFFFFF  }
0xad: {  	[dreg:$0x0] =	wrdreg $0x60  }
0xae: {  	[dreg:$0x2] =	wrdreg s24  }
0xaf: {  	[dreg:$0x3] =	wrdreg $0x81000  }
0xb0: {  	[dreg:$0x4] =	wrdreg $0x9  }
0xb1: {  	_ =	task.clear_ibuf [dreg:s6], $0x5FFFF;
	_ =	strace $0x90000049  }
0xb2: {  	s29 =	simm.s32 $0x9;
	_ =	strace $0x8000004B  }
0xb3: {  	_ =	swait.ge [sflag:s29], $0x1  }
0xb4: {  	[sflag:s29] =	ssyncadd.s32 $0xFFFFFFFF  }
0xb5: {  	_ =	strace $0x9000004B  }
0xb6: {  	_ =	sfence  }
0xb7: {  	s30 =	sld [smem:$0x0];
	_ =	sdelay $0x2  }
0xb8: {  	s31 =	sshll.u32 s1, $0xD;
	s1 =	sshrl.u32 s1, $0x2  }
0xb9: {  	s3 =	sand.u32 $0x4000, s31;
	s1 =	sadd.s32 s1, s30  }
0xba: {  	s0 =	sor.u32 s3, s0;
	s1 =	sshll.u32 s1, $0x11  }
0xbb: {  	s0 =	sor.u32 s1, s0  }
0xbc: {  	s0 =	sadd.s32 $0x8F2B, s0  }
0xbd: {  	[sflag:s0] =	ssyncadd.remote.s32 $0x1  }
0xbe: {  	_ =	sfence.sel $0xFFFF  }
0xbf: {  	[dreg:$0x0] =	wrdreg $0xFFFFFFFF;
	(pc) =	sbr.abs _section_cstart, $3  }
0xc0: {  	[dreg:$0x1] =	wrdreg $0xFFFFFFFF  }
0xc1: {  	_ =	task.clear_ibuf [dreg:s6], $0x2FFFF;
	_ =	strace $0x9FFFFFFF  }
0xc2: {  	(tm) =	ssettm $0x7FFFFFFF  }
0xc3: {  	_ =	shalt  }
tec
execute0_lowered:
.L_overlay_start_1:
0x0: {  	(tag) =	ssettag $0x1  }
0x1: {  	s4 =	rddreg [dreg:$0x0]  }
0x2: {  	s2 =	rddreg [dreg:$0x1]  }
0x3: {  	s0 =	rddreg [dreg:$0x2];
	s3 =	simm.s32 $0x0  }
0x4: {  	s1 =	stileid.u32;
	s5 =	srdreg.scid;
	s18 =	simm.s32 $0x80  }
0x5: {  	s19 =	simm.s32 $0x4100;
	[smem:$0x7FF] =	sst s3;
	s6 =	smul.u32 $0x2800, s1  }
0x6: {  	s9 =	sand.u32 $0x1, s5;
	s12 =	sadd.s32 $0xA52C00, s4;
	s7 =	smul.u32 $0x50000, s1  }
0x7: {  	s14 =	sadd.s32 $0xBA00, s4;
	s23 =	sshll.u32 s1, $0x6;
	s26 =	smul.u32 $0x28000, s1  }
0x8: {  	_ =	strace $0x8000004A;
	s5 =	smul.u32 $0x28000, s9;
	s20 =	ssub.s32 $0x2, s9  }
0x9: {  	s17 =	smul.u32 $0x280000, s9;
	s21 =	sshrl.u32 s20, $0x1;
	s22 =	sshrl.u32 s7, $0x2  }
0xa: {  	s13 =	sadd.s32 s6, s5;
	s6 =	sadd.s32 s6, s4;
	s11 =	ssub.s32 s20, s21  }
0xb: {  	s15 =	sadd.s32 s22, s2;
	s5 =	sor.u32 $0x1C03, s23;
	s20 =	simm.s32 $0x1  }
0xc: {  	s21 =	simm.s32 $0x2;
	s22 =	simm.s32 $0x0;
	s10 =	sadd.s32 s13, s4  }
0xd: {  	s4 =	sadd.s32 $0x52C00, s6;
	s24 =	sshrl.u32 s13, $0x3;
	s25 =	sshll.u32 s13, $0x4  }
0xe: {  	s16 =	sor.u32 $0x80, s13;
	s11 =	smax.u32 s11, $0x1;
	s28 =	sor.u32 $0x180, s13  }
0xf: {  	s30 =	sor.u32 $0x100, s13;
	s15 =	sshrl.u32 s15, $0x3;
	s6 =	sadd.s32 s14, s24  }
0x10: {  	s7 =	sadd.s32 s12, s25;
	s8 =	sshrl.u32 s16, $0x3;
	s16 =	sshll.u32 s16, $0x4  }
0x11: {  	s10 =	sadd.s32 $0x7AC00, s10;
	s29 =	sshrl.u32 s28, $0x3;
	s31 =	sshrl.u32 s30, $0x3  }
0x12: {  	s8 =	sadd.s32 s14, s8;
	s9 =	sadd.s32 s12, s16;
	s12 =	sadd.s32 s17, s12  }
0x13: {  	s13 =	sadd.s32 s29, s14;
	s14 =	sadd.s32 s31, s14;
	s12 =	sadd.s32 s26, s12  }
0x14: {  	s16 =	simm.s32 $0x3;
	s17 =	simm.s32 $0x100;
	s12 =	sadd.s32 $0x1800, s12  }
.LBB2_1:
0x15: {  	[spmem:s15], [sflag:s5] =	dma.local [hbm:s4], $0x2800  }
0x16: {  	_ =	swait.ge [sflag:s16], $0x2800  }
0x17: {  	[sflag:s16] =	ssyncset.done $0x0  }
0x18: {  	[sflag:s16] =	ssyncadd.s32 $0xFFFFD800  }
0x19: {  	[bflag:$0x0] =	sbarrier.arrive $0xFFFF  }
0x1a: {  	[tilespmem:s3], [sflag:$0x1] =	stream.linear.gather [hbm4b:s6+s3], $0x80, $0x38;
	[tilespmem:$0x1C100] =	vst v63  }
0x1b: {  	_ = 	snop  }
0x1c: {  	[tilespmem:s17], [sflag:$0x1] =	stream.linear.gather [hbm4b:s7+s3], $0x4000, $0x38;
	[tilespmem:$0x1C100] =	vst v63  }
0x1d: {  	_ = 	snop  }
0x1e: {  	[tilespmem:s18], [sflag:$0x2] =	stream.linear.gather [hbm4b:s8+s3], $0x80, $0x38;
	[tilespmem:$0x1C100] =	vst v63  }
0x1f: {  	_ = 	snop  }
0x20: {  	[tilespmem:s19], [sflag:$0x2] =	stream.linear.gather [hbm4b:s9+s3], $0x4000, $0x38;
	[tilespmem:$0x1C100] =	vst v63  }
0x21: {  	_ =	swait.ge [sflag:s20], $0x80  }
0x22: {  	[sflag:s20] =	ssyncset.done $0x0  }
0x23: {  	[sflag:s20] =	ssyncadd.s32 $0xFFFFFF80  }
0x24: {  	_ =	swait.ge [sflag:s20], $0x4000  }
0x25: {  	[sflag:s20] =	ssyncset.done $0x0  }
0x26: {  	[sflag:s20] =	ssyncadd.s32 $0xFFFFC000  }
0x27: {  	[spmem:s2] =	stream.indirect.scatter.add.f32 [tilespmem:s17], [sflag:$0x3], $0x80, s3, s18, $0xb8;
	[tilespmem:$0x1C100] =	vst v63  }
0x28: {  	_ =	swait.ge [sflag:s16], $0x4000  }
0x29: {  	[sflag:s16] =	ssyncset.done $0x0  }
0x2a: {  	s23 =	sadd.s32 $0x0, s14;
	[sflag:s16] =	ssyncadd.s32 $0xFFFFC000  }
0x2b: {  	[tilespmem:s3], [sflag:$0x1] =	stream.linear.gather [hbm4b:s23+s3], $0x80, $0x38;
	[tilespmem:$0x1C100] =	vst v63  }
0x2c: {  	s30 =	sadd.s32 $0xFFFFF800, s12  }
0x2d: {  	[tilespmem:s17], [sflag:$0x1] =	stream.linear.gather [hbm4b:s30+s3], $0x4000, $0x38;
	[tilespmem:$0x1C100] =	vst v63  }
0x2e: {  	_ =	swait.ge [sflag:s21], $0x80  }
0x2f: {  	[sflag:s21] =	ssyncset.done $0x0  }
0x30: {  	[sflag:s21] =	ssyncadd.s32 $0xFFFFFF80  }
0x31: {  	_ =	swait.ge [sflag:s21], $0x4000  }
0x32: {  	[sflag:s21] =	ssyncset.done $0x0  }
0x33: {  	[sflag:s21] =	ssyncadd.s32 $0xFFFFC000  }
0x34: {  	[spmem:s2] =	stream.indirect.scatter.add.f32 [tilespmem:s19], [sflag:$0x3], $0x80, s18, s18, $0xb8;
	[tilespmem:$0x1C100] =	vst v63  }
0x35: {  	_ =	swait.ge [sflag:s16], $0x4000  }
0x36: {  	s31 =	sadd.s32 $0x0, s13;
	s24 =	sadd.s32 $0x1000, s12;
	[sflag:s16] =	ssyncset.done $0x0  }
0x37: {  	s25 =	smov.u32 s12;
	s23 =	simm.s32 $0x20;
	[sflag:s16] =	ssyncadd.s32 $0xFFFFC000  }
0x38: {  	[tilespmem:s18], [sflag:$0x2] =	stream.linear.gather [hbm4b:s31+s3], $0x80, $0x38;
	[tilespmem:$0x1C100] =	vst v63  }
.LBB2_2:
0x39: {  	[tilespmem:s19], [sflag:$0x2] =	stream.linear.gather [hbm4b:s25+s3], $0x4000, $0x38;
	[tilespmem:$0x1C100] =	vst v63  }
0x3a: {  	s26 =	smov.u32 s23;
	s25 =	smov.u32 s24  }
0x3b: {  	p0 =	sne.s32 s23, $0x4C0;
	s23 =	sadd.s32 $0x20, s23;
	_ =	swait.ge [sflag:s20], $0x80  }
0x3c: {  	[sflag:s20] =	ssyncset.done $0x0  }
0x3d: {  	[sflag:s20] =	ssyncadd.s32 $0xFFFFFF80  }
0x3e: {  	_ =	swait.ge [sflag:s20], $0x4000  }
0x3f: {  	[sflag:s20] =	ssyncset.done $0x0  }
0x40: {  	[sflag:s20] =	ssyncadd.s32 $0xFFFFC000  }
0x41: {  	[spmem:s2] =	stream.indirect.scatter.add.f32 [tilespmem:s17], [sflag:$0x3], $0x80, s3, s18, $0xb8;
	[tilespmem:$0x1C100] =	vst v63  }
0x42: {  	_ =	swait.ge [sflag:s16], $0x4000  }
0x43: {  	[sflag:s16] =	ssyncset.done $0x0  }
0x44: {  	s28 =	sadd.s32 s26, s14;
	[sflag:s16] =	ssyncadd.s32 $0xFFFFC000  }
0x45: {  	[tilespmem:s3], [sflag:$0x1] =	stream.linear.gather [hbm4b:s28+s3], $0x80, $0x38;
	[tilespmem:$0x1C100] =	vst v63  }
0x46: {  	s28 =	sadd.s32 $0xFFFFF800, s24  }
0x47: {  	[tilespmem:s17], [sflag:$0x1] =	stream.linear.gather [hbm4b:s28+s3], $0x4000, $0x38;
	[tilespmem:$0x1C100] =	vst v63  }
0x48: {  	_ =	swait.ge [sflag:s21], $0x80  }
0x49: {  	[sflag:s21] =	ssyncset.done $0x0  }
0x4a: {  	[sflag:s21] =	ssyncadd.s32 $0xFFFFFF80  }
0x4b: {  	_ =	swait.ge [sflag:s21], $0x4000  }
0x4c: {  	[sflag:s21] =	ssyncset.done $0x0  }
0x4d: {  	[sflag:s21] =	ssyncadd.s32 $0xFFFFC000  }
0x4e: {  	[spmem:s2] =	stream.indirect.scatter.add.f32 [tilespmem:s19], [sflag:$0x3], $0x80, s18, s18, $0xb8;
	[tilespmem:$0x1C100] =	vst v63  }
.Ltmp0:
0x4f: {  	_ =	swait.ge [sflag:s16], $0x4000;
	(pc) =	sbr.rel @p0 .LBB2_2-.Ltmp0, $4  }
0x50: {  	[sflag:s16] =	ssyncset.done $0x0  }
0x51: {  	s26 =	sadd.s32 s26, s13;
	[sflag:s16] =	ssyncadd.s32 $0xFFFFC000  }
0x52: {  	[tilespmem:s18], [sflag:$0x2] =	stream.linear.gather [hbm4b:s26+s3], $0x80, $0x38;
	[tilespmem:$0x1C100] =	vst v63  }
0x53: {  	s24 =	sadd.s32 $0x1000, s24  }
0x54: {  	[tilespmem:s19], [sflag:$0x2] =	stream.linear.gather [hbm4b:s25+s3], $0x4000, $0x38;
	[tilespmem:$0x1C100] =	vst v63  }
0x55: {  	_ =	swait.ge [sflag:s20], $0x80  }
0x56: {  	[sflag:s20] =	ssyncset.done $0x0  }
0x57: {  	[sflag:s20] =	ssyncadd.s32 $0xFFFFFF80  }
0x58: {  	_ =	swait.ge [sflag:s20], $0x4000  }
0x59: {  	[sflag:s20] =	ssyncset.done $0x0  }
0x5a: {  	[sflag:s20] =	ssyncadd.s32 $0xFFFFC000  }
0x5b: {  	[spmem:s2] =	stream.indirect.scatter.add.f32 [tilespmem:s17], [sflag:$0x3], $0x80, s3, s18, $0xb8;
	[tilespmem:$0x1C100] =	vst v63  }
0x5c: {  	_ =	swait.ge [sflag:s16], $0x4000  }
0x5d: {  	[sflag:s16] =	ssyncset.done $0x0  }
0x5e: {  	[sflag:s16] =	ssyncadd.s32 $0xFFFFC000  }
0x5f: {  	_ =	swait.ge [sflag:s21], $0x80  }
0x60: {  	[sflag:s21] =	ssyncset.done $0x0  }
0x61: {  	[sflag:s21] =	ssyncadd.s32 $0xFFFFFF80  }
0x62: {  	_ =	swait.ge [sflag:s21], $0x4000  }
0x63: {  	[sflag:s21] =	ssyncset.done $0x0  }
0x64: {  	[sflag:s21] =	ssyncadd.s32 $0xFFFFC000  }
0x65: {  	[spmem:s2] =	stream.indirect.scatter.add.f32 [tilespmem:s19], [sflag:$0x3], $0x80, s18, s18, $0xb8;
	[tilespmem:$0x1C100] =	vst v63  }
0x66: {  	_ =	swait.ge [sflag:s16], $0x4000  }
0x67: {  	s22 =	sadd.s32 $0x1, s22;
	[sflag:s16] =	ssyncset.done $0x0  }
0x68: {  	p0 =	sne.s32 s22, s11;
	[sflag:s16] =	ssyncadd.s32 $0xFFFFC000  }
.Ltmp1:
0x69: {  	[bflag:$0x0] =	sbarrier.arrive $0xFFFF;
	(pc) =	sbr.rel @p0 .LBB2_1-.Ltmp1, $4  }
0x6a: {  	[hbm:s10], [sflag:s5] =	dma.local [spmem:s15], $0x2800  }
0x6b: {  	_ =	swait.ge [sflag:s16], $0x2800  }
0x6c: {  	[sflag:s16] =	ssyncset.done $0x0  }
0x6d: {  	[sflag:s16] =	ssyncadd.s32 $0xFFFFD800  }
0x6e: {  	_ =	sfence.sel $0x180000  }
0x6f: {  	[bflag:$0x0] =	sbarrier.arrive $0xFFFF  }
0x70: {  	p0 =	sne.s32 s1, $0x0;
	_ =	strace $0x9000004A  }
0x71: {  	s0 =	sadd.s32 @!p0 $0x100000, s0;
	[bflag:$0x2] =	sbarrier.arrive $0xFFFF  }
0x72: {  	[sflag:s0] =	ssyncadd.tile.s32 @!p0 $0x1;
	_ =	shalt  }
.Lfunc_end2:
_tile_overlayer_lowered:
.L_overlay_start_2:
0x73: {  	(tag) =	ssettag $0x2  }
0x74: {  	s0 =	rddreg [dreg:$0x0];
	s2 =	stileid.u32  }
0x75: {  	s1 =	rddreg [dreg:$0x1];
	p0 =	sne.s32 s2, $0x0  }
0x76: {  	s3 =	rddreg [dreg:$0x2];
	[bflag:$0x3] =	sbarrier.arrive $0xFFFF;
	s2 =	simm.s32 @!p0 $0x1C03  }
0x77: {  	[timem:s3], [sflag:s2] =	dma.local @!p0 [hbm:s0], s1  }
0x78: {  	s0 =	simm.s32 @!p0 $0x3  }
0x79: {  	_ =	swait.ge @!p0 [sflag:s0], s1  }
0x7a: {  	s1 =	ssub.s32 @!p0 $0x0, s1;
	[sflag:s0] =	ssyncset.done @!p0 $0x0  }
0x7b: {  	[sflag:s0] =	ssyncadd.s32 @!p0 s1  }
0x7c: {  	[bflag:$0x3] =	sbarrier.arrive $0xFFFF  }
0x7d: {  	_ =	shalt  }

// kernel: kernel.14.cloned.1.call-start
scs
__scs_entry_jumppad:
0x0: {  	(pc) =	sbr.rel $0x88, $3  }
0x1: {  	(tag) =	ssettag $0x0;
	lr =	simm.s32 $0x1  }
0x2: {  	[smem:$0x3F96] =	sst lr;
	_ =	strace $0xD0000000  }
0x3: {  	_ = 	snop  }
0x4: {  	_ = 	snop  }
0x5: {  	_ = 	snop  }
0x6: {  	_ = 	snop  }
0x7: {  	_ = 	snop  }
__scs_overlays_trampoline_lowered:
0x8: {  	[smem:$0x3FA5] =	sst s0  }
0x9: {  	[smem:$0x3FA6] =	sst s1  }
0xa: {  	[smem:$0x3FA7] =	sst s2  }
0xb: {  	[smem:$0x3FA8] =	sst s3  }
0xc: {  	[smem:$0x3FA9] =	sst s4  }
0xd: {  	[smem:$0x3FAA] =	sst s5  }
0xe: {  	[smem:$0x3FAB] =	sst s6  }
0xf: {  	[smem:$0x3FAC] =	sst s7  }
0x10: {  	[smem:$0x3FAD] =	sst s8  }
0x11: {  	[smem:$0x3FAE] =	sst s9;
	s0 =	simm.s32 @!p0 $0x0  }
0x12: {  	s1 =	sld [smem:$0x3F94];
	s0 =	simm.s32 @p0 $0x1  }
0x13: {  	[smem:$0x3FAF] =	sst s0;
	s0 =	simm.s32 @!p1 $0x0  }
0x14: {  	s2 =	sld [smem:$0x3F93];
	s0 =	simm.s32 @p1 $0x1  }
0x15: {  	[smem:$0x3FB0] =	sst s0;
	s0 =	simm.s32 @!p2 $0x0  }
0x16: {  	s3 =	sld [smem:$0x3FDB];
	s0 =	simm.s32 @p2 $0x1  }
0x17: {  	s4 =	simm.s32 $0x1BF5;
	[smem:$0x3FB2] =	sst s0  }
0x18: {  	s0 =	sld [smem:$0x3F95];
	_ =	swait.ge [sflag:s4], $0x0  }
0x19: {  	s7 =	sld [smem:$0x3F96]  }
0x1a: {  	s8 =	sadd.s32 $0xFFFFE003, lr  }
0x1b: {  	s9 =	sadd.s32 $0xFFFFFEF7, lr;
	s5 =	simm.s32 $0xFFFFFFFF;
	p2 =	slt.u32 s8, $0xFFFFF086  }
0x1c: {  	p1 =	slt.u32 s9, $0xF7A;
	s5 =	simm.s32 @!p2 $0x0  }
0x1d: {  	s5 =	simm.s32 @p1 $0x1;
	p0 =	seq.s32 s7, s2  }
0x1e: {  	s7 =	smul.u32 @!p0 $0xF7A, s2;
	p2 =	seq.s32 @!p0 s5, $0x0  }
0x1f: {  	s9 =	smul.u32 $0xF7A, s1;
	s8 =	simm.s32 @!p0 $0x1BF5;
	p2 =	por !p2, p0  }
0x20: {  	[sflag:s8] =	ssyncset.s32 @!p0 $0xFFFFF086;
	s6 =	sadd.s32 @!p0 s3, s7;
	s7 =	simm.s32 @!p0 $0x108  }
0x21: {  	s3 =	sadd.s32 s3, s9;
	s6 =	sadd.s32 @!p0 $0x88, s6;
	s7 =	simm.s32 @p2 $0x1082  }
0x22: {  	[simem:s7], [sflag:s8] =	dma.local @!p0 [hbm:s6], $0xF7A  }
0x23: {  	s9 =	sor.u32 $0xD0000000, s2;
	s6 =	simm.s32 $0x108;
	_ =	swait.ge @!p0 [sflag:s8], $0x0  }
0x24: {  	s3 =	sadd.s32 $0x88, s3;
	s6 =	simm.s32 @!p1 $0x1082;
	[sflag:s4] =	ssyncset.s32 $0xFFFFF086  }
0x25: {  	[simem:s6], [sflag:s4] =	dma.local [hbm:s3], $0xF7A  }
0x26: {  	[smem:$0x3F96] =	sst s1;
	(tag) =	ssettag s2;
	_ =	strace s9  }
0x27: {  	s1 =	sld [smem:$0x3FA6]  }
0x28: {  	s2 =	sld [smem:$0x3FA7]  }
0x29: {  	s4 =	sld [smem:$0x3FA9]  }
0x2a: {  	p0 =	seq.s32 s5, $0x0;
	s5 =	sld [smem:$0x3FAA]  }
0x2b: {  	s6 =	sld [smem:$0x3FAB]  }
0x2c: {  	s7 =	sld [smem:$0x3FAC]  }
0x2d: {  	s3 =	simm.s32 $0x108;
	s8 =	sld [smem:$0x3FAD]  }
0x2e: {  	s3 =	simm.s32 @!p0 $0x1082;
	s9 =	sld [smem:$0x3FAE]  }
0x2f: {  	lr =	sadd.s32 s0, s3;
	s0 =	sld [smem:$0x3FA5]  }
0x30: {  	s3 =	sld [smem:$0x3FA8]  }
0x31: {  	[smem:$0x3FB1] =	sst s10  }
0x32: {  	s10 =	sld [smem:$0x3FAF];
	_ =	sdelay $0x3  }
0x33: {  	p0 =	seq.s32 s10, $0x1;
	s10 =	sld [smem:$0x3FB1];
	_ =	sdelay $0x3  }
0x34: {  	[smem:$0x3FB1] =	sst s10  }
0x35: {  	s10 =	sld [smem:$0x3FB0];
	_ =	sdelay $0x3  }
0x36: {  	p1 =	seq.s32 s10, $0x1;
	s10 =	sld [smem:$0x3FB1];
	_ =	sdelay $0x3  }
0x37: {  	[smem:$0x3FB1] =	sst s10  }
0x38: {  	s10 =	sld [smem:$0x3FB2]  }
0x39: {  	_ = 	snop;
	(pc) =	sbr.ind lr, $3  }
0x3a: {  	_ = 	snop  }
0x3b: {  	_ = 	snop  }
0x3c: {  	p2 =	seq.s32 s10, $0x1;
	s10 =	sld [smem:$0x3FB1]  }
0x3d: {  	_ =	shalt  }
0x3e: {  	_ =	shalt  }
0x3f: {  	_ =	shalt  }
0x40: {  	_ =	shalt  }
0x41: {  	_ =	shalt  }
0x42: {  	_ =	shalt  }
0x43: {  	_ =	shalt  }
0x44: {  	_ =	shalt  }
0x45: {  	_ =	shalt  }
0x46: {  	_ =	shalt  }
0x47: {  	_ =	shalt  }
0x48: {  	_ =	shalt  }
0x49: {  	_ =	shalt  }
0x4a: {  	_ =	shalt  }
0x4b: {  	_ =	shalt  }
0x4c: {  	_ =	shalt  }
0x4d: {  	_ =	shalt  }
0x4e: {  	_ =	shalt  }
0x4f: {  	_ =	shalt  }
0x50: {  	_ =	shalt  }
0x51: {  	_ =	shalt  }
0x52: {  	_ =	shalt  }
0x53: {  	_ =	shalt  }
0x54: {  	_ =	shalt  }
0x55: {  	_ =	shalt  }
0x56: {  	_ =	shalt  }
0x57: {  	_ =	shalt  }
0x58: {  	_ =	shalt  }
0x59: {  	_ =	shalt  }
0x5a: {  	_ =	shalt  }
0x5b: {  	_ =	shalt  }
0x5c: {  	_ =	shalt  }
0x5d: {  	_ =	shalt  }
0x5e: {  	_ =	shalt  }
0x5f: {  	_ =	shalt  }
0x60: {  	_ =	shalt  }
0x61: {  	_ =	shalt  }
0x62: {  	_ =	shalt  }
0x63: {  	_ =	shalt  }
0x64: {  	_ =	shalt  }
0x65: {  	_ =	shalt  }
0x66: {  	_ =	shalt  }
0x67: {  	_ =	shalt  }
0x68: {  	_ =	shalt  }
0x69: {  	_ =	shalt  }
0x6a: {  	_ =	shalt  }
0x6b: {  	_ =	shalt  }
0x6c: {  	_ =	shalt  }
0x6d: {  	_ =	shalt  }
0x6e: {  	_ =	shalt  }
0x6f: {  	_ =	shalt  }
0x70: {  	_ =	shalt  }
0x71: {  	_ =	shalt  }
0x72: {  	_ =	shalt  }
0x73: {  	_ =	shalt  }
0x74: {  	_ =	shalt  }
0x75: {  	_ =	shalt  }
0x76: {  	_ =	shalt  }
0x77: {  	_ =	shalt  }
0x78: {  	_ =	shalt  }
0x79: {  	_ =	shalt  }
0x7a: {  	_ =	shalt  }
0x7b: {  	_ =	shalt  }
0x7c: {  	_ =	shalt  }
0x7d: {  	_ =	shalt  }
0x7e: {  	_ =	shalt  }
0x7f: {  	_ =	shalt  }
0x80: {  	_ =	shalt  }
0x81: {  	_ =	shalt  }
0x82: {  	_ =	shalt  }
0x83: {  	_ =	shalt  }
0x84: {  	_ =	shalt  }
0x85: {  	_ =	shalt  }
0x86: {  	_ =	shalt  }
0x87: {  	_ =	shalt  }
.Lfunc_end0:
.L_simem_size_0:
called_computation.2_lowered:
.L_overlay_start_0:
0x88: {  	s2 =	sld [smem:$0x3FD9]  }
0x89: {  	s3 =	sld [smem:$0x3FFE];
	_ =	sdelay $0x1  }
0x8a: {  	s1 =	srdreg.scid  }
0x8b: {  	s0 =	sand.u32 $0x1, s1  }
0x8c: {  	s14 =	sshll.u32 s0, $0xA;
	s2 =	sadd.s32 s3, s2  }
0x8d: {  	s2 =	sadd.s32 s2, s14  }
0x8e: {  	[smem:$0x3FBD] =	sst s2  }
0x8f: {  	_ = 	snop  }
0x90: {  	s2 =	sld [smem:$0x3FD0];
	_ =	sdelay $0x2  }
0x91: {  	s15 =	simm.s32 $0xA;
	s4 =	simm.s32 $0x10  }
0x92: {  	[smem:s4], [sflag:s15] =	dma.local [hbm:s2], $0x1  }
0x93: {  	_ =	swait.eq [sflag:s15], $0x1  }
0x94: {  	[sflag:s15] =	ssyncset.done $0x0  }
0x95: {  	[sflag:s15] =	ssyncadd.s32 $0xFFFFFFFF  }
0x96: {  	s16 =	sld [smem:$0x11];
	(tm) =	ssettm $0x1  }
0x97: {  	s17 =	sld [smem:$0x3FFB];
	_ =	sdelay $0x3  }
0x98: {  	_ =	strace s17  }
0x99: {  	s3 =	sld [smem:$0x3FFC];
	_ =	sdelay $0x3  }
0x9a: {  	_ =	strace s3  }
0x9b: {  	s3 =	sld [smem:$0x3FFD];
	_ =	sdelay $0x3  }
0x9c: {  	_ =	strace s3  }
0x9d: {  	_ =	strace $0x8FFFFFFF  }
0x9e: {  	s18 =	sld [smem:$0x3FDB];
	_ =	sdelay $0x1  }
0x9f: {  	s19 =	simm.s32 $_scs_section_size  }
0xa0: {  	s5 =	simm.s32 $_size__tile_overlayer_lowered;
	s6 =	simm.s32 $_tile_overlayer_lowered  }
0xa1: {  	s22 =	simm.s32 $0x1BFF;
	s21 =	sshll.u32 s6, $0x1;
	s3 =	sadd.s32 s19, s18  }
0xa2: {  	s7 =	simm.s32 $0x0;
	s20 =	sshll.u32 s5, $0x1;
	s5 =	sadd.s32 s21, s3  }
0xa3: {  	[timem:s7], [sflag:s22] =	dma.local [hbm:s5], s20  }
0xa4: {  	_ =	swait.ge [sflag:s22], s20  }
0xa5: {  	s4 =	ssub.s32 $0x0, s20;
	[sflag:s22] =	ssyncset.done $0x0  }
0xa6: {  	[sflag:s22] =	ssyncadd.s32 s4;
	_ =	sdelay $0x1  }
0xa7: {  	s23 =	simm.s32 $0x1B8B  }
0xa8: {  	_ =	swait.ge [sflag:s23], $0x1  }
0xa9: {  	[sflag:s23] =	ssyncset.done $0x0  }
0xaa: {  	s25 =	simm.s32 $0x1B8E;
	s24 =	sld [smem:$0x3FFE];
	[sflag:s23] =	ssyncadd.s32 $0xFFFFFFFF  }
0xab: {  	s26 =	simm.s32 $execute0_lowered;
	[smem:$0x3FD2] =	sst s25  }
0xac: {  	s5 =	sshll.u32 s26, $0x1;
	_ =	strace $0x8000004C;
	[dreg:$0x1] =	wrdreg $0xFFFFFFFF  }
0xad: {  	s28 =	simm.s32 $_size_execute0_lowered;
	s3 =	sadd.s32 s3, s5;
	[dreg:$0x0] =	wrdreg $0x0  }
0xae: {  	s5 =	sshll.u32 s28, $0x1;
	[dreg:$0x2] =	wrdreg s3  }
0xaf: {  	[dreg:$0x3] =	wrdreg s5  }
0xb0: {  	[dreg:$0x4] =	wrdreg $0xC0  }
0xb1: {  	_ =	task [dreg:s7], $0x5FFFF  }
0xb2: {  	[dreg:$0x1] =	wrdreg $0xFFFFFFFF  }
0xb3: {  	[dreg:$0x0] =	wrdreg $0x60  }
0xb4: {  	[dreg:$0x2] =	wrdreg s24  }
0xb5: {  	[dreg:$0x3] =	wrdreg s16  }
0xb6: {  	[dreg:$0x4] =	wrdreg $0xAC800  }
0xb7: {  	[dreg:$0x5] =	wrdreg $0xAF000  }
0xb8: {  	[dreg:$0x6] =	wrdreg $0xB1800  }
0xb9: {  	[dreg:$0x7] =	wrdreg $0xB4000  }
0xba: {  	[dreg:$0x8] =	wrdreg $0xB6800  }
0xbb: {  	[dreg:$0x9] =	wrdreg $0xB9000  }
0xbc: {  	[dreg:$0xa] =	wrdreg $0x9  }
0xbd: {  	_ =	task.clear_ibuf [dreg:s7], $0xBFFFF;
	_ =	strace $0x9000004C  }
0xbe: {  	s29 =	simm.s32 $0x9;
	_ =	strace $0x8000004E  }
0xbf: {  	_ =	swait.ge [sflag:s29], $0x1  }
0xc0: {  	[sflag:s29] =	ssyncadd.s32 $0xFFFFFFFF  }
0xc1: {  	_ =	strace $0x9000004E  }
0xc2: {  	_ =	sfence  }
0xc3: {  	s30 =	sld [smem:$0x0];
	_ =	sdelay $0x2  }
0xc4: {  	s31 =	sshll.u32 s1, $0xD;
	s1 =	sshrl.u32 s1, $0x2  }
0xc5: {  	s3 =	sand.u32 $0x4000, s31;
	s1 =	sadd.s32 s1, s30  }
0xc6: {  	s0 =	sor.u32 s3, s0;
	s1 =	sshll.u32 s1, $0x11  }
0xc7: {  	s0 =	sor.u32 s1, s0  }
0xc8: {  	s0 =	sadd.s32 $0x8F2B, s0  }
0xc9: {  	[sflag:s0] =	ssyncadd.remote.s32 $0x1  }
0xca: {  	_ =	sfence.sel $0xFFFF  }
0xcb: {  	[dreg:$0x0] =	wrdreg $0xFFFFFFFF;
	(pc) =	sbr.abs _section_cstart, $3  }
0xcc: {  	[dreg:$0x1] =	wrdreg $0xFFFFFFFF  }
0xcd: {  	_ =	task.clear_ibuf [dreg:s7], $0x2FFFF;
	_ =	strace $0x9FFFFFFF  }
0xce: {  	(tm) =	ssettm $0x7FFFFFFF  }
0xcf: {  	_ =	shalt  }
tec
execute0_lowered:
.L_overlay_start_1:
0x0: {  	(tag) =	ssettag $0x1  }
0x1: {  	s0 =	rddreg [dreg:$0x0]  }
0x2: {  	s2 =	rddreg [dreg:$0x2]  }
0x3: {  	s3 =	rddreg [dreg:$0x3]  }
0x4: {  	s4 =	rddreg [dreg:$0x4]  }
0x5: {  	s6 =	rddreg [dreg:$0x5]  }
0x6: {  	s7 =	rddreg [dreg:$0x6]  }
0x7: {  	s8 =	rddreg [dreg:$0x7]  }
0x8: {  	s16 =	stileid.u32;
	s1 =	srdreg.scid  }
0x9: {  	s9 =	simm.s32 $0x0;
	s31 =	simm.s32 $0x3;
	s5 =	smul.u32 $0x280, s16  }
0xa: {  	s1 =	sand.u32 $0x1, s1;
	[smem:$0x7FF] =	sst s9;
	s28 =	smul.u32 $0x2800, s16  }
0xb: {  	s13 =	sadd.s32 $0xCAC00, s0;
	s26 =	sshll.u32 s16, $0x6;
	s20 =	smul.u32 $0x28000, s16  }
0xc: {  	s16 =	simm.s32 $0xAA80;
	s10 =	smul.u32 $0xF000, s1;
	_ =	strace $0x8000004D  }
0xd: {  	s11 =	ssub.s32 $0x2, s1;
	s15 =	smul.u32 $0x28000, s1;
	s25 =	sadd.s32 s5, s2  }
0xe: {  	s1 =	smul.u32 $0x280000, s1;
	s17 =	sadd.s32 s5, s3;
	[dreg:$0x9] =	wrdreg s25  }
0xf: {  	s12 =	sshrl.u32 s5, $0x3;
	s29 =	sadd.s32 s5, s4;
	[dreg:$0xa] =	wrdreg s17  }
0x10: {  	s14 =	sshrl.u32 s11, $0x1;
	s30 =	sadd.s32 s5, s6;
	[dreg:$0xb] =	wrdreg s29  }
0x11: {  	s18 =	sadd.s32 s5, s7;
	s10 =	sadd.s32 s5, s10;
	[dreg:$0xc] =	wrdreg s30  }
0x12: {  	s12 =	sadd.s32 s12, s0;
	[dreg:$0xd] =	wrdreg s18;
	s5 =	sadd.s32 s5, s8  }
0x13: {  	v0 =	vlaneseq.u32;
	s1 =	sadd.s32 s1, s13;
	s17 =	simm.s32 $0xA780;
	s10 =	sshrl.u32 s10, $0x3  }
0x14: {  	v0 =	vmul.u32 $0x80, v0;
	[dreg:$0xe] =	wrdreg s5;
	s0 =	sadd.s32 s10, s0;
	s10 =	ssub.s32 s11, s14  }
0x15: {  	s11 =	sadd.s32 $0x1A00, s12;
	s12 =	sor.u32 $0x1C03, s26;
	s21 =	sadd.s32 $0x2000, s0  }
0x16: {  	v1 =	vor.u32 $0x1, v0;
	v2 =	vor.u32 $0x2, v0;
	v3 =	vor.u32 $0x3, v0;
	s14 =	sadd.s32 s28, s15;
	s22 =	sadd.s32 $0x2500, s0;
	[dreg:$0x10] =	wrdreg s21  }
0x17: {  	v4 =	vor.u32 $0x4, v0;
	v5 =	vor.u32 $0x800, v0;
	v6 =	vor.u32 $0x801, v0;
	s15 =	simm.s32 $0xAA00;
	s23 =	sadd.s32 $0x2A00, s0;
	[dreg:$0x11] =	wrdreg s22  }
0x18: {  	v7 =	vor.u32 $0x802, v0;
	v8 =	vor.u32 $0x803, v0;
	v9 =	vor.u32 $0x804, v0;
	s19 =	sshll.u32 s14, $0x4;
	s24 =	sadd.s32 $0x2F00, s0;
	[dreg:$0x12] =	wrdreg s23  }
0x19: {  	v10 =	vor.u32 $0x1000, v0;
	v11 =	vor.u32 $0x1001, v0;
	v12 =	vor.u32 $0x1002, v0;
	s25 =	sadd.s32 $0x3400, s0;
	s0 =	sadd.s32 $0x3900, s0;
	[dreg:$0x13] =	wrdreg s24  }
0x1a: {  	v13 =	vor.u32 $0x1003, v0;
	v14 =	vor.u32 $0x1004, v0;
	v15 =	vor.u32 $0x1800, v0;
	s26 =	smax.u32 s10, $0x1;
	s10 =	simm.s32 $0x80;
	[dreg:$0x14] =	wrdreg s25  }
0x1b: {  	v16 =	vor.u32 $0x1801, v0;
	v17 =	vor.u32 $0x1802, v0;
	v18 =	vor.u32 $0x1803, v0;
	s14 =	simm.s32 $0xA980;
	s5 =	sadd.s32 s13, s19;
	[dreg:$0x15] =	wrdreg s0  }
0x1c: {  	v19 =	vor.u32 $0x1804, v0;
	v20 =	vor.u32 $0x2000, v0;
	v21 =	vor.u32 $0x2001, v0;
	s22 =	sadd.s32 s20, s1;
	[dreg:$0x16] =	wrdreg s26;
	s1 =	simm.s32 $0x2780  }
0x1d: {  	v22 =	vor.u32 $0x2002, v0;
	v23 =	vor.u32 $0x2003, v0;
	v24 =	vor.u32 $0x2004, v0;
	s0 =	simm.s32 $0x1;
	s13 =	simm.s32 $0xA880;
	s19 =	simm.s32 $0x2  }
.Ltmp0:
0x1e: {  	v25 =	vor.u32 $0x2800, v0;
	v26 =	vor.u32 $0x2801, v0;
	v27 =	vor.u32 $0x2802, v0;
	s20 =	simm.s32 $0xA900;
	s21 =	simm.s32 $0xAB00;
	(pc) =	sbr.rel .LBB2_1-.Ltmp0, $4  }
0x1f: {  	v28 =	vor.u32 $0x2803, v0;
	v29 =	vor.u32 $0x2804, v0;
	v30 =	vor.u32 $0x3000, v0;
	s23 =	simm.s32 $0xAB80;
	s28 =	sadd.s32 $0x800, s5;
	[dreg:$0xf] =	wrdreg s5  }
0x20: {  	v31 =	vor.u32 $0x3001, v0;
	v32 =	vor.u32 $0x3002, v0;
	v33 =	vor.u32 $0x3003, v0;
	s24 =	simm.s32 $0xAC00;
	s29 =	sadd.s32 $0x1000, s5;
	[dreg:$0x17] =	wrdreg s28  }
0x21: {  	v34 =	vor.u32 $0x3004, v0;
	v35 =	vor.u32 $0x3800, v0;
	v36 =	vor.u32 $0x3801, v0;
	s25 =	simm.s32 $0xA800;
	s30 =	sadd.s32 $0x1800, s5;
	[dreg:$0x18] =	wrdreg s29  }
0x22: {  	v37 =	vor.u32 $0x3802, v0;
	v38 =	vor.u32 $0x3803, v0;
	v39 =	vor.u32 $0x3804, v0;
	s26 =	simm.s32 $0x0;
	s5 =	simm.s32 $0x6780;
	[dreg:$0x19] =	wrdreg s30  }
.LBB2_4:
0x23: {  	[bflag:$0x0] =	sbarrier.arrive $0xFFFF  }
0x24: {  	s18 =	rddreg [dreg:$0x10]  }
0x25: {  	s28 =	rddreg [dreg:$0x1a]  }
0x26: {  	[hbm:s18], [sflag:s12] =	dma.local [spmem:s28], $0x50  }
0x27: {  	_ =	swait.ge [sflag:s31], $0x50  }
0x28: {  	[sflag:s31] =	ssyncset.done $0x0;
	s30 =	rddreg [dreg:$0x11]  }
0x29: {  	s29 =	rddreg [dreg:$0x1b];
	[sflag:s31] =	ssyncadd.s32 $0xFFFFFFB0  }
0x2a: {  	[hbm:s30], [sflag:s12] =	dma.local [spmem:s29], $0x50  }
0x2b: {  	_ =	swait.ge [sflag:s31], $0x50  }
0x2c: {  	[sflag:s31] =	ssyncset.done $0x0;
	s30 =	rddreg [dreg:$0x12]  }
0x2d: {  	s29 =	rddreg [dreg:$0x1c];
	[sflag:s31] =	ssyncadd.s32 $0xFFFFFFB0  }
0x2e: {  	[hbm:s30], [sflag:s12] =	dma.local [spmem:s29], $0x50  }
0x2f: {  	_ =	swait.ge [sflag:s31], $0x50  }
0x30: {  	[sflag:s31] =	ssyncset.done $0x0;
	s30 =	rddreg [dreg:$0x13]  }
0x31: {  	s29 =	rddreg [dreg:$0x1d];
	[sflag:s31] =	ssyncadd.s32 $0xFFFFFFB0  }
0x32: {  	[hbm:s30], [sflag:s12] =	dma.local [spmem:s29], $0x50  }
0x33: {  	_ =	swait.ge [sflag:s31], $0x50  }
0x34: {  	[sflag:s31] =	ssyncset.done $0x0;
	s30 =	rddreg [dreg:$0x14]  }
0x35: {  	s29 =	rddreg [dreg:$0x1e];
	[sflag:s31] =	ssyncadd.s32 $0xFFFFFFB0  }
0x36: {  	[hbm:s30], [sflag:s12] =	dma.local [spmem:s29], $0x50  }
0x37: {  	_ =	swait.ge [sflag:s31], $0x50  }
0x38: {  	[sflag:s31] =	ssyncset.done $0x0;
	s30 =	rddreg [dreg:$0x15]  }
0x39: {  	s29 =	rddreg [dreg:$0x1f];
	[sflag:s31] =	ssyncadd.s32 $0xFFFFFFB0  }
0x3a: {  	[hbm:s30], [sflag:s12] =	dma.local [spmem:s29], $0x50  }
0x3b: {  	_ =	swait.ge [sflag:s31], $0x50  }
0x3c: {  	s26 =	sadd.s32 $0x1, s26;
	s30 =	rddreg [dreg:$0x16]  }
0x3d: {  	p0 =	sne.s32 s26, s30  }
.Ltmp1:
0x3e: {  	_ = 	snop;
	(pc) =	sbr.rel @!p0 .LBB2_5-.Ltmp1, $3  }
0x3f: {  	_ =	sdelay $0x1  }
0x40: {  	[sflag:s31] =	ssyncset.done $0x0  }
0x41: {  	[sflag:s31] =	ssyncadd.s32 $0xFFFFFFB0  }
.LBB2_1:
0x42: {  	s18 =	rddreg [dreg:$0x9]  }
0x43: {  	s18 =	sshrl.u32 s18, $0x3  }
0x44: {  	[dreg:$0x1a] =	wrdreg s18  }
0x45: {  	[spmem:s18], [sflag:s12] =	dma.local [hbm:s11], $0x50  }
0x46: {  	_ =	swait.ge [sflag:s31], $0x50  }
0x47: {  	s28 =	rddreg [dreg:$0xa]  }
0x48: {  	[sflag:s31] =	ssyncset.done $0x0;
	s18 =	sshrl.u32 s28, $0x3  }
0x49: {  	[sflag:s31] =	ssyncadd.s32 $0xFFFFFFB0;
	[dreg:$0x1b] =	wrdreg s18  }
0x4a: {  	[spmem:s18], [sflag:s12] =	dma.local [hbm:s11], $0x50  }
0x4b: {  	_ =	swait.ge [sflag:s31], $0x50  }
0x4c: {  	s29 =	rddreg [dreg:$0xb]  }
0x4d: {  	[sflag:s31] =	ssyncset.done $0x0;
	s18 =	sshrl.u32 s29, $0x3  }
0x4e: {  	[sflag:s31] =	ssyncadd.s32 $0xFFFFFFB0;
	[dreg:$0x1c] =	wrdreg s18  }
0x4f: {  	[spmem:s18], [sflag:s12] =	dma.local [hbm:s11], $0x50  }
0x50: {  	_ =	swait.ge [sflag:s31], $0x50  }
0x51: {  	s28 =	rddreg [dreg:$0xc]  }
0x52: {  	[sflag:s31] =	ssyncset.done $0x0;
	s18 =	sshrl.u32 s28, $0x3  }
0x53: {  	[sflag:s31] =	ssyncadd.s32 $0xFFFFFFB0;
	[dreg:$0x1d] =	wrdreg s18  }
0x54: {  	[spmem:s18], [sflag:s12] =	dma.local [hbm:s11], $0x50  }
0x55: {  	_ =	swait.ge [sflag:s31], $0x50  }
0x56: {  	s29 =	rddreg [dreg:$0xd]  }
0x57: {  	[sflag:s31] =	ssyncset.done $0x0;
	s18 =	sshrl.u32 s29, $0x3  }
0x58: {  	[sflag:s31] =	ssyncadd.s32 $0xFFFFFFB0;
	[dreg:$0x1e] =	wrdreg s18  }
0x59: {  	[spmem:s18], [sflag:s12] =	dma.local [hbm:s11], $0x50  }
0x5a: {  	_ =	swait.ge [sflag:s31], $0x50  }
0x5b: {  	s28 =	rddreg [dreg:$0xe]  }
0x5c: {  	[sflag:s31] =	ssyncset.done $0x0;
	s18 =	sshrl.u32 s28, $0x3  }
0x5d: {  	[sflag:s31] =	ssyncadd.s32 $0xFFFFFFB0;
	[dreg:$0x1f] =	wrdreg s18  }
0x5e: {  	[spmem:s18], [sflag:s12] =	dma.local [hbm:s11], $0x50  }
0x5f: {  	_ =	swait.ge [sflag:s31], $0x50  }
0x60: {  	[sflag:s31] =	ssyncset.done $0x0  }
0x61: {  	[sflag:s31] =	ssyncadd.s32 $0xFFFFFFB0  }
0x62: {  	s29 =	rddreg [dreg:$0x1]  }
0x63: {  	[tilespmem:s9], [sflag:$0x3] =	stream.linear.gather [hbm4b:s29+s9], $0x2780, $0x38;
	[tilespmem:$0xBB80] =	vst v63  }
0x64: {  	_ =	swait.ge [sflag:s31], $0x2780  }
0x65: {  	[sflag:s31] =	ssyncset.done $0x0  }
0x66: {  	[sflag:s31] =	ssyncadd.s32 $0xFFFFD880  }
0x67: {  	[bflag:$0x0] =	sbarrier.arrive $0xFFFF  }
0x68: {  	s28 =	rddreg [dreg:$0xf]  }
0x69: {  	[tilespmem:s1], [sflag:$0x1] =	stream.linear.gather [hbm4b:s28+s9], $0x4000, $0x38;
	[tilespmem:$0xBB80] =	vst v63  }
0x6a: {  	s29 =	rddreg [dreg:$0x17]  }
0x6b: {  	[tilespmem:s5], [sflag:$0x2] =	stream.linear.gather [hbm4b:s29+s9], $0x4000, $0x38;
	[tilespmem:$0xBB80] =	vst v63  }
0x6c: {  	_ =	swait.ge [sflag:s0], $0x4000  }
0x6d: {  	[sflag:s0] =	ssyncset.done $0x0  }
0x6e: {  	[sflag:s0] =	ssyncadd.s32 $0xFFFFC000  }
0x6f: {  	v40 =	vld.idx.msk [tilespmem:v1+s1+$0x0], $0xffff;
	_ =	sdelay $0x5  }
0x70: {  	v41 =	vld.idx.msk [tilespmem:v0+s1+$0x0], $0xffff  }
0x71: {  	v42 =	vld.idx.msk [tilespmem:v2+s1+$0x0], $0xffff  }
0x72: {  	v43 =	vld.idx.msk [tilespmem:v40+s9+$0x0], $0xffff  }
0x73: {  	v44 =	vld.idx.msk [tilespmem:v3+s1+$0x0], $0xffff  }
0x74: {  	v45 =	vld.idx.msk [tilespmem:v4+s1+$0x0], $0xffff;
	_ =	sdelay $0x2  }
0x75: {  	[tilespmem:$0xA780] =	vst v41;
	v56 =	vmul.f32 v42, v43  }
0x76: {  	[tilespmem:$0xA880] =	vst v40;
	v57 =	vmul.f32 v44, v43  }
0x77: {  	v58 =	vmul.f32 v45, v43;
	[tilespmem:$0xA980] =	vst v56  }
0x78: {  	[tilespmem:$0xAA00] =	vst v57  }
0x79: {  	[tilespmem:$0xAA80] =	vst v58  }
0x7a: {  	v40 =	vld.idx.msk [tilespmem:v6+s1+$0x0], $0xffff;
	_ =	sdelay $0x5  }
0x7b: {  	v41 =	vld.idx.msk [tilespmem:v5+s1+$0x0], $0xffff  }
0x7c: {  	v59 =	vld.idx.msk [tilespmem:v7+s1+$0x0], $0xffff  }
0x7d: {  	v60 =	vld.idx.msk [tilespmem:v40+s9+$0x0], $0xffff  }
0x7e: {  	v61 =	vld.idx.msk [tilespmem:v8+s1+$0x0], $0xffff  }
0x7f: {  	v62 =	vld.idx.msk [tilespmem:v9+s1+$0x0], $0xffff;
	_ =	sdelay $0x2  }
0x80: {  	[tilespmem:$0xA790] =	vst v41;
	v63 =	vmul.f32 v59, v60  }
0x81: {  	[tilespmem:$0xA890] =	vst v40;
	v46 =	vmul.f32 v61, v60  }
0x82: {  	v47 =	vmul.f32 v62, v60;
	[tilespmem:$0xA990] =	vst v63  }
0x83: {  	[tilespmem:$0xAA10] =	vst v46  }
0x84: {  	[tilespmem:$0xAA90] =	vst v47  }
0x85: {  	v40 =	vld.idx.msk [tilespmem:v11+s1+$0x0], $0xffff;
	_ =	sdelay $0x5  }
0x86: {  	v41 =	vld.idx.msk [tilespmem:v10+s1+$0x0], $0xffff  }
0x87: {  	v48 =	vld.idx.msk [tilespmem:v12+s1+$0x0], $0xffff  }
0x88: {  	v49 =	vld.idx.msk [tilespmem:v40+s9+$0x0], $0xffff  }
0x89: {  	v50 =	vld.idx.msk [tilespmem:v13+s1+$0x0], $0xffff  }
0x8a: {  	v51 =	vld.idx.msk [tilespmem:v14+s1+$0x0], $0xffff;
	_ =	sdelay $0x2  }
0x8b: {  	[tilespmem:$0xA7A0] =	vst v41;
	v52 =	vmul.f32 v48, v49  }
0x8c: {  	[tilespmem:$0xA8A0] =	vst v40;
	v53 =	vmul.f32 v50, v49  }
0x8d: {  	v54 =	vmul.f32 v51, v49;
	[tilespmem:$0xA9A0] =	vst v52  }
0x8e: {  	[tilespmem:$0xAA20] =	vst v53  }
0x8f: {  	[tilespmem:$0xAAA0] =	vst v54  }
0x90: {  	v40 =	vld.idx.msk [tilespmem:v16+s1+$0x0], $0xffff;
	_ =	sdelay $0x5  }
0x91: {  	v41 =	vld.idx.msk [tilespmem:v15+s1+$0x0], $0xffff  }
0x92: {  	v55 =	vld.idx.msk [tilespmem:v17+s1+$0x0], $0xffff  }
0x93: {  	v56 =	vld.idx.msk [tilespmem:v40+s9+$0x0], $0xffff  }
0x94: {  	v57 =	vld.idx.msk [tilespmem:v18+s1+$0x0], $0xffff  }
0x95: {  	v58 =	vld.idx.msk [tilespmem:v19+s1+$0x0], $0xffff;
	_ =	sdelay $0x2  }
0x96: {  	[tilespmem:$0xA7B0] =	vst v41;
	v59 =	vmul.f32 v55, v56  }
0x97: {  	[tilespmem:$0xA8B0] =	vst v40;
	v60 =	vmul.f32 v57, v56  }
0x98: {  	v61 =	vmul.f32 v58, v56;
	[tilespmem:$0xA9B0] =	vst v59  }
0x99: {  	[tilespmem:$0xAA30] =	vst v60  }
0x9a: {  	[tilespmem:$0xAAB0] =	vst v61  }
0x9b: {  	v40 =	vld.idx.msk [tilespmem:v21+s1+$0x0], $0xffff;
	_ =	sdelay $0x5  }
0x9c: {  	v41 =	vld.idx.msk [tilespmem:v20+s1+$0x0], $0xffff  }
0x9d: {  	v62 =	vld.idx.msk [tilespmem:v22+s1+$0x0], $0xffff  }
0x9e: {  	v63 =	vld.idx.msk [tilespmem:v40+s9+$0x0], $0xffff  }
0x9f: {  	v48 =	vld.idx.msk [tilespmem:v23+s1+$0x0], $0xffff  }
0xa0: {  	v49 =	vld.idx.msk [tilespmem:v24+s1+$0x0], $0xffff;
	_ =	sdelay $0x2  }
0xa1: {  	[tilespmem:$0xA7C0] =	vst v41;
	v50 =	vmul.f32 v62, v63  }
0xa2: {  	[tilespmem:$0xA8C0] =	vst v40;
	v51 =	vmul.f32 v48, v63  }
0xa3: {  	v52 =	vmul.f32 v49, v63;
	[tilespmem:$0xA9C0] =	vst v50  }
0xa4: {  	[tilespmem:$0xAA40] =	vst v51  }
0xa5: {  	[tilespmem:$0xAAC0] =	vst v52  }
0xa6: {  	v40 =	vld.idx.msk [tilespmem:v26+s1+$0x0], $0xffff;
	_ =	sdelay $0x5  }
0xa7: {  	v41 =	vld.idx.msk [tilespmem:v25+s1+$0x0], $0xffff  }
0xa8: {  	v53 =	vld.idx.msk [tilespmem:v27+s1+$0x0], $0xffff  }
0xa9: {  	v54 =	vld.idx.msk [tilespmem:v40+s9+$0x0], $0xffff  }
0xaa: {  	v55 =	vld.idx.msk [tilespmem:v28+s1+$0x0], $0xffff  }
0xab: {  	v56 =	vld.idx.msk [tilespmem:v29+s1+$0x0], $0xffff;
	_ =	sdelay $0x2  }
0xac: {  	[tilespmem:$0xA7D0] =	vst v41;
	v57 =	vmul.f32 v53, v54  }
0xad: {  	[tilespmem:$0xA8D0] =	vst v40;
	v58 =	vmul.f32 v55, v54  }
0xae: {  	v59 =	vmul.f32 v56, v54;
	[tilespmem:$0xA9D0] =	vst v57  }
0xaf: {  	[tilespmem:$0xAA50] =	vst v58  }
0xb0: {  	[tilespmem:$0xAAD0] =	vst v59  }
0xb1: {  	v40 =	vld.idx.msk [tilespmem:v31+s1+$0x0], $0xffff;
	_ =	sdelay $0x5  }
0xb2: {  	v41 =	vld.idx.msk [tilespmem:v30+s1+$0x0], $0xffff  }
0xb3: {  	v60 =	vld.idx.msk [tilespmem:v32+s1+$0x0], $0xffff  }
0xb4: {  	v61 =	vld.idx.msk [tilespmem:v40+s9+$0x0], $0xffff  }
0xb5: {  	v62 =	vld.idx.msk [tilespmem:v33+s1+$0x0], $0xffff  }
0xb6: {  	v63 =	vld.idx.msk [tilespmem:v34+s1+$0x0], $0xffff;
	_ =	sdelay $0x2  }
0xb7: {  	[tilespmem:$0xA7E0] =	vst v41;
	v47 =	vmul.f32 v60, v61  }
0xb8: {  	[tilespmem:$0xA8E0] =	vst v40;
	v48 =	vmul.f32 v62, v61  }
0xb9: {  	v49 =	vmul.f32 v63, v61;
	[tilespmem:$0xA9E0] =	vst v47  }
0xba: {  	[tilespmem:$0xAA60] =	vst v48  }
0xbb: {  	[tilespmem:$0xAAE0] =	vst v49  }
0xbc: {  	v40 =	vld.idx.msk [tilespmem:v36+s1+$0x0], $0xffff;
	_ =	sdelay $0x5  }
0xbd: {  	v41 =	vld.idx.msk [tilespmem:v35+s1+$0x0], $0xffff  }
0xbe: {  	v50 =	vld.idx.msk [tilespmem:v37+s1+$0x0], $0xffff  }
0xbf: {  	v51 =	vld.idx.msk [tilespmem:v40+s9+$0x0], $0xffff  }
0xc0: {  	v52 =	vld.idx.msk [tilespmem:v38+s1+$0x0], $0xffff  }
0xc1: {  	v53 =	vld.idx.msk [tilespmem:v39+s1+$0x0], $0xffff;
	_ =	sdelay $0x2  }
0xc2: {  	[tilespmem:$0xA7F0] =	vst v41;
	v54 =	vmul.f32 v50, v51  }
0xc3: {  	[tilespmem:$0xA8F0] =	vst v40;
	v55 =	vmul.f32 v52, v51  }
0xc4: {  	v56 =	vmul.f32 v53, v51;
	[tilespmem:$0xA9F0] =	vst v54  }
0xc5: {  	[tilespmem:$0xAA70] =	vst v55  }
0xc6: {  	[tilespmem:$0xAAF0] =	vst v56  }
0xc7: {  	[spmem:s2] =	stream.indirect.scatter.add.f32 [tilespmem:s14], [sflag:$0x3], $0x1, s13, s10, $0xb8;
	[tilespmem:$0xBB80] =	vst v63  }
0xc8: {  	_ =	swait.ge [sflag:s31], $0x80  }
0xc9: {  	[sflag:s31] =	ssyncset.done $0x0  }
0xca: {  	[sflag:s31] =	ssyncadd.s32 $0xFFFFFF80  }
0xcb: {  	[spmem:s3] =	stream.indirect.scatter.add.f32 [tilespmem:s15], [sflag:$0x3], $0x1, s13, s10, $0xb8;
	[tilespmem:$0xBB80] =	vst v63  }
0xcc: {  	_ =	swait.ge [sflag:s31], $0x80  }
0xcd: {  	[sflag:s31] =	ssyncset.done $0x0  }
0xce: {  	[sflag:s31] =	ssyncadd.s32 $0xFFFFFF80  }
0xcf: {  	[spmem:s4] =	stream.indirect.scatter.add.f32 [tilespmem:s16], [sflag:$0x3], $0x1, s13, s10, $0xb8;
	[tilespmem:$0xBB80] =	vst v63  }
0xd0: {  	_ =	swait.ge [sflag:s31], $0x80  }
0xd1: {  	[sflag:s31] =	ssyncset.done $0x0  }
0xd2: {  	[sflag:s31] =	ssyncadd.s32 $0xFFFFFF80  }
0xd3: {  	[spmem:s6] =	stream.indirect.scatter.add.f32 [tilespmem:s14], [sflag:$0x3], $0x1, s17, s10, $0xb8;
	[tilespmem:$0xBB80] =	vst v63  }
0xd4: {  	_ =	swait.ge [sflag:s31], $0x80  }
0xd5: {  	[sflag:s31] =	ssyncset.done $0x0  }
0xd6: {  	[sflag:s31] =	ssyncadd.s32 $0xFFFFFF80  }
0xd7: {  	[spmem:s7] =	stream.indirect.scatter.add.f32 [tilespmem:s15], [sflag:$0x3], $0x1, s17, s10, $0xb8;
	[tilespmem:$0xBB80] =	vst v63  }
0xd8: {  	_ =	swait.ge [sflag:s31], $0x80  }
0xd9: {  	[sflag:s31] =	ssyncset.done $0x0  }
0xda: {  	[sflag:s31] =	ssyncadd.s32 $0xFFFFFF80  }
0xdb: {  	[spmem:s8] =	stream.indirect.scatter.add.f32 [tilespmem:s16], [sflag:$0x3], $0x1, s17, s10, $0xb8;
	[tilespmem:$0xBB80] =	vst v63  }
0xdc: {  	_ =	swait.ge [sflag:s31], $0x80  }
0xdd: {  	[sflag:s31] =	ssyncset.done $0x0  }
0xde: {  	s28 =	rddreg [dreg:$0x18];
	[sflag:s31] =	ssyncadd.s32 $0xFFFFFF80  }
0xdf: {  	[tilespmem:s1], [sflag:$0x1] =	stream.linear.gather [hbm4b:s28+s9], $0x4000, $0x38;
	[tilespmem:$0xBB80] =	vst v63  }
0xe0: {  	_ =	swait.ge [sflag:s19], $0x4000  }
0xe1: {  	[sflag:s19] =	ssyncset.done $0x0  }
0xe2: {  	[sflag:s19] =	ssyncadd.s32 $0xFFFFC000  }
0xe3: {  	v57 =	vld.idx.msk [tilespmem:v1+s5+$0x0], $0xffff;
	_ =	sdelay $0x5  }
0xe4: {  	v58 =	vld.idx.msk [tilespmem:v0+s5+$0x0], $0xffff  }
0xe5: {  	v59 =	vld.idx.msk [tilespmem:v2+s5+$0x0], $0xffff  }
0xe6: {  	v60 =	vld.idx.msk [tilespmem:v57+s9+$0x0], $0xffff  }
0xe7: {  	v61 =	vld.idx.msk [tilespmem:v3+s5+$0x0], $0xffff  }
0xe8: {  	v62 =	vld.idx.msk [tilespmem:v4+s5+$0x0], $0xffff;
	_ =	sdelay $0x2  }
0xe9: {  	[tilespmem:$0xA800] =	vst v58;
	v63 =	vmul.f32 v59, v60  }
0xea: {  	[tilespmem:$0xA900] =	vst v57;
	v46 =	vmul.f32 v61, v60  }
0xeb: {  	v47 =	vmul.f32 v62, v60;
	[tilespmem:$0xAB00] =	vst v63  }
0xec: {  	[tilespmem:$0xAB80] =	vst v46  }
0xed: {  	[tilespmem:$0xAC00] =	vst v47  }
0xee: {  	v40 =	vld.idx.msk [tilespmem:v6+s5+$0x0], $0xffff;
	_ =	sdelay $0x5  }
0xef: {  	v41 =	vld.idx.msk [tilespmem:v5+s5+$0x0], $0xffff  }
0xf0: {  	v48 =	vld.idx.msk [tilespmem:v7+s5+$0x0], $0xffff  }
0xf1: {  	v49 =	vld.idx.msk [tilespmem:v40+s9+$0x0], $0xffff  }
0xf2: {  	v50 =	vld.idx.msk [tilespmem:v8+s5+$0x0], $0xffff  }
0xf3: {  	v51 =	vld.idx.msk [tilespmem:v9+s5+$0x0], $0xffff;
	_ =	sdelay $0x2  }
0xf4: {  	[tilespmem:$0xA810] =	vst v41;
	v52 =	vmul.f32 v48, v49  }
0xf5: {  	[tilespmem:$0xA910] =	vst v40;
	v53 =	vmul.f32 v50, v49  }
0xf6: {  	v54 =	vmul.f32 v51, v49;
	[tilespmem:$0xAB10] =	vst v52  }
0xf7: {  	[tilespmem:$0xAB90] =	vst v53  }
0xf8: {  	[tilespmem:$0xAC10] =	vst v54  }
0xf9: {  	v40 =	vld.idx.msk [tilespmem:v11+s5+$0x0], $0xffff;
	_ =	sdelay $0x5  }
0xfa: {  	v41 =	vld.idx.msk [tilespmem:v10+s5+$0x0], $0xffff  }
0xfb: {  	v55 =	vld.idx.msk [tilespmem:v12+s5+$0x0], $0xffff  }
0xfc: {  	v56 =	vld.idx.msk [tilespmem:v40+s9+$0x0], $0xffff  }
0xfd: {  	v57 =	vld.idx.msk [tilespmem:v13+s5+$0x0], $0xffff  }
0xfe: {  	v58 =	vld.idx.msk [tilespmem:v14+s5+$0x0], $0xffff;
	_ =	sdelay $0x2  }
0xff: {  	[tilespmem:$0xA820] =	vst v41;
	v59 =	vmul.f32 v55, v56  }
0x100: {  	[tilespmem:$0xA920] =	vst v40;
	v60 =	vmul.f32 v57, v56  }
0x101: {  	v61 =	vmul.f32 v58, v56;
	[tilespmem:$0xAB20] =	vst v59  }
0x102: {  	[tilespmem:$0xABA0] =	vst v60  }
0x103: {  	[tilespmem:$0xAC20] =	vst v61  }
0x104: {  	v40 =	vld.idx.msk [tilespmem:v16+s5+$0x0], $0xffff;
	_ =	sdelay $0x5  }
0x105: {  	v41 =	vld.idx.msk [tilespmem:v15+s5+$0x0], $0xffff  }
0x106: {  	v62 =	vld.idx.msk [tilespmem:v17+s5+$0x0], $0xffff  }
0x107: {  	v63 =	vld.idx.msk [tilespmem:v40+s9+$0x0], $0xffff  }
0x108: {  	v48 =	vld.idx.msk [tilespmem:v18+s5+$0x0], $0xffff  }
0x109: {  	v49 =	vld.idx.msk [tilespmem:v19+s5+$0x0], $0xffff;
	_ =	sdelay $0x2  }
0x10a: {  	[tilespmem:$0xA830] =	vst v41;
	v50 =	vmul.f32 v62, v63  }
0x10b: {  	[tilespmem:$0xA930] =	vst v40;
	v51 =	vmul.f32 v48, v63  }
0x10c: {  	v52 =	vmul.f32 v49, v63;
	[tilespmem:$0xAB30] =	vst v50  }
0x10d: {  	[tilespmem:$0xABB0] =	vst v51  }
0x10e: {  	[tilespmem:$0xAC30] =	vst v52  }
0x10f: {  	v40 =	vld.idx.msk [tilespmem:v21+s5+$0x0], $0xffff;
	_ =	sdelay $0x5  }
0x110: {  	v41 =	vld.idx.msk [tilespmem:v20+s5+$0x0], $0xffff  }
0x111: {  	v53 =	vld.idx.msk [tilespmem:v22+s5+$0x0], $0xffff  }
0x112: {  	v54 =	vld.idx.msk [tilespmem:v40+s9+$0x0], $0xffff  }
0x113: {  	v55 =	vld.idx.msk [tilespmem:v23+s5+$0x0], $0xffff  }
0x114: {  	v56 =	vld.idx.msk [tilespmem:v24+s5+$0x0], $0xffff;
	_ =	sdelay $0x2  }
0x115: {  	[tilespmem:$0xA840] =	vst v41;
	v57 =	vmul.f32 v53, v54  }
0x116: {  	[tilespmem:$0xA940] =	vst v40;
	v58 =	vmul.f32 v55, v54  }
0x117: {  	v59 =	vmul.f32 v56, v54;
	[tilespmem:$0xAB40] =	vst v57  }
0x118: {  	[tilespmem:$0xABC0] =	vst v58  }
0x119: {  	[tilespmem:$0xAC40] =	vst v59  }
0x11a: {  	v40 =	vld.idx.msk [tilespmem:v26+s5+$0x0], $0xffff;
	_ =	sdelay $0x5  }
0x11b: {  	v41 =	vld.idx.msk [tilespmem:v25+s5+$0x0], $0xffff  }
0x11c: {  	v60 =	vld.idx.msk [tilespmem:v27+s5+$0x0], $0xffff  }
0x11d: {  	v61 =	vld.idx.msk [tilespmem:v40+s9+$0x0], $0xffff  }
0x11e: {  	v62 =	vld.idx.msk [tilespmem:v28+s5+$0x0], $0xffff  }
0x11f: {  	v63 =	vld.idx.msk [tilespmem:v29+s5+$0x0], $0xffff;
	_ =	sdelay $0x2  }
0x120: {  	[tilespmem:$0xA850] =	vst v41;
	v47 =	vmul.f32 v60, v61  }
0x121: {  	[tilespmem:$0xA950] =	vst v40;
	v48 =	vmul.f32 v62, v61  }
0x122: {  	v49 =	vmul.f32 v63, v61;
	[tilespmem:$0xAB50] =	vst v47  }
0x123: {  	[tilespmem:$0xABD0] =	vst v48  }
0x124: {  	[tilespmem:$0xAC50] =	vst v49  }
0x125: {  	v40 =	vld.idx.msk [tilespmem:v31+s5+$0x0], $0xffff;
	_ =	sdelay $0x5  }
0x126: {  	v41 =	vld.idx.msk [tilespmem:v30+s5+$0x0], $0xffff  }
0x127: {  	v50 =	vld.idx.msk [tilespmem:v32+s5+$0x0], $0xffff  }
0x128: {  	v51 =	vld.idx.msk [tilespmem:v40+s9+$0x0], $0xffff  }
0x129: {  	v52 =	vld.idx.msk [tilespmem:v33+s5+$0x0], $0xffff  }
0x12a: {  	v53 =	vld.idx.msk [tilespmem:v34+s5+$0x0], $0xffff;
	_ =	sdelay $0x2  }
0x12b: {  	[tilespmem:$0xA860] =	vst v41;
	v54 =	vmul.f32 v50, v51  }
0x12c: {  	[tilespmem:$0xA960] =	vst v40;
	v55 =	vmul.f32 v52, v51  }
0x12d: {  	v56 =	vmul.f32 v53, v51;
	[tilespmem:$0xAB60] =	vst v54  }
0x12e: {  	[tilespmem:$0xABE0] =	vst v55  }
0x12f: {  	[tilespmem:$0xAC60] =	vst v56  }
0x130: {  	v40 =	vld.idx.msk [tilespmem:v36+s5+$0x0], $0xffff;
	_ =	sdelay $0x5  }
0x131: {  	v41 =	vld.idx.msk [tilespmem:v35+s5+$0x0], $0xffff  }
0x132: {  	v57 =	vld.idx.msk [tilespmem:v37+s5+$0x0], $0xffff  }
0x133: {  	v58 =	vld.idx.msk [tilespmem:v40+s9+$0x0], $0xffff  }
0x134: {  	v59 =	vld.idx.msk [tilespmem:v38+s5+$0x0], $0xffff  }
0x135: {  	v60 =	vld.idx.msk [tilespmem:v39+s5+$0x0], $0xffff;
	_ =	sdelay $0x2  }
0x136: {  	[tilespmem:$0xA870] =	vst v41;
	v61 =	vmul.f32 v57, v58  }
0x137: {  	[tilespmem:$0xA970] =	vst v40;
	v62 =	vmul.f32 v59, v58  }
0x138: {  	v63 =	vmul.f32 v60, v58;
	[tilespmem:$0xAB70] =	vst v61  }
0x139: {  	[tilespmem:$0xABF0] =	vst v62  }
0x13a: {  	[tilespmem:$0xAC70] =	vst v63  }
0x13b: {  	[spmem:s2] =	stream.indirect.scatter.add.f32 [tilespmem:s21], [sflag:$0x3], $0x1, s20, s10, $0xb8;
	[tilespmem:$0xBB80] =	vst v63  }
0x13c: {  	_ =	swait.ge [sflag:s31], $0x80  }
0x13d: {  	[sflag:s31] =	ssyncset.done $0x0  }
0x13e: {  	[sflag:s31] =	ssyncadd.s32 $0xFFFFFF80  }
0x13f: {  	[spmem:s3] =	stream.indirect.scatter.add.f32 [tilespmem:s23], [sflag:$0x3], $0x1, s20, s10, $0xb8;
	[tilespmem:$0xBB80] =	vst v63  }
0x140: {  	_ =	swait.ge [sflag:s31], $0x80  }
0x141: {  	[sflag:s31] =	ssyncset.done $0x0  }
0x142: {  	[sflag:s31] =	ssyncadd.s32 $0xFFFFFF80  }
0x143: {  	[spmem:s4] =	stream.indirect.scatter.add.f32 [tilespmem:s24], [sflag:$0x3], $0x1, s20, s10, $0xb8;
	[tilespmem:$0xBB80] =	vst v63  }
0x144: {  	_ =	swait.ge [sflag:s31], $0x80  }
0x145: {  	[sflag:s31] =	ssyncset.done $0x0  }
0x146: {  	[sflag:s31] =	ssyncadd.s32 $0xFFFFFF80  }
0x147: {  	[spmem:s6] =	stream.indirect.scatter.add.f32 [tilespmem:s21], [sflag:$0x3], $0x1, s25, s10, $0xb8;
	[tilespmem:$0xBB80] =	vst v63  }
0x148: {  	_ =	swait.ge [sflag:s31], $0x80  }
0x149: {  	[sflag:s31] =	ssyncset.done $0x0  }
0x14a: {  	[sflag:s31] =	ssyncadd.s32 $0xFFFFFF80  }
0x14b: {  	[spmem:s7] =	stream.indirect.scatter.add.f32 [tilespmem:s23], [sflag:$0x3], $0x1, s25, s10, $0xb8;
	[tilespmem:$0xBB80] =	vst v63  }
0x14c: {  	_ =	swait.ge [sflag:s31], $0x80  }
0x14d: {  	[sflag:s31] =	ssyncset.done $0x0  }
0x14e: {  	[sflag:s31] =	ssyncadd.s32 $0xFFFFFF80  }
0x14f: {  	[spmem:s8] =	stream.indirect.scatter.add.f32 [tilespmem:s24], [sflag:$0x3], $0x1, s25, s10, $0xb8;
	[tilespmem:$0xBB80] =	vst v63  }
0x150: {  	_ =	swait.ge [sflag:s31], $0x80  }
0x151: {  	[sflag:s31] =	ssyncset.done $0x0  }
0x152: {  	s30 =	simm.s32 $0xFFFDA000;
	s29 =	rddreg [dreg:$0x19];
	[sflag:s31] =	ssyncadd.s32 $0xFFFFFF80  }
0x153: {  	[tilespmem:s5], [sflag:$0x2] =	stream.linear.gather [hbm4b:s29+s9], $0x4000, $0x38;
	[tilespmem:$0xBB80] =	vst v63  }
.LBB2_2:
0x154: {  	_ = 	snop  }
0x155: {  	_ =	swait.ge [sflag:s0], $0x4000  }
0x156: {  	[sflag:s0] =	ssyncset.done $0x0  }
0x157: {  	[sflag:s0] =	ssyncadd.s32 $0xFFFFC000  }
0x158: {  	v40 =	vld.idx.msk [tilespmem:v1+s1+$0x0], $0xffff;
	_ =	sdelay $0x5  }
0x159: {  	v41 =	vld.idx.msk [tilespmem:v0+s1+$0x0], $0xffff  }
0x15a: {  	v42 =	vld.idx.msk [tilespmem:v2+s1+$0x0], $0xffff  }
0x15b: {  	v43 =	vld.idx.msk [tilespmem:v40+s9+$0x0], $0xffff  }
0x15c: {  	v44 =	vld.idx.msk [tilespmem:v3+s1+$0x0], $0xffff  }
0x15d: {  	v45 =	vld.idx.msk [tilespmem:v4+s1+$0x0], $0xffff;
	_ =	sdelay $0x2  }
0x15e: {  	[tilespmem:$0xA780] =	vst v41;
	v56 =	vmul.f32 v42, v43  }
0x15f: {  	[tilespmem:$0xA880] =	vst v40;
	v57 =	vmul.f32 v44, v43  }
0x160: {  	v58 =	vmul.f32 v45, v43;
	[tilespmem:$0xA980] =	vst v56  }
0x161: {  	[tilespmem:$0xAA00] =	vst v57  }
0x162: {  	[tilespmem:$0xAA80] =	vst v58  }
0x163: {  	v40 =	vld.idx.msk [tilespmem:v6+s1+$0x0], $0xffff;
	_ =	sdelay $0x5  }
0x164: {  	v41 =	vld.idx.msk [tilespmem:v5+s1+$0x0], $0xffff  }
0x165: {  	v59 =	vld.idx.msk [tilespmem:v7+s1+$0x0], $0xffff  }
0x166: {  	v60 =	vld.idx.msk [tilespmem:v40+s9+$0x0], $0xffff  }
0x167: {  	v61 =	vld.idx.msk [tilespmem:v8+s1+$0x0], $0xffff  }
0x168: {  	v62 =	vld.idx.msk [tilespmem:v9+s1+$0x0], $0xffff;
	_ =	sdelay $0x2  }
0x169: {  	[tilespmem:$0xA790] =	vst v41;
	v63 =	vmul.f32 v59, v60  }
0x16a: {  	[tilespmem:$0xA890] =	vst v40;
	v46 =	vmul.f32 v61, v60  }
0x16b: {  	v47 =	vmul.f32 v62, v60;
	[tilespmem:$0xA990] =	vst v63  }
0x16c: {  	[tilespmem:$0xAA10] =	vst v46  }
0x16d: {  	[tilespmem:$0xAA90] =	vst v47  }
0x16e: {  	v40 =	vld.idx.msk [tilespmem:v11+s1+$0x0], $0xffff;
	_ =	sdelay $0x5  }
0x16f: {  	v41 =	vld.idx.msk [tilespmem:v10+s1+$0x0], $0xffff  }
0x170: {  	v48 =	vld.idx.msk [tilespmem:v12+s1+$0x0], $0xffff  }
0x171: {  	v49 =	vld.idx.msk [tilespmem:v40+s9+$0x0], $0xffff  }
0x172: {  	v50 =	vld.idx.msk [tilespmem:v13+s1+$0x0], $0xffff  }
0x173: {  	v51 =	vld.idx.msk [tilespmem:v14+s1+$0x0], $0xffff;
	_ =	sdelay $0x2  }
0x174: {  	[tilespmem:$0xA7A0] =	vst v41;
	v52 =	vmul.f32 v48, v49  }
0x175: {  	[tilespmem:$0xA8A0] =	vst v40;
	v53 =	vmul.f32 v50, v49  }
0x176: {  	v54 =	vmul.f32 v51, v49;
	[tilespmem:$0xA9A0] =	vst v52  }
0x177: {  	[tilespmem:$0xAA20] =	vst v53  }
0x178: {  	[tilespmem:$0xAAA0] =	vst v54  }
0x179: {  	v40 =	vld.idx.msk [tilespmem:v16+s1+$0x0], $0xffff;
	_ =	sdelay $0x5  }
0x17a: {  	v41 =	vld.idx.msk [tilespmem:v15+s1+$0x0], $0xffff  }
0x17b: {  	v55 =	vld.idx.msk [tilespmem:v17+s1+$0x0], $0xffff  }
0x17c: {  	v56 =	vld.idx.msk [tilespmem:v40+s9+$0x0], $0xffff  }
0x17d: {  	v57 =	vld.idx.msk [tilespmem:v18+s1+$0x0], $0xffff  }
0x17e: {  	v58 =	vld.idx.msk [tilespmem:v19+s1+$0x0], $0xffff;
	_ =	sdelay $0x2  }
0x17f: {  	[tilespmem:$0xA7B0] =	vst v41;
	v59 =	vmul.f32 v55, v56  }
0x180: {  	[tilespmem:$0xA8B0] =	vst v40;
	v60 =	vmul.f32 v57, v56  }
0x181: {  	v61 =	vmul.f32 v58, v56;
	[tilespmem:$0xA9B0] =	vst v59  }
0x182: {  	[tilespmem:$0xAA30] =	vst v60  }
0x183: {  	[tilespmem:$0xAAB0] =	vst v61  }
0x184: {  	v40 =	vld.idx.msk [tilespmem:v21+s1+$0x0], $0xffff;
	_ =	sdelay $0x5  }
0x185: {  	v41 =	vld.idx.msk [tilespmem:v20+s1+$0x0], $0xffff  }
0x186: {  	v62 =	vld.idx.msk [tilespmem:v22+s1+$0x0], $0xffff  }
0x187: {  	v63 =	vld.idx.msk [tilespmem:v40+s9+$0x0], $0xffff  }
0x188: {  	v48 =	vld.idx.msk [tilespmem:v23+s1+$0x0], $0xffff  }
0x189: {  	v49 =	vld.idx.msk [tilespmem:v24+s1+$0x0], $0xffff;
	_ =	sdelay $0x2  }
0x18a: {  	[tilespmem:$0xA7C0] =	vst v41;
	v50 =	vmul.f32 v62, v63  }
0x18b: {  	[tilespmem:$0xA8C0] =	vst v40;
	v51 =	vmul.f32 v48, v63  }
0x18c: {  	v52 =	vmul.f32 v49, v63;
	[tilespmem:$0xA9C0] =	vst v50  }
0x18d: {  	[tilespmem:$0xAA40] =	vst v51  }
0x18e: {  	[tilespmem:$0xAAC0] =	vst v52  }
0x18f: {  	v40 =	vld.idx.msk [tilespmem:v26+s1+$0x0], $0xffff;
	_ =	sdelay $0x5  }
0x190: {  	v41 =	vld.idx.msk [tilespmem:v25+s1+$0x0], $0xffff  }
0x191: {  	v53 =	vld.idx.msk [tilespmem:v27+s1+$0x0], $0xffff  }
0x192: {  	v54 =	vld.idx.msk [tilespmem:v40+s9+$0x0], $0xffff  }
0x193: {  	v55 =	vld.idx.msk [tilespmem:v28+s1+$0x0], $0xffff  }
0x194: {  	v56 =	vld.idx.msk [tilespmem:v29+s1+$0x0], $0xffff;
	_ =	sdelay $0x2  }
0x195: {  	[tilespmem:$0xA7D0] =	vst v41;
	v57 =	vmul.f32 v53, v54  }
0x196: {  	[tilespmem:$0xA8D0] =	vst v40;
	v58 =	vmul.f32 v55, v54  }
0x197: {  	v59 =	vmul.f32 v56, v54;
	[tilespmem:$0xA9D0] =	vst v57  }
0x198: {  	[tilespmem:$0xAA50] =	vst v58  }
0x199: {  	[tilespmem:$0xAAD0] =	vst v59  }
0x19a: {  	v40 =	vld.idx.msk [tilespmem:v31+s1+$0x0], $0xffff;
	_ =	sdelay $0x5  }
0x19b: {  	v41 =	vld.idx.msk [tilespmem:v30+s1+$0x0], $0xffff  }
0x19c: {  	v60 =	vld.idx.msk [tilespmem:v32+s1+$0x0], $0xffff  }
0x19d: {  	v61 =	vld.idx.msk [tilespmem:v40+s9+$0x0], $0xffff  }
0x19e: {  	v62 =	vld.idx.msk [tilespmem:v33+s1+$0x0], $0xffff  }
0x19f: {  	v63 =	vld.idx.msk [tilespmem:v34+s1+$0x0], $0xffff;
	_ =	sdelay $0x2  }
0x1a0: {  	[tilespmem:$0xA7E0] =	vst v41;
	v47 =	vmul.f32 v60, v61  }
0x1a1: {  	[tilespmem:$0xA8E0] =	vst v40;
	v48 =	vmul.f32 v62, v61  }
0x1a2: {  	v49 =	vmul.f32 v63, v61;
	[tilespmem:$0xA9E0] =	vst v47  }
0x1a3: {  	[tilespmem:$0xAA60] =	vst v48  }
0x1a4: {  	[tilespmem:$0xAAE0] =	vst v49  }
0x1a5: {  	v40 =	vld.idx.msk [tilespmem:v36+s1+$0x0], $0xffff;
	_ =	sdelay $0x5  }
0x1a6: {  	v41 =	vld.idx.msk [tilespmem:v35+s1+$0x0], $0xffff  }
0x1a7: {  	v50 =	vld.idx.msk [tilespmem:v37+s1+$0x0], $0xffff  }
0x1a8: {  	v51 =	vld.idx.msk [tilespmem:v40+s9+$0x0], $0xffff  }
0x1a9: {  	v52 =	vld.idx.msk [tilespmem:v38+s1+$0x0], $0xffff  }
0x1aa: {  	v53 =	vld.idx.msk [tilespmem:v39+s1+$0x0], $0xffff;
	_ =	sdelay $0x2  }
0x1ab: {  	[tilespmem:$0xA7F0] =	vst v41;
	v54 =	vmul.f32 v50, v51  }
0x1ac: {  	[tilespmem:$0xA8F0] =	vst v40;
	v55 =	vmul.f32 v52, v51  }
0x1ad: {  	v56 =	vmul.f32 v53, v51;
	[tilespmem:$0xA9F0] =	vst v54  }
0x1ae: {  	[tilespmem:$0xAA70] =	vst v55  }
0x1af: {  	[tilespmem:$0xAAF0] =	vst v56  }
0x1b0: {  	[spmem:s2] =	stream.indirect.scatter.add.f32 [tilespmem:s14], [sflag:$0x3], $0x1, s13, s10, $0xb8;
	[tilespmem:$0xBB80] =	vst v63  }
0x1b1: {  	_ =	swait.ge [sflag:s31], $0x80  }
0x1b2: {  	[sflag:s31] =	ssyncset.done $0x0  }
0x1b3: {  	[sflag:s31] =	ssyncadd.s32 $0xFFFFFF80  }
0x1b4: {  	[spmem:s3] =	stream.indirect.scatter.add.f32 [tilespmem:s15], [sflag:$0x3], $0x1, s13, s10, $0xb8;
	[tilespmem:$0xBB80] =	vst v63  }
0x1b5: {  	_ =	swait.ge [sflag:s31], $0x80  }
0x1b6: {  	[sflag:s31] =	ssyncset.done $0x0  }
0x1b7: {  	[sflag:s31] =	ssyncadd.s32 $0xFFFFFF80  }
0x1b8: {  	[spmem:s4] =	stream.indirect.scatter.add.f32 [tilespmem:s16], [sflag:$0x3], $0x1, s13, s10, $0xb8;
	[tilespmem:$0xBB80] =	vst v63  }
0x1b9: {  	_ =	swait.ge [sflag:s31], $0x80  }
0x1ba: {  	[sflag:s31] =	ssyncset.done $0x0  }
0x1bb: {  	[sflag:s31] =	ssyncadd.s32 $0xFFFFFF80  }
0x1bc: {  	[spmem:s6] =	stream.indirect.scatter.add.f32 [tilespmem:s14], [sflag:$0x3], $0x1, s17, s10, $0xb8;
	[tilespmem:$0xBB80] =	vst v63  }
0x1bd: {  	_ =	swait.ge [sflag:s31], $0x80  }
0x1be: {  	[sflag:s31] =	ssyncset.done $0x0  }
0x1bf: {  	[sflag:s31] =	ssyncadd.s32 $0xFFFFFF80  }
0x1c0: {  	[spmem:s7] =	stream.indirect.scatter.add.f32 [tilespmem:s15], [sflag:$0x3], $0x1, s17, s10, $0xb8;
	[tilespmem:$0xBB80] =	vst v63  }
0x1c1: {  	_ =	swait.ge [sflag:s31], $0x80  }
0x1c2: {  	[sflag:s31] =	ssyncset.done $0x0  }
0x1c3: {  	[sflag:s31] =	ssyncadd.s32 $0xFFFFFF80  }
0x1c4: {  	[spmem:s8] =	stream.indirect.scatter.add.f32 [tilespmem:s16], [sflag:$0x3], $0x1, s17, s10, $0xb8;
	[tilespmem:$0xBB80] =	vst v63  }
0x1c5: {  	p0 =	seq.s32 s30, $0x0;
	_ =	swait.ge [sflag:s31], $0x80  }
0x1c6: {  	s18 =	sadd.s32 @!p0 s30, s22;
	s28 =	simm.s32 @!p0 $0x0;
	[sflag:s31] =	ssyncset.done $0x0  }
0x1c7: {  	s29 =	simm.s32 @!p0 $0x2780;
	s18 =	sadd.s32 @!p0 $0x28000, s18;
	[sflag:s31] =	ssyncadd.s32 $0xFFFFFF80  }
0x1c8: {  	[tilespmem:s29], [sflag:$0x1] =	stream.linear.gather @!p0 [hbm4b:s18+s28], $0x4000, $0x38;
	[tilespmem:$0xBB80] =	vst v63  }
0x1c9: {  	_ =	swait.ge [sflag:s19], $0x4000  }
0x1ca: {  	[sflag:s19] =	ssyncset.done $0x0  }
0x1cb: {  	[sflag:s19] =	ssyncadd.s32 $0xFFFFC000  }
0x1cc: {  	v57 =	vld.idx.msk [tilespmem:v1+s5+$0x0], $0xffff;
	_ =	sdelay $0x5  }
0x1cd: {  	v58 =	vld.idx.msk [tilespmem:v0+s5+$0x0], $0xffff  }
0x1ce: {  	v59 =	vld.idx.msk [tilespmem:v2+s5+$0x0], $0xffff  }
0x1cf: {  	v60 =	vld.idx.msk [tilespmem:v57+s9+$0x0], $0xffff  }
0x1d0: {  	v61 =	vld.idx.msk [tilespmem:v3+s5+$0x0], $0xffff  }
0x1d1: {  	v62 =	vld.idx.msk [tilespmem:v4+s5+$0x0], $0xffff;
	_ =	sdelay $0x2  }
0x1d2: {  	[tilespmem:$0xA800] =	vst v58;
	v63 =	vmul.f32 v59, v60  }
0x1d3: {  	[tilespmem:$0xA900] =	vst v57;
	v46 =	vmul.f32 v61, v60  }
0x1d4: {  	v47 =	vmul.f32 v62, v60;
	[tilespmem:$0xAB00] =	vst v63  }
0x1d5: {  	[tilespmem:$0xAB80] =	vst v46  }
0x1d6: {  	[tilespmem:$0xAC00] =	vst v47  }
0x1d7: {  	v40 =	vld.idx.msk [tilespmem:v6+s5+$0x0], $0xffff;
	_ =	sdelay $0x5  }
0x1d8: {  	v41 =	vld.idx.msk [tilespmem:v5+s5+$0x0], $0xffff  }
0x1d9: {  	v48 =	vld.idx.msk [tilespmem:v7+s5+$0x0], $0xffff  }
0x1da: {  	v49 =	vld.idx.msk [tilespmem:v40+s9+$0x0], $0xffff  }
0x1db: {  	v50 =	vld.idx.msk [tilespmem:v8+s5+$0x0], $0xffff  }
0x1dc: {  	v51 =	vld.idx.msk [tilespmem:v9+s5+$0x0], $0xffff;
	_ =	sdelay $0x2  }
0x1dd: {  	[tilespmem:$0xA810] =	vst v41;
	v52 =	vmul.f32 v48, v49  }
0x1de: {  	[tilespmem:$0xA910] =	vst v40;
	v53 =	vmul.f32 v50, v49  }
0x1df: {  	v54 =	vmul.f32 v51, v49;
	[tilespmem:$0xAB10] =	vst v52  }
0x1e0: {  	[tilespmem:$0xAB90] =	vst v53  }
0x1e1: {  	[tilespmem:$0xAC10] =	vst v54  }
0x1e2: {  	v40 =	vld.idx.msk [tilespmem:v11+s5+$0x0], $0xffff;
	_ =	sdelay $0x5  }
0x1e3: {  	v41 =	vld.idx.msk [tilespmem:v10+s5+$0x0], $0xffff  }
0x1e4: {  	v55 =	vld.idx.msk [tilespmem:v12+s5+$0x0], $0xffff  }
0x1e5: {  	v56 =	vld.idx.msk [tilespmem:v40+s9+$0x0], $0xffff  }
0x1e6: {  	v57 =	vld.idx.msk [tilespmem:v13+s5+$0x0], $0xffff  }
0x1e7: {  	v58 =	vld.idx.msk [tilespmem:v14+s5+$0x0], $0xffff;
	_ =	sdelay $0x2  }
0x1e8: {  	[tilespmem:$0xA820] =	vst v41;
	v59 =	vmul.f32 v55, v56  }
0x1e9: {  	[tilespmem:$0xA920] =	vst v40;
	v60 =	vmul.f32 v57, v56  }
0x1ea: {  	v61 =	vmul.f32 v58, v56;
	[tilespmem:$0xAB20] =	vst v59  }
0x1eb: {  	[tilespmem:$0xABA0] =	vst v60  }
0x1ec: {  	[tilespmem:$0xAC20] =	vst v61  }
0x1ed: {  	v40 =	vld.idx.msk [tilespmem:v16+s5+$0x0], $0xffff;
	_ =	sdelay $0x5  }
0x1ee: {  	v41 =	vld.idx.msk [tilespmem:v15+s5+$0x0], $0xffff  }
0x1ef: {  	v62 =	vld.idx.msk [tilespmem:v17+s5+$0x0], $0xffff  }
0x1f0: {  	v63 =	vld.idx.msk [tilespmem:v40+s9+$0x0], $0xffff  }
0x1f1: {  	v48 =	vld.idx.msk [tilespmem:v18+s5+$0x0], $0xffff  }
0x1f2: {  	v49 =	vld.idx.msk [tilespmem:v19+s5+$0x0], $0xffff;
	_ =	sdelay $0x2  }
0x1f3: {  	[tilespmem:$0xA830] =	vst v41;
	v50 =	vmul.f32 v62, v63  }
0x1f4: {  	[tilespmem:$0xA930] =	vst v40;
	v51 =	vmul.f32 v48, v63  }
0x1f5: {  	v52 =	vmul.f32 v49, v63;
	[tilespmem:$0xAB30] =	vst v50  }
0x1f6: {  	[tilespmem:$0xABB0] =	vst v51  }
0x1f7: {  	[tilespmem:$0xAC30] =	vst v52  }
0x1f8: {  	v40 =	vld.idx.msk [tilespmem:v21+s5+$0x0], $0xffff;
	_ =	sdelay $0x5  }
0x1f9: {  	v41 =	vld.idx.msk [tilespmem:v20+s5+$0x0], $0xffff  }
0x1fa: {  	v53 =	vld.idx.msk [tilespmem:v22+s5+$0x0], $0xffff  }
0x1fb: {  	v54 =	vld.idx.msk [tilespmem:v40+s9+$0x0], $0xffff  }
0x1fc: {  	v55 =	vld.idx.msk [tilespmem:v23+s5+$0x0], $0xffff  }
0x1fd: {  	v56 =	vld.idx.msk [tilespmem:v24+s5+$0x0], $0xffff;
	_ =	sdelay $0x2  }
0x1fe: {  	[tilespmem:$0xA840] =	vst v41;
	v57 =	vmul.f32 v53, v54  }
0x1ff: {  	[tilespmem:$0xA940] =	vst v40;
	v58 =	vmul.f32 v55, v54  }
0x200: {  	v59 =	vmul.f32 v56, v54;
	[tilespmem:$0xAB40] =	vst v57  }
0x201: {  	[tilespmem:$0xABC0] =	vst v58  }
0x202: {  	[tilespmem:$0xAC40] =	vst v59  }
0x203: {  	v40 =	vld.idx.msk [tilespmem:v26+s5+$0x0], $0xffff;
	_ =	sdelay $0x5  }
0x204: {  	v41 =	vld.idx.msk [tilespmem:v25+s5+$0x0], $0xffff  }
0x205: {  	v60 =	vld.idx.msk [tilespmem:v27+s5+$0x0], $0xffff  }
0x206: {  	v61 =	vld.idx.msk [tilespmem:v40+s9+$0x0], $0xffff  }
0x207: {  	v62 =	vld.idx.msk [tilespmem:v28+s5+$0x0], $0xffff  }
0x208: {  	v63 =	vld.idx.msk [tilespmem:v29+s5+$0x0], $0xffff;
	_ =	sdelay $0x2  }
0x209: {  	[tilespmem:$0xA850] =	vst v41;
	v47 =	vmul.f32 v60, v61  }
0x20a: {  	[tilespmem:$0xA950] =	vst v40;
	v48 =	vmul.f32 v62, v61  }
0x20b: {  	v49 =	vmul.f32 v63, v61;
	[tilespmem:$0xAB50] =	vst v47  }
0x20c: {  	[tilespmem:$0xABD0] =	vst v48  }
0x20d: {  	[tilespmem:$0xAC50] =	vst v49  }
0x20e: {  	v40 =	vld.idx.msk [tilespmem:v31+s5+$0x0], $0xffff;
	_ =	sdelay $0x5  }
0x20f: {  	v41 =	vld.idx.msk [tilespmem:v30+s5+$0x0], $0xffff  }
0x210: {  	v50 =	vld.idx.msk [tilespmem:v32+s5+$0x0], $0xffff  }
0x211: {  	v51 =	vld.idx.msk [tilespmem:v40+s9+$0x0], $0xffff  }
0x212: {  	v52 =	vld.idx.msk [tilespmem:v33+s5+$0x0], $0xffff  }
0x213: {  	v53 =	vld.idx.msk [tilespmem:v34+s5+$0x0], $0xffff;
	_ =	sdelay $0x2  }
0x214: {  	[tilespmem:$0xA860] =	vst v41;
	v54 =	vmul.f32 v50, v51  }
0x215: {  	[tilespmem:$0xA960] =	vst v40;
	v55 =	vmul.f32 v52, v51  }
0x216: {  	v56 =	vmul.f32 v53, v51;
	[tilespmem:$0xAB60] =	vst v54  }
0x217: {  	[tilespmem:$0xABE0] =	vst v55  }
0x218: {  	[tilespmem:$0xAC60] =	vst v56  }
0x219: {  	v40 =	vld.idx.msk [tilespmem:v36+s5+$0x0], $0xffff;
	_ =	sdelay $0x5  }
0x21a: {  	v41 =	vld.idx.msk [tilespmem:v35+s5+$0x0], $0xffff  }
0x21b: {  	v57 =	vld.idx.msk [tilespmem:v37+s5+$0x0], $0xffff  }
0x21c: {  	v58 =	vld.idx.msk [tilespmem:v40+s9+$0x0], $0xffff  }
0x21d: {  	v59 =	vld.idx.msk [tilespmem:v38+s5+$0x0], $0xffff  }
0x21e: {  	v60 =	vld.idx.msk [tilespmem:v39+s5+$0x0], $0xffff;
	_ =	sdelay $0x2  }
0x21f: {  	[tilespmem:$0xA870] =	vst v41;
	v61 =	vmul.f32 v57, v58  }
0x220: {  	[tilespmem:$0xA970] =	vst v40;
	v62 =	vmul.f32 v59, v58  }
0x221: {  	v63 =	vmul.f32 v60, v58;
	[tilespmem:$0xAB70] =	vst v61  }
0x222: {  	[tilespmem:$0xABF0] =	vst v62  }
0x223: {  	[tilespmem:$0xAC70] =	vst v63  }
0x224: {  	[spmem:s2] =	stream.indirect.scatter.add.f32 [tilespmem:s21], [sflag:$0x3], $0x1, s20, s10, $0xb8;
	[tilespmem:$0xBB80] =	vst v63  }
0x225: {  	_ =	swait.ge [sflag:s31], $0x80  }
0x226: {  	[sflag:s31] =	ssyncset.done $0x0  }
0x227: {  	[sflag:s31] =	ssyncadd.s32 $0xFFFFFF80  }
0x228: {  	[spmem:s3] =	stream.indirect.scatter.add.f32 [tilespmem:s23], [sflag:$0x3], $0x1, s20, s10, $0xb8;
	[tilespmem:$0xBB80] =	vst v63  }
0x229: {  	_ =	swait.ge [sflag:s31], $0x80  }
0x22a: {  	[sflag:s31] =	ssyncset.done $0x0  }
0x22b: {  	[sflag:s31] =	ssyncadd.s32 $0xFFFFFF80  }
0x22c: {  	[spmem:s4] =	stream.indirect.scatter.add.f32 [tilespmem:s24], [sflag:$0x3], $0x1, s20, s10, $0xb8;
	[tilespmem:$0xBB80] =	vst v63  }
0x22d: {  	_ =	swait.ge [sflag:s31], $0x80  }
0x22e: {  	[sflag:s31] =	ssyncset.done $0x0  }
0x22f: {  	[sflag:s31] =	ssyncadd.s32 $0xFFFFFF80  }
0x230: {  	[spmem:s6] =	stream.indirect.scatter.add.f32 [tilespmem:s21], [sflag:$0x3], $0x1, s25, s10, $0xb8;
	[tilespmem:$0xBB80] =	vst v63  }
0x231: {  	_ =	swait.ge [sflag:s31], $0x80  }
0x232: {  	[sflag:s31] =	ssyncset.done $0x0  }
0x233: {  	[sflag:s31] =	ssyncadd.s32 $0xFFFFFF80  }
0x234: {  	[spmem:s7] =	stream.indirect.scatter.add.f32 [tilespmem:s23], [sflag:$0x3], $0x1, s25, s10, $0xb8;
	[tilespmem:$0xBB80] =	vst v63  }
0x235: {  	_ =	swait.ge [sflag:s31], $0x80  }
0x236: {  	[sflag:s31] =	ssyncset.done $0x0  }
.Ltmp2:
0x237: {  	[sflag:s31] =	ssyncadd.s32 $0xFFFFFF80;
	(pc) =	sbr.rel @p0 .LBB2_4-.Ltmp2, $4  }
0x238: {  	[spmem:s8] =	stream.indirect.scatter.add.f32 [tilespmem:s24], [sflag:$0x3], $0x1, s25, s10, $0xb8;
	[tilespmem:$0xBB80] =	vst v63  }
0x239: {  	_ =	swait.ge [sflag:s31], $0x80  }
0x23a: {  	[sflag:s31] =	ssyncset.done $0x0  }
0x23b: {  	[sflag:s31] =	ssyncadd.s32 $0xFFFFFF80  }
.Ltmp3:
0x23c: {  	(pc) =	sbr.rel .LBB2_2-.Ltmp3, $4  }
0x23d: {  	_ = 	snop  }
0x23e: {  	s18 =	sadd.s32 s30, s22  }
0x23f: {  	s30 =	sadd.s32 $0x1000, s30;
	s18 =	sadd.s32 $0x28800, s18  }
0x240: {  	[tilespmem:s5], [sflag:$0x2] =	stream.linear.gather [hbm4b:s18+s9], $0x4000, $0x38;
	[tilespmem:$0xBB80] =	vst v63  }
.LBB2_5:
0x241: {  	_ =	sfence.sel $0x180000  }
0x242: {  	[bflag:$0x0] =	sbarrier.arrive $0xFFFF  }
0x243: {  	_ =	strace $0x9000004D  }
0x244: {  	s0 =	stileid.u32;
	[bflag:$0x2] =	sbarrier.arrive $0xFFFF  }
0x245: {  	p0 =	sne.s32 s0, $0x0;
	s0 =	rddreg [dreg:$0x8]  }
0x246: {  	s0 =	sadd.s32 @!p0 $0x100000, s0  }
0x247: {  	[sflag:s0] =	ssyncadd.tile.s32 @!p0 $0x1;
	_ =	shalt  }
.Lfunc_end2:
_tile_overlayer_lowered:
.L_overlay_start_2:
0x248: {  	(tag) =	ssettag $0x2  }
0x249: {  	s0 =	rddreg [dreg:$0x0];
	s2 =	stileid.u32  }
0x24a: {  	s1 =	rddreg [dreg:$0x1];
	p0 =	sne.s32 s2, $0x0  }
0x24b: {  	s3 =	rddreg [dreg:$0x2];
	[bflag:$0x3] =	sbarrier.arrive $0xFFFF;
	s2 =	simm.s32 @!p0 $0x1C03  }
0x24c: {  	[timem:s3], [sflag:s2] =	dma.local @!p0 [hbm:s0], s1  }
0x24d: {  	s0 =	simm.s32 @!p0 $0x3  }
0x24e: {  	_ =	swait.ge @!p0 [sflag:s0], s1  }
0x24f: {  	s1 =	ssub.s32 @!p0 $0x0, s1;
	[sflag:s0] =	ssyncset.done @!p0 $0x0  }
0x250: {  	[sflag:s0] =	ssyncadd.s32 @!p0 s1  }
0x251: {  	[bflag:$0x3] =	sbarrier.arrive $0xFFFF  }
0x252: {  	_ =	shalt  }

// kernel: kernel.8.cloned.1.call-start
scs
__scs_entry_jumppad:
0x0: {  	(pc) =	sbr.rel $0x88, $3  }
0x1: {  	(tag) =	ssettag $0x0;
	lr =	simm.s32 $0x1  }
0x2: {  	[smem:$0x3F96] =	sst lr;
	_ =	strace $0xD0000000  }
0x3: {  	_ = 	snop  }
0x4: {  	_ = 	snop  }
0x5: {  	_ = 	snop  }
0x6: {  	_ = 	snop  }
0x7: {  	_ = 	snop  }
__scs_overlays_trampoline_lowered:
0x8: {  	[smem:$0x3FA5] =	sst s0  }
0x9: {  	[smem:$0x3FA6] =	sst s1  }
0xa: {  	[smem:$0x3FA7] =	sst s2  }
0xb: {  	[smem:$0x3FA8] =	sst s3  }
0xc: {  	[smem:$0x3FA9] =	sst s4  }
0xd: {  	[smem:$0x3FAA] =	sst s5  }
0xe: {  	[smem:$0x3FAB] =	sst s6  }
0xf: {  	[smem:$0x3FAC] =	sst s7  }
0x10: {  	[smem:$0x3FAD] =	sst s8  }
0x11: {  	[smem:$0x3FAE] =	sst s9;
	s0 =	simm.s32 @!p0 $0x0  }
0x12: {  	s1 =	sld [smem:$0x3F94];
	s0 =	simm.s32 @p0 $0x1  }
0x13: {  	[smem:$0x3FAF] =	sst s0;
	s0 =	simm.s32 @!p1 $0x0  }
0x14: {  	s2 =	sld [smem:$0x3F93];
	s0 =	simm.s32 @p1 $0x1  }
0x15: {  	[smem:$0x3FB0] =	sst s0;
	s0 =	simm.s32 @!p2 $0x0  }
0x16: {  	s3 =	sld [smem:$0x3FDB];
	s0 =	simm.s32 @p2 $0x1  }
0x17: {  	s4 =	simm.s32 $0x1BF5;
	[smem:$0x3FB2] =	sst s0  }
0x18: {  	s0 =	sld [smem:$0x3F95];
	_ =	swait.ge [sflag:s4], $0x0  }
0x19: {  	s7 =	sld [smem:$0x3F96]  }
0x1a: {  	s8 =	sadd.s32 $0xFFFFE003, lr  }
0x1b: {  	s9 =	sadd.s32 $0xFFFFFEF7, lr;
	s5 =	simm.s32 $0xFFFFFFFF;
	p2 =	slt.u32 s8, $0xFFFFF086  }
0x1c: {  	p1 =	slt.u32 s9, $0xF7A;
	s5 =	simm.s32 @!p2 $0x0  }
0x1d: {  	s5 =	simm.s32 @p1 $0x1;
	p0 =	seq.s32 s7, s2  }
0x1e: {  	s7 =	smul.u32 @!p0 $0xF7A, s2;
	p2 =	seq.s32 @!p0 s5, $0x0  }
0x1f: {  	s9 =	smul.u32 $0xF7A, s1;
	s8 =	simm.s32 @!p0 $0x1BF5;
	p2 =	por !p2, p0  }
0x20: {  	[sflag:s8] =	ssyncset.s32 @!p0 $0xFFFFF086;
	s6 =	sadd.s32 @!p0 s3, s7;
	s7 =	simm.s32 @!p0 $0x108  }
0x21: {  	s3 =	sadd.s32 s3, s9;
	s6 =	sadd.s32 @!p0 $0x88, s6;
	s7 =	simm.s32 @p2 $0x1082  }
0x22: {  	[simem:s7], [sflag:s8] =	dma.local @!p0 [hbm:s6], $0xF7A  }
0x23: {  	s9 =	sor.u32 $0xD0000000, s2;
	s6 =	simm.s32 $0x108;
	_ =	swait.ge @!p0 [sflag:s8], $0x0  }
0x24: {  	s3 =	sadd.s32 $0x88, s3;
	s6 =	simm.s32 @!p1 $0x1082;
	[sflag:s4] =	ssyncset.s32 $0xFFFFF086  }
0x25: {  	[simem:s6], [sflag:s4] =	dma.local [hbm:s3], $0xF7A  }
0x26: {  	[smem:$0x3F96] =	sst s1;
	(tag) =	ssettag s2;
	_ =	strace s9  }
0x27: {  	s1 =	sld [smem:$0x3FA6]  }
0x28: {  	s2 =	sld [smem:$0x3FA7]  }
0x29: {  	s4 =	sld [smem:$0x3FA9]  }
0x2a: {  	p0 =	seq.s32 s5, $0x0;
	s5 =	sld [smem:$0x3FAA]  }
0x2b: {  	s6 =	sld [smem:$0x3FAB]  }
0x2c: {  	s7 =	sld [smem:$0x3FAC]  }
0x2d: {  	s3 =	simm.s32 $0x108;
	s8 =	sld [smem:$0x3FAD]  }
0x2e: {  	s3 =	simm.s32 @!p0 $0x1082;
	s9 =	sld [smem:$0x3FAE]  }
0x2f: {  	lr =	sadd.s32 s0, s3;
	s0 =	sld [smem:$0x3FA5]  }
0x30: {  	s3 =	sld [smem:$0x3FA8]  }
0x31: {  	[smem:$0x3FB1] =	sst s10  }
0x32: {  	s10 =	sld [smem:$0x3FAF];
	_ =	sdelay $0x3  }
0x33: {  	p0 =	seq.s32 s10, $0x1;
	s10 =	sld [smem:$0x3FB1];
	_ =	sdelay $0x3  }
0x34: {  	[smem:$0x3FB1] =	sst s10  }
0x35: {  	s10 =	sld [smem:$0x3FB0];
	_ =	sdelay $0x3  }
0x36: {  	p1 =	seq.s32 s10, $0x1;
	s10 =	sld [smem:$0x3FB1];
	_ =	sdelay $0x3  }
0x37: {  	[smem:$0x3FB1] =	sst s10  }
0x38: {  	s10 =	sld [smem:$0x3FB2]  }
0x39: {  	_ = 	snop;
	(pc) =	sbr.ind lr, $3  }
0x3a: {  	_ = 	snop  }
0x3b: {  	_ = 	snop  }
0x3c: {  	p2 =	seq.s32 s10, $0x1;
	s10 =	sld [smem:$0x3FB1]  }
0x3d: {  	_ =	shalt  }
0x3e: {  	_ =	shalt  }
0x3f: {  	_ =	shalt  }
0x40: {  	_ =	shalt  }
0x41: {  	_ =	shalt  }
0x42: {  	_ =	shalt  }
0x43: {  	_ =	shalt  }
0x44: {  	_ =	shalt  }
0x45: {  	_ =	shalt  }
0x46: {  	_ =	shalt  }
0x47: {  	_ =	shalt  }
0x48: {  	_ =	shalt  }
0x49: {  	_ =	shalt  }
0x4a: {  	_ =	shalt  }
0x4b: {  	_ =	shalt  }
0x4c: {  	_ =	shalt  }
0x4d: {  	_ =	shalt  }
0x4e: {  	_ =	shalt  }
0x4f: {  	_ =	shalt  }
0x50: {  	_ =	shalt  }
0x51: {  	_ =	shalt  }
0x52: {  	_ =	shalt  }
0x53: {  	_ =	shalt  }
0x54: {  	_ =	shalt  }
0x55: {  	_ =	shalt  }
0x56: {  	_ =	shalt  }
0x57: {  	_ =	shalt  }
0x58: {  	_ =	shalt  }
0x59: {  	_ =	shalt  }
0x5a: {  	_ =	shalt  }
0x5b: {  	_ =	shalt  }
0x5c: {  	_ =	shalt  }
0x5d: {  	_ =	shalt  }
0x5e: {  	_ =	shalt  }
0x5f: {  	_ =	shalt  }
0x60: {  	_ =	shalt  }
0x61: {  	_ =	shalt  }
0x62: {  	_ =	shalt  }
0x63: {  	_ =	shalt  }
0x64: {  	_ =	shalt  }
0x65: {  	_ =	shalt  }
0x66: {  	_ =	shalt  }
0x67: {  	_ =	shalt  }
0x68: {  	_ =	shalt  }
0x69: {  	_ =	shalt  }
0x6a: {  	_ =	shalt  }
0x6b: {  	_ =	shalt  }
0x6c: {  	_ =	shalt  }
0x6d: {  	_ =	shalt  }
0x6e: {  	_ =	shalt  }
0x6f: {  	_ =	shalt  }
0x70: {  	_ =	shalt  }
0x71: {  	_ =	shalt  }
0x72: {  	_ =	shalt  }
0x73: {  	_ =	shalt  }
0x74: {  	_ =	shalt  }
0x75: {  	_ =	shalt  }
0x76: {  	_ =	shalt  }
0x77: {  	_ =	shalt  }
0x78: {  	_ =	shalt  }
0x79: {  	_ =	shalt  }
0x7a: {  	_ =	shalt  }
0x7b: {  	_ =	shalt  }
0x7c: {  	_ =	shalt  }
0x7d: {  	_ =	shalt  }
0x7e: {  	_ =	shalt  }
0x7f: {  	_ =	shalt  }
0x80: {  	_ =	shalt  }
0x81: {  	_ =	shalt  }
0x82: {  	_ =	shalt  }
0x83: {  	_ =	shalt  }
0x84: {  	_ =	shalt  }
0x85: {  	_ =	shalt  }
0x86: {  	_ =	shalt  }
0x87: {  	_ =	shalt  }
.Lfunc_end0:
.L_simem_size_0:
called_computation_lowered:
.L_overlay_start_0:
0x88: {  	s2 =	sld [smem:$0x3FD9]  }
0x89: {  	s3 =	sld [smem:$0x3FFE];
	_ =	sdelay $0x1  }
0x8a: {  	s1 =	srdreg.scid  }
0x8b: {  	s0 =	sand.u32 $0x1, s1  }
0x8c: {  	s17 =	sshll.u32 s0, $0xA;
	s2 =	sadd.s32 s3, s2  }
0x8d: {  	s2 =	sadd.s32 s2, s17  }
0x8e: {  	[smem:$0x3FBD] =	sst s2  }
0x8f: {  	_ = 	snop  }
0x90: {  	s2 =	sld [smem:$0x3FC8];
	(tm) =	ssettm $0x1  }
0x91: {  	s18 =	sld [smem:$0x3FFB];
	_ =	sdelay $0x3  }
0x92: {  	_ =	strace s18  }
0x93: {  	s3 =	sld [smem:$0x3FFC];
	_ =	sdelay $0x3  }
0x94: {  	_ =	strace s3  }
0x95: {  	s3 =	sld [smem:$0x3FFD];
	_ =	sdelay $0x3  }
0x96: {  	_ =	strace s3  }
0x97: {  	_ =	strace $0x8FFFFFFF  }
0x98: {  	s19 =	sld [smem:$0x3FDB];
	_ =	sdelay $0x1  }
0x99: {  	s4 =	simm.s32 $_scs_section_size  }
0x9a: {  	s5 =	simm.s32 $_size__tile_overlayer_lowered;
	s6 =	simm.s32 $_tile_overlayer_lowered  }
0x9b: {  	s22 =	simm.s32 $0x1BFF;
	s21 =	sshll.u32 s6, $0x1;
	s3 =	sadd.s32 s4, s19  }
0x9c: {  	s7 =	simm.s32 $0x0;
	s20 =	sshll.u32 s5, $0x1;
	s5 =	sadd.s32 s21, s3  }
0x9d: {  	[timem:s7], [sflag:s22] =	dma.local [hbm:s5], s20  }
0x9e: {  	_ =	swait.ge [sflag:s22], s20  }
0x9f: {  	s4 =	ssub.s32 $0x0, s20;
	[sflag:s22] =	ssyncset.done $0x0  }
0xa0: {  	[sflag:s22] =	ssyncadd.s32 s4;
	_ =	sdelay $0x1  }
0xa1: {  	s23 =	simm.s32 $0x1B8B  }
0xa2: {  	_ =	swait.ge [sflag:s23], $0x1  }
0xa3: {  	[sflag:s23] =	ssyncset.done $0x0  }
0xa4: {  	s25 =	simm.s32 $0x1B8E;
	s24 =	sld [smem:$0x3FFE];
	[sflag:s23] =	ssyncadd.s32 $0xFFFFFFFF  }
0xa5: {  	s26 =	simm.s32 $execute0_lowered;
	[smem:$0x3FD2] =	sst s25  }
0xa6: {  	s5 =	sshll.u32 s26, $0x1;
	_ =	strace $0x80000046;
	[dreg:$0x1] =	wrdreg $0xFFFFFFFF  }
0xa7: {  	s28 =	simm.s32 $_size_execute0_lowered;
	s3 =	sadd.s32 s3, s5;
	[dreg:$0x0] =	wrdreg $0x0  }
0xa8: {  	s5 =	sshll.u32 s28, $0x1;
	[dreg:$0x2] =	wrdreg s3  }
0xa9: {  	[dreg:$0x3] =	wrdreg s5  }
0xaa: {  	[dreg:$0x4] =	wrdreg $0xC0  }
0xab: {  	_ =	task [dreg:s7], $0x5FFFF  }
0xac: {  	[dreg:$0x1] =	wrdreg $0xFFFFFFFF  }
0xad: {  	[dreg:$0x0] =	wrdreg $0x60  }
0xae: {  	[dreg:$0x2] =	wrdreg s24  }
0xaf: {  	[dreg:$0x3] =	wrdreg s2  }
0xb0: {  	[dreg:$0x4] =	wrdreg $0x9  }
0xb1: {  	_ =	task.clear_ibuf [dreg:s7], $0x5FFFF;
	_ =	strace $0x90000046  }
0xb2: {  	s29 =	simm.s32 $0x9;
	_ =	strace $0x80000048  }
0xb3: {  	_ =	swait.ge [sflag:s29], $0x1  }
0xb4: {  	[sflag:s29] =	ssyncadd.s32 $0xFFFFFFFF  }
0xb5: {  	_ =	strace $0x90000048  }
0xb6: {  	_ =	sfence  }
0xb7: {  	s30 =	sld [smem:$0x0];
	_ =	sdelay $0x2  }
0xb8: {  	s31 =	sshll.u32 s1, $0xD;
	s1 =	sshrl.u32 s1, $0x2  }
0xb9: {  	s3 =	sand.u32 $0x4000, s31;
	s1 =	sadd.s32 s1, s30  }
0xba: {  	s0 =	sor.u32 s3, s0;
	s1 =	sshll.u32 s1, $0x11  }
0xbb: {  	s0 =	sor.u32 s1, s0  }
0xbc: {  	s0 =	sadd.s32 $0x8F2B, s0  }
0xbd: {  	[sflag:s0] =	ssyncadd.remote.s32 $0x1  }
0xbe: {  	_ =	sfence.sel $0xFFFF  }
0xbf: {  	[dreg:$0x0] =	wrdreg $0xFFFFFFFF;
	(pc) =	sbr.abs _section_cstart, $3  }
0xc0: {  	[dreg:$0x1] =	wrdreg $0xFFFFFFFF  }
0xc1: {  	_ =	task.clear_ibuf [dreg:s7], $0x2FFFF;
	_ =	strace $0x9FFFFFFF  }
0xc2: {  	(tm) =	ssettm $0x7FFFFFFF  }
0xc3: {  	_ =	shalt  }
tec
execute0_lowered:
.L_overlay_start_1:
0x0: {  	(tag) =	ssettag $0x1  }
0x1: {  	s7 =	rddreg [dreg:$0x0]  }
0x2: {  	s2 =	rddreg [dreg:$0x1]  }
0x3: {  	s0 =	rddreg [dreg:$0x2]  }
0x4: {  	s4 =	srdreg.scid;
	s1 =	stileid.u32;
	s3 =	simm.s32 $0x0  }
0x5: {  	s15 =	simm.s32 $0x1;
	s16 =	simm.s32 $0x2780;
	s17 =	simm.s32 $0x4F00  }
0x6: {  	s18 =	simm.s32 $0x7680;
	s19 =	simm.s32 $0x9E00;
	s20 =	simm.s32 $0xC600  }
0x7: {  	s21 =	simm.s32 $0xEE00;
	s22 =	simm.s32 $0x11600;
	s23 =	simm.s32 $0x13E00  }
0x8: {  	s24 =	simm.s32 $0x16600;
	s6 =	sand.u32 $0x1, s4;
	s30 =	sshll.u32 s1, $0x1  }
0x9: {  	s25 =	simm.s32 $0x18E00;
	s26 =	simm.s32 $0x0;
	s4 =	sor.u32 s6, s30  }
0xa: {  	[smem:$0x7FF] =	sst s3;
	s9 =	ssub.s32 $0x2, s6;
	s8 =	smul.u32 $0x500, s4  }
0xb: {  	s5 =	sadd.s32 $0x16000, s7;
	_ =	strace $0x80000047;
	s31 =	sshrl.u32 s9, $0x1  }
0xc: {  	s6 =	sadd.s32 $0x15A00, s7;
	s14 =	ssub.s32 s9, s31;
	s13 =	sadd.s32 s8, s7  }
0xd: {  	s4 =	sadd.s32 $0x16600, s7;
	s14 =	smax.u32 s14, $0x1;
	s7 =	sadd.s32 $0x16C00, s13  }
0xe: {  	s8 =	sadd.s32 $0x1A00, s13;
	s9 =	sadd.s32 $0x20C00, s13;
	s10 =	sadd.s32 $0x2AC00, s13  }
0xf: {  	s11 =	sadd.s32 $0x34C00, s13;
	s12 =	sadd.s32 $0x3EC00, s13;
	s13 =	sadd.s32 $0x48C00, s13  }
.LBB2_1:
0x10: {  	[tilespmem:s3], [sflag:$0x1] =	stream.linear.gather [hbm4b:s4+s3], $0x2780, $0x38;
	[tilespmem:$0x1B600] =	vst v63  }
0x11: {  	_ =	swait.ge [sflag:s15], $0x2780  }
0x12: {  	[sflag:s15] =	ssyncset.done $0x0  }
0x13: {  	[sflag:s15] =	ssyncadd.s32 $0xFFFFD880  }
0x14: {  	[tilespmem:s16], [sflag:$0x1] =	stream.linear.gather [hbm4b:s5+s3], $0x2780, $0x38;
	[tilespmem:$0x1B600] =	vst v63  }
0x15: {  	_ =	swait.ge [sflag:s15], $0x2780  }
0x16: {  	[sflag:s15] =	ssyncset.done $0x0  }
0x17: {  	[sflag:s15] =	ssyncadd.s32 $0xFFFFD880  }
0x18: {  	[tilespmem:s17], [sflag:$0x1] =	stream.linear.gather [hbm4b:s6+s3], $0x2780, $0x38;
	[tilespmem:$0x1B600] =	vst v63  }
0x19: {  	_ =	swait.ge [sflag:s15], $0x2780  }
0x1a: {  	[sflag:s15] =	ssyncset.done $0x0  }
0x1b: {  	[sflag:s15] =	ssyncadd.s32 $0xFFFFD880  }
0x1c: {  	[tilespmem:s18], [sflag:$0x1] =	stream.linear.gather [hbm4b:s2+s3], $0x2780, $0x38;
	[tilespmem:$0x1B600] =	vst v63  }
0x1d: {  	_ =	swait.ge [sflag:s15], $0x2780  }
0x1e: {  	[sflag:s15] =	ssyncset.done $0x0  }
0x1f: {  	[sflag:s15] =	ssyncadd.s32 $0xFFFFD880  }
0x20: {  	[tilespmem:s19], [sflag:$0x1] =	stream.linear.gather [hbm4b:s7+s3], $0x2800, $0x38;
	[tilespmem:$0x1B600] =	vst v63  }
0x21: {  	_ =	swait.ge [sflag:s15], $0x2800  }
0x22: {  	[sflag:s15] =	ssyncset.done $0x0  }
0x23: {  	[sflag:s15] =	ssyncadd.s32 $0xFFFFD800  }
0x24: {  	[tilespmem:s20], [sflag:$0x1] =	stream.linear.gather [hbm4b:s8+s3], $0x2800, $0x38;
	[tilespmem:$0x1B600] =	vst v63  }
0x25: {  	_ =	swait.ge [sflag:s15], $0x2800  }
0x26: {  	[sflag:s15] =	ssyncset.done $0x0  }
0x27: {  	s28 =	simm.s32 $0x0;
	[sflag:s15] =	ssyncadd.s32 $0xFFFFD800  }
0x28: {  	v1 =	vld [tilespmem:s28+$0xC600]  }
0x29: {  	v0 =	vld [tilespmem:s28+$0x9E00];
	_ =	sdelay $0x6  }
0x2a: {  	v2 =	vld.idx.msk [tilespmem:v1+s16+$0x0], $0xffff  }
0x2b: {  	v3 =	vld.idx.msk [tilespmem:v0+s3+$0x0], $0xffff  }
0x2c: {  	v4 =	vld.idx.msk [tilespmem:v0+s16+$0x0], $0xffff  }
0x2d: {  	v5 =	vld.idx.msk [tilespmem:v1+s3+$0x0], $0xffff  }
0x2e: {  	v6 =	vld.idx.msk [tilespmem:v0+s17+$0x0], $0xffff  }
0x2f: {  	v7 =	vld.idx.msk [tilespmem:v1+s17+$0x0], $0xffff;
	_ =	sdelay $0x2  }
0x30: {  	v1 =	vsub.f32 v4, v2;
	v2 =	vsub.f32 v3, v5;
	_ =	sdelay $0x1  }
0x31: {  	v3 =	vsub.f32 v6, v7;
	v4 =	vmul.f32 v2, v2;
	v5 =	vmul.f32 v1, v1;
	_ =	sdelay $0x1  }
0x32: {  	v4 =	vadd.f32 v5, v4;
	v5 =	vmul.f32 v3, v3;
	_ =	sdelay $0x1  }
0x33: {  	v4 =	vadd.f32 v5, v4;
	_ =	sdelay $0x1  }
0x34: {  	v4 =	vadd.f32 $9.999999930e-09, v4;
	_ =	sdelay $0x1  }
0x35: {  	v5 =	vshra.s32 v4, $0x1;
	v6 =	vmul.f32 $5.000000000e-01, v4  }
0x36: {  	v5 =	vsub.s32 $0x5F3759DF, v5  }
0x37: {  	v7 =	vmul.f32 v5, v6;
	_ =	sdelay $0x1  }
0x38: {  	v7 =	vmul.f32 v5, v7;
	_ =	sdelay $0x1  }
0x39: {  	v7 =	vsub.f32 $1.500000000e+00, v7;
	_ =	sdelay $0x1  }
0x3a: {  	v7 =	vmul.f32 v5, v7;
	_ =	sdelay $0x1  }
0x3b: {  	v8 =	vmul.f32 v7, v6  }
0x3c: {  	s29 =	simm.s32 $0x10  }
0x3d: {  	s30 =	simm.s32 $0x80;
	v5 =	vld [tilespmem:s29+$0x9E00];
	v8 =	vmul.f32 v8, v7  }
.LBB2_2:
0x3e: {  	p0 =	sne.s32 s30, $0x9FC0;
	v9 =	vld [tilespmem:s29+$0xC600];
	s31 =	smov.u32 s30;
	s30 =	sadd.s32 $0x40, s30  }
0x3f: {  	v8 =	vsub.f32 $1.500000000e+00, v8;
	_ =	sdelay $0x1  }
0x40: {  	v7 =	vmul.f32 v8, v7;
	_ =	sdelay $0x1  }
0x41: {  	v6 =	vmul.f32 v7, v6;
	_ =	sdelay $0x1  }
0x42: {  	v8 =	vld.idx.msk [tilespmem:v0+s18+$0x0], $0xffff;
	v6 =	vmul.f32 v6, v7;
	v0 =	vmov v5;
	_ =	sdelay $0x1  }
0x43: {  	v5 =	vsub.f32 $1.500000000e+00, v6;
	_ =	sdelay $0x1  }
0x44: {  	v5 =	vmul.f32 v5, v7;
	_ =	sdelay $0x1  }
0x45: {  	v4 =	vmul.f32 v5, v4;
	[tilespmem:s28+$0x11600] =	vst v8;
	v2 =	vmul.f32 v5, v2  }
0x46: {  	v1 =	vmul.f32 v5, v1;
	v3 =	vmul.f32 v5, v3  }
0x47: {  	[tilespmem:s28+$0xEE00] =	vst v4  }
0x48: {  	[tilespmem:s28+$0x16600] =	vst v1  }
0x49: {  	[tilespmem:s28+$0x18E00] =	vst v3  }
0x4a: {  	[tilespmem:s28+$0x13E00] =	vst v2;
	s28 =	smov.u32 s29  }
0x4b: {  	v1 =	vld.idx.msk [tilespmem:v9+s16+$0x0], $0xffff  }
0x4c: {  	v2 =	vld.idx.msk [tilespmem:v0+s3+$0x0], $0xffff  }
0x4d: {  	v3 =	vld.idx.msk [tilespmem:v0+s16+$0x0], $0xffff  }
0x4e: {  	v4 =	vld.idx.msk [tilespmem:v9+s3+$0x0], $0xffff  }
0x4f: {  	v5 =	vld.idx.msk [tilespmem:v0+s17+$0x0], $0xffff  }
0x50: {  	v6 =	vld.idx.msk [tilespmem:v9+s17+$0x0], $0xffff;
	_ =	sdelay $0x2  }
0x51: {  	v1 =	vsub.f32 v3, v1  }
0x52: {  	v2 =	vsub.f32 v2, v4;
	_ =	sdelay $0x1  }
0x53: {  	v3 =	vsub.f32 v5, v6;
	v4 =	vmul.f32 v2, v2;
	v5 =	vmul.f32 v1, v1;
	_ =	sdelay $0x1  }
0x54: {  	v4 =	vadd.f32 v5, v4;
	v5 =	vmul.f32 v3, v3;
	_ =	sdelay $0x1  }
0x55: {  	v4 =	vadd.f32 v5, v4;
	_ =	sdelay $0x1  }
0x56: {  	v4 =	vadd.f32 $9.999999930e-09, v4;
	_ =	sdelay $0x1  }
0x57: {  	v5 =	vshra.s32 v4, $0x1;
	v6 =	vmul.f32 $5.000000000e-01, v4  }
0x58: {  	v5 =	vsub.s32 $0x5F3759DF, v5  }
0x59: {  	v7 =	vmul.f32 v5, v6;
	_ =	sdelay $0x1  }
0x5a: {  	v7 =	vmul.f32 v5, v7;
	_ =	sdelay $0x1  }
0x5b: {  	v7 =	vsub.f32 $1.500000000e+00, v7;
	_ =	sdelay $0x1  }
.Ltmp0:
0x5c: {  	v7 =	vmul.f32 v5, v7;
	(pc) =	sbr.rel @p0 .LBB2_2-.Ltmp0, $4  }
0x5d: {  	_ = 	snop  }
0x5e: {  	v8 =	vmul.f32 v7, v6  }
0x5f: {  	s29 =	sshra.s32 s31, $0x2  }
0x60: {  	v8 =	vmul.f32 v8, v7;
	v5 =	vld [tilespmem:s29+$0x9E00]  }
0x61: {  	_ = 	snop  }
0x62: {  	v8 =	vsub.f32 $1.500000000e+00, v8;
	_ =	sdelay $0x1  }
0x63: {  	v7 =	vmul.f32 v8, v7;
	_ =	sdelay $0x1  }
0x64: {  	v6 =	vmul.f32 v7, v6;
	_ =	sdelay $0x1  }
0x65: {  	v6 =	vmul.f32 v6, v7;
	_ =	sdelay $0x1  }
0x66: {  	v0 =	vld.idx.msk [tilespmem:v0+s18+$0x0], $0xffff;
	v6 =	vsub.f32 $1.500000000e+00, v6;
	_ =	sdelay $0x1  }
0x67: {  	v52 =	vld [tilespmem:s29+$0xC600];
	v6 =	vmul.f32 v6, v7;
	_ =	sdelay $0x1  }
0x68: {  	v4 =	vmul.f32 v6, v4  }
0x69: {  	[tilespmem:s28+$0x11600] =	vst v0;
	v53 =	vmul.f32 v6, v1  }
0x6a: {  	v54 =	vmul.f32 v6, v3;
	[tilespmem:s28+$0xEE00] =	vst v4  }
0x6b: {  	v2 =	vmul.f32 v6, v2;
	[tilespmem:s28+$0x16600] =	vst v53  }
0x6c: {  	[tilespmem:s28+$0x18E00] =	vst v54  }
0x6d: {  	[tilespmem:s28+$0x13E00] =	vst v2  }
0x6e: {  	v0 =	vld.idx.msk [tilespmem:v52+s16+$0x0], $0xffff  }
0x6f: {  	v1 =	vld.idx.msk [tilespmem:v5+s3+$0x0], $0xffff  }
0x70: {  	v2 =	vld.idx.msk [tilespmem:v5+s16+$0x0], $0xffff  }
0x71: {  	v55 =	vld.idx.msk [tilespmem:v52+s3+$0x0], $0xffff  }
0x72: {  	v4 =	vld.idx.msk [tilespmem:v5+s17+$0x0], $0xffff  }
0x73: {  	v56 =	vld.idx.msk [tilespmem:v52+s17+$0x0], $0xffff;
	_ =	sdelay $0x2  }
0x74: {  	v0 =	vsub.f32 v2, v0;
	v1 =	vsub.f32 v1, v55;
	_ =	sdelay $0x1  }
0x75: {  	v57 =	vsub.f32 v4, v56;
	v3 =	vmul.f32 v1, v1;
	v58 =	vmul.f32 v0, v0;
	_ =	sdelay $0x1  }
0x76: {  	v59 =	vmul.f32 v57, v57;
	v3 =	vadd.f32 v58, v3;
	_ =	sdelay $0x1  }
0x77: {  	v3 =	vadd.f32 v59, v3;
	_ =	sdelay $0x1  }
0x78: {  	v3 =	vadd.f32 $9.999999930e-09, v3;
	_ =	sdelay $0x1  }
0x79: {  	v60 =	vshra.s32 v3, $0x1;
	v61 =	vmul.f32 $5.000000000e-01, v3  }
0x7a: {  	v4 =	vsub.s32 $0x5F3759DF, v60  }
0x7b: {  	v62 =	vmul.f32 v4, v61;
	_ =	sdelay $0x1  }
0x7c: {  	v7 =	vmul.f32 v4, v62;
	_ =	sdelay $0x1  }
0x7d: {  	v7 =	vsub.f32 $1.500000000e+00, v7;
	_ =	sdelay $0x1  }
0x7e: {  	v4 =	vmul.f32 v4, v7;
	_ =	sdelay $0x1  }
0x7f: {  	v7 =	vmul.f32 v4, v61;
	_ =	sdelay $0x1  }
0x80: {  	v7 =	vmul.f32 v7, v4;
	_ =	sdelay $0x1  }
0x81: {  	v7 =	vsub.f32 $1.500000000e+00, v7;
	_ =	sdelay $0x1  }
0x82: {  	v4 =	vmul.f32 v7, v4;
	_ =	sdelay $0x1  }
0x83: {  	v6 =	vmul.f32 v4, v61;
	_ =	sdelay $0x1  }
0x84: {  	v6 =	vmul.f32 v6, v4;
	_ =	sdelay $0x1  }
0x85: {  	v63 =	vld.idx.msk [tilespmem:v5+s18+$0x0], $0xffff;
	v6 =	vsub.f32 $1.500000000e+00, v6;
	_ =	sdelay $0x1  }
0x86: {  	v4 =	vmul.f32 v6, v4;
	_ =	sdelay $0x1  }
0x87: {  	v3 =	vmul.f32 v4, v3  }
0x88: {  	[tilespmem:s29+$0x11600] =	vst v63;
	v0 =	vmul.f32 v4, v0  }
0x89: {  	v2 =	vmul.f32 v4, v57;
	[tilespmem:s29+$0xEE00] =	vst v3  }
0x8a: {  	v1 =	vmul.f32 v4, v1;
	[tilespmem:s29+$0x16600] =	vst v0  }
0x8b: {  	[tilespmem:s29+$0x18E00] =	vst v2  }
0x8c: {  	[tilespmem:s29+$0x13E00] =	vst v1  }
0x8d: {  	[hbm4b:s9+s3] =	stream.linear.scatter [tilespmem:s21], [sflag:$0x1], $0x2800, $0x38;
	[tilespmem:$0x1B600] =	vst v63  }
0x8e: {  	_ =	swait.ge [sflag:s15], $0x2800  }
0x8f: {  	[sflag:s15] =	ssyncset.done $0x0  }
0x90: {  	[sflag:s15] =	ssyncadd.s32 $0xFFFFD800  }
0x91: {  	[hbm4b:s10+s3] =	stream.linear.scatter [tilespmem:s22], [sflag:$0x1], $0x2800, $0x38;
	[tilespmem:$0x1B600] =	vst v63  }
0x92: {  	_ =	swait.ge [sflag:s15], $0x2800  }
0x93: {  	[sflag:s15] =	ssyncset.done $0x0  }
0x94: {  	[sflag:s15] =	ssyncadd.s32 $0xFFFFD800  }
0x95: {  	[hbm4b:s11+s3] =	stream.linear.scatter [tilespmem:s23], [sflag:$0x1], $0x2800, $0x38;
	[tilespmem:$0x1B600] =	vst v63  }
0x96: {  	_ =	swait.ge [sflag:s15], $0x2800  }
0x97: {  	[sflag:s15] =	ssyncset.done $0x0  }
0x98: {  	[sflag:s15] =	ssyncadd.s32 $0xFFFFD800  }
0x99: {  	[hbm4b:s12+s3] =	stream.linear.scatter [tilespmem:s24], [sflag:$0x1], $0x2800, $0x38;
	[tilespmem:$0x1B600] =	vst v63  }
0x9a: {  	s26 =	sadd.s32 $0x1, s26;
	_ =	swait.ge [sflag:s15], $0x2800  }
0x9b: {  	p0 =	sne.s32 s26, s14;
	[sflag:s15] =	ssyncset.done $0x0  }
.Ltmp1:
0x9c: {  	[sflag:s15] =	ssyncadd.s32 $0xFFFFD800;
	(pc) =	sbr.rel @p0 .LBB2_1-.Ltmp1, $4  }
0x9d: {  	[hbm4b:s13+s3] =	stream.linear.scatter [tilespmem:s25], [sflag:$0x1], $0x2800, $0x38;
	[tilespmem:$0x1B600] =	vst v63  }
0x9e: {  	_ =	swait.ge [sflag:s15], $0x2800  }
0x9f: {  	[sflag:s15] =	ssyncset.done $0x0  }
0xa0: {  	[sflag:s15] =	ssyncadd.s32 $0xFFFFD800  }
0xa1: {  	_ =	sfence.sel $0x180000  }
0xa2: {  	[bflag:$0x0] =	sbarrier.arrive $0xFFFF  }
0xa3: {  	p0 =	sne.s32 s1, $0x0;
	_ =	strace $0x90000047  }
0xa4: {  	s0 =	sadd.s32 @!p0 $0x100000, s0;
	[bflag:$0x2] =	sbarrier.arrive $0xFFFF  }
0xa5: {  	[sflag:s0] =	ssyncadd.tile.s32 @!p0 $0x1;
	_ =	shalt  }
.Lfunc_end2:
_tile_overlayer_lowered:
.L_overlay_start_2:
0xa6: {  	(tag) =	ssettag $0x2  }
0xa7: {  	s0 =	rddreg [dreg:$0x0];
	s2 =	stileid.u32  }
0xa8: {  	s1 =	rddreg [dreg:$0x1];
	p0 =	sne.s32 s2, $0x0  }
0xa9: {  	s3 =	rddreg [dreg:$0x2];
	[bflag:$0x3] =	sbarrier.arrive $0xFFFF;
	s2 =	simm.s32 @!p0 $0x1C01  }
0xaa: {  	[timem:s3], [sflag:s2] =	dma.local @!p0 [hbm:s0], s1  }
0xab: {  	s0 =	simm.s32 @!p0 $0x1  }
0xac: {  	_ =	swait.ge @!p0 [sflag:s0], s1  }
0xad: {  	s1 =	ssub.s32 @!p0 $0x0, s1;
	[sflag:s0] =	ssyncset.done @!p0 $0x0  }
0xae: {  	[sflag:s0] =	ssyncadd.s32 @!p0 s1  }
0xaf: {  	[bflag:$0x3] =	sbarrier.arrive $0xFFFF  }
0xb0: {  	_ =	shalt  }

</sc_bundles>
